<compile_context>
chip_gen: v7x
topology: tpu7x:2x2x1
jax: 0.10.2.dev20260603
libtpu: 0.0.44.dev20260713+nightly
codegen_flags: <defaults>
</compile_context>

<pallas_src>
import functools

import jax
import jax.numpy as jnp
from jax import lax
from jax.experimental import pallas as pl
from jax.experimental.pallas import tpu as pltpu
from jax.experimental.pallas import tpu_sc as plsc


_F32 = jnp.float32


def _enc_body(a_ref, w1_ref, b1_ref, w2_ref, b2_ref, w3_ref, b3_ref, ct_ref,
              idx_ref, P, S3):
    acc1 = jnp.zeros((3136, 128), _F32)
    for dl in range(2):
        for ep in range(2):
            xs = a_ref[0, dl:dl + 56, ep:ep + 56, :].reshape(3136, 16)
            acc1 = acc1 + jnp.dot(xs, w1_ref[dl * 2 + ep],
                                  preferred_element_type=_F32)
    out1 = jnp.maximum(acc1 + b1_ref[...], 0.0)

    P[...] = jnp.zeros(P.shape, _F32)
    for a in range(2):
        for b in range(2):
            ph = out1[:, (a * 2 + b) * 32:(a * 2 + b + 1) * 32]
            cbase = ((1 - a) * 2 + (1 - b)) * 32
            P[a:a + 56, b:b + 56, cbase:cbase + 32] = ph.reshape(56, 56, 32)

    acc2 = jnp.zeros((3136, 64), _F32)
    for sy in range(2):
        for sx in range(2):
            xs = P[sy:sy + 56, sx:sx + 56, :].reshape(3136, 128)
            acc2 = acc2 + jnp.dot(xs, w2_ref[sy * 2 + sx],
                                  preferred_element_type=_F32)
    h2 = jnp.maximum(acc2 + b2_ref[...], 0.0)

    S3[...] = jnp.zeros(S3.shape, _F32)
    S3[1:57, 1:57, :] = h2.reshape(56, 56, 64)
    acc3 = jnp.zeros((3136, 64), _F32)
    for ky in range(3):
        for kx in range(3):
            xs = S3[ky:ky + 56, kx:kx + 56, :].reshape(3136, 64)
            acc3 = acc3 + jnp.dot(xs, w3_ref[ky * 3 + kx],
                                  preferred_element_type=_F32)
    z_e = acc3 + b3_ref[...]

    z2 = jnp.sum(z_e * z_e, axis=1, keepdims=True)
    ms, idxs = [], []
    for e in range(4):
        cte = ct_ref[:, e * 128:(e + 1) * 128]
        cne = jnp.sum(cte * cte, axis=0)
        d_e = (z2 - 2.0 * jnp.dot(z_e, cte, preferred_element_type=_F32)
               ) + cne[None, :]
        m_e = jnp.min(d_e, axis=1, keepdims=True)
        ii = lax.broadcasted_iota(jnp.int32, (3136, 128), 1) + e * 128
        idxs.append(jnp.min(jnp.where(d_e <= m_e, ii, 4096), axis=1))
        ms.append(m_e)
    m = jnp.minimum(jnp.minimum(ms[0], ms[1]), jnp.minimum(ms[2], ms[3]))
    idx = jnp.full((3136,), 4096, jnp.int32)
    for e in range(4):
        idx = jnp.minimum(idx, jnp.where(ms[e][:, 0] == m[:, 0],
                                         idxs[e], 4096))
    idx_ref[0, 0] = idx


def _enc_call(a1, w1, b1, w2, b2, w3, b3, ct):
    N = a1.shape[0]
    return pl.pallas_call(
        _enc_body,
        grid=(N,),
        in_specs=[
            pl.BlockSpec((1, 57, 57, 16), lambda n: (n, 0, 0, 0)),
            pl.BlockSpec((4, 16, 128), lambda n: (0, 0, 0)),
            pl.BlockSpec((1, 128), lambda n: (0, 0)),
            pl.BlockSpec((4, 128, 64), lambda n: (0, 0, 0)),
            pl.BlockSpec((1, 64), lambda n: (0, 0)),
            pl.BlockSpec((9, 64, 64), lambda n: (0, 0, 0)),
            pl.BlockSpec((1, 64), lambda n: (0, 0)),
            pl.BlockSpec((64, 512), lambda n: (0, 0)),
        ],
        out_specs=pl.BlockSpec((1, 1, 3136), lambda n: (n, 0, 0)),
        out_shape=jax.ShapeDtypeStruct((N, 1, 3136), jnp.int32),
        scratch_shapes=[
            pltpu.VMEM((57, 57, 128), _F32),
            pltpu.VMEM((58, 58, 64), _F32),
        ],
        compiler_params=pltpu.CompilerParams(
            dimension_semantics=("parallel",)),
    )(a1, w1, jnp.tile(b1, 4).reshape(1, 128), w2, b2.reshape(1, 64), w3,
      b3.reshape(1, 64), ct)


def _dec_body(zq_ref, wd1_ref, bd1_ref, wd2_ref, bd2_ref, wd3_ref, bd3_ref,
              o_ref, zqt_ref, S1, S2, P2):
    zqt_ref[0] = zq_ref[0].T

    S1[...] = jnp.zeros(S1.shape, _F32)
    S1[1:57, 1:57, :] = zq_ref[0].reshape(56, 56, 64)
    acc1 = jnp.zeros((3136, 64), _F32)
    for ky in range(3):
        for kx in range(3):
            xs = S1[ky:ky + 56, kx:kx + 56, :].reshape(3136, 64)
            acc1 = acc1 + jnp.dot(xs, wd1_ref[ky * 3 + kx],
                                  preferred_element_type=_F32)
    y1 = jnp.maximum(acc1 + bd1_ref[...], 0.0)

    S2[...] = jnp.zeros(S2.shape, _F32)
    S2[1:57, 1:57, :] = y1.reshape(56, 56, 64)
    acc2 = jnp.zeros((3136, 128), _F32)
    for ky in range(3):
        for kx in range(3):
            xs = S2[ky:ky + 56, kx:kx + 56, :].reshape(3136, 64)
            acc2 = acc2 + jnp.dot(xs, wd2_ref[ky * 3 + kx],
                                  preferred_element_type=_F32)
    y2p = jnp.maximum(acc2 + bd2_ref[...], 0.0)

    P2[...] = jnp.zeros(P2.shape, _F32)
    for r in range(2):
        for s in range(2):
            ph = y2p[:, (r * 2 + s) * 32:(r * 2 + s + 1) * 32]
            cbase = ((1 - r) * 2 + (1 - s)) * 32
            P2[r:r + 56, s:s + 56, cbase:cbase + 32] = ph.reshape(56, 56, 32)

    acc3 = jnp.zeros((3136, 16), _F32)
    for sy in range(2):
        for sx in range(2):
            xs = P2[sy:sy + 56, sx:sx + 56, :].reshape(3136, 128)
            acc3 = acc3 + jnp.dot(xs, wd3_ref[sy * 2 + sx],
                                  preferred_element_type=_F32)
    o_ref[0] = jax.nn.sigmoid(acc3 + bd3_ref[...])


def _dec_call(zq, wd1, bd1, wd2, bd2, wd3, bd3):
    N = zq.shape[0]
    return pl.pallas_call(
        _dec_body,
        grid=(N,),
        in_specs=[
            pl.BlockSpec((1, 3136, 64), lambda n: (n, 0, 0)),
            pl.BlockSpec((9, 64, 64), lambda n: (0, 0, 0)),
            pl.BlockSpec((1, 64), lambda n: (0, 0)),
            pl.BlockSpec((9, 64, 128), lambda n: (0, 0, 0)),
            pl.BlockSpec((1, 128), lambda n: (0, 0)),
            pl.BlockSpec((4, 128, 16), lambda n: (0, 0, 0)),
            pl.BlockSpec((1, 16), lambda n: (0, 0)),
        ],
        out_specs=[
            pl.BlockSpec((1, 3136, 16), lambda n: (n, 0, 0)),
            pl.BlockSpec((1, 64, 3136), lambda n: (n, 0, 0)),
        ],
        out_shape=[
            jax.ShapeDtypeStruct((N, 3136, 16), _F32),
            jax.ShapeDtypeStruct((N, 64, 3136), _F32),
        ],
        scratch_shapes=[
            pltpu.VMEM((58, 58, 64), _F32),
            pltpu.VMEM((58, 58, 64), _F32),
            pltpu.VMEM((57, 57, 128), _F32),
        ],
        compiler_params=pltpu.CompilerParams(
            dimension_semantics=("parallel",)),
    )(zq, wd1, bd1.reshape(1, 64), wd2, bd2.reshape(1, 128), wd3,
      bd3.reshape(1, 16))


def _sc_gather_t(table, idx, B, D, n_chunks=2):
    V = table.shape[0]
    info = plsc.get_sparse_core_info()
    NW = info.num_cores * info.num_subcores
    L = info.num_lanes
    b_per_w = B // NW
    b_chunk = b_per_w // n_chunks
    n_groups = b_chunk // L
    mesh = plsc.VectorSubcoreMesh(core_axis_name="c", subcore_axis_name="s")

    @functools.partial(
        pl.kernel, mesh=mesh,
        out_type=jax.ShapeDtypeStruct((B * D,), _F32),
        scratch_types=[
            pltpu.VMEM((V * D,), _F32),
            pltpu.VMEM((b_chunk,), jnp.int32),
            pltpu.VMEM((b_chunk * D,), _F32),
        ],
        compiler_params=pltpu.CompilerParams(needs_layout_passes=False),
    )
    def k(table_hbm, idx_hbm, out_hbm, table_v, idx_v, out_v):
        wid = lax.axis_index("s") * info.num_cores + lax.axis_index("c")
        pltpu.sync_copy(table_hbm, table_v)
        iv = lax.iota(jnp.int32, L) * D
        for ch in range(n_chunks):
            base = wid * b_per_w + ch * b_chunk
            pltpu.sync_copy(idx_hbm.at[pl.ds(base, b_chunk)], idx_v)

            @plsc.parallel_loop(0, n_groups, 1, unroll=4)
            def body(g):
                row_base = idx_v[pl.ds(g * L, L)] * D
                ov = iv + g * (L * D)
                for c in range(D):
                    vals = plsc.load_gather(table_v, [row_base + c])
                    plsc.store_scatter(out_v, [ov + c], vals)

            pltpu.sync_copy(out_v, out_hbm.at[pl.ds(base * D, b_chunk * D)])

    return k(table.reshape(V * D), idx)


def _phase_conv_weights(w, CO):
    E = jnp.zeros((3, 2, 4), _F32)
    E = E.at[0, 0, 3].set(1.0).at[1, 0, 1].set(1.0)
    E = E.at[1, 1, 2].set(1.0).at[2, 1, 0].set(1.0)
    wp = jnp.einsum("kry,lsx,icyx->klirsc", E, E, w)
    CI = w.shape[0]
    return wp.reshape(9, CI, 4 * CO)


def kernel(x, enc_w1, enc_b1, enc_w2, enc_b2, enc_w3, enc_b3, codebook,
           dec_w1, dec_b1, dec_w2, dec_b2, dec_w3, dec_b3):
    N = x.shape[0]

    xp = jnp.pad(x[:, 0, :, :], ((0, 0), (1, 3), (1, 3)))
    a1 = (xp.reshape(N, 57, 4, 57, 4).transpose(0, 1, 3, 2, 4)
          .reshape(N, 57, 57, 16))

    w1 = jnp.zeros((2, 2, 4, 4, 2, 2, 32), _F32)
    for dl in range(2):
        for j in range(4):
            for a in range(2):
                ky = 4 * dl + j - 2 * a
                if not 0 <= ky <= 3:
                    continue
                for ep in range(2):
                    for i in range(4):
                        for b in range(2):
                            kx = 4 * ep + i - 2 * b
                            if 0 <= kx <= 3:
                                w1 = w1.at[dl, ep, j, i, a, b, :].set(
                                    enc_w1[:, 0, ky, kx])
    w1 = w1.reshape(4, 16, 128)
    w2 = (enc_w2.transpose(2, 3, 1, 0).reshape(2, 2, 2, 2, 32, 64)
          .transpose(0, 2, 1, 3, 4, 5).reshape(4, 128, 64))
    w3 = enc_w3.transpose(2, 3, 1, 0).reshape(9, 64, 64)
    wd1 = jnp.flip(dec_w1, (2, 3)).transpose(1, 0, 2, 3)
    wd1 = wd1.transpose(2, 3, 1, 0).reshape(9, 64, 64)
    wd2 = _phase_conv_weights(dec_w2, 32)
    bd2 = jnp.tile(dec_b2, 4)
    wd3p = _phase_conv_weights(dec_w3, 1)
    wd3 = jnp.zeros((4, 128, 16), _F32)
    for sy in range(2):
        for sx in range(2):
            for al in range(2):
                for be in range(2):
                    for u in range(2):
                        for v in range(2):
                            ky = 2 * sy + al - u
                            kx = 2 * sx + be - v
                            if 0 <= ky <= 2 and 0 <= kx <= 2:
                                wd3 = wd3.at[
                                    sy * 2 + sx,
                                    al * 64 + be * 32:al * 64 + be * 32 + 32,
                                    (u * 2 + v) * 4:(u * 2 + v) * 4 + 4,
                                ].set(wd3p[ky * 3 + kx])
    bd3 = jnp.tile(dec_b3, 16)
    ct = codebook.T

    idx3 = _enc_call(a1, w1, enc_b1, w2, enc_b2, w3, enc_b3, ct)
    idx_flat = idx3.reshape(N * 3136)

    zq_flat = _sc_gather_t(codebook, idx_flat, N * 3136, 64)

    y3p, zqt = _dec_call(zq_flat.reshape(N, 3136, 64), wd1, dec_b1, wd2,
                         bd2, wd3, bd3)
    z_q = zqt.reshape(N, 64, 56, 56)
    y3 = (y3p.reshape(N, 56, 56, 2, 2, 2, 2)
          .transpose(0, 1, 3, 5, 2, 4, 6).reshape(N, 224, 224))
    x_recon = y3[:, None, :, :]

    return (x_recon, z_q, idx_flat)

# --- scband reference (transcript-rebuilt; emitter-appended) ---
"""Pipeline reference for scband-vqvae-38843684225128 (READ-ONLY COPY).

The authoritative reference and input builder live on the scoring server;
editing this copy changes nothing except your own understanding.
"""

import jax, jax.numpy as jnp
import numpy as np


def _conv2d(x, w, b, stride, pad):
    y = jax.lax.conv_general_dilated(
        x, w, (stride, stride), [(pad, pad), (pad, pad)],
        dimension_numbers=('NCHW', 'OIHW', 'NCHW'))
    return y + b[None, :, None, None]


def _conv_transpose2d(x, w, b, stride, pad):
    # torch ConvTranspose2d(in,out,k,s,p): w shape (in, out, k, k)
    k = w.shape[2]
    w_conv = jnp.flip(w, (2, 3)).transpose(1, 0, 2, 3)  # (out, in, k, k)
    p = k - 1 - pad
    y = jax.lax.conv_general_dilated(
        x, w_conv, (1, 1), [(p, p), (p, p)], lhs_dilation=(stride, stride),
        dimension_numbers=('NCHW', 'OIHW', 'NCHW'))
    return y + b[None, :, None, None]


def setup_inputs(seed: int = 0) -> dict:
    key = jax.random.key(seed)
    ks = jax.random.split(key, 16)
    latent_dim = 64
    num_embeddings = 512
    x = jax.random.uniform(ks[0], (16, 1, 224, 224), dtype=jnp.float32)

    def w(k, shape, fan_in):
        return jax.random.normal(k, shape, dtype=jnp.float32) * float(1.0 / np.sqrt(fan_in))

    enc_w1 = w(ks[1], (32, 1, 4, 4), 1 * 16)
    enc_b1 = jnp.zeros((32,), jnp.float32)
    enc_w2 = w(ks[2], (64, 32, 4, 4), 32 * 16)
    enc_b2 = jnp.zeros((64,), jnp.float32)
    enc_w3 = w(ks[3], (latent_dim, 64, 3, 3), 64 * 9)
    enc_b3 = jnp.zeros((latent_dim,), jnp.float32)
    codebook = jax.random.uniform(ks[4], (num_embeddings, latent_dim),
                                  dtype=jnp.float32,
                                  minval=-1.0 / num_embeddings,
                                  maxval=1.0 / num_embeddings)
    # decoder ConvTranspose2d weights: (in, out, k, k)
    dec_w1 = w(ks[5], (latent_dim, 64, 3, 3), latent_dim * 9)
    dec_b1 = jnp.zeros((64,), jnp.float32)
    dec_w2 = w(ks[6], (64, 32, 4, 4), 64 * 16)
    dec_b2 = jnp.zeros((32,), jnp.float32)
    dec_w3 = w(ks[7], (32, 1, 4, 4), 32 * 16)
    dec_b3 = jnp.zeros((1,), jnp.float32)
    return {
        'x': x,
        'enc_w1': enc_w1, 'enc_b1': enc_b1,
        'enc_w2': enc_w2, 'enc_b2': enc_b2,
        'enc_w3': enc_w3, 'enc_b3': enc_b3,
        'codebook': codebook,
        'dec_w1': dec_w1, 'dec_b1': dec_b1,
        'dec_w2': dec_w2, 'dec_b2': dec_b2,
        'dec_w3': dec_w3, 'dec_b3': dec_b3,
    }


def reference(x, enc_w1, enc_b1, enc_w2, enc_b2, enc_w3, enc_b3, codebook,
              dec_w1, dec_b1, dec_w2, dec_b2, dec_w3, dec_b3):
    # Encoder
    h = jax.nn.relu(_conv2d(x, enc_w1, enc_b1, 2, 1))
    h = jax.nn.relu(_conv2d(h, enc_w2, enc_b2, 2, 1))
    z_e = _conv2d(h, enc_w3, enc_b3, 1, 1)
    # Vector quantizer
    B, C, H, W = z_e.shape
    z_e_flat = z_e.transpose(0, 2, 3, 1).reshape(-1, C)
    # ||a-b||^2 = ||a||^2 - 2 a.b + ||b||^2 (same math as the pairwise diff)
    distances = (jnp.sum(z_e_flat ** 2, axis=1, keepdims=True)
                 - 2.0 * z_e_flat @ codebook.T
                 + jnp.sum(codebook ** 2, axis=1)[None, :])
    encoding_indices = jnp.argmin(distances, axis=1)
    z_q = jnp.take(codebook, encoding_indices, axis=0).reshape(B, H, W, C).transpose(0, 3, 1, 2)
    # Decoder
    y = jax.nn.relu(_conv_transpose2d(z_q, dec_w1, dec_b1, 1, 1))
    y = jax.nn.relu(_conv_transpose2d(y, dec_w2, dec_b2, 2, 1))
    x_recon = jax.nn.sigmoid(_conv_transpose2d(y, dec_w3, dec_b3, 2, 1))
    return (x_recon, z_q, encoding_indices)

if __name__ == "__main__":
    import jax
    _d = setup_inputs()
    print(jax.jit(kernel)(*tuple(_d.values())))

</pallas_src>

<mosaic_0001>
#map = affine_map<(d0, d1) -> (0)>
module attributes {stable_mosaic.version = 14 : i64} {
  func.func @k(%arg0: i32, %arg1: i32, %arg2: memref<32768xf32, #tpu.memory_space<hbm>>, %arg3: memref<50176xi32, #tpu.memory_space<hbm>>, %arg4: memref<3211264xf32, #tpu.memory_space<hbm>>, %arg5: memref<32768xf32, #tpu.memory_space<vmem>>, %arg6: memref<784xi32, #tpu.memory_space<vmem>>, %arg7: memref<50176xf32, #tpu.memory_space<vmem>>) attributes {dimension_semantics = [#tpu.dimension_semantics<core_parallel>, #tpu.dimension_semantics<subcore_parallel>], iteration_bounds = array<i64: 2, 16>, scalar_prefetch = 0 : i64, scratch_operands = 3 : i64, tpu.core_type = #tpu.core_type<sc_vector_subcore>, window_params = [{transform_indices = #map}, {transform_indices = #map}, {transform_indices = #map}]} {
    %mul3A = arith.constant 2 : i32
    %mul3A_0 = arith.muli %arg1, %mul3A : i32
    %add3A = arith.addi %mul3A_0, %arg0 : i32
    "tpu.region"() ({
      %run_scoped3A = tpu.sem_alloc : memref<!tpu.dma_semaphore, #tpu.memory_space<semaphore_mem>>
      tpu.enqueue_dma source(%arg2 : memref<32768xf32, #tpu.memory_space<hbm>>) target(%arg5 : memref<32768xf32, #tpu.memory_space<vmem>>) target_semaphore(%run_scoped3A : memref<!tpu.dma_semaphore, #tpu.memory_space<semaphore_mem>>)
      tpu.wait_dma2 semaphore(%run_scoped3A : memref<!tpu.dma_semaphore, #tpu.memory_space<semaphore_mem>>) src(%arg2 : memref<32768xf32, #tpu.memory_space<hbm>>) dst(%arg5 : memref<32768xf32, #tpu.memory_space<vmem>>)
      tpu.yield
    }) : () -> ()
    %iota3A = tpu.iota {dimensions = array<i32: 0>} : vector<16xi32>
    %mul3A_1 = arith.constant 64 : i32
    %mul3A_2 = vector.broadcast %mul3A_1 : i32 to vector<16xi32>
    %mul3A_3 = arith.muli %iota3A, %mul3A_2 : vector<16xi32>
    %mul3A_4 = arith.constant 1568 : i32
    %mul3A_5 = arith.muli %add3A, %mul3A_4 : i32
    %add3A_6 = arith.constant 0 : i32
    %add3A_7 = arith.addi %mul3A_5, %add3A_6 : i32
    "tpu.region"() ({
      %run_scoped3A = tpu.sem_alloc : memref<!tpu.dma_semaphore, #tpu.memory_space<semaphore_mem>>
      %dma_start3A = tpu.memref_slice %arg3[%add3A_7] : memref<50176xi32, #tpu.memory_space<hbm>> -> memref<784xi32, #tpu.memory_space<hbm>>
      %dma_start3A_21 = tpu.memref_slice %arg3[%add3A_7] : memref<50176xi32, #tpu.memory_space<hbm>> -> memref<784xi32, #tpu.memory_space<hbm>>
      tpu.enqueue_dma source(%dma_start3A_21 : memref<784xi32, #tpu.memory_space<hbm>>) target(%arg6 : memref<784xi32, #tpu.memory_space<vmem>>) target_semaphore(%run_scoped3A : memref<!tpu.dma_semaphore, #tpu.memory_space<semaphore_mem>>)
      %dma_wait3A = tpu.memref_slice %arg3[%add3A_7] : memref<50176xi32, #tpu.memory_space<hbm>> -> memref<784xi32, #tpu.memory_space<hbm>>
      %dma_wait3A_22 = tpu.memref_slice %arg3[%add3A_7] : memref<50176xi32, #tpu.memory_space<hbm>> -> memref<784xi32, #tpu.memory_space<hbm>>
      tpu.wait_dma2 semaphore(%run_scoped3A : memref<!tpu.dma_semaphore, #tpu.memory_space<semaphore_mem>>) src(%dma_wait3A_22 : memref<784xi32, #tpu.memory_space<hbm>>) dst(%arg6 : memref<784xi32, #tpu.memory_space<vmem>>)
      tpu.yield
    }) : () -> ()
    %parallel_loop3A = arith.constant 0 : i32
    %parallel_loop3A_8 = arith.constant 49 : i32
    %parallel_loop3A_9 = arith.constant 1 : i32
    scf.for %parallel_loop3A_21 = %parallel_loop3A to %parallel_loop3A_8 step %parallel_loop3A_9  : i32 {
      %parallel_loop3A_22 = arith.constant 16 : i32
      %parallel_loop3A_23 = arith.muli %parallel_loop3A_21, %parallel_loop3A_22 : i32
      %parallel_loop3A_24 = arith.index_cast %parallel_loop3A_23 : i32 to index
      %parallel_loop3A_25 = tpu.vector_load %arg6[%parallel_loop3A_24] {strides = array<i32>} : memref<784xi32, #tpu.memory_space<vmem>>, vector<16xi32>,
      %parallel_loop3A_26 = arith.constant 64 : i32
      %parallel_loop3A_27 = vector.broadcast %parallel_loop3A_26 : i32 to vector<16xi32>
      %parallel_loop3A_28 = arith.muli %parallel_loop3A_25, %parallel_loop3A_27 : vector<16xi32>
      %parallel_loop3A_29 = arith.constant 1024 : i32
      %parallel_loop3A_30 = arith.muli %parallel_loop3A_21, %parallel_loop3A_29 : i32
      %parallel_loop3A_31 = vector.broadcast %parallel_loop3A_30 : i32 to vector<16xi32>
      %parallel_loop3A_32 = arith.addi %mul3A_3, %parallel_loop3A_31 : vector<16xi32>
      %parallel_loop3A_33 = arith.constant 0 : i32
      %parallel_loop3A_34 = vector.broadcast %parallel_loop3A_33 : i32 to vector<16xi32>
      %parallel_loop3A_35 = arith.addi %parallel_loop3A_28, %parallel_loop3A_34 : vector<16xi32>
      %parallel_loop3A_36 = tpu.vector_load_idx %arg5[%parallel_loop3A_35] : memref<32768xf32, #tpu.memory_space<vmem>>[vector<16xi32>], vector<16xf32>,
      %parallel_loop3A_37 = arith.constant 0 : i32
      %parallel_loop3A_38 = vector.broadcast %parallel_loop3A_37 : i32 to vector<16xi32>
      %parallel_loop3A_39 = arith.addi %parallel_loop3A_32, %parallel_loop3A_38 : vector<16xi32>
      tpu.vector_store_idx %arg7[%parallel_loop3A_39], %parallel_loop3A_36 : memref<50176xf32, #tpu.memory_space<vmem>>[vector<16xi32>], vector<16xf32>,
      %parallel_loop3A_40 = arith.constant 1 : i32
      %parallel_loop3A_41 = vector.broadcast %parallel_loop3A_40 : i32 to vector<16xi32>
      %parallel_loop3A_42 = arith.addi %parallel_loop3A_28, %parallel_loop3A_41 : vector<16xi32>
      %parallel_loop3A_43 = tpu.vector_load_idx %arg5[%parallel_loop3A_42] : memref<32768xf32, #tpu.memory_space<vmem>>[vector<16xi32>], vector<16xf32>,
      %parallel_loop3A_44 = arith.constant 1 : i32
      %parallel_loop3A_45 = vector.broadcast %parallel_loop3A_44 : i32 to vector<16xi32>
      %parallel_loop3A_46 = arith.addi %parallel_loop3A_32, %parallel_loop3A_45 : vector<16xi32>
      tpu.vector_store_idx %arg7[%parallel_loop3A_46], %parallel_loop3A_43 : memref<50176xf32, #tpu.memory_space<vmem>>[vector<16xi32>], vector<16xf32>,
      %parallel_loop3A_47 = arith.constant 2 : i32
      %parallel_loop3A_48 = vector.broadcast %parallel_loop3A_47 : i32 to vector<16xi32>
      %parallel_loop3A_49 = arith.addi %parallel_loop3A_28, %parallel_loop3A_48 : vector<16xi32>
      %parallel_loop3A_50 = tpu.vector_load_idx %arg5[%parallel_loop3A_49] : memref<32768xf32, #tpu.memory_space<vmem>>[vector<16xi32>], vector<16xf32>,
      %parallel_loop3A_51 = arith.constant 2 : i32
      %parallel_loop3A_52 = vector.broadcast %parallel_loop3A_51 : i32 to vector<16xi32>
      %parallel_loop3A_53 = arith.addi %parallel_loop3A_32, %parallel_loop3A_52 : vector<16xi32>
      tpu.vector_store_idx %arg7[%parallel_loop3A_53], %parallel_loop3A_50 : memref<50176xf32, #tpu.memory_space<vmem>>[vector<16xi32>], vector<16xf32>,
      %parallel_loop3A_54 = arith.constant 3 : i32
      %parallel_loop3A_55 = vector.broadcast %parallel_loop3A_54 : i32 to vector<16xi32>
      %parallel_loop3A_56 = arith.addi %parallel_loop3A_28, %parallel_loop3A_55 : vector<16xi32>
      %parallel_loop3A_57 = tpu.vector_load_idx %arg5[%parallel_loop3A_56] : memref<32768xf32, #tpu.memory_space<vmem>>[vector<16xi32>], vector<16xf32>,
      %parallel_loop3A_58 = arith.constant 3 : i32
      %parallel_loop3A_59 = vector.broadcast %parallel_loop3A_58 : i32 to vector<16xi32>
      %parallel_loop3A_60 = arith.addi %parallel_loop3A_32, %parallel_loop3A_59 : vector<16xi32>
      tpu.vector_store_idx %arg7[%parallel_loop3A_60], %parallel_loop3A_57 : memref<50176xf32, #tpu.memory_space<vmem>>[vector<16xi32>], vector<16xf32>,
      %parallel_loop3A_61 = arith.constant 4 : i32
      %parallel_loop3A_62 = vector.broadcast %parallel_loop3A_61 : i32 to vector<16xi32>
      %parallel_loop3A_63 = arith.addi %parallel_loop3A_28, %parallel_loop3A_62 : vector<16xi32>
      %parallel_loop3A_64 = tpu.vector_load_idx %arg5[%parallel_loop3A_63] : memref<32768xf32, #tpu.memory_space<vmem>>[vector<16xi32>], vector<16xf32>,
      %parallel_loop3A_65 = arith.constant 4 : i32
      %parallel_loop3A_66 = vector.broadcast %parallel_loop3A_65 : i32 to vector<16xi32>
      %parallel_loop3A_67 = arith.addi %parallel_loop3A_32, %parallel_loop3A_66 : vector<16xi32>
      tpu.vector_store_idx %arg7[%parallel_loop3A_67], %parallel_loop3A_64 : memref<50176xf32, #tpu.memory_space<vmem>>[vector<16xi32>], vector<16xf32>,
      %parallel_loop3A_68 = arith.constant 5 : i32
      %parallel_loop3A_69 = vector.broadcast %parallel_loop3A_68 : i32 to vector<16xi32>
      %parallel_loop3A_70 = arith.addi %parallel_loop3A_28, %parallel_loop3A_69 : vector<16xi32>
      %parallel_loop3A_71 = tpu.vector_load_idx %arg5[%parallel_loop3A_70] : memref<32768xf32, #tpu.memory_space<vmem>>[vector<16xi32>], vector<16xf32>,
      %parallel_loop3A_72 = arith.constant 5 : i32
      %parallel_loop3A_73 = vector.broadcast %parallel_loop3A_72 : i32 to vector<16xi32>
      %parallel_loop3A_74 = arith.addi %parallel_loop3A_32, %parallel_loop3A_73 : vector<16xi32>
      tpu.vector_store_idx %arg7[%parallel_loop3A_74], %parallel_loop3A_71 : memref<50176xf32, #tpu.memory_space<vmem>>[vector<16xi32>], vector<16xf32>,
      %parallel_loop3A_75 = arith.constant 6 : i32
      %parallel_loop3A_76 = vector.broadcast %parallel_loop3A_75 : i32 to vector<16xi32>
      %parallel_loop3A_77 = arith.addi %parallel_loop3A_28, %parallel_loop3A_76 : vector<16xi32>
      %parallel_loop3A_78 = tpu.vector_load_idx %arg5[%parallel_loop3A_77] : memref<32768xf32, #tpu.memory_space<vmem>>[vector<16xi32>], vector<16xf32>,
      %parallel_loop3A_79 = arith.constant 6 : i32
      %parallel_loop3A_80 = vector.broadcast %parallel_loop3A_79 : i32 to vector<16xi32>
      %parallel_loop3A_81 = arith.addi %parallel_loop3A_32, %parallel_loop3A_80 : vector<16xi32>
      tpu.vector_store_idx %arg7[%parallel_loop3A_81], %parallel_loop3A_78 : memref<50176xf32, #tpu.memory_space<vmem>>[vector<16xi32>], vector<16xf32>,
      %parallel_loop3A_82 = arith.constant 7 : i32
      %parallel_loop3A_83 = vector.broadcast %parallel_loop3A_82 : i32 to vector<16xi32>
      %parallel_loop3A_84 = arith.addi %parallel_loop3A_28, %parallel_loop3A_83 : vector<16xi32>
      %parallel_loop3A_85 = tpu.vector_load_idx %arg5[%parallel_loop3A_84] : memref<32768xf32, #tpu.memory_space<vmem>>[vector<16xi32>], vector<16xf32>,
      %parallel_loop3A_86 = arith.constant 7 : i32
      %parallel_loop3A_87 = vector.broadcast %parallel_loop3A_86 : i32 to vector<16xi32>
      %parallel_loop3A_88 = arith.addi %parallel_loop3A_32, %parallel_loop3A_87 : vector<16xi32>
      tpu.vector_store_idx %arg7[%parallel_loop3A_88], %parallel_loop3A_85 : memref<50176xf32, #tpu.memory_space<vmem>>[vector<16xi32>], vector<16xf32>,
      %parallel_loop3A_89 = arith.constant 8 : i32
      %parallel_loop3A_90 = vector.broadcast %parallel_loop3A_89 : i32 to vector<16xi32>
      %parallel_loop3A_91 = arith.addi %parallel_loop3A_28, %parallel_loop3A_90 : vector<16xi32>
      %parallel_loop3A_92 = tpu.vector_load_idx %arg5[%parallel_loop3A_91] : memref<32768xf32, #tpu.memory_space<vmem>>[vector<16xi32>], vector<16xf32>,
      %parallel_loop3A_93 = arith.constant 8 : i32
      %parallel_loop3A_94 = vector.broadcast %parallel_loop3A_93 : i32 to vector<16xi32>
      %parallel_loop3A_95 = arith.addi %parallel_loop3A_32, %parallel_loop3A_94 : vector<16xi32>
      tpu.vector_store_idx %arg7[%parallel_loop3A_95], %parallel_loop3A_92 : memref<50176xf32, #tpu.memory_space<vmem>>[vector<16xi32>], vector<16xf32>,
      %parallel_loop3A_96 = arith.constant 9 : i32
      %parallel_loop3A_97 = vector.broadcast %parallel_loop3A_96 : i32 to vector<16xi32>
      %parallel_loop3A_98 = arith.addi %parallel_loop3A_28, %parallel_loop3A_97 : vector<16xi32>
      %parallel_loop3A_99 = tpu.vector_load_idx %arg5[%parallel_loop3A_98] : memref<32768xf32, #tpu.memory_space<vmem>>[vector<16xi32>], vector<16xf32>,
      %parallel_loop3A_100 = arith.constant 9 : i32
      %parallel_loop3A_101 = vector.broadcast %parallel_loop3A_100 : i32 to vector<16xi32>
      %parallel_loop3A_102 = arith.addi %parallel_loop3A_32, %parallel_loop3A_101 : vector<16xi32>
      tpu.vector_store_idx %arg7[%parallel_loop3A_102], %parallel_loop3A_99 : memref<50176xf32, #tpu.memory_space<vmem>>[vector<16xi32>], vector<16xf32>,
      %parallel_loop3A_103 = arith.constant 10 : i32
      %parallel_loop3A_104 = vector.broadcast %parallel_loop3A_103 : i32 to vector<16xi32>
      %parallel_loop3A_105 = arith.addi %parallel_loop3A_28, %parallel_loop3A_104 : vector<16xi32>
      %parallel_loop3A_106 = tpu.vector_load_idx %arg5[%parallel_loop3A_105] : memref<32768xf32, #tpu.memory_space<vmem>>[vector<16xi32>], vector<16xf32>,
      %parallel_loop3A_107 = arith.constant 10 : i32
      %parallel_loop3A_108 = vector.broadcast %parallel_loop3A_107 : i32 to vector<16xi32>
      %parallel_loop3A_109 = arith.addi %parallel_loop3A_32, %parallel_loop3A_108 : vector<16xi32>
      tpu.vector_store_idx %arg7[%parallel_loop3A_109], %parallel_loop3A_106 : memref<50176xf32, #tpu.memory_space<vmem>>[vector<16xi32>], vector<16xf32>,
      %parallel_loop3A_110 = arith.constant 11 : i32
      %parallel_loop3A_111 = vector.broadcast %parallel_loop3A_110 : i32 to vector<16xi32>
      %parallel_loop3A_112 = arith.addi %parallel_loop3A_28, %parallel_loop3A_111 : vector<16xi32>
      %parallel_loop3A_113 = tpu.vector_load_idx %arg5[%parallel_loop3A_112] : memref<32768xf32, #tpu.memory_space<vmem>>[vector<16xi32>], vector<16xf32>,
      %parallel_loop3A_114 = arith.constant 11 : i32
      %parallel_loop3A_115 = vector.broadcast %parallel_loop3A_114 : i32 to vector<16xi32>
      %parallel_loop3A_116 = arith.addi %parallel_loop3A_32, %parallel_loop3A_115 : vector<16xi32>
      tpu.vector_store_idx %arg7[%parallel_loop3A_116], %parallel_loop3A_113 : memref<50176xf32, #tpu.memory_space<vmem>>[vector<16xi32>], vector<16xf32>,
      %parallel_loop3A_117 = arith.constant 12 : i32
      %parallel_loop3A_118 = vector.broadcast %parallel_loop3A_117 : i32 to vector<16xi32>
      %parallel_loop3A_119 = arith.addi %parallel_loop3A_28, %parallel_loop3A_118 : vector<16xi32>
      %parallel_loop3A_120 = tpu.vector_load_idx %arg5[%parallel_loop3A_119] : memref<32768xf32, #tpu.memory_space<vmem>>[vector<16xi32>], vector<16xf32>,
      %parallel_loop3A_121 = arith.constant 12 : i32
      %parallel_loop3A_122 = vector.broadcast %parallel_loop3A_121 : i32 to vector<16xi32>
      %parallel_loop3A_123 = arith.addi %parallel_loop3A_32, %parallel_loop3A_122 : vector<16xi32>
      tpu.vector_store_idx %arg7[%parallel_loop3A_123], %parallel_loop3A_120 : memref<50176xf32, #tpu.memory_space<vmem>>[vector<16xi32>], vector<16xf32>,
      %parallel_loop3A_124 = arith.constant 13 : i32
      %parallel_loop3A_125 = vector.broadcast %parallel_loop3A_124 : i32 to vector<16xi32>
      %parallel_loop3A_126 = arith.addi %parallel_loop3A_28, %parallel_loop3A_125 : vector<16xi32>
      %parallel_loop3A_127 = tpu.vector_load_idx %arg5[%parallel_loop3A_126] : memref<32768xf32, #tpu.memory_space<vmem>>[vector<16xi32>], vector<16xf32>,
      %parallel_loop3A_128 = arith.constant 13 : i32
      %parallel_loop3A_129 = vector.broadcast %parallel_loop3A_128 : i32 to vector<16xi32>
      %parallel_loop3A_130 = arith.addi %parallel_loop3A_32, %parallel_loop3A_129 : vector<16xi32>
      tpu.vector_store_idx %arg7[%parallel_loop3A_130], %parallel_loop3A_127 : memref<50176xf32, #tpu.memory_space<vmem>>[vector<16xi32>], vector<16xf32>,
      %parallel_loop3A_131 = arith.constant 14 : i32
      %parallel_loop3A_132 = vector.broadcast %parallel_loop3A_131 : i32 to vector<16xi32>
      %parallel_loop3A_133 = arith.addi %parallel_loop3A_28, %parallel_loop3A_132 : vector<16xi32>
      %parallel_loop3A_134 = tpu.vector_load_idx %arg5[%parallel_loop3A_133] : memref<32768xf32, #tpu.memory_space<vmem>>[vector<16xi32>], vector<16xf32>,
      %parallel_loop3A_135 = arith.constant 14 : i32
      %parallel_loop3A_136 = vector.broadcast %parallel_loop3A_135 : i32 to vector<16xi32>
      %parallel_loop3A_137 = arith.addi %parallel_loop3A_32, %parallel_loop3A_136 : vector<16xi32>
      tpu.vector_store_idx %arg7[%parallel_loop3A_137], %parallel_loop3A_134 : memref<50176xf32, #tpu.memory_space<vmem>>[vector<16xi32>], vector<16xf32>,
      %parallel_loop3A_138 = arith.constant 15 : i32
      %parallel_loop3A_139 = vector.broadcast %parallel_loop3A_138 : i32 to vector<16xi32>
      %parallel_loop3A_140 = arith.addi %parallel_loop3A_28, %parallel_loop3A_139 : vector<16xi32>
      %parallel_loop3A_141 = tpu.vector_load_idx %arg5[%parallel_loop3A_140] : memref<32768xf32, #tpu.memory_space<vmem>>[vector<16xi32>], vector<16xf32>,
      %parallel_loop3A_142 = arith.constant 15 : i32
      %parallel_loop3A_143 = vector.broadcast %parallel_loop3A_142 : i32 to vector<16xi32>
      %parallel_loop3A_144 = arith.addi %parallel_loop3A_32, %parallel_loop3A_143 : vector<16xi32>
      tpu.vector_store_idx %arg7[%parallel_loop3A_144], %parallel_loop3A_141 : memref<50176xf32, #tpu.memory_space<vmem>>[vector<16xi32>], vector<16xf32>,
      %parallel_loop3A_145 = arith.constant 16 : i32
      %parallel_loop3A_146 = vector.broadcast %parallel_loop3A_145 : i32 to vector<16xi32>
      %parallel_loop3A_147 = arith.addi %parallel_loop3A_28, %parallel_loop3A_146 : vector<16xi32>
      %parallel_loop3A_148 = tpu.vector_load_idx %arg5[%parallel_loop3A_147] : memref<32768xf32, #tpu.memory_space<vmem>>[vector<16xi32>], vector<16xf32>,
      %parallel_loop3A_149 = arith.constant 16 : i32
      %parallel_loop3A_150 = vector.broadcast %parallel_loop3A_149 : i32 to vector<16xi32>
      %parallel_loop3A_151 = arith.addi %parallel_loop3A_32, %parallel_loop3A_150 : vector<16xi32>
      tpu.vector_store_idx %arg7[%parallel_loop3A_151], %parallel_loop3A_148 : memref<50176xf32, #tpu.memory_space<vmem>>[vector<16xi32>], vector<16xf32>,
      %parallel_loop3A_152 = arith.constant 17 : i32
      %parallel_loop3A_153 = vector.broadcast %parallel_loop3A_152 : i32 to vector<16xi32>
      %parallel_loop3A_154 = arith.addi %parallel_loop3A_28, %parallel_loop3A_153 : vector<16xi32>
      %parallel_loop3A_155 = tpu.vector_load_idx %arg5[%parallel_loop3A_154] : memref<32768xf32, #tpu.memory_space<vmem>>[vector<16xi32>], vector<16xf32>,
      %parallel_loop3A_156 = arith.constant 17 : i32
      %parallel_loop3A_157 = vector.broadcast %parallel_loop3A_156 : i32 to vector<16xi32>
      %parallel_loop3A_158 = arith.addi %parallel_loop3A_32, %parallel_loop3A_157 : vector<16xi32>
      tpu.vector_store_idx %arg7[%parallel_loop3A_158], %parallel_loop3A_155 : memref<50176xf32, #tpu.memory_space<vmem>>[vector<16xi32>], vector<16xf32>,
      %parallel_loop3A_159 = arith.constant 18 : i32
      %parallel_loop3A_160 = vector.broadcast %parallel_loop3A_159 : i32 to vector<16xi32>
      %parallel_loop3A_161 = arith.addi %parallel_loop3A_28, %parallel_loop3A_160 : vector<16xi32>
      %parallel_loop3A_162 = tpu.vector_load_idx %arg5[%parallel_loop3A_161] : memref<32768xf32, #tpu.memory_space<vmem>>[vector<16xi32>], vector<16xf32>,
      %parallel_loop3A_163 = arith.constant 18 : i32
      %parallel_loop3A_164 = vector.broadcast %parallel_loop3A_163 : i32 to vector<16xi32>
      %parallel_loop3A_165 = arith.addi %parallel_loop3A_32, %parallel_loop3A_164 : vector<16xi32>
      tpu.vector_store_idx %arg7[%parallel_loop3A_165], %parallel_loop3A_162 : memref<50176xf32, #tpu.memory_space<vmem>>[vector<16xi32>], vector<16xf32>,
      %parallel_loop3A_166 = arith.constant 19 : i32
      %parallel_loop3A_167 = vector.broadcast %parallel_loop3A_166 : i32 to vector<16xi32>
      %parallel_loop3A_168 = arith.addi %parallel_loop3A_28, %parallel_loop3A_167 : vector<16xi32>
      %parallel_loop3A_169 = tpu.vector_load_idx %arg5[%parallel_loop3A_168] : memref<32768xf32, #tpu.memory_space<vmem>>[vector<16xi32>], vector<16xf32>,
      %parallel_loop3A_170 = arith.constant 19 : i32
      %parallel_loop3A_171 = vector.broadcast %parallel_loop3A_170 : i32 to vector<16xi32>
      %parallel_loop3A_172 = arith.addi %parallel_loop3A_32, %parallel_loop3A_171 : vector<16xi32>
      tpu.vector_store_idx %arg7[%parallel_loop3A_172], %parallel_loop3A_169 : memref<50176xf32, #tpu.memory_space<vmem>>[vector<16xi32>], vector<16xf32>,
      %parallel_loop3A_173 = arith.constant 20 : i32
      %parallel_loop3A_174 = vector.broadcast %parallel_loop3A_173 : i32 to vector<16xi32>
      %parallel_loop3A_175 = arith.addi %parallel_loop3A_28, %parallel_loop3A_174 : vector<16xi32>
      %parallel_loop3A_176 = tpu.vector_load_idx %arg5[%parallel_loop3A_175] : memref<32768xf32, #tpu.memory_space<vmem>>[vector<16xi32>], vector<16xf32>,
      %parallel_loop3A_177 = arith.constant 20 : i32
      %parallel_loop3A_178 = vector.broadcast %parallel_loop3A_177 : i32 to vector<16xi32>
      %parallel_loop3A_179 = arith.addi %parallel_loop3A_32, %parallel_loop3A_178 : vector<16xi32>
      tpu.vector_store_idx %arg7[%parallel_loop3A_179], %parallel_loop3A_176 : memref<50176xf32, #tpu.memory_space<vmem>>[vector<16xi32>], vector<16xf32>,
      %parallel_loop3A_180 = arith.constant 21 : i32
      %parallel_loop3A_181 = vector.broadcast %parallel_loop3A_180 : i32 to vector<16xi32>
      %parallel_loop3A_182 = arith.addi %parallel_loop3A_28, %parallel_loop3A_181 : vector<16xi32>
      %parallel_loop3A_183 = tpu.vector_load_idx %arg5[%parallel_loop3A_182] : memref<32768xf32, #tpu.memory_space<vmem>>[vector<16xi32>], vector<16xf32>,
      %parallel_loop3A_184 = arith.constant 21 : i32
      %parallel_loop3A_185 = vector.broadcast %parallel_loop3A_184 : i32 to vector<16xi32>
      %parallel_loop3A_186 = arith.addi %parallel_loop3A_32, %parallel_loop3A_185 : vector<16xi32>
      tpu.vector_store_idx %arg7[%parallel_loop3A_186], %parallel_loop3A_183 : memref<50176xf32, #tpu.memory_space<vmem>>[vector<16xi32>], vector<16xf32>,
      %parallel_loop3A_187 = arith.constant 22 : i32
      %parallel_loop3A_188 = vector.broadcast %parallel_loop3A_187 : i32 to vector<16xi32>
      %parallel_loop3A_189 = arith.addi %parallel_loop3A_28, %parallel_loop3A_188 : vector<16xi32>
      %parallel_loop3A_190 = tpu.vector_load_idx %arg5[%parallel_loop3A_189] : memref<32768xf32, #tpu.memory_space<vmem>>[vector<16xi32>], vector<16xf32>,
      %parallel_loop3A_191 = arith.constant 22 : i32
      %parallel_loop3A_192 = vector.broadcast %parallel_loop3A_191 : i32 to vector<16xi32>
      %parallel_loop3A_193 = arith.addi %parallel_loop3A_32, %parallel_loop3A_192 : vector<16xi32>
      tpu.vector_store_idx %arg7[%parallel_loop3A_193], %parallel_loop3A_190 : memref<50176xf32, #tpu.memory_space<vmem>>[vector<16xi32>], vector<16xf32>,
      %parallel_loop3A_194 = arith.constant 23 : i32
      %parallel_loop3A_195 = vector.broadcast %parallel_loop3A_194 : i32 to vector<16xi32>
      %parallel_loop3A_196 = arith.addi %parallel_loop3A_28, %parallel_loop3A_195 : vector<16xi32>
      %parallel_loop3A_197 = tpu.vector_load_idx %arg5[%parallel_loop3A_196] : memref<32768xf32, #tpu.memory_space<vmem>>[vector<16xi32>], vector<16xf32>,
      %parallel_loop3A_198 = arith.constant 23 : i32
      %parallel_loop3A_199 = vector.broadcast %parallel_loop3A_198 : i32 to vector<16xi32>
      %parallel_loop3A_200 = arith.addi %parallel_loop3A_32, %parallel_loop3A_199 : vector<16xi32>
      tpu.vector_store_idx %arg7[%parallel_loop3A_200], %parallel_loop3A_197 : memref<50176xf32, #tpu.memory_space<vmem>>[vector<16xi32>], vector<16xf32>,
      %parallel_loop3A_201 = arith.constant 24 : i32
      %parallel_loop3A_202 = vector.broadcast %parallel_loop3A_201 : i32 to vector<16xi32>
      %parallel_loop3A_203 = arith.addi %parallel_loop3A_28, %parallel_loop3A_202 : vector<16xi32>
      %parallel_loop3A_204 = tpu.vector_load_idx %arg5[%parallel_loop3A_203] : memref<32768xf32, #tpu.memory_space<vmem>>[vector<16xi32>], vector<16xf32>,
      %parallel_loop3A_205 = arith.constant 24 : i32
      %parallel_loop3A_206 = vector.broadcast %parallel_loop3A_205 : i32 to vector<16xi32>
      %parallel_loop3A_207 = arith.addi %parallel_loop3A_32, %parallel_loop3A_206 : vector<16xi32>
      tpu.vector_store_idx %arg7[%parallel_loop3A_207], %parallel_loop3A_204 : memref<50176xf32, #tpu.memory_space<vmem>>[vector<16xi32>], vector<16xf32>,
      %parallel_loop3A_208 = arith.constant 25 : i32
      %parallel_loop3A_209 = vector.broadcast %parallel_loop3A_208 : i32 to vector<16xi32>
      %parallel_loop3A_210 = arith.addi %parallel_loop3A_28, %parallel_loop3A_209 : vector<16xi32>
      %parallel_loop3A_211 = tpu.vector_load_idx %arg5[%parallel_loop3A_210] : memref<32768xf32, #tpu.memory_space<vmem>>[vector<16xi32>], vector<16xf32>,
      %parallel_loop3A_212 = arith.constant 25 : i32
      %parallel_loop3A_213 = vector.broadcast %parallel_loop3A_212 : i32 to vector<16xi32>
      %parallel_loop3A_214 = arith.addi %parallel_loop3A_32, %parallel_loop3A_213 : vector<16xi32>
      tpu.vector_store_idx %arg7[%parallel_loop3A_214], %parallel_loop3A_211 : memref<50176xf32, #tpu.memory_space<vmem>>[vector<16xi32>], vector<16xf32>,
      %parallel_loop3A_215 = arith.constant 26 : i32
      %parallel_loop3A_216 = vector.broadcast %parallel_loop3A_215 : i32 to vector<16xi32>
      %parallel_loop3A_217 = arith.addi %parallel_loop3A_28, %parallel_loop3A_216 : vector<16xi32>
      %parallel_loop3A_218 = tpu.vector_load_idx %arg5[%parallel_loop3A_217] : memref<32768xf32, #tpu.memory_space<vmem>>[vector<16xi32>], vector<16xf32>,
      %parallel_loop3A_219 = arith.constant 26 : i32
      %parallel_loop3A_220 = vector.broadcast %parallel_loop3A_219 : i32 to vector<16xi32>
      %parallel_loop3A_221 = arith.addi %parallel_loop3A_32, %parallel_loop3A_220 : vector<16xi32>
      tpu.vector_store_idx %arg7[%parallel_loop3A_221], %parallel_loop3A_218 : memref<50176xf32, #tpu.memory_space<vmem>>[vector<16xi32>], vector<16xf32>,
      %parallel_loop3A_222 = arith.constant 27 : i32
      %parallel_loop3A_223 = vector.broadcast %parallel_loop3A_222 : i32 to vector<16xi32>
      %parallel_loop3A_224 = arith.addi %parallel_loop3A_28, %parallel_loop3A_223 : vector<16xi32>
      %parallel_loop3A_225 = tpu.vector_load_idx %arg5[%parallel_loop3A_224] : memref<32768xf32, #tpu.memory_space<vmem>>[vector<16xi32>], vector<16xf32>,
      %parallel_loop3A_226 = arith.constant 27 : i32
      %parallel_loop3A_227 = vector.broadcast %parallel_loop3A_226 : i32 to vector<16xi32>
      %parallel_loop3A_228 = arith.addi %parallel_loop3A_32, %parallel_loop3A_227 : vector<16xi32>
      tpu.vector_store_idx %arg7[%parallel_loop3A_228], %parallel_loop3A_225 : memref<50176xf32, #tpu.memory_space<vmem>>[vector<16xi32>], vector<16xf32>,
      %parallel_loop3A_229 = arith.constant 28 : i32
      %parallel_loop3A_230 = vector.broadcast %parallel_loop3A_229 : i32 to vector<16xi32>
      %parallel_loop3A_231 = arith.addi %parallel_loop3A_28, %parallel_loop3A_230 : vector<16xi32>
      %parallel_loop3A_232 = tpu.vector_load_idx %arg5[%parallel_loop3A_231] : memref<32768xf32, #tpu.memory_space<vmem>>[vector<16xi32>], vector<16xf32>,
      %parallel_loop3A_233 = arith.constant 28 : i32
      %parallel_loop3A_234 = vector.broadcast %parallel_loop3A_233 : i32 to vector<16xi32>
      %parallel_loop3A_235 = arith.addi %parallel_loop3A_32, %parallel_loop3A_234 : vector<16xi32>
      tpu.vector_store_idx %arg7[%parallel_loop3A_235], %parallel_loop3A_232 : memref<50176xf32, #tpu.memory_space<vmem>>[vector<16xi32>], vector<16xf32>,
      %parallel_loop3A_236 = arith.constant 29 : i32
      %parallel_loop3A_237 = vector.broadcast %parallel_loop3A_236 : i32 to vector<16xi32>
      %parallel_loop3A_238 = arith.addi %parallel_loop3A_28, %parallel_loop3A_237 : vector<16xi32>
      %parallel_loop3A_239 = tpu.vector_load_idx %arg5[%parallel_loop3A_238] : memref<32768xf32, #tpu.memory_space<vmem>>[vector<16xi32>], vector<16xf32>,
      %parallel_loop3A_240 = arith.constant 29 : i32
      %parallel_loop3A_241 = vector.broadcast %parallel_loop3A_240 : i32 to vector<16xi32>
      %parallel_loop3A_242 = arith.addi %parallel_loop3A_32, %parallel_loop3A_241 : vector<16xi32>
      tpu.vector_store_idx %arg7[%parallel_loop3A_242], %parallel_loop3A_239 : memref<50176xf32, #tpu.memory_space<vmem>>[vector<16xi32>], vector<16xf32>,
      %parallel_loop3A_243 = arith.constant 30 : i32
      %parallel_loop3A_244 = vector.broadcast %parallel_loop3A_243 : i32 to vector<16xi32>
      %parallel_loop3A_245 = arith.addi %parallel_loop3A_28, %parallel_loop3A_244 : vector<16xi32>
      %parallel_loop3A_246 = tpu.vector_load_idx %arg5[%parallel_loop3A_245] : memref<32768xf32, #tpu.memory_space<vmem>>[vector<16xi32>], vector<16xf32>,
      %parallel_loop3A_247 = arith.constant 30 : i32
      %parallel_loop3A_248 = vector.broadcast %parallel_loop3A_247 : i32 to vector<16xi32>
      %parallel_loop3A_249 = arith.addi %parallel_loop3A_32, %parallel_loop3A_248 : vector<16xi32>
      tpu.vector_store_idx %arg7[%parallel_loop3A_249], %parallel_loop3A_246 : memref<50176xf32, #tpu.memory_space<vmem>>[vector<16xi32>], vector<16xf32>,
      %parallel_loop3A_250 = arith.constant 31 : i32
      %parallel_loop3A_251 = vector.broadcast %parallel_loop3A_250 : i32 to vector<16xi32>
      %parallel_loop3A_252 = arith.addi %parallel_loop3A_28, %parallel_loop3A_251 : vector<16xi32>
      %parallel_loop3A_253 = tpu.vector_load_idx %arg5[%parallel_loop3A_252] : memref<32768xf32, #tpu.memory_space<vmem>>[vector<16xi32>], vector<16xf32>,
      %parallel_loop3A_254 = arith.constant 31 : i32
      %parallel_loop3A_255 = vector.broadcast %parallel_loop3A_254 : i32 to vector<16xi32>
      %parallel_loop3A_256 = arith.addi %parallel_loop3A_32, %parallel_loop3A_255 : vector<16xi32>
      tpu.vector_store_idx %arg7[%parallel_loop3A_256], %parallel_loop3A_253 : memref<50176xf32, #tpu.memory_space<vmem>>[vector<16xi32>], vector<16xf32>,
      %parallel_loop3A_257 = arith.constant 32 : i32
      %parallel_loop3A_258 = vector.broadcast %parallel_loop3A_257 : i32 to vector<16xi32>
      %parallel_loop3A_259 = arith.addi %parallel_loop3A_28, %parallel_loop3A_258 : vector<16xi32>
      %parallel_loop3A_260 = tpu.vector_load_idx %arg5[%parallel_loop3A_259] : memref<32768xf32, #tpu.memory_space<vmem>>[vector<16xi32>], vector<16xf32>,
      %parallel_loop3A_261 = arith.constant 32 : i32
      %parallel_loop3A_262 = vector.broadcast %parallel_loop3A_261 : i32 to vector<16xi32>
      %parallel_loop3A_263 = arith.addi %parallel_loop3A_32, %parallel_loop3A_262 : vector<16xi32>
      tpu.vector_store_idx %arg7[%parallel_loop3A_263], %parallel_loop3A_260 : memref<50176xf32, #tpu.memory_space<vmem>>[vector<16xi32>], vector<16xf32>,
      %parallel_loop3A_264 = arith.constant 33 : i32
      %parallel_loop3A_265 = vector.broadcast %parallel_loop3A_264 : i32 to vector<16xi32>
      %parallel_loop3A_266 = arith.addi %parallel_loop3A_28, %parallel_loop3A_265 : vector<16xi32>
      %parallel_loop3A_267 = tpu.vector_load_idx %arg5[%parallel_loop3A_266] : memref<32768xf32, #tpu.memory_space<vmem>>[vector<16xi32>], vector<16xf32>,
      %parallel_loop3A_268 = arith.constant 33 : i32
      %parallel_loop3A_269 = vector.broadcast %parallel_loop3A_268 : i32 to vector<16xi32>
      %parallel_loop3A_270 = arith.addi %parallel_loop3A_32, %parallel_loop3A_269 : vector<16xi32>
      tpu.vector_store_idx %arg7[%parallel_loop3A_270], %parallel_loop3A_267 : memref<50176xf32, #tpu.memory_space<vmem>>[vector<16xi32>], vector<16xf32>,
      %parallel_loop3A_271 = arith.constant 34 : i32
      %parallel_loop3A_272 = vector.broadcast %parallel_loop3A_271 : i32 to vector<16xi32>
      %parallel_loop3A_273 = arith.addi %parallel_loop3A_28, %parallel_loop3A_272 : vector<16xi32>
      %parallel_loop3A_274 = tpu.vector_load_idx %arg5[%parallel_loop3A_273] : memref<32768xf32, #tpu.memory_space<vmem>>[vector<16xi32>], vector<16xf32>,
      %parallel_loop3A_275 = arith.constant 34 : i32
      %parallel_loop3A_276 = vector.broadcast %parallel_loop3A_275 : i32 to vector<16xi32>
      %parallel_loop3A_277 = arith.addi %parallel_loop3A_32, %parallel_loop3A_276 : vector<16xi32>
      tpu.vector_store_idx %arg7[%parallel_loop3A_277], %parallel_loop3A_274 : memref<50176xf32, #tpu.memory_space<vmem>>[vector<16xi32>], vector<16xf32>,
      %parallel_loop3A_278 = arith.constant 35 : i32
      %parallel_loop3A_279 = vector.broadcast %parallel_loop3A_278 : i32 to vector<16xi32>
      %parallel_loop3A_280 = arith.addi %parallel_loop3A_28, %parallel_loop3A_279 : vector<16xi32>
      %parallel_loop3A_281 = tpu.vector_load_idx %arg5[%parallel_loop3A_280] : memref<32768xf32, #tpu.memory_space<vmem>>[vector<16xi32>], vector<16xf32>,
      %parallel_loop3A_282 = arith.constant 35 : i32
      %parallel_loop3A_283 = vector.broadcast %parallel_loop3A_282 : i32 to vector<16xi32>
      %parallel_loop3A_284 = arith.addi %parallel_loop3A_32, %parallel_loop3A_283 : vector<16xi32>
      tpu.vector_store_idx %arg7[%parallel_loop3A_284], %parallel_loop3A_281 : memref<50176xf32, #tpu.memory_space<vmem>>[vector<16xi32>], vector<16xf32>,
      %parallel_loop3A_285 = arith.constant 36 : i32
      %parallel_loop3A_286 = vector.broadcast %parallel_loop3A_285 : i32 to vector<16xi32>
      %parallel_loop3A_287 = arith.addi %parallel_loop3A_28, %parallel_loop3A_286 : vector<16xi32>
      %parallel_loop3A_288 = tpu.vector_load_idx %arg5[%parallel_loop3A_287] : memref<32768xf32, #tpu.memory_space<vmem>>[vector<16xi32>], vector<16xf32>,
      %parallel_loop3A_289 = arith.constant 36 : i32
      %parallel_loop3A_290 = vector.broadcast %parallel_loop3A_289 : i32 to vector<16xi32>
      %parallel_loop3A_291 = arith.addi %parallel_loop3A_32, %parallel_loop3A_290 : vector<16xi32>
      tpu.vector_store_idx %arg7[%parallel_loop3A_291], %parallel_loop3A_288 : memref<50176xf32, #tpu.memory_space<vmem>>[vector<16xi32>], vector<16xf32>,
      %parallel_loop3A_292 = arith.constant 37 : i32
      %parallel_loop3A_293 = vector.broadcast %parallel_loop3A_292 : i32 to vector<16xi32>
      %parallel_loop3A_294 = arith.addi %parallel_loop3A_28, %parallel_loop3A_293 : vector<16xi32>
      %parallel_loop3A_295 = tpu.vector_load_idx %arg5[%parallel_loop3A_294] : memref<32768xf32, #tpu.memory_space<vmem>>[vector<16xi32>], vector<16xf32>,
      %parallel_loop3A_296 = arith.constant 37 : i32
      %parallel_loop3A_297 = vector.broadcast %parallel_loop3A_296 : i32 to vector<16xi32>
      %parallel_loop3A_298 = arith.addi %parallel_loop3A_32, %parallel_loop3A_297 : vector<16xi32>
      tpu.vector_store_idx %arg7[%parallel_loop3A_298], %parallel_loop3A_295 : memref<50176xf32, #tpu.memory_space<vmem>>[vector<16xi32>], vector<16xf32>,
      %parallel_loop3A_299 = arith.constant 38 : i32
      %parallel_loop3A_300 = vector.broadcast %parallel_loop3A_299 : i32 to vector<16xi32>
      %parallel_loop3A_301 = arith.addi %parallel_loop3A_28, %parallel_loop3A_300 : vector<16xi32>
      %parallel_loop3A_302 = tpu.vector_load_idx %arg5[%parallel_loop3A_301] : memref<32768xf32, #tpu.memory_space<vmem>>[vector<16xi32>], vector<16xf32>,
      %parallel_loop3A_303 = arith.constant 38 : i32
      %parallel_loop3A_304 = vector.broadcast %parallel_loop3A_303 : i32 to vector<16xi32>
      %parallel_loop3A_305 = arith.addi %parallel_loop3A_32, %parallel_loop3A_304 : vector<16xi32>
      tpu.vector_store_idx %arg7[%parallel_loop3A_305], %parallel_loop3A_302 : memref<50176xf32, #tpu.memory_space<vmem>>[vector<16xi32>], vector<16xf32>,
      %parallel_loop3A_306 = arith.constant 39 : i32
      %parallel_loop3A_307 = vector.broadcast %parallel_loop3A_306 : i32 to vector<16xi32>
      %parallel_loop3A_308 = arith.addi %parallel_loop3A_28, %parallel_loop3A_307 : vector<16xi32>
      %parallel_loop3A_309 = tpu.vector_load_idx %arg5[%parallel_loop3A_308] : memref<32768xf32, #tpu.memory_space<vmem>>[vector<16xi32>], vector<16xf32>,
      %parallel_loop3A_310 = arith.constant 39 : i32
      %parallel_loop3A_311 = vector.broadcast %parallel_loop3A_310 : i32 to vector<16xi32>
      %parallel_loop3A_312 = arith.addi %parallel_loop3A_32, %parallel_loop3A_311 : vector<16xi32>
      tpu.vector_store_idx %arg7[%parallel_loop3A_312], %parallel_loop3A_309 : memref<50176xf32, #tpu.memory_space<vmem>>[vector<16xi32>], vector<16xf32>,
      %parallel_loop3A_313 = arith.constant 40 : i32
      %parallel_loop3A_314 = vector.broadcast %parallel_loop3A_313 : i32 to vector<16xi32>
      %parallel_loop3A_315 = arith.addi %parallel_loop3A_28, %parallel_loop3A_314 : vector<16xi32>
      %parallel_loop3A_316 = tpu.vector_load_idx %arg5[%parallel_loop3A_315] : memref<32768xf32, #tpu.memory_space<vmem>>[vector<16xi32>], vector<16xf32>,
      %parallel_loop3A_317 = arith.constant 40 : i32
      %parallel_loop3A_318 = vector.broadcast %parallel_loop3A_317 : i32 to vector<16xi32>
      %parallel_loop3A_319 = arith.addi %parallel_loop3A_32, %parallel_loop3A_318 : vector<16xi32>
      tpu.vector_store_idx %arg7[%parallel_loop3A_319], %parallel_loop3A_316 : memref<50176xf32, #tpu.memory_space<vmem>>[vector<16xi32>], vector<16xf32>,
      %parallel_loop3A_320 = arith.constant 41 : i32
      %parallel_loop3A_321 = vector.broadcast %parallel_loop3A_320 : i32 to vector<16xi32>
      %parallel_loop3A_322 = arith.addi %parallel_loop3A_28, %parallel_loop3A_321 : vector<16xi32>
      %parallel_loop3A_323 = tpu.vector_load_idx %arg5[%parallel_loop3A_322] : memref<32768xf32, #tpu.memory_space<vmem>>[vector<16xi32>], vector<16xf32>,
      %parallel_loop3A_324 = arith.constant 41 : i32
      %parallel_loop3A_325 = vector.broadcast %parallel_loop3A_324 : i32 to vector<16xi32>
      %parallel_loop3A_326 = arith.addi %parallel_loop3A_32, %parallel_loop3A_325 : vector<16xi32>
      tpu.vector_store_idx %arg7[%parallel_loop3A_326], %parallel_loop3A_323 : memref<50176xf32, #tpu.memory_space<vmem>>[vector<16xi32>], vector<16xf32>,
      %parallel_loop3A_327 = arith.constant 42 : i32
      %parallel_loop3A_328 = vector.broadcast %parallel_loop3A_327 : i32 to vector<16xi32>
      %parallel_loop3A_329 = arith.addi %parallel_loop3A_28, %parallel_loop3A_328 : vector<16xi32>
      %parallel_loop3A_330 = tpu.vector_load_idx %arg5[%parallel_loop3A_329] : memref<32768xf32, #tpu.memory_space<vmem>>[vector<16xi32>], vector<16xf32>,
      %parallel_loop3A_331 = arith.constant 42 : i32
      %parallel_loop3A_332 = vector.broadcast %parallel_loop3A_331 : i32 to vector<16xi32>
      %parallel_loop3A_333 = arith.addi %parallel_loop3A_32, %parallel_loop3A_332 : vector<16xi32>
      tpu.vector_store_idx %arg7[%parallel_loop3A_333], %parallel_loop3A_330 : memref<50176xf32, #tpu.memory_space<vmem>>[vector<16xi32>], vector<16xf32>,
      %parallel_loop3A_334 = arith.constant 43 : i32
      %parallel_loop3A_335 = vector.broadcast %parallel_loop3A_334 : i32 to vector<16xi32>
      %parallel_loop3A_336 = arith.addi %parallel_loop3A_28, %parallel_loop3A_335 : vector<16xi32>
      %parallel_loop3A_337 = tpu.vector_load_idx %arg5[%parallel_loop3A_336] : memref<32768xf32, #tpu.memory_space<vmem>>[vector<16xi32>], vector<16xf32>,
      %parallel_loop3A_338 = arith.constant 43 : i32
      %parallel_loop3A_339 = vector.broadcast %parallel_loop3A_338 : i32 to vector<16xi32>
      %parallel_loop3A_340 = arith.addi %parallel_loop3A_32, %parallel_loop3A_339 : vector<16xi32>
      tpu.vector_store_idx %arg7[%parallel_loop3A_340], %parallel_loop3A_337 : memref<50176xf32, #tpu.memory_space<vmem>>[vector<16xi32>], vector<16xf32>,
      %parallel_loop3A_341 = arith.constant 44 : i32
      %parallel_loop3A_342 = vector.broadcast %parallel_loop3A_341 : i32 to vector<16xi32>
      %parallel_loop3A_343 = arith.addi %parallel_loop3A_28, %parallel_loop3A_342 : vector<16xi32>
      %parallel_loop3A_344 = tpu.vector_load_idx %arg5[%parallel_loop3A_343] : memref<32768xf32, #tpu.memory_space<vmem>>[vector<16xi32>], vector<16xf32>,
      %parallel_loop3A_345 = arith.constant 44 : i32
      %parallel_loop3A_346 = vector.broadcast %parallel_loop3A_345 : i32 to vector<16xi32>
      %parallel_loop3A_347 = arith.addi %parallel_loop3A_32, %parallel_loop3A_346 : vector<16xi32>
      tpu.vector_store_idx %arg7[%parallel_loop3A_347], %parallel_loop3A_344 : memref<50176xf32, #tpu.memory_space<vmem>>[vector<16xi32>], vector<16xf32>,
      %parallel_loop3A_348 = arith.constant 45 : i32
      %parallel_loop3A_349 = vector.broadcast %parallel_loop3A_348 : i32 to vector<16xi32>
      %parallel_loop3A_350 = arith.addi %parallel_loop3A_28, %parallel_loop3A_349 : vector<16xi32>
      %parallel_loop3A_351 = tpu.vector_load_idx %arg5[%parallel_loop3A_350] : memref<32768xf32, #tpu.memory_space<vmem>>[vector<16xi32>], vector<16xf32>,
      %parallel_loop3A_352 = arith.constant 45 : i32
      %parallel_loop3A_353 = vector.broadcast %parallel_loop3A_352 : i32 to vector<16xi32>
      %parallel_loop3A_354 = arith.addi %parallel_loop3A_32, %parallel_loop3A_353 : vector<16xi32>
      tpu.vector_store_idx %arg7[%parallel_loop3A_354], %parallel_loop3A_351 : memref<50176xf32, #tpu.memory_space<vmem>>[vector<16xi32>], vector<16xf32>,
      %parallel_loop3A_355 = arith.constant 46 : i32
      %parallel_loop3A_356 = vector.broadcast %parallel_loop3A_355 : i32 to vector<16xi32>
      %parallel_loop3A_357 = arith.addi %parallel_loop3A_28, %parallel_loop3A_356 : vector<16xi32>
      %parallel_loop3A_358 = tpu.vector_load_idx %arg5[%parallel_loop3A_357] : memref<32768xf32, #tpu.memory_space<vmem>>[vector<16xi32>], vector<16xf32>,
      %parallel_loop3A_359 = arith.constant 46 : i32
      %parallel_loop3A_360 = vector.broadcast %parallel_loop3A_359 : i32 to vector<16xi32>
      %parallel_loop3A_361 = arith.addi %parallel_loop3A_32, %parallel_loop3A_360 : vector<16xi32>
      tpu.vector_store_idx %arg7[%parallel_loop3A_361], %parallel_loop3A_358 : memref<50176xf32, #tpu.memory_space<vmem>>[vector<16xi32>], vector<16xf32>,
      %parallel_loop3A_362 = arith.constant 47 : i32
      %parallel_loop3A_363 = vector.broadcast %parallel_loop3A_362 : i32 to vector<16xi32>
      %parallel_loop3A_364 = arith.addi %parallel_loop3A_28, %parallel_loop3A_363 : vector<16xi32>
      %parallel_loop3A_365 = tpu.vector_load_idx %arg5[%parallel_loop3A_364] : memref<32768xf32, #tpu.memory_space<vmem>>[vector<16xi32>], vector<16xf32>,
      %parallel_loop3A_366 = arith.constant 47 : i32
      %parallel_loop3A_367 = vector.broadcast %parallel_loop3A_366 : i32 to vector<16xi32>
      %parallel_loop3A_368 = arith.addi %parallel_loop3A_32, %parallel_loop3A_367 : vector<16xi32>
      tpu.vector_store_idx %arg7[%parallel_loop3A_368], %parallel_loop3A_365 : memref<50176xf32, #tpu.memory_space<vmem>>[vector<16xi32>], vector<16xf32>,
      %parallel_loop3A_369 = arith.constant 48 : i32
      %parallel_loop3A_370 = vector.broadcast %parallel_loop3A_369 : i32 to vector<16xi32>
      %parallel_loop3A_371 = arith.addi %parallel_loop3A_28, %parallel_loop3A_370 : vector<16xi32>
      %parallel_loop3A_372 = tpu.vector_load_idx %arg5[%parallel_loop3A_371] : memref<32768xf32, #tpu.memory_space<vmem>>[vector<16xi32>], vector<16xf32>,
      %parallel_loop3A_373 = arith.constant 48 : i32
      %parallel_loop3A_374 = vector.broadcast %parallel_loop3A_373 : i32 to vector<16xi32>
      %parallel_loop3A_375 = arith.addi %parallel_loop3A_32, %parallel_loop3A_374 : vector<16xi32>
      tpu.vector_store_idx %arg7[%parallel_loop3A_375], %parallel_loop3A_372 : memref<50176xf32, #tpu.memory_space<vmem>>[vector<16xi32>], vector<16xf32>,
      %parallel_loop3A_376 = arith.constant 49 : i32
      %parallel_loop3A_377 = vector.broadcast %parallel_loop3A_376 : i32 to vector<16xi32>
      %parallel_loop3A_378 = arith.addi %parallel_loop3A_28, %parallel_loop3A_377 : vector<16xi32>
      %parallel_loop3A_379 = tpu.vector_load_idx %arg5[%parallel_loop3A_378] : memref<32768xf32, #tpu.memory_space<vmem>>[vector<16xi32>], vector<16xf32>,
      %parallel_loop3A_380 = arith.constant 49 : i32
      %parallel_loop3A_381 = vector.broadcast %parallel_loop3A_380 : i32 to vector<16xi32>
      %parallel_loop3A_382 = arith.addi %parallel_loop3A_32, %parallel_loop3A_381 : vector<16xi32>
      tpu.vector_store_idx %arg7[%parallel_loop3A_382], %parallel_loop3A_379 : memref<50176xf32, #tpu.memory_space<vmem>>[vector<16xi32>], vector<16xf32>,
      %parallel_loop3A_383 = arith.constant 50 : i32
      %parallel_loop3A_384 = vector.broadcast %parallel_loop3A_383 : i32 to vector<16xi32>
      %parallel_loop3A_385 = arith.addi %parallel_loop3A_28, %parallel_loop3A_384 : vector<16xi32>
      %parallel_loop3A_386 = tpu.vector_load_idx %arg5[%parallel_loop3A_385] : memref<32768xf32, #tpu.memory_space<vmem>>[vector<16xi32>], vector<16xf32>,
      %parallel_loop3A_387 = arith.constant 50 : i32
      %parallel_loop3A_388 = vector.broadcast %parallel_loop3A_387 : i32 to vector<16xi32>
      %parallel_loop3A_389 = arith.addi %parallel_loop3A_32, %parallel_loop3A_388 : vector<16xi32>
      tpu.vector_store_idx %arg7[%parallel_loop3A_389], %parallel_loop3A_386 : memref<50176xf32, #tpu.memory_space<vmem>>[vector<16xi32>], vector<16xf32>,
      %parallel_loop3A_390 = arith.constant 51 : i32
      %parallel_loop3A_391 = vector.broadcast %parallel_loop3A_390 : i32 to vector<16xi32>
      %parallel_loop3A_392 = arith.addi %parallel_loop3A_28, %parallel_loop3A_391 : vector<16xi32>
      %parallel_loop3A_393 = tpu.vector_load_idx %arg5[%parallel_loop3A_392] : memref<32768xf32, #tpu.memory_space<vmem>>[vector<16xi32>], vector<16xf32>,
      %parallel_loop3A_394 = arith.constant 51 : i32
      %parallel_loop3A_395 = vector.broadcast %parallel_loop3A_394 : i32 to vector<16xi32>
      %parallel_loop3A_396 = arith.addi %parallel_loop3A_32, %parallel_loop3A_395 : vector<16xi32>
      tpu.vector_store_idx %arg7[%parallel_loop3A_396], %parallel_loop3A_393 : memref<50176xf32, #tpu.memory_space<vmem>>[vector<16xi32>], vector<16xf32>,
      %parallel_loop3A_397 = arith.constant 52 : i32
      %parallel_loop3A_398 = vector.broadcast %parallel_loop3A_397 : i32 to vector<16xi32>
      %parallel_loop3A_399 = arith.addi %parallel_loop3A_28, %parallel_loop3A_398 : vector<16xi32>
      %parallel_loop3A_400 = tpu.vector_load_idx %arg5[%parallel_loop3A_399] : memref<32768xf32, #tpu.memory_space<vmem>>[vector<16xi32>], vector<16xf32>,
      %parallel_loop3A_401 = arith.constant 52 : i32
      %parallel_loop3A_402 = vector.broadcast %parallel_loop3A_401 : i32 to vector<16xi32>
      %parallel_loop3A_403 = arith.addi %parallel_loop3A_32, %parallel_loop3A_402 : vector<16xi32>
      tpu.vector_store_idx %arg7[%parallel_loop3A_403], %parallel_loop3A_400 : memref<50176xf32, #tpu.memory_space<vmem>>[vector<16xi32>], vector<16xf32>,
      %parallel_loop3A_404 = arith.constant 53 : i32
      %parallel_loop3A_405 = vector.broadcast %parallel_loop3A_404 : i32 to vector<16xi32>
      %parallel_loop3A_406 = arith.addi %parallel_loop3A_28, %parallel_loop3A_405 : vector<16xi32>
      %parallel_loop3A_407 = tpu.vector_load_idx %arg5[%parallel_loop3A_406] : memref<32768xf32, #tpu.memory_space<vmem>>[vector<16xi32>], vector<16xf32>,
      %parallel_loop3A_408 = arith.constant 53 : i32
      %parallel_loop3A_409 = vector.broadcast %parallel_loop3A_408 : i32 to vector<16xi32>
      %parallel_loop3A_410 = arith.addi %parallel_loop3A_32, %parallel_loop3A_409 : vector<16xi32>
      tpu.vector_store_idx %arg7[%parallel_loop3A_410], %parallel_loop3A_407 : memref<50176xf32, #tpu.memory_space<vmem>>[vector<16xi32>], vector<16xf32>,
      %parallel_loop3A_411 = arith.constant 54 : i32
      %parallel_loop3A_412 = vector.broadcast %parallel_loop3A_411 : i32 to vector<16xi32>
      %parallel_loop3A_413 = arith.addi %parallel_loop3A_28, %parallel_loop3A_412 : vector<16xi32>
      %parallel_loop3A_414 = tpu.vector_load_idx %arg5[%parallel_loop3A_413] : memref<32768xf32, #tpu.memory_space<vmem>>[vector<16xi32>], vector<16xf32>,
      %parallel_loop3A_415 = arith.constant 54 : i32
      %parallel_loop3A_416 = vector.broadcast %parallel_loop3A_415 : i32 to vector<16xi32>
      %parallel_loop3A_417 = arith.addi %parallel_loop3A_32, %parallel_loop3A_416 : vector<16xi32>
      tpu.vector_store_idx %arg7[%parallel_loop3A_417], %parallel_loop3A_414 : memref<50176xf32, #tpu.memory_space<vmem>>[vector<16xi32>], vector<16xf32>,
      %parallel_loop3A_418 = arith.constant 55 : i32
      %parallel_loop3A_419 = vector.broadcast %parallel_loop3A_418 : i32 to vector<16xi32>
      %parallel_loop3A_420 = arith.addi %parallel_loop3A_28, %parallel_loop3A_419 : vector<16xi32>
      %parallel_loop3A_421 = tpu.vector_load_idx %arg5[%parallel_loop3A_420] : memref<32768xf32, #tpu.memory_space<vmem>>[vector<16xi32>], vector<16xf32>,
      %parallel_loop3A_422 = arith.constant 55 : i32
      %parallel_loop3A_423 = vector.broadcast %parallel_loop3A_422 : i32 to vector<16xi32>
      %parallel_loop3A_424 = arith.addi %parallel_loop3A_32, %parallel_loop3A_423 : vector<16xi32>
      tpu.vector_store_idx %arg7[%parallel_loop3A_424], %parallel_loop3A_421 : memref<50176xf32, #tpu.memory_space<vmem>>[vector<16xi32>], vector<16xf32>,
      %parallel_loop3A_425 = arith.constant 56 : i32
      %parallel_loop3A_426 = vector.broadcast %parallel_loop3A_425 : i32 to vector<16xi32>
      %parallel_loop3A_427 = arith.addi %parallel_loop3A_28, %parallel_loop3A_426 : vector<16xi32>
      %parallel_loop3A_428 = tpu.vector_load_idx %arg5[%parallel_loop3A_427] : memref<32768xf32, #tpu.memory_space<vmem>>[vector<16xi32>], vector<16xf32>,
      %parallel_loop3A_429 = arith.constant 56 : i32
      %parallel_loop3A_430 = vector.broadcast %parallel_loop3A_429 : i32 to vector<16xi32>
      %parallel_loop3A_431 = arith.addi %parallel_loop3A_32, %parallel_loop3A_430 : vector<16xi32>
      tpu.vector_store_idx %arg7[%parallel_loop3A_431], %parallel_loop3A_428 : memref<50176xf32, #tpu.memory_space<vmem>>[vector<16xi32>], vector<16xf32>,
      %parallel_loop3A_432 = arith.constant 57 : i32
      %parallel_loop3A_433 = vector.broadcast %parallel_loop3A_432 : i32 to vector<16xi32>
      %parallel_loop3A_434 = arith.addi %parallel_loop3A_28, %parallel_loop3A_433 : vector<16xi32>
      %parallel_loop3A_435 = tpu.vector_load_idx %arg5[%parallel_loop3A_434] : memref<32768xf32, #tpu.memory_space<vmem>>[vector<16xi32>], vector<16xf32>,
      %parallel_loop3A_436 = arith.constant 57 : i32
      %parallel_loop3A_437 = vector.broadcast %parallel_loop3A_436 : i32 to vector<16xi32>
      %parallel_loop3A_438 = arith.addi %parallel_loop3A_32, %parallel_loop3A_437 : vector<16xi32>
      tpu.vector_store_idx %arg7[%parallel_loop3A_438], %parallel_loop3A_435 : memref<50176xf32, #tpu.memory_space<vmem>>[vector<16xi32>], vector<16xf32>,
      %parallel_loop3A_439 = arith.constant 58 : i32
      %parallel_loop3A_440 = vector.broadcast %parallel_loop3A_439 : i32 to vector<16xi32>
      %parallel_loop3A_441 = arith.addi %parallel_loop3A_28, %parallel_loop3A_440 : vector<16xi32>
      %parallel_loop3A_442 = tpu.vector_load_idx %arg5[%parallel_loop3A_441] : memref<32768xf32, #tpu.memory_space<vmem>>[vector<16xi32>], vector<16xf32>,
      %parallel_loop3A_443 = arith.constant 58 : i32
      %parallel_loop3A_444 = vector.broadcast %parallel_loop3A_443 : i32 to vector<16xi32>
      %parallel_loop3A_445 = arith.addi %parallel_loop3A_32, %parallel_loop3A_444 : vector<16xi32>
      tpu.vector_store_idx %arg7[%parallel_loop3A_445], %parallel_loop3A_442 : memref<50176xf32, #tpu.memory_space<vmem>>[vector<16xi32>], vector<16xf32>,
      %parallel_loop3A_446 = arith.constant 59 : i32
      %parallel_loop3A_447 = vector.broadcast %parallel_loop3A_446 : i32 to vector<16xi32>
      %parallel_loop3A_448 = arith.addi %parallel_loop3A_28, %parallel_loop3A_447 : vector<16xi32>
      %parallel_loop3A_449 = tpu.vector_load_idx %arg5[%parallel_loop3A_448] : memref<32768xf32, #tpu.memory_space<vmem>>[vector<16xi32>], vector<16xf32>,
      %parallel_loop3A_450 = arith.constant 59 : i32
      %parallel_loop3A_451 = vector.broadcast %parallel_loop3A_450 : i32 to vector<16xi32>
      %parallel_loop3A_452 = arith.addi %parallel_loop3A_32, %parallel_loop3A_451 : vector<16xi32>
      tpu.vector_store_idx %arg7[%parallel_loop3A_452], %parallel_loop3A_449 : memref<50176xf32, #tpu.memory_space<vmem>>[vector<16xi32>], vector<16xf32>,
      %parallel_loop3A_453 = arith.constant 60 : i32
      %parallel_loop3A_454 = vector.broadcast %parallel_loop3A_453 : i32 to vector<16xi32>
      %parallel_loop3A_455 = arith.addi %parallel_loop3A_28, %parallel_loop3A_454 : vector<16xi32>
      %parallel_loop3A_456 = tpu.vector_load_idx %arg5[%parallel_loop3A_455] : memref<32768xf32, #tpu.memory_space<vmem>>[vector<16xi32>], vector<16xf32>,
      %parallel_loop3A_457 = arith.constant 60 : i32
      %parallel_loop3A_458 = vector.broadcast %parallel_loop3A_457 : i32 to vector<16xi32>
      %parallel_loop3A_459 = arith.addi %parallel_loop3A_32, %parallel_loop3A_458 : vector<16xi32>
      tpu.vector_store_idx %arg7[%parallel_loop3A_459], %parallel_loop3A_456 : memref<50176xf32, #tpu.memory_space<vmem>>[vector<16xi32>], vector<16xf32>,
      %parallel_loop3A_460 = arith.constant 61 : i32
      %parallel_loop3A_461 = vector.broadcast %parallel_loop3A_460 : i32 to vector<16xi32>
      %parallel_loop3A_462 = arith.addi %parallel_loop3A_28, %parallel_loop3A_461 : vector<16xi32>
      %parallel_loop3A_463 = tpu.vector_load_idx %arg5[%parallel_loop3A_462] : memref<32768xf32, #tpu.memory_space<vmem>>[vector<16xi32>], vector<16xf32>,
      %parallel_loop3A_464 = arith.constant 61 : i32
      %parallel_loop3A_465 = vector.broadcast %parallel_loop3A_464 : i32 to vector<16xi32>
      %parallel_loop3A_466 = arith.addi %parallel_loop3A_32, %parallel_loop3A_465 : vector<16xi32>
      tpu.vector_store_idx %arg7[%parallel_loop3A_466], %parallel_loop3A_463 : memref<50176xf32, #tpu.memory_space<vmem>>[vector<16xi32>], vector<16xf32>,
      %parallel_loop3A_467 = arith.constant 62 : i32
      %parallel_loop3A_468 = vector.broadcast %parallel_loop3A_467 : i32 to vector<16xi32>
      %parallel_loop3A_469 = arith.addi %parallel_loop3A_28, %parallel_loop3A_468 : vector<16xi32>
      %parallel_loop3A_470 = tpu.vector_load_idx %arg5[%parallel_loop3A_469] : memref<32768xf32, #tpu.memory_space<vmem>>[vector<16xi32>], vector<16xf32>,
      %parallel_loop3A_471 = arith.constant 62 : i32
      %parallel_loop3A_472 = vector.broadcast %parallel_loop3A_471 : i32 to vector<16xi32>
      %parallel_loop3A_473 = arith.addi %parallel_loop3A_32, %parallel_loop3A_472 : vector<16xi32>
      tpu.vector_store_idx %arg7[%parallel_loop3A_473], %parallel_loop3A_470 : memref<50176xf32, #tpu.memory_space<vmem>>[vector<16xi32>], vector<16xf32>,
      %parallel_loop3A_474 = arith.constant 63 : i32
      %parallel_loop3A_475 = vector.broadcast %parallel_loop3A_474 : i32 to vector<16xi32>
      %parallel_loop3A_476 = arith.addi %parallel_loop3A_28, %parallel_loop3A_475 : vector<16xi32>
      %parallel_loop3A_477 = tpu.vector_load_idx %arg5[%parallel_loop3A_476] : memref<32768xf32, #tpu.memory_space<vmem>>[vector<16xi32>], vector<16xf32>,
      %parallel_loop3A_478 = arith.constant 63 : i32
      %parallel_loop3A_479 = vector.broadcast %parallel_loop3A_478 : i32 to vector<16xi32>
      %parallel_loop3A_480 = arith.addi %parallel_loop3A_32, %parallel_loop3A_479 : vector<16xi32>
      tpu.vector_store_idx %arg7[%parallel_loop3A_480], %parallel_loop3A_477 : memref<50176xf32, #tpu.memory_space<vmem>>[vector<16xi32>], vector<16xf32>,
    } {sc.loop_unroll_factor = 4 : i64, sc.parallel_access}
    %mul3A_10 = arith.constant 64 : i32
    %mul3A_11 = arith.muli %add3A_7, %mul3A_10 : i32
    "tpu.region"() ({
      %run_scoped3A = tpu.sem_alloc : memref<!tpu.dma_semaphore, #tpu.memory_space<semaphore_mem>>
      %dma_start3A = tpu.memref_slice %arg4[%mul3A_11] : memref<3211264xf32, #tpu.memory_space<hbm>> -> memref<50176xf32, #tpu.memory_space<hbm>>
      %dma_start3A_21 = tpu.memref_slice %arg4[%mul3A_11] : memref<3211264xf32, #tpu.memory_space<hbm>> -> memref<50176xf32, #tpu.memory_space<hbm>>
      tpu.enqueue_dma source(%arg7 : memref<50176xf32, #tpu.memory_space<vmem>>) target(%dma_start3A_21 : memref<50176xf32, #tpu.memory_space<hbm>>) target_semaphore(%run_scoped3A : memref<!tpu.dma_semaphore, #tpu.memory_space<semaphore_mem>>)
      %dma_wait3A = tpu.memref_slice %arg4[%mul3A_11] : memref<3211264xf32, #tpu.memory_space<hbm>> -> memref<50176xf32, #tpu.memory_space<hbm>>
      %dma_wait3A_22 = tpu.memref_slice %arg4[%mul3A_11] : memref<3211264xf32, #tpu.memory_space<hbm>> -> memref<50176xf32, #tpu.memory_space<hbm>>
      tpu.wait_dma2 semaphore(%run_scoped3A : memref<!tpu.dma_semaphore, #tpu.memory_space<semaphore_mem>>) src(%arg7 : memref<50176xf32, #tpu.memory_space<vmem>>) dst(%dma_wait3A_22 : memref<50176xf32, #tpu.memory_space<hbm>>)
      tpu.yield
    }) : () -> ()
    %mul3A_12 = arith.constant 1568 : i32
    %mul3A_13 = arith.muli %add3A, %mul3A_12 : i32
    %add3A_14 = arith.constant 784 : i32
    %add3A_15 = arith.addi %mul3A_13, %add3A_14 : i32
    "tpu.region"() ({
      %run_scoped3A = tpu.sem_alloc : memref<!tpu.dma_semaphore, #tpu.memory_space<semaphore_mem>>
      %dma_start3A = tpu.memref_slice %arg3[%add3A_15] : memref<50176xi32, #tpu.memory_space<hbm>> -> memref<784xi32, #tpu.memory_space<hbm>>
      %dma_start3A_21 = tpu.memref_slice %arg3[%add3A_15] : memref<50176xi32, #tpu.memory_space<hbm>> -> memref<784xi32, #tpu.memory_space<hbm>>
      tpu.enqueue_dma source(%dma_start3A_21 : memref<784xi32, #tpu.memory_space<hbm>>) target(%arg6 : memref<784xi32, #tpu.memory_space<vmem>>) target_semaphore(%run_scoped3A : memref<!tpu.dma_semaphore, #tpu.memory_space<semaphore_mem>>)
      %dma_wait3A = tpu.memref_slice %arg3[%add3A_15] : memref<50176xi32, #tpu.memory_space<hbm>> -> memref<784xi32, #tpu.memory_space<hbm>>
      %dma_wait3A_22 = tpu.memref_slice %arg3[%add3A_15] : memref<50176xi32, #tpu.memory_space<hbm>> -> memref<784xi32, #tpu.memory_space<hbm>>
      tpu.wait_dma2 semaphore(%run_scoped3A : memref<!tpu.dma_semaphore, #tpu.memory_space<semaphore_mem>>) src(%dma_wait3A_22 : memref<784xi32, #tpu.memory_space<hbm>>) dst(%arg6 : memref<784xi32, #tpu.memory_space<vmem>>)
      tpu.yield
    }) : () -> ()
    %parallel_loop3A_16 = arith.constant 0 : i32
    %parallel_loop3A_17 = arith.constant 49 : i32
    %parallel_loop3A_18 = arith.constant 1 : i32
    scf.for %parallel_loop3A_21 = %parallel_loop3A_16 to %parallel_loop3A_17 step %parallel_loop3A_18  : i32 {
      %parallel_loop3A_22 = arith.constant 16 : i32
      %parallel_loop3A_23 = arith.muli %parallel_loop3A_21, %parallel_loop3A_22 : i32
      %parallel_loop3A_24 = arith.index_cast %parallel_loop3A_23 : i32 to index
      %parallel_loop3A_25 = tpu.vector_load %arg6[%parallel_loop3A_24] {strides = array<i32>} : memref<784xi32, #tpu.memory_space<vmem>>, vector<16xi32>,
      %parallel_loop3A_26 = arith.constant 64 : i32
      %parallel_loop3A_27 = vector.broadcast %parallel_loop3A_26 : i32 to vector<16xi32>
      %parallel_loop3A_28 = arith.muli %parallel_loop3A_25, %parallel_loop3A_27 : vector<16xi32>
      %parallel_loop3A_29 = arith.constant 1024 : i32
      %parallel_loop3A_30 = arith.muli %parallel_loop3A_21, %parallel_loop3A_29 : i32
      %parallel_loop3A_31 = vector.broadcast %parallel_loop3A_30 : i32 to vector<16xi32>
      %parallel_loop3A_32 = arith.addi %mul3A_3, %parallel_loop3A_31 : vector<16xi32>
      %parallel_loop3A_33 = arith.constant 0 : i32
      %parallel_loop3A_34 = vector.broadcast %parallel_loop3A_33 : i32 to vector<16xi32>
      %parallel_loop3A_35 = arith.addi %parallel_loop3A_28, %parallel_loop3A_34 : vector<16xi32>
      %parallel_loop3A_36 = tpu.vector_load_idx %arg5[%parallel_loop3A_35] : memref<32768xf32, #tpu.memory_space<vmem>>[vector<16xi32>], vector<16xf32>,
      %parallel_loop3A_37 = arith.constant 0 : i32
      %parallel_loop3A_38 = vector.broadcast %parallel_loop3A_37 : i32 to vector<16xi32>
      %parallel_loop3A_39 = arith.addi %parallel_loop3A_32, %parallel_loop3A_38 : vector<16xi32>
      tpu.vector_store_idx %arg7[%parallel_loop3A_39], %parallel_loop3A_36 : memref<50176xf32, #tpu.memory_space<vmem>>[vector<16xi32>], vector<16xf32>,
      %parallel_loop3A_40 = arith.constant 1 : i32
      %parallel_loop3A_41 = vector.broadcast %parallel_loop3A_40 : i32 to vector<16xi32>
      %parallel_loop3A_42 = arith.addi %parallel_loop3A_28, %parallel_loop3A_41 : vector<16xi32>
      %parallel_loop3A_43 = tpu.vector_load_idx %arg5[%parallel_loop3A_42] : memref<32768xf32, #tpu.memory_space<vmem>>[vector<16xi32>], vector<16xf32>,
      %parallel_loop3A_44 = arith.constant 1 : i32
      %parallel_loop3A_45 = vector.broadcast %parallel_loop3A_44 : i32 to vector<16xi32>
      %parallel_loop3A_46 = arith.addi %parallel_loop3A_32, %parallel_loop3A_45 : vector<16xi32>
      tpu.vector_store_idx %arg7[%parallel_loop3A_46], %parallel_loop3A_43 : memref<50176xf32, #tpu.memory_space<vmem>>[vector<16xi32>], vector<16xf32>,
      %parallel_loop3A_47 = arith.constant 2 : i32
      %parallel_loop3A_48 = vector.broadcast %parallel_loop3A_47 : i32 to vector<16xi32>
      %parallel_loop3A_49 = arith.addi %parallel_loop3A_28, %parallel_loop3A_48 : vector<16xi32>
      %parallel_loop3A_50 = tpu.vector_load_idx %arg5[%parallel_loop3A_49] : memref<32768xf32, #tpu.memory_space<vmem>>[vector<16xi32>], vector<16xf32>,
      %parallel_loop3A_51 = arith.constant 2 : i32
      %parallel_loop3A_52 = vector.broadcast %parallel_loop3A_51 : i32 to vector<16xi32>
      %parallel_loop3A_53 = arith.addi %parallel_loop3A_32, %parallel_loop3A_52 : vector<16xi32>
      tpu.vector_store_idx %arg7[%parallel_loop3A_53], %parallel_loop3A_50 : memref<50176xf32, #tpu.memory_space<vmem>>[vector<16xi32>], vector<16xf32>,
      %parallel_loop3A_54 = arith.constant 3 : i32
      %parallel_loop3A_55 = vector.broadcast %parallel_loop3A_54 : i32 to vector<16xi32>
      %parallel_loop3A_56 = arith.addi %parallel_loop3A_28, %parallel_loop3A_55 : vector<16xi32>
      %parallel_loop3A_57 = tpu.vector_load_idx %arg5[%parallel_loop3A_56] : memref<32768xf32, #tpu.memory_space<vmem>>[vector<16xi32>], vector<16xf32>,
      %parallel_loop3A_58 = arith.constant 3 : i32
      %parallel_loop3A_59 = vector.broadcast %parallel_loop3A_58 : i32 to vector<16xi32>
      %parallel_loop3A_60 = arith.addi %parallel_loop3A_32, %parallel_loop3A_59 : vector<16xi32>
      tpu.vector_store_idx %arg7[%parallel_loop3A_60], %parallel_loop3A_57 : memref<50176xf32, #tpu.memory_space<vmem>>[vector<16xi32>], vector<16xf32>,
      %parallel_loop3A_61 = arith.constant 4 : i32
      %parallel_loop3A_62 = vector.broadcast %parallel_loop3A_61 : i32 to vector<16xi32>
      %parallel_loop3A_63 = arith.addi %parallel_loop3A_28, %parallel_loop3A_62 : vector<16xi32>
      %parallel_loop3A_64 = tpu.vector_load_idx %arg5[%parallel_loop3A_63] : memref<32768xf32, #tpu.memory_space<vmem>>[vector<16xi32>], vector<16xf32>,
      %parallel_loop3A_65 = arith.constant 4 : i32
      %parallel_loop3A_66 = vector.broadcast %parallel_loop3A_65 : i32 to vector<16xi32>
      %parallel_loop3A_67 = arith.addi %parallel_loop3A_32, %parallel_loop3A_66 : vector<16xi32>
      tpu.vector_store_idx %arg7[%parallel_loop3A_67], %parallel_loop3A_64 : memref<50176xf32, #tpu.memory_space<vmem>>[vector<16xi32>], vector<16xf32>,
      %parallel_loop3A_68 = arith.constant 5 : i32
      %parallel_loop3A_69 = vector.broadcast %parallel_loop3A_68 : i32 to vector<16xi32>
      %parallel_loop3A_70 = arith.addi %parallel_loop3A_28, %parallel_loop3A_69 : vector<16xi32>
      %parallel_loop3A_71 = tpu.vector_load_idx %arg5[%parallel_loop3A_70] : memref<32768xf32, #tpu.memory_space<vmem>>[vector<16xi32>], vector<16xf32>,
      %parallel_loop3A_72 = arith.constant 5 : i32
      %parallel_loop3A_73 = vector.broadcast %parallel_loop3A_72 : i32 to vector<16xi32>
      %parallel_loop3A_74 = arith.addi %parallel_loop3A_32, %parallel_loop3A_73 : vector<16xi32>
      tpu.vector_store_idx %arg7[%parallel_loop3A_74], %parallel_loop3A_71 : memref<50176xf32, #tpu.memory_space<vmem>>[vector<16xi32>], vector<16xf32>,
      %parallel_loop3A_75 = arith.constant 6 : i32
      %parallel_loop3A_76 = vector.broadcast %parallel_loop3A_75 : i32 to vector<16xi32>
      %parallel_loop3A_77 = arith.addi %parallel_loop3A_28, %parallel_loop3A_76 : vector<16xi32>
      %parallel_loop3A_78 = tpu.vector_load_idx %arg5[%parallel_loop3A_77] : memref<32768xf32, #tpu.memory_space<vmem>>[vector<16xi32>], vector<16xf32>,
      %parallel_loop3A_79 = arith.constant 6 : i32
      %parallel_loop3A_80 = vector.broadcast %parallel_loop3A_79 : i32 to vector<16xi32>
      %parallel_loop3A_81 = arith.addi %parallel_loop3A_32, %parallel_loop3A_80 : vector<16xi32>
      tpu.vector_store_idx %arg7[%parallel_loop3A_81], %parallel_loop3A_78 : memref<50176xf32, #tpu.memory_space<vmem>>[vector<16xi32>], vector<16xf32>,
      %parallel_loop3A_82 = arith.constant 7 : i32
      %parallel_loop3A_83 = vector.broadcast %parallel_loop3A_82 : i32 to vector<16xi32>
      %parallel_loop3A_84 = arith.addi %parallel_loop3A_28, %parallel_loop3A_83 : vector<16xi32>
      %parallel_loop3A_85 = tpu.vector_load_idx %arg5[%parallel_loop3A_84] : memref<32768xf32, #tpu.memory_space<vmem>>[vector<16xi32>], vector<16xf32>,
      %parallel_loop3A_86 = arith.constant 7 : i32
      %parallel_loop3A_87 = vector.broadcast %parallel_loop3A_86 : i32 to vector<16xi32>
      %parallel_loop3A_88 = arith.addi %parallel_loop3A_32, %parallel_loop3A_87 : vector<16xi32>
      tpu.vector_store_idx %arg7[%parallel_loop3A_88], %parallel_loop3A_85 : memref<50176xf32, #tpu.memory_space<vmem>>[vector<16xi32>], vector<16xf32>,
      %parallel_loop3A_89 = arith.constant 8 : i32
      %parallel_loop3A_90 = vector.broadcast %parallel_loop3A_89 : i32 to vector<16xi32>
      %parallel_loop3A_91 = arith.addi %parallel_loop3A_28, %parallel_loop3A_90 : vector<16xi32>
      %parallel_loop3A_92 = tpu.vector_load_idx %arg5[%parallel_loop3A_91] : memref<32768xf32, #tpu.memory_space<vmem>>[vector<16xi32>], vector<16xf32>,
      %parallel_loop3A_93 = arith.constant 8 : i32
      %parallel_loop3A_94 = vector.broadcast %parallel_loop3A_93 : i32 to vector<16xi32>
      %parallel_loop3A_95 = arith.addi %parallel_loop3A_32, %parallel_loop3A_94 : vector<16xi32>
      tpu.vector_store_idx %arg7[%parallel_loop3A_95], %parallel_loop3A_92 : memref<50176xf32, #tpu.memory_space<vmem>>[vector<16xi32>], vector<16xf32>,
      %parallel_loop3A_96 = arith.constant 9 : i32
      %parallel_loop3A_97 = vector.broadcast %parallel_loop3A_96 : i32 to vector<16xi32>
      %parallel_loop3A_98 = arith.addi %parallel_loop3A_28, %parallel_loop3A_97 : vector<16xi32>
      %parallel_loop3A_99 = tpu.vector_load_idx %arg5[%parallel_loop3A_98] : memref<32768xf32, #tpu.memory_space<vmem>>[vector<16xi32>], vector<16xf32>,
      %parallel_loop3A_100 = arith.constant 9 : i32
      %parallel_loop3A_101 = vector.broadcast %parallel_loop3A_100 : i32 to vector<16xi32>
      %parallel_loop3A_102 = arith.addi %parallel_loop3A_32, %parallel_loop3A_101 : vector<16xi32>
      tpu.vector_store_idx %arg7[%parallel_loop3A_102], %parallel_loop3A_99 : memref<50176xf32, #tpu.memory_space<vmem>>[vector<16xi32>], vector<16xf32>,
      %parallel_loop3A_103 = arith.constant 10 : i32
      %parallel_loop3A_104 = vector.broadcast %parallel_loop3A_103 : i32 to vector<16xi32>
      %parallel_loop3A_105 = arith.addi %parallel_loop3A_28, %parallel_loop3A_104 : vector<16xi32>
      %parallel_loop3A_106 = tpu.vector_load_idx %arg5[%parallel_loop3A_105] : memref<32768xf32, #tpu.memory_space<vmem>>[vector<16xi32>], vector<16xf32>,
      %parallel_loop3A_107 = arith.constant 10 : i32
      %parallel_loop3A_108 = vector.broadcast %parallel_loop3A_107 : i32 to vector<16xi32>
      %parallel_loop3A_109 = arith.addi %parallel_loop3A_32, %parallel_loop3A_108 : vector<16xi32>
      tpu.vector_store_idx %arg7[%parallel_loop3A_109], %parallel_loop3A_106 : memref<50176xf32, #tpu.memory_space<vmem>>[vector<16xi32>], vector<16xf32>,
      %parallel_loop3A_110 = arith.constant 11 : i32
      %parallel_loop3A_111 = vector.broadcast %parallel_loop3A_110 : i32 to vector<16xi32>
      %parallel_loop3A_112 = arith.addi %parallel_loop3A_28, %parallel_loop3A_111 : vector<16xi32>
      %parallel_loop3A_113 = tpu.vector_load_idx %arg5[%parallel_loop3A_112] : memref<32768xf32, #tpu.memory_space<vmem>>[vector<16xi32>], vector<16xf32>,
      %parallel_loop3A_114 = arith.constant 11 : i32
      %parallel_loop3A_115 = vector.broadcast %parallel_loop3A_114 : i32 to vector<16xi32>
      %parallel_loop3A_116 = arith.addi %parallel_loop3A_32, %parallel_loop3A_115 : vector<16xi32>
      tpu.vector_store_idx %arg7[%parallel_loop3A_116], %parallel_loop3A_113 : memref<50176xf32, #tpu.memory_space<vmem>>[vector<16xi32>], vector<16xf32>,
      %parallel_loop3A_117 = arith.constant 12 : i32
      %parallel_loop3A_118 = vector.broadcast %parallel_loop3A_117 : i32 to vector<16xi32>
      %parallel_loop3A_119 = arith.addi %parallel_loop3A_28, %parallel_loop3A_118 : vector<16xi32>
      %parallel_loop3A_120 = tpu.vector_load_idx %arg5[%parallel_loop3A_119] : memref<32768xf32, #tpu.memory_space<vmem>>[vector<16xi32>], vector<16xf32>,
      %parallel_loop3A_121 = arith.constant 12 : i32
      %parallel_loop3A_122 = vector.broadcast %parallel_loop3A_121 : i32 to vector<16xi32>
      %parallel_loop3A_123 = arith.addi %parallel_loop3A_32, %parallel_loop3A_122 : vector<16xi32>
      tpu.vector_store_idx %arg7[%parallel_loop3A_123], %parallel_loop3A_120 : memref<50176xf32, #tpu.memory_space<vmem>>[vector<16xi32>], vector<16xf32>,
      %parallel_loop3A_124 = arith.constant 13 : i32
      %parallel_loop3A_125 = vector.broadcast %parallel_loop3A_124 : i32 to vector<16xi32>
      %parallel_loop3A_126 = arith.addi %parallel_loop3A_28, %parallel_loop3A_125 : vector<16xi32>
      %parallel_loop3A_127 = tpu.vector_load_idx %arg5[%parallel_loop3A_126] : memref<32768xf32, #tpu.memory_space<vmem>>[vector<16xi32>], vector<16xf32>,
      %parallel_loop3A_128 = arith.constant 13 : i32
      %parallel_loop3A_129 = vector.broadcast %parallel_loop3A_128 : i32 to vector<16xi32>
      %parallel_loop3A_130 = arith.addi %parallel_loop3A_32, %parallel_loop3A_129 : vector<16xi32>
      tpu.vector_store_idx %arg7[%parallel_loop3A_130], %parallel_loop3A_127 : memref<50176xf32, #tpu.memory_space<vmem>>[vector<16xi32>], vector<16xf32>,
      %parallel_loop3A_131 = arith.constant 14 : i32
      %parallel_loop3A_132 = vector.broadcast %parallel_loop3A_131 : i32 to vector<16xi32>
      %parallel_loop3A_133 = arith.addi %parallel_loop3A_28, %parallel_loop3A_132 : vector<16xi32>
      %parallel_loop3A_134 = tpu.vector_load_idx %arg5[%parallel_loop3A_133] : memref<32768xf32, #tpu.memory_space<vmem>>[vector<16xi32>], vector<16xf32>,
      %parallel_loop3A_135 = arith.constant 14 : i32
      %parallel_loop3A_136 = vector.broadcast %parallel_loop3A_135 : i32 to vector<16xi32>
      %parallel_loop3A_137 = arith.addi %parallel_loop3A_32, %parallel_loop3A_136 : vector<16xi32>
      tpu.vector_store_idx %arg7[%parallel_loop3A_137], %parallel_loop3A_134 : memref<50176xf32, #tpu.memory_space<vmem>>[vector<16xi32>], vector<16xf32>,
      %parallel_loop3A_138 = arith.constant 15 : i32
      %parallel_loop3A_139 = vector.broadcast %parallel_loop3A_138 : i32 to vector<16xi32>
      %parallel_loop3A_140 = arith.addi %parallel_loop3A_28, %parallel_loop3A_139 : vector<16xi32>
      %parallel_loop3A_141 = tpu.vector_load_idx %arg5[%parallel_loop3A_140] : memref<32768xf32, #tpu.memory_space<vmem>>[vector<16xi32>], vector<16xf32>,
      %parallel_loop3A_142 = arith.constant 15 : i32
      %parallel_loop3A_143 = vector.broadcast %parallel_loop3A_142 : i32 to vector<16xi32>
      %parallel_loop3A_144 = arith.addi %parallel_loop3A_32, %parallel_loop3A_143 : vector<16xi32>
      tpu.vector_store_idx %arg7[%parallel_loop3A_144], %parallel_loop3A_141 : memref<50176xf32, #tpu.memory_space<vmem>>[vector<16xi32>], vector<16xf32>,
      %parallel_loop3A_145 = arith.constant 16 : i32
      %parallel_loop3A_146 = vector.broadcast %parallel_loop3A_145 : i32 to vector<16xi32>
      %parallel_loop3A_147 = arith.addi %parallel_loop3A_28, %parallel_loop3A_146 : vector<16xi32>
      %parallel_loop3A_148 = tpu.vector_load_idx %arg5[%parallel_loop3A_147] : memref<32768xf32, #tpu.memory_space<vmem>>[vector<16xi32>], vector<16xf32>,
      %parallel_loop3A_149 = arith.constant 16 : i32
      %parallel_loop3A_150 = vector.broadcast %parallel_loop3A_149 : i32 to vector<16xi32>
      %parallel_loop3A_151 = arith.addi %parallel_loop3A_32, %parallel_loop3A_150 : vector<16xi32>
      tpu.vector_store_idx %arg7[%parallel_loop3A_151], %parallel_loop3A_148 : memref<50176xf32, #tpu.memory_space<vmem>>[vector<16xi32>], vector<16xf32>,
      %parallel_loop3A_152 = arith.constant 17 : i32
      %parallel_loop3A_153 = vector.broadcast %parallel_loop3A_152 : i32 to vector<16xi32>
      %parallel_loop3A_154 = arith.addi %parallel_loop3A_28, %parallel_loop3A_153 : vector<16xi32>
      %parallel_loop3A_155 = tpu.vector_load_idx %arg5[%parallel_loop3A_154] : memref<32768xf32, #tpu.memory_space<vmem>>[vector<16xi32>], vector<16xf32>,
      %parallel_loop3A_156 = arith.constant 17 : i32
      %parallel_loop3A_157 = vector.broadcast %parallel_loop3A_156 : i32 to vector<16xi32>
      %parallel_loop3A_158 = arith.addi %parallel_loop3A_32, %parallel_loop3A_157 : vector<16xi32>
      tpu.vector_store_idx %arg7[%parallel_loop3A_158], %parallel_loop3A_155 : memref<50176xf32, #tpu.memory_space<vmem>>[vector<16xi32>], vector<16xf32>,
      %parallel_loop3A_159 = arith.constant 18 : i32
      %parallel_loop3A_160 = vector.broadcast %parallel_loop3A_159 : i32 to vector<16xi32>
      %parallel_loop3A_161 = arith.addi %parallel_loop3A_28, %parallel_loop3A_160 : vector<16xi32>
      %parallel_loop3A_162 = tpu.vector_load_idx %arg5[%parallel_loop3A_161] : memref<32768xf32, #tpu.memory_space<vmem>>[vector<16xi32>], vector<16xf32>,
      %parallel_loop3A_163 = arith.constant 18 : i32
      %parallel_loop3A_164 = vector.broadcast %parallel_loop3A_163 : i32 to vector<16xi32>
      %parallel_loop3A_165 = arith.addi %parallel_loop3A_32, %parallel_loop3A_164 : vector<16xi32>
      tpu.vector_store_idx %arg7[%parallel_loop3A_165], %parallel_loop3A_162 : memref<50176xf32, #tpu.memory_space<vmem>>[vector<16xi32>], vector<16xf32>,
      %parallel_loop3A_166 = arith.constant 19 : i32
      %parallel_loop3A_167 = vector.broadcast %parallel_loop3A_166 : i32 to vector<16xi32>
      %parallel_loop3A_168 = arith.addi %parallel_loop3A_28, %parallel_loop3A_167 : vector<16xi32>
      %parallel_loop3A_169 = tpu.vector_load_idx %arg5[%parallel_loop3A_168] : memref<32768xf32, #tpu.memory_space<vmem>>[vector<16xi32>], vector<16xf32>,
      %parallel_loop3A_170 = arith.constant 19 : i32
      %parallel_loop3A_171 = vector.broadcast %parallel_loop3A_170 : i32 to vector<16xi32>
      %parallel_loop3A_172 = arith.addi %parallel_loop3A_32, %parallel_loop3A_171 : vector<16xi32>
      tpu.vector_store_idx %arg7[%parallel_loop3A_172], %parallel_loop3A_169 : memref<50176xf32, #tpu.memory_space<vmem>>[vector<16xi32>], vector<16xf32>,
      %parallel_loop3A_173 = arith.constant 20 : i32
      %parallel_loop3A_174 = vector.broadcast %parallel_loop3A_173 : i32 to vector<16xi32>
      %parallel_loop3A_175 = arith.addi %parallel_loop3A_28, %parallel_loop3A_174 : vector<16xi32>
      %parallel_loop3A_176 = tpu.vector_load_idx %arg5[%parallel_loop3A_175] : memref<32768xf32, #tpu.memory_space<vmem>>[vector<16xi32>], vector<16xf32>,
      %parallel_loop3A_177 = arith.constant 20 : i32
      %parallel_loop3A_178 = vector.broadcast %parallel_loop3A_177 : i32 to vector<16xi32>
      %parallel_loop3A_179 = arith.addi %parallel_loop3A_32, %parallel_loop3A_178 : vector<16xi32>
      tpu.vector_store_idx %arg7[%parallel_loop3A_179], %parallel_loop3A_176 : memref<50176xf32, #tpu.memory_space<vmem>>[vector<16xi32>], vector<16xf32>,
      %parallel_loop3A_180 = arith.constant 21 : i32
      %parallel_loop3A_181 = vector.broadcast %parallel_loop3A_180 : i32 to vector<16xi32>
      %parallel_loop3A_182 = arith.addi %parallel_loop3A_28, %parallel_loop3A_181 : vector<16xi32>
      %parallel_loop3A_183 = tpu.vector_load_idx %arg5[%parallel_loop3A_182] : memref<32768xf32, #tpu.memory_space<vmem>>[vector<16xi32>], vector<16xf32>,
      %parallel_loop3A_184 = arith.constant 21 : i32
      %parallel_loop3A_185 = vector.broadcast %parallel_loop3A_184 : i32 to vector<16xi32>
      %parallel_loop3A_186 = arith.addi %parallel_loop3A_32, %parallel_loop3A_185 : vector<16xi32>
      tpu.vector_store_idx %arg7[%parallel_loop3A_186], %parallel_loop3A_183 : memref<50176xf32, #tpu.memory_space<vmem>>[vector<16xi32>], vector<16xf32>,
      %parallel_loop3A_187 = arith.constant 22 : i32
      %parallel_loop3A_188 = vector.broadcast %parallel_loop3A_187 : i32 to vector<16xi32>
      %parallel_loop3A_189 = arith.addi %parallel_loop3A_28, %parallel_loop3A_188 : vector<16xi32>
      %parallel_loop3A_190 = tpu.vector_load_idx %arg5[%parallel_loop3A_189] : memref<32768xf32, #tpu.memory_space<vmem>>[vector<16xi32>], vector<16xf32>,
      %parallel_loop3A_191 = arith.constant 22 : i32
      %parallel_loop3A_192 = vector.broadcast %parallel_loop3A_191 : i32 to vector<16xi32>
      %parallel_loop3A_193 = arith.addi %parallel_loop3A_32, %parallel_loop3A_192 : vector<16xi32>
      tpu.vector_store_idx %arg7[%parallel_loop3A_193], %parallel_loop3A_190 : memref<50176xf32, #tpu.memory_space<vmem>>[vector<16xi32>], vector<16xf32>,
      %parallel_loop3A_194 = arith.constant 23 : i32
      %parallel_loop3A_195 = vector.broadcast %parallel_loop3A_194 : i32 to vector<16xi32>
      %parallel_loop3A_196 = arith.addi %parallel_loop3A_28, %parallel_loop3A_195 : vector<16xi32>
      %parallel_loop3A_197 = tpu.vector_load_idx %arg5[%parallel_loop3A_196] : memref<32768xf32, #tpu.memory_space<vmem>>[vector<16xi32>], vector<16xf32>,
      %parallel_loop3A_198 = arith.constant 23 : i32
      %parallel_loop3A_199 = vector.broadcast %parallel_loop3A_198 : i32 to vector<16xi32>
      %parallel_loop3A_200 = arith.addi %parallel_loop3A_32, %parallel_loop3A_199 : vector<16xi32>
      tpu.vector_store_idx %arg7[%parallel_loop3A_200], %parallel_loop3A_197 : memref<50176xf32, #tpu.memory_space<vmem>>[vector<16xi32>], vector<16xf32>,
      %parallel_loop3A_201 = arith.constant 24 : i32
      %parallel_loop3A_202 = vector.broadcast %parallel_loop3A_201 : i32 to vector<16xi32>
      %parallel_loop3A_203 = arith.addi %parallel_loop3A_28, %parallel_loop3A_202 : vector<16xi32>
      %parallel_loop3A_204 = tpu.vector_load_idx %arg5[%parallel_loop3A_203] : memref<32768xf32, #tpu.memory_space<vmem>>[vector<16xi32>], vector<16xf32>,
      %parallel_loop3A_205 = arith.constant 24 : i32
      %parallel_loop3A_206 = vector.broadcast %parallel_loop3A_205 : i32 to vector<16xi32>
      %parallel_loop3A_207 = arith.addi %parallel_loop3A_32, %parallel_loop3A_206 : vector<16xi32>
      tpu.vector_store_idx %arg7[%parallel_loop3A_207], %parallel_loop3A_204 : memref<50176xf32, #tpu.memory_space<vmem>>[vector<16xi32>], vector<16xf32>,
      %parallel_loop3A_208 = arith.constant 25 : i32
      %parallel_loop3A_209 = vector.broadcast %parallel_loop3A_208 : i32 to vector<16xi32>
      %parallel_loop3A_210 = arith.addi %parallel_loop3A_28, %parallel_loop3A_209 : vector<16xi32>
      %parallel_loop3A_211 = tpu.vector_load_idx %arg5[%parallel_loop3A_210] : memref<32768xf32, #tpu.memory_space<vmem>>[vector<16xi32>], vector<16xf32>,
      %parallel_loop3A_212 = arith.constant 25 : i32
      %parallel_loop3A_213 = vector.broadcast %parallel_loop3A_212 : i32 to vector<16xi32>
      %parallel_loop3A_214 = arith.addi %parallel_loop3A_32, %parallel_loop3A_213 : vector<16xi32>
      tpu.vector_store_idx %arg7[%parallel_loop3A_214], %parallel_loop3A_211 : memref<50176xf32, #tpu.memory_space<vmem>>[vector<16xi32>], vector<16xf32>,
      %parallel_loop3A_215 = arith.constant 26 : i32
      %parallel_loop3A_216 = vector.broadcast %parallel_loop3A_215 : i32 to vector<16xi32>
      %parallel_loop3A_217 = arith.addi %parallel_loop3A_28, %parallel_loop3A_216 : vector<16xi32>
      %parallel_loop3A_218 = tpu.vector_load_idx %arg5[%parallel_loop3A_217] : memref<32768xf32, #tpu.memory_space<vmem>>[vector<16xi32>], vector<16xf32>,
      %parallel_loop3A_219 = arith.constant 26 : i32
      %parallel_loop3A_220 = vector.broadcast %parallel_loop3A_219 : i32 to vector<16xi32>
      %parallel_loop3A_221 = arith.addi %parallel_loop3A_32, %parallel_loop3A_220 : vector<16xi32>
      tpu.vector_store_idx %arg7[%parallel_loop3A_221], %parallel_loop3A_218 : memref<50176xf32, #tpu.memory_space<vmem>>[vector<16xi32>], vector<16xf32>,
      %parallel_loop3A_222 = arith.constant 27 : i32
      %parallel_loop3A_223 = vector.broadcast %parallel_loop3A_222 : i32 to vector<16xi32>
      %parallel_loop3A_224 = arith.addi %parallel_loop3A_28, %parallel_loop3A_223 : vector<16xi32>
      %parallel_loop3A_225 = tpu.vector_load_idx %arg5[%parallel_loop3A_224] : memref<32768xf32, #tpu.memory_space<vmem>>[vector<16xi32>], vector<16xf32>,
      %parallel_loop3A_226 = arith.constant 27 : i32
      %parallel_loop3A_227 = vector.broadcast %parallel_loop3A_226 : i32 to vector<16xi32>
      %parallel_loop3A_228 = arith.addi %parallel_loop3A_32, %parallel_loop3A_227 : vector<16xi32>
      tpu.vector_store_idx %arg7[%parallel_loop3A_228], %parallel_loop3A_225 : memref<50176xf32, #tpu.memory_space<vmem>>[vector<16xi32>], vector<16xf32>,
      %parallel_loop3A_229 = arith.constant 28 : i32
      %parallel_loop3A_230 = vector.broadcast %parallel_loop3A_229 : i32 to vector<16xi32>
      %parallel_loop3A_231 = arith.addi %parallel_loop3A_28, %parallel_loop3A_230 : vector<16xi32>
      %parallel_loop3A_232 = tpu.vector_load_idx %arg5[%parallel_loop3A_231] : memref<32768xf32, #tpu.memory_space<vmem>>[vector<16xi32>], vector<16xf32>,
      %parallel_loop3A_233 = arith.constant 28 : i32
      %parallel_loop3A_234 = vector.broadcast %parallel_loop3A_233 : i32 to vector<16xi32>
      %parallel_loop3A_235 = arith.addi %parallel_loop3A_32, %parallel_loop3A_234 : vector<16xi32>
      tpu.vector_store_idx %arg7[%parallel_loop3A_235], %parallel_loop3A_232 : memref<50176xf32, #tpu.memory_space<vmem>>[vector<16xi32>], vector<16xf32>,
      %parallel_loop3A_236 = arith.constant 29 : i32
      %parallel_loop3A_237 = vector.broadcast %parallel_loop3A_236 : i32 to vector<16xi32>
      %parallel_loop3A_238 = arith.addi %parallel_loop3A_28, %parallel_loop3A_237 : vector<16xi32>
      %parallel_loop3A_239 = tpu.vector_load_idx %arg5[%parallel_loop3A_238] : memref<32768xf32, #tpu.memory_space<vmem>>[vector<16xi32>], vector<16xf32>,
      %parallel_loop3A_240 = arith.constant 29 : i32
      %parallel_loop3A_241 = vector.broadcast %parallel_loop3A_240 : i32 to vector<16xi32>
      %parallel_loop3A_242 = arith.addi %parallel_loop3A_32, %parallel_loop3A_241 : vector<16xi32>
      tpu.vector_store_idx %arg7[%parallel_loop3A_242], %parallel_loop3A_239 : memref<50176xf32, #tpu.memory_space<vmem>>[vector<16xi32>], vector<16xf32>,
      %parallel_loop3A_243 = arith.constant 30 : i32
      %parallel_loop3A_244 = vector.broadcast %parallel_loop3A_243 : i32 to vector<16xi32>
      %parallel_loop3A_245 = arith.addi %parallel_loop3A_28, %parallel_loop3A_244 : vector<16xi32>
      %parallel_loop3A_246 = tpu.vector_load_idx %arg5[%parallel_loop3A_245] : memref<32768xf32, #tpu.memory_space<vmem>>[vector<16xi32>], vector<16xf32>,
      %parallel_loop3A_247 = arith.constant 30 : i32
      %parallel_loop3A_248 = vector.broadcast %parallel_loop3A_247 : i32 to vector<16xi32>
      %parallel_loop3A_249 = arith.addi %parallel_loop3A_32, %parallel_loop3A_248 : vector<16xi32>
      tpu.vector_store_idx %arg7[%parallel_loop3A_249], %parallel_loop3A_246 : memref<50176xf32, #tpu.memory_space<vmem>>[vector<16xi32>], vector<16xf32>,
      %parallel_loop3A_250 = arith.constant 31 : i32
      %parallel_loop3A_251 = vector.broadcast %parallel_loop3A_250 : i32 to vector<16xi32>
      %parallel_loop3A_252 = arith.addi %parallel_loop3A_28, %parallel_loop3A_251 : vector<16xi32>
      %parallel_loop3A_253 = tpu.vector_load_idx %arg5[%parallel_loop3A_252] : memref<32768xf32, #tpu.memory_space<vmem>>[vector<16xi32>], vector<16xf32>,
      %parallel_loop3A_254 = arith.constant 31 : i32
      %parallel_loop3A_255 = vector.broadcast %parallel_loop3A_254 : i32 to vector<16xi32>
      %parallel_loop3A_256 = arith.addi %parallel_loop3A_32, %parallel_loop3A_255 : vector<16xi32>
      tpu.vector_store_idx %arg7[%parallel_loop3A_256], %parallel_loop3A_253 : memref<50176xf32, #tpu.memory_space<vmem>>[vector<16xi32>], vector<16xf32>,
      %parallel_loop3A_257 = arith.constant 32 : i32
      %parallel_loop3A_258 = vector.broadcast %parallel_loop3A_257 : i32 to vector<16xi32>
      %parallel_loop3A_259 = arith.addi %parallel_loop3A_28, %parallel_loop3A_258 : vector<16xi32>
      %parallel_loop3A_260 = tpu.vector_load_idx %arg5[%parallel_loop3A_259] : memref<32768xf32, #tpu.memory_space<vmem>>[vector<16xi32>], vector<16xf32>,
      %parallel_loop3A_261 = arith.constant 32 : i32
      %parallel_loop3A_262 = vector.broadcast %parallel_loop3A_261 : i32 to vector<16xi32>
      %parallel_loop3A_263 = arith.addi %parallel_loop3A_32, %parallel_loop3A_262 : vector<16xi32>
      tpu.vector_store_idx %arg7[%parallel_loop3A_263], %parallel_loop3A_260 : memref<50176xf32, #tpu.memory_space<vmem>>[vector<16xi32>], vector<16xf32>,
      %parallel_loop3A_264 = arith.constant 33 : i32
      %parallel_loop3A_265 = vector.broadcast %parallel_loop3A_264 : i32 to vector<16xi32>
      %parallel_loop3A_266 = arith.addi %parallel_loop3A_28, %parallel_loop3A_265 : vector<16xi32>
      %parallel_loop3A_267 = tpu.vector_load_idx %arg5[%parallel_loop3A_266] : memref<32768xf32, #tpu.memory_space<vmem>>[vector<16xi32>], vector<16xf32>,
      %parallel_loop3A_268 = arith.constant 33 : i32
      %parallel_loop3A_269 = vector.broadcast %parallel_loop3A_268 : i32 to vector<16xi32>
      %parallel_loop3A_270 = arith.addi %parallel_loop3A_32, %parallel_loop3A_269 : vector<16xi32>
      tpu.vector_store_idx %arg7[%parallel_loop3A_270], %parallel_loop3A_267 : memref<50176xf32, #tpu.memory_space<vmem>>[vector<16xi32>], vector<16xf32>,
      %parallel_loop3A_271 = arith.constant 34 : i32
      %parallel_loop3A_272 = vector.broadcast %parallel_loop3A_271 : i32 to vector<16xi32>
      %parallel_loop3A_273 = arith.addi %parallel_loop3A_28, %parallel_loop3A_272 : vector<16xi32>
      %parallel_loop3A_274 = tpu.vector_load_idx %arg5[%parallel_loop3A_273] : memref<32768xf32, #tpu.memory_space<vmem>>[vector<16xi32>], vector<16xf32>,
      %parallel_loop3A_275 = arith.constant 34 : i32
      %parallel_loop3A_276 = vector.broadcast %parallel_loop3A_275 : i32 to vector<16xi32>
      %parallel_loop3A_277 = arith.addi %parallel_loop3A_32, %parallel_loop3A_276 : vector<16xi32>
      tpu.vector_store_idx %arg7[%parallel_loop3A_277], %parallel_loop3A_274 : memref<50176xf32, #tpu.memory_space<vmem>>[vector<16xi32>], vector<16xf32>,
      %parallel_loop3A_278 = arith.constant 35 : i32
      %parallel_loop3A_279 = vector.broadcast %parallel_loop3A_278 : i32 to vector<16xi32>
      %parallel_loop3A_280 = arith.addi %parallel_loop3A_28, %parallel_loop3A_279 : vector<16xi32>
      %parallel_loop3A_281 = tpu.vector_load_idx %arg5[%parallel_loop3A_280] : memref<32768xf32, #tpu.memory_space<vmem>>[vector<16xi32>], vector<16xf32>,
      %parallel_loop3A_282 = arith.constant 35 : i32
      %parallel_loop3A_283 = vector.broadcast %parallel_loop3A_282 : i32 to vector<16xi32>
      %parallel_loop3A_284 = arith.addi %parallel_loop3A_32, %parallel_loop3A_283 : vector<16xi32>
      tpu.vector_store_idx %arg7[%parallel_loop3A_284], %parallel_loop3A_281 : memref<50176xf32, #tpu.memory_space<vmem>>[vector<16xi32>], vector<16xf32>,
      %parallel_loop3A_285 = arith.constant 36 : i32
      %parallel_loop3A_286 = vector.broadcast %parallel_loop3A_285 : i32 to vector<16xi32>
      %parallel_loop3A_287 = arith.addi %parallel_loop3A_28, %parallel_loop3A_286 : vector<16xi32>
      %parallel_loop3A_288 = tpu.vector_load_idx %arg5[%parallel_loop3A_287] : memref<32768xf32, #tpu.memory_space<vmem>>[vector<16xi32>], vector<16xf32>,
      %parallel_loop3A_289 = arith.constant 36 : i32
      %parallel_loop3A_290 = vector.broadcast %parallel_loop3A_289 : i32 to vector<16xi32>
      %parallel_loop3A_291 = arith.addi %parallel_loop3A_32, %parallel_loop3A_290 : vector<16xi32>
      tpu.vector_store_idx %arg7[%parallel_loop3A_291], %parallel_loop3A_288 : memref<50176xf32, #tpu.memory_space<vmem>>[vector<16xi32>], vector<16xf32>,
      %parallel_loop3A_292 = arith.constant 37 : i32
      %parallel_loop3A_293 = vector.broadcast %parallel_loop3A_292 : i32 to vector<16xi32>
      %parallel_loop3A_294 = arith.addi %parallel_loop3A_28, %parallel_loop3A_293 : vector<16xi32>
      %parallel_loop3A_295 = tpu.vector_load_idx %arg5[%parallel_loop3A_294] : memref<32768xf32, #tpu.memory_space<vmem>>[vector<16xi32>], vector<16xf32>,
      %parallel_loop3A_296 = arith.constant 37 : i32
      %parallel_loop3A_297 = vector.broadcast %parallel_loop3A_296 : i32 to vector<16xi32>
      %parallel_loop3A_298 = arith.addi %parallel_loop3A_32, %parallel_loop3A_297 : vector<16xi32>
      tpu.vector_store_idx %arg7[%parallel_loop3A_298], %parallel_loop3A_295 : memref<50176xf32, #tpu.memory_space<vmem>>[vector<16xi32>], vector<16xf32>,
      %parallel_loop3A_299 = arith.constant 38 : i32
      %parallel_loop3A_300 = vector.broadcast %parallel_loop3A_299 : i32 to vector<16xi32>
      %parallel_loop3A_301 = arith.addi %parallel_loop3A_28, %parallel_loop3A_300 : vector<16xi32>
      %parallel_loop3A_302 = tpu.vector_load_idx %arg5[%parallel_loop3A_301] : memref<32768xf32, #tpu.memory_space<vmem>>[vector<16xi32>], vector<16xf32>,
      %parallel_loop3A_303 = arith.constant 38 : i32
      %parallel_loop3A_304 = vector.broadcast %parallel_loop3A_303 : i32 to vector<16xi32>
      %parallel_loop3A_305 = arith.addi %parallel_loop3A_32, %parallel_loop3A_304 : vector<16xi32>
      tpu.vector_store_idx %arg7[%parallel_loop3A_305], %parallel_loop3A_302 : memref<50176xf32, #tpu.memory_space<vmem>>[vector<16xi32>], vector<16xf32>,
      %parallel_loop3A_306 = arith.constant 39 : i32
      %parallel_loop3A_307 = vector.broadcast %parallel_loop3A_306 : i32 to vector<16xi32>
      %parallel_loop3A_308 = arith.addi %parallel_loop3A_28, %parallel_loop3A_307 : vector<16xi32>
      %parallel_loop3A_309 = tpu.vector_load_idx %arg5[%parallel_loop3A_308] : memref<32768xf32, #tpu.memory_space<vmem>>[vector<16xi32>], vector<16xf32>,
      %parallel_loop3A_310 = arith.constant 39 : i32
      %parallel_loop3A_311 = vector.broadcast %parallel_loop3A_310 : i32 to vector<16xi32>
      %parallel_loop3A_312 = arith.addi %parallel_loop3A_32, %parallel_loop3A_311 : vector<16xi32>
      tpu.vector_store_idx %arg7[%parallel_loop3A_312], %parallel_loop3A_309 : memref<50176xf32, #tpu.memory_space<vmem>>[vector<16xi32>], vector<16xf32>,
      %parallel_loop3A_313 = arith.constant 40 : i32
      %parallel_loop3A_314 = vector.broadcast %parallel_loop3A_313 : i32 to vector<16xi32>
      %parallel_loop3A_315 = arith.addi %parallel_loop3A_28, %parallel_loop3A_314 : vector<16xi32>
      %parallel_loop3A_316 = tpu.vector_load_idx %arg5[%parallel_loop3A_315] : memref<32768xf32, #tpu.memory_space<vmem>>[vector<16xi32>], vector<16xf32>,
      %parallel_loop3A_317 = arith.constant 40 : i32
      %parallel_loop3A_318 = vector.broadcast %parallel_loop3A_317 : i32 to vector<16xi32>
      %parallel_loop3A_319 = arith.addi %parallel_loop3A_32, %parallel_loop3A_318 : vector<16xi32>
      tpu.vector_store_idx %arg7[%parallel_loop3A_319], %parallel_loop3A_316 : memref<50176xf32, #tpu.memory_space<vmem>>[vector<16xi32>], vector<16xf32>,
      %parallel_loop3A_320 = arith.constant 41 : i32
      %parallel_loop3A_321 = vector.broadcast %parallel_loop3A_320 : i32 to vector<16xi32>
      %parallel_loop3A_322 = arith.addi %parallel_loop3A_28, %parallel_loop3A_321 : vector<16xi32>
      %parallel_loop3A_323 = tpu.vector_load_idx %arg5[%parallel_loop3A_322] : memref<32768xf32, #tpu.memory_space<vmem>>[vector<16xi32>], vector<16xf32>,
      %parallel_loop3A_324 = arith.constant 41 : i32
      %parallel_loop3A_325 = vector.broadcast %parallel_loop3A_324 : i32 to vector<16xi32>
      %parallel_loop3A_326 = arith.addi %parallel_loop3A_32, %parallel_loop3A_325 : vector<16xi32>
      tpu.vector_store_idx %arg7[%parallel_loop3A_326], %parallel_loop3A_323 : memref<50176xf32, #tpu.memory_space<vmem>>[vector<16xi32>], vector<16xf32>,
      %parallel_loop3A_327 = arith.constant 42 : i32
      %parallel_loop3A_328 = vector.broadcast %parallel_loop3A_327 : i32 to vector<16xi32>
      %parallel_loop3A_329 = arith.addi %parallel_loop3A_28, %parallel_loop3A_328 : vector<16xi32>
      %parallel_loop3A_330 = tpu.vector_load_idx %arg5[%parallel_loop3A_329] : memref<32768xf32, #tpu.memory_space<vmem>>[vector<16xi32>], vector<16xf32>,
      %parallel_loop3A_331 = arith.constant 42 : i32
      %parallel_loop3A_332 = vector.broadcast %parallel_loop3A_331 : i32 to vector<16xi32>
      %parallel_loop3A_333 = arith.addi %parallel_loop3A_32, %parallel_loop3A_332 : vector<16xi32>
      tpu.vector_store_idx %arg7[%parallel_loop3A_333], %parallel_loop3A_330 : memref<50176xf32, #tpu.memory_space<vmem>>[vector<16xi32>], vector<16xf32>,
      %parallel_loop3A_334 = arith.constant 43 : i32
      %parallel_loop3A_335 = vector.broadcast %parallel_loop3A_334 : i32 to vector<16xi32>
      %parallel_loop3A_336 = arith.addi %parallel_loop3A_28, %parallel_loop3A_335 : vector<16xi32>
      %parallel_loop3A_337 = tpu.vector_load_idx %arg5[%parallel_loop3A_336] : memref<32768xf32, #tpu.memory_space<vmem>>[vector<16xi32>], vector<16xf32>,
      %parallel_loop3A_338 = arith.constant 43 : i32
      %parallel_loop3A_339 = vector.broadcast %parallel_loop3A_338 : i32 to vector<16xi32>
      %parallel_loop3A_340 = arith.addi %parallel_loop3A_32, %parallel_loop3A_339 : vector<16xi32>
      tpu.vector_store_idx %arg7[%parallel_loop3A_340], %parallel_loop3A_337 : memref<50176xf32, #tpu.memory_space<vmem>>[vector<16xi32>], vector<16xf32>,
      %parallel_loop3A_341 = arith.constant 44 : i32
      %parallel_loop3A_342 = vector.broadcast %parallel_loop3A_341 : i32 to vector<16xi32>
      %parallel_loop3A_343 = arith.addi %parallel_loop3A_28, %parallel_loop3A_342 : vector<16xi32>
      %parallel_loop3A_344 = tpu.vector_load_idx %arg5[%parallel_loop3A_343] : memref<32768xf32, #tpu.memory_space<vmem>>[vector<16xi32>], vector<16xf32>,
      %parallel_loop3A_345 = arith.constant 44 : i32
      %parallel_loop3A_346 = vector.broadcast %parallel_loop3A_345 : i32 to vector<16xi32>
      %parallel_loop3A_347 = arith.addi %parallel_loop3A_32, %parallel_loop3A_346 : vector<16xi32>
      tpu.vector_store_idx %arg7[%parallel_loop3A_347], %parallel_loop3A_344 : memref<50176xf32, #tpu.memory_space<vmem>>[vector<16xi32>], vector<16xf32>,
      %parallel_loop3A_348 = arith.constant 45 : i32
      %parallel_loop3A_349 = vector.broadcast %parallel_loop3A_348 : i32 to vector<16xi32>
      %parallel_loop3A_350 = arith.addi %parallel_loop3A_28, %parallel_loop3A_349 : vector<16xi32>
      %parallel_loop3A_351 = tpu.vector_load_idx %arg5[%parallel_loop3A_350] : memref<32768xf32, #tpu.memory_space<vmem>>[vector<16xi32>], vector<16xf32>,
      %parallel_loop3A_352 = arith.constant 45 : i32
      %parallel_loop3A_353 = vector.broadcast %parallel_loop3A_352 : i32 to vector<16xi32>
      %parallel_loop3A_354 = arith.addi %parallel_loop3A_32, %parallel_loop3A_353 : vector<16xi32>
      tpu.vector_store_idx %arg7[%parallel_loop3A_354], %parallel_loop3A_351 : memref<50176xf32, #tpu.memory_space<vmem>>[vector<16xi32>], vector<16xf32>,
      %parallel_loop3A_355 = arith.constant 46 : i32
      %parallel_loop3A_356 = vector.broadcast %parallel_loop3A_355 : i32 to vector<16xi32>
      %parallel_loop3A_357 = arith.addi %parallel_loop3A_28, %parallel_loop3A_356 : vector<16xi32>
      %parallel_loop3A_358 = tpu.vector_load_idx %arg5[%parallel_loop3A_357] : memref<32768xf32, #tpu.memory_space<vmem>>[vector<16xi32>], vector<16xf32>,
      %parallel_loop3A_359 = arith.constant 46 : i32
      %parallel_loop3A_360 = vector.broadcast %parallel_loop3A_359 : i32 to vector<16xi32>
      %parallel_loop3A_361 = arith.addi %parallel_loop3A_32, %parallel_loop3A_360 : vector<16xi32>
      tpu.vector_store_idx %arg7[%parallel_loop3A_361], %parallel_loop3A_358 : memref<50176xf32, #tpu.memory_space<vmem>>[vector<16xi32>], vector<16xf32>,
      %parallel_loop3A_362 = arith.constant 47 : i32
      %parallel_loop3A_363 = vector.broadcast %parallel_loop3A_362 : i32 to vector<16xi32>
      %parallel_loop3A_364 = arith.addi %parallel_loop3A_28, %parallel_loop3A_363 : vector<16xi32>
      %parallel_loop3A_365 = tpu.vector_load_idx %arg5[%parallel_loop3A_364] : memref<32768xf32, #tpu.memory_space<vmem>>[vector<16xi32>], vector<16xf32>,
      %parallel_loop3A_366 = arith.constant 47 : i32
      %parallel_loop3A_367 = vector.broadcast %parallel_loop3A_366 : i32 to vector<16xi32>
      %parallel_loop3A_368 = arith.addi %parallel_loop3A_32, %parallel_loop3A_367 : vector<16xi32>
      tpu.vector_store_idx %arg7[%parallel_loop3A_368], %parallel_loop3A_365 : memref<50176xf32, #tpu.memory_space<vmem>>[vector<16xi32>], vector<16xf32>,
      %parallel_loop3A_369 = arith.constant 48 : i32
      %parallel_loop3A_370 = vector.broadcast %parallel_loop3A_369 : i32 to vector<16xi32>
      %parallel_loop3A_371 = arith.addi %parallel_loop3A_28, %parallel_loop3A_370 : vector<16xi32>
      %parallel_loop3A_372 = tpu.vector_load_idx %arg5[%parallel_loop3A_371] : memref<32768xf32, #tpu.memory_space<vmem>>[vector<16xi32>], vector<16xf32>,
      %parallel_loop3A_373 = arith.constant 48 : i32
      %parallel_loop3A_374 = vector.broadcast %parallel_loop3A_373 : i32 to vector<16xi32>
      %parallel_loop3A_375 = arith.addi %parallel_loop3A_32, %parallel_loop3A_374 : vector<16xi32>
      tpu.vector_store_idx %arg7[%parallel_loop3A_375], %parallel_loop3A_372 : memref<50176xf32, #tpu.memory_space<vmem>>[vector<16xi32>], vector<16xf32>,
      %parallel_loop3A_376 = arith.constant 49 : i32
      %parallel_loop3A_377 = vector.broadcast %parallel_loop3A_376 : i32 to vector<16xi32>
      %parallel_loop3A_378 = arith.addi %parallel_loop3A_28, %parallel_loop3A_377 : vector<16xi32>
      %parallel_loop3A_379 = tpu.vector_load_idx %arg5[%parallel_loop3A_378] : memref<32768xf32, #tpu.memory_space<vmem>>[vector<16xi32>], vector<16xf32>,
      %parallel_loop3A_380 = arith.constant 49 : i32
      %parallel_loop3A_381 = vector.broadcast %parallel_loop3A_380 : i32 to vector<16xi32>
      %parallel_loop3A_382 = arith.addi %parallel_loop3A_32, %parallel_loop3A_381 : vector<16xi32>
      tpu.vector_store_idx %arg7[%parallel_loop3A_382], %parallel_loop3A_379 : memref<50176xf32, #tpu.memory_space<vmem>>[vector<16xi32>], vector<16xf32>,
      %parallel_loop3A_383 = arith.constant 50 : i32
      %parallel_loop3A_384 = vector.broadcast %parallel_loop3A_383 : i32 to vector<16xi32>
      %parallel_loop3A_385 = arith.addi %parallel_loop3A_28, %parallel_loop3A_384 : vector<16xi32>
      %parallel_loop3A_386 = tpu.vector_load_idx %arg5[%parallel_loop3A_385] : memref<32768xf32, #tpu.memory_space<vmem>>[vector<16xi32>], vector<16xf32>,
      %parallel_loop3A_387 = arith.constant 50 : i32
      %parallel_loop3A_388 = vector.broadcast %parallel_loop3A_387 : i32 to vector<16xi32>
      %parallel_loop3A_389 = arith.addi %parallel_loop3A_32, %parallel_loop3A_388 : vector<16xi32>
      tpu.vector_store_idx %arg7[%parallel_loop3A_389], %parallel_loop3A_386 : memref<50176xf32, #tpu.memory_space<vmem>>[vector<16xi32>], vector<16xf32>,
      %parallel_loop3A_390 = arith.constant 51 : i32
      %parallel_loop3A_391 = vector.broadcast %parallel_loop3A_390 : i32 to vector<16xi32>
      %parallel_loop3A_392 = arith.addi %parallel_loop3A_28, %parallel_loop3A_391 : vector<16xi32>
      %parallel_loop3A_393 = tpu.vector_load_idx %arg5[%parallel_loop3A_392] : memref<32768xf32, #tpu.memory_space<vmem>>[vector<16xi32>], vector<16xf32>,
      %parallel_loop3A_394 = arith.constant 51 : i32
      %parallel_loop3A_395 = vector.broadcast %parallel_loop3A_394 : i32 to vector<16xi32>
      %parallel_loop3A_396 = arith.addi %parallel_loop3A_32, %parallel_loop3A_395 : vector<16xi32>
      tpu.vector_store_idx %arg7[%parallel_loop3A_396], %parallel_loop3A_393 : memref<50176xf32, #tpu.memory_space<vmem>>[vector<16xi32>], vector<16xf32>,
      %parallel_loop3A_397 = arith.constant 52 : i32
      %parallel_loop3A_398 = vector.broadcast %parallel_loop3A_397 : i32 to vector<16xi32>
      %parallel_loop3A_399 = arith.addi %parallel_loop3A_28, %parallel_loop3A_398 : vector<16xi32>
      %parallel_loop3A_400 = tpu.vector_load_idx %arg5[%parallel_loop3A_399] : memref<32768xf32, #tpu.memory_space<vmem>>[vector<16xi32>], vector<16xf32>,
      %parallel_loop3A_401 = arith.constant 52 : i32
      %parallel_loop3A_402 = vector.broadcast %parallel_loop3A_401 : i32 to vector<16xi32>
      %parallel_loop3A_403 = arith.addi %parallel_loop3A_32, %parallel_loop3A_402 : vector<16xi32>
      tpu.vector_store_idx %arg7[%parallel_loop3A_403], %parallel_loop3A_400 : memref<50176xf32, #tpu.memory_space<vmem>>[vector<16xi32>], vector<16xf32>,
      %parallel_loop3A_404 = arith.constant 53 : i32
      %parallel_loop3A_405 = vector.broadcast %parallel_loop3A_404 : i32 to vector<16xi32>
      %parallel_loop3A_406 = arith.addi %parallel_loop3A_28, %parallel_loop3A_405 : vector<16xi32>
      %parallel_loop3A_407 = tpu.vector_load_idx %arg5[%parallel_loop3A_406] : memref<32768xf32, #tpu.memory_space<vmem>>[vector<16xi32>], vector<16xf32>,
      %parallel_loop3A_408 = arith.constant 53 : i32
      %parallel_loop3A_409 = vector.broadcast %parallel_loop3A_408 : i32 to vector<16xi32>
      %parallel_loop3A_410 = arith.addi %parallel_loop3A_32, %parallel_loop3A_409 : vector<16xi32>
      tpu.vector_store_idx %arg7[%parallel_loop3A_410], %parallel_loop3A_407 : memref<50176xf32, #tpu.memory_space<vmem>>[vector<16xi32>], vector<16xf32>,
      %parallel_loop3A_411 = arith.constant 54 : i32
      %parallel_loop3A_412 = vector.broadcast %parallel_loop3A_411 : i32 to vector<16xi32>
      %parallel_loop3A_413 = arith.addi %parallel_loop3A_28, %parallel_loop3A_412 : vector<16xi32>
      %parallel_loop3A_414 = tpu.vector_load_idx %arg5[%parallel_loop3A_413] : memref<32768xf32, #tpu.memory_space<vmem>>[vector<16xi32>], vector<16xf32>,
      %parallel_loop3A_415 = arith.constant 54 : i32
      %parallel_loop3A_416 = vector.broadcast %parallel_loop3A_415 : i32 to vector<16xi32>
      %parallel_loop3A_417 = arith.addi %parallel_loop3A_32, %parallel_loop3A_416 : vector<16xi32>
      tpu.vector_store_idx %arg7[%parallel_loop3A_417], %parallel_loop3A_414 : memref<50176xf32, #tpu.memory_space<vmem>>[vector<16xi32>], vector<16xf32>,
      %parallel_loop3A_418 = arith.constant 55 : i32
      %parallel_loop3A_419 = vector.broadcast %parallel_loop3A_418 : i32 to vector<16xi32>
      %parallel_loop3A_420 = arith.addi %parallel_loop3A_28, %parallel_loop3A_419 : vector<16xi32>
      %parallel_loop3A_421 = tpu.vector_load_idx %arg5[%parallel_loop3A_420] : memref<32768xf32, #tpu.memory_space<vmem>>[vector<16xi32>], vector<16xf32>,
      %parallel_loop3A_422 = arith.constant 55 : i32
      %parallel_loop3A_423 = vector.broadcast %parallel_loop3A_422 : i32 to vector<16xi32>
      %parallel_loop3A_424 = arith.addi %parallel_loop3A_32, %parallel_loop3A_423 : vector<16xi32>
      tpu.vector_store_idx %arg7[%parallel_loop3A_424], %parallel_loop3A_421 : memref<50176xf32, #tpu.memory_space<vmem>>[vector<16xi32>], vector<16xf32>,
      %parallel_loop3A_425 = arith.constant 56 : i32
      %parallel_loop3A_426 = vector.broadcast %parallel_loop3A_425 : i32 to vector<16xi32>
      %parallel_loop3A_427 = arith.addi %parallel_loop3A_28, %parallel_loop3A_426 : vector<16xi32>
      %parallel_loop3A_428 = tpu.vector_load_idx %arg5[%parallel_loop3A_427] : memref<32768xf32, #tpu.memory_space<vmem>>[vector<16xi32>], vector<16xf32>,
      %parallel_loop3A_429 = arith.constant 56 : i32
      %parallel_loop3A_430 = vector.broadcast %parallel_loop3A_429 : i32 to vector<16xi32>
      %parallel_loop3A_431 = arith.addi %parallel_loop3A_32, %parallel_loop3A_430 : vector<16xi32>
      tpu.vector_store_idx %arg7[%parallel_loop3A_431], %parallel_loop3A_428 : memref<50176xf32, #tpu.memory_space<vmem>>[vector<16xi32>], vector<16xf32>,
      %parallel_loop3A_432 = arith.constant 57 : i32
      %parallel_loop3A_433 = vector.broadcast %parallel_loop3A_432 : i32 to vector<16xi32>
      %parallel_loop3A_434 = arith.addi %parallel_loop3A_28, %parallel_loop3A_433 : vector<16xi32>
      %parallel_loop3A_435 = tpu.vector_load_idx %arg5[%parallel_loop3A_434] : memref<32768xf32, #tpu.memory_space<vmem>>[vector<16xi32>], vector<16xf32>,
      %parallel_loop3A_436 = arith.constant 57 : i32
      %parallel_loop3A_437 = vector.broadcast %parallel_loop3A_436 : i32 to vector<16xi32>
      %parallel_loop3A_438 = arith.addi %parallel_loop3A_32, %parallel_loop3A_437 : vector<16xi32>
      tpu.vector_store_idx %arg7[%parallel_loop3A_438], %parallel_loop3A_435 : memref<50176xf32, #tpu.memory_space<vmem>>[vector<16xi32>], vector<16xf32>,
      %parallel_loop3A_439 = arith.constant 58 : i32
      %parallel_loop3A_440 = vector.broadcast %parallel_loop3A_439 : i32 to vector<16xi32>
      %parallel_loop3A_441 = arith.addi %parallel_loop3A_28, %parallel_loop3A_440 : vector<16xi32>
      %parallel_loop3A_442 = tpu.vector_load_idx %arg5[%parallel_loop3A_441] : memref<32768xf32, #tpu.memory_space<vmem>>[vector<16xi32>], vector<16xf32>,
      %parallel_loop3A_443 = arith.constant 58 : i32
      %parallel_loop3A_444 = vector.broadcast %parallel_loop3A_443 : i32 to vector<16xi32>
      %parallel_loop3A_445 = arith.addi %parallel_loop3A_32, %parallel_loop3A_444 : vector<16xi32>
      tpu.vector_store_idx %arg7[%parallel_loop3A_445], %parallel_loop3A_442 : memref<50176xf32, #tpu.memory_space<vmem>>[vector<16xi32>], vector<16xf32>,
      %parallel_loop3A_446 = arith.constant 59 : i32
      %parallel_loop3A_447 = vector.broadcast %parallel_loop3A_446 : i32 to vector<16xi32>
      %parallel_loop3A_448 = arith.addi %parallel_loop3A_28, %parallel_loop3A_447 : vector<16xi32>
      %parallel_loop3A_449 = tpu.vector_load_idx %arg5[%parallel_loop3A_448] : memref<32768xf32, #tpu.memory_space<vmem>>[vector<16xi32>], vector<16xf32>,
      %parallel_loop3A_450 = arith.constant 59 : i32
      %parallel_loop3A_451 = vector.broadcast %parallel_loop3A_450 : i32 to vector<16xi32>
      %parallel_loop3A_452 = arith.addi %parallel_loop3A_32, %parallel_loop3A_451 : vector<16xi32>
      tpu.vector_store_idx %arg7[%parallel_loop3A_452], %parallel_loop3A_449 : memref<50176xf32, #tpu.memory_space<vmem>>[vector<16xi32>], vector<16xf32>,
      %parallel_loop3A_453 = arith.constant 60 : i32
      %parallel_loop3A_454 = vector.broadcast %parallel_loop3A_453 : i32 to vector<16xi32>
      %parallel_loop3A_455 = arith.addi %parallel_loop3A_28, %parallel_loop3A_454 : vector<16xi32>
      %parallel_loop3A_456 = tpu.vector_load_idx %arg5[%parallel_loop3A_455] : memref<32768xf32, #tpu.memory_space<vmem>>[vector<16xi32>], vector<16xf32>,
      %parallel_loop3A_457 = arith.constant 60 : i32
      %parallel_loop3A_458 = vector.broadcast %parallel_loop3A_457 : i32 to vector<16xi32>
      %parallel_loop3A_459 = arith.addi %parallel_loop3A_32, %parallel_loop3A_458 : vector<16xi32>
      tpu.vector_store_idx %arg7[%parallel_loop3A_459], %parallel_loop3A_456 : memref<50176xf32, #tpu.memory_space<vmem>>[vector<16xi32>], vector<16xf32>,
      %parallel_loop3A_460 = arith.constant 61 : i32
      %parallel_loop3A_461 = vector.broadcast %parallel_loop3A_460 : i32 to vector<16xi32>
      %parallel_loop3A_462 = arith.addi %parallel_loop3A_28, %parallel_loop3A_461 : vector<16xi32>
      %parallel_loop3A_463 = tpu.vector_load_idx %arg5[%parallel_loop3A_462] : memref<32768xf32, #tpu.memory_space<vmem>>[vector<16xi32>], vector<16xf32>,
      %parallel_loop3A_464 = arith.constant 61 : i32
      %parallel_loop3A_465 = vector.broadcast %parallel_loop3A_464 : i32 to vector<16xi32>
      %parallel_loop3A_466 = arith.addi %parallel_loop3A_32, %parallel_loop3A_465 : vector<16xi32>
      tpu.vector_store_idx %arg7[%parallel_loop3A_466], %parallel_loop3A_463 : memref<50176xf32, #tpu.memory_space<vmem>>[vector<16xi32>], vector<16xf32>,
      %parallel_loop3A_467 = arith.constant 62 : i32
      %parallel_loop3A_468 = vector.broadcast %parallel_loop3A_467 : i32 to vector<16xi32>
      %parallel_loop3A_469 = arith.addi %parallel_loop3A_28, %parallel_loop3A_468 : vector<16xi32>
      %parallel_loop3A_470 = tpu.vector_load_idx %arg5[%parallel_loop3A_469] : memref<32768xf32, #tpu.memory_space<vmem>>[vector<16xi32>], vector<16xf32>,
      %parallel_loop3A_471 = arith.constant 62 : i32
      %parallel_loop3A_472 = vector.broadcast %parallel_loop3A_471 : i32 to vector<16xi32>
      %parallel_loop3A_473 = arith.addi %parallel_loop3A_32, %parallel_loop3A_472 : vector<16xi32>
      tpu.vector_store_idx %arg7[%parallel_loop3A_473], %parallel_loop3A_470 : memref<50176xf32, #tpu.memory_space<vmem>>[vector<16xi32>], vector<16xf32>,
      %parallel_loop3A_474 = arith.constant 63 : i32
      %parallel_loop3A_475 = vector.broadcast %parallel_loop3A_474 : i32 to vector<16xi32>
      %parallel_loop3A_476 = arith.addi %parallel_loop3A_28, %parallel_loop3A_475 : vector<16xi32>
      %parallel_loop3A_477 = tpu.vector_load_idx %arg5[%parallel_loop3A_476] : memref<32768xf32, #tpu.memory_space<vmem>>[vector<16xi32>], vector<16xf32>,
      %parallel_loop3A_478 = arith.constant 63 : i32
      %parallel_loop3A_479 = vector.broadcast %parallel_loop3A_478 : i32 to vector<16xi32>
      %parallel_loop3A_480 = arith.addi %parallel_loop3A_32, %parallel_loop3A_479 : vector<16xi32>
      tpu.vector_store_idx %arg7[%parallel_loop3A_480], %parallel_loop3A_477 : memref<50176xf32, #tpu.memory_space<vmem>>[vector<16xi32>], vector<16xf32>,
    } {sc.loop_unroll_factor = 4 : i64, sc.parallel_access}
    %mul3A_19 = arith.constant 64 : i32
    %mul3A_20 = arith.muli %add3A_15, %mul3A_19 : i32
    "tpu.region"() ({
      %run_scoped3A = tpu.sem_alloc : memref<!tpu.dma_semaphore, #tpu.memory_space<semaphore_mem>>
      %dma_start3A = tpu.memref_slice %arg4[%mul3A_20] : memref<3211264xf32, #tpu.memory_space<hbm>> -> memref<50176xf32, #tpu.memory_space<hbm>>
      %dma_start3A_21 = tpu.memref_slice %arg4[%mul3A_20] : memref<3211264xf32, #tpu.memory_space<hbm>> -> memref<50176xf32, #tpu.memory_space<hbm>>
      tpu.enqueue_dma source(%arg7 : memref<50176xf32, #tpu.memory_space<vmem>>) target(%dma_start3A_21 : memref<50176xf32, #tpu.memory_space<hbm>>) target_semaphore(%run_scoped3A : memref<!tpu.dma_semaphore, #tpu.memory_space<semaphore_mem>>)
      %dma_wait3A = tpu.memref_slice %arg4[%mul3A_20] : memref<3211264xf32, #tpu.memory_space<hbm>> -> memref<50176xf32, #tpu.memory_space<hbm>>
      %dma_wait3A_22 = tpu.memref_slice %arg4[%mul3A_20] : memref<3211264xf32, #tpu.memory_space<hbm>> -> memref<50176xf32, #tpu.memory_space<hbm>>
      tpu.wait_dma2 semaphore(%run_scoped3A : memref<!tpu.dma_semaphore, #tpu.memory_space<semaphore_mem>>) src(%arg7 : memref<50176xf32, #tpu.memory_space<vmem>>) dst(%dma_wait3A_22 : memref<50176xf32, #tpu.memory_space<hbm>>)
      tpu.yield
    }) : () -> ()
    return
  }
}

module attributes {stable_mosaic.version = 14 : i64} {
  func.func @_enc_body(%arg0: i32, %arg1: memref<1x57x57x16xf32, #tpu.memory_space<vmem>>, %arg2: memref<4x16x128xf32, #tpu.memory_space<vmem>>, %arg3: memref<1x128xf32, #tpu.memory_space<vmem>>, %arg4: memref<4x128x64xf32, #tpu.memory_space<vmem>>, %arg5: memref<1x64xf32, #tpu.memory_space<vmem>>, %arg6: memref<9x64x64xf32, #tpu.memory_space<vmem>>, %arg7: memref<1x64xf32, #tpu.memory_space<vmem>>, %arg8: memref<64x512xf32, #tpu.memory_space<vmem>>, %arg9: memref<1x1x3136xi32, #tpu.memory_space<vmem>>, %arg10: memref<57x57x128xf32, #tpu.memory_space<vmem>>, %arg11: memref<58x58x64xf32, #tpu.memory_space<vmem>>) attributes {dimension_semantics = [#tpu.dimension_semantics<parallel>], iteration_bounds = array<i64: 16>, scalar_prefetch = 0 : i64, scratch_operands = 2 : i64, tpu.core_type = #tpu.core_type<tc>, window_params = [{transform_indices = @transform_0, window_bounds = array<i64: 1, 57, 57, 16>}, {pipeline_mode = #tpu.pipeline_mode<synchronous>, transform_indices = @transform_1, window_bounds = array<i64: 4, 16, 128>}, {pipeline_mode = #tpu.pipeline_mode<synchronous>, transform_indices = @transform_2, window_bounds = array<i64: 1, 128>}, {pipeline_mode = #tpu.pipeline_mode<synchronous>, transform_indices = @transform_3, window_bounds = array<i64: 4, 128, 64>}, {pipeline_mode = #tpu.pipeline_mode<synchronous>, transform_indices = @transform_4, window_bounds = array<i64: 1, 64>}, {pipeline_mode = #tpu.pipeline_mode<synchronous>, transform_indices = @transform_5, window_bounds = array<i64: 9, 64, 64>}, {pipeline_mode = #tpu.pipeline_mode<synchronous>, transform_indices = @transform_6, window_bounds = array<i64: 1, 64>}, {pipeline_mode = #tpu.pipeline_mode<synchronous>, transform_indices = @transform_7, window_bounds = array<i64: 64, 512>}, {transform_indices = @transform_8, window_bounds = array<i64: 1, 1, 3136>}]} {
    %broadcast_in_dim3A = arith.constant 0.000000e+00 : f32
    %broadcast_in_dim3A_0 = vector.broadcast %broadcast_in_dim3A : f32 to vector<3136x128xf32>
    %get3A = arith.constant 0 : index
    %get3A_1 = arith.constant 0 : index
    %get3A_2 = arith.constant 0 : index
    %get3A_3 = arith.constant 0 : index
    %get3A_4 = vector.load %arg1[%get3A, %get3A_1, %get3A_2, %get3A_3] : memref<1x57x57x16xf32, #tpu.memory_space<vmem>>, vector<1x56x56x16xf32>
    %get3A_5 = vector.shape_cast %get3A_4 : vector<1x56x56x16xf32> to vector<56x56x16xf32>
    %reshape3A = vector.shape_cast %get3A_5 : vector<56x56x16xf32> to vector<3136x16xf32>
    %get3A_6 = arith.constant 0 : index
    %get3A_7 = arith.constant 0 : index
    %get3A_8 = arith.constant 0 : index
    %get3A_9 = vector.load %arg2[%get3A_6, %get3A_7, %get3A_8] : memref<4x16x128xf32, #tpu.memory_space<vmem>>, vector<1x16x128xf32>
    %get3A_10 = vector.shape_cast %get3A_9 : vector<1x16x128xf32> to vector<16x128xf32>
    %dot_general3A = arith.constant dense<0.000000e+00> : vector<3136x128xf32>
    %dot_general3A_11 = tpu.matmul %reshape3A, %get3A_10, %dot_general3A {dimension_numbers = #tpu.dot_dimension_numbers<[1], [0], [0], [1], [0, 0, 1, 1], [], []>, transpose_lhs_hint = false} : vector<3136x16xf32>, vector<16x128xf32>, vector<3136x128xf32> -> vector<3136x128xf32>
    %add3A = arith.addf %broadcast_in_dim3A_0, %dot_general3A_11 : vector<3136x128xf32>
    %get3A_12 = arith.constant 0 : index
    %get3A_13 = arith.constant 0 : index
    %get3A_14 = arith.constant 1 : index
    %get3A_15 = arith.constant 0 : index
    %get3A_16 = vector.load %arg1[%get3A_12, %get3A_13, %get3A_14, %get3A_15] : memref<1x57x57x16xf32, #tpu.memory_space<vmem>>, vector<1x56x56x16xf32>
    %get3A_17 = vector.shape_cast %get3A_16 : vector<1x56x56x16xf32> to vector<56x56x16xf32>
    %reshape3A_18 = vector.shape_cast %get3A_17 : vector<56x56x16xf32> to vector<3136x16xf32>
    %get3A_19 = arith.constant 1 : index
    %get3A_20 = arith.constant 0 : index
    %get3A_21 = arith.constant 0 : index
    %get3A_22 = vector.load %arg2[%get3A_19, %get3A_20, %get3A_21] : memref<4x16x128xf32, #tpu.memory_space<vmem>>, vector<1x16x128xf32>
    %get3A_23 = vector.shape_cast %get3A_22 : vector<1x16x128xf32> to vector<16x128xf32>
    %dot_general3A_24 = arith.constant dense<0.000000e+00> : vector<3136x128xf32>
    %dot_general3A_25 = tpu.matmul %reshape3A_18, %get3A_23, %dot_general3A_24 {dimension_numbers = #tpu.dot_dimension_numbers<[1], [0], [0], [1], [0, 0, 1, 1], [], []>, transpose_lhs_hint = false} : vector<3136x16xf32>, vector<16x128xf32>, vector<3136x128xf32> -> vector<3136x128xf32>
    %add3A_26 = arith.addf %add3A, %dot_general3A_25 : vector<3136x128xf32>
    %get3A_27 = arith.constant 0 : index
    %get3A_28 = arith.constant 1 : index
    %get3A_29 = arith.constant 0 : index
    %get3A_30 = arith.constant 0 : index
    %get3A_31 = vector.load %arg1[%get3A_27, %get3A_28, %get3A_29, %get3A_30] : memref<1x57x57x16xf32, #tpu.memory_space<vmem>>, vector<1x56x56x16xf32>
    %get3A_32 = vector.shape_cast %get3A_31 : vector<1x56x56x16xf32> to vector<56x56x16xf32>
    %reshape3A_33 = vector.shape_cast %get3A_32 : vector<56x56x16xf32> to vector<3136x16xf32>
    %get3A_34 = arith.constant 2 : index
    %get3A_35 = arith.constant 0 : index
    %get3A_36 = arith.constant 0 : index
    %get3A_37 = vector.load %arg2[%get3A_34, %get3A_35, %get3A_36] : memref<4x16x128xf32, #tpu.memory_space<vmem>>, vector<1x16x128xf32>
    %get3A_38 = vector.shape_cast %get3A_37 : vector<1x16x128xf32> to vector<16x128xf32>
    %dot_general3A_39 = arith.constant dense<0.000000e+00> : vector<3136x128xf32>
    %dot_general3A_40 = tpu.matmul %reshape3A_33, %get3A_38, %dot_general3A_39 {dimension_numbers = #tpu.dot_dimension_numbers<[1], [0], [0], [1], [0, 0, 1, 1], [], []>, transpose_lhs_hint = false} : vector<3136x16xf32>, vector<16x128xf32>, vector<3136x128xf32> -> vector<3136x128xf32>
    %add3A_41 = arith.addf %add3A_26, %dot_general3A_40 : vector<3136x128xf32>
    %get3A_42 = arith.constant 0 : index
    %get3A_43 = arith.constant 1 : index
    %get3A_44 = arith.constant 1 : index
    %get3A_45 = arith.constant 0 : index
    %get3A_46 = vector.load %arg1[%get3A_42, %get3A_43, %get3A_44, %get3A_45] : memref<1x57x57x16xf32, #tpu.memory_space<vmem>>, vector<1x56x56x16xf32>
    %get3A_47 = vector.shape_cast %get3A_46 : vector<1x56x56x16xf32> to vector<56x56x16xf32>
    %reshape3A_48 = vector.shape_cast %get3A_47 : vector<56x56x16xf32> to vector<3136x16xf32>
    %get3A_49 = arith.constant 3 : index
    %get3A_50 = arith.constant 0 : index
    %get3A_51 = arith.constant 0 : index
    %get3A_52 = vector.load %arg2[%get3A_49, %get3A_50, %get3A_51] : memref<4x16x128xf32, #tpu.memory_space<vmem>>, vector<1x16x128xf32>
    %get3A_53 = vector.shape_cast %get3A_52 : vector<1x16x128xf32> to vector<16x128xf32>
    %dot_general3A_54 = arith.constant dense<0.000000e+00> : vector<3136x128xf32>
    %dot_general3A_55 = tpu.matmul %reshape3A_48, %get3A_53, %dot_general3A_54 {dimension_numbers = #tpu.dot_dimension_numbers<[1], [0], [0], [1], [0, 0, 1, 1], [], []>, transpose_lhs_hint = false} : vector<3136x16xf32>, vector<16x128xf32>, vector<3136x128xf32> -> vector<3136x128xf32>
    %add3A_56 = arith.addf %add3A_41, %dot_general3A_55 : vector<3136x128xf32>
    %get3A_57 = arith.constant 0 : index
    %get3A_58 = arith.constant 0 : index
    %get3A_59 = vector.load %arg3[%get3A_57, %get3A_58] : memref<1x128xf32, #tpu.memory_space<vmem>>, vector<1x128xf32>
    %add3A_60 = vector.broadcast %get3A_59 : vector<1x128xf32> to vector<3136x128xf32>
    %add3A_61 = arith.addf %add3A_56, %add3A_60 : vector<3136x128xf32>
    %max3A = arith.constant 0.000000e+00 : f32
    %max3A_62 = vector.broadcast %max3A : f32 to vector<3136x128xf32>
    %max3A_63 = arith.maximumf %add3A_61, %max3A_62 : vector<3136x128xf32>
    %broadcast_in_dim3A_64 = arith.constant 0.000000e+00 : f32
    %broadcast_in_dim3A_65 = vector.broadcast %broadcast_in_dim3A_64 : f32 to vector<57x57x128xf32>
    %swap3A = arith.constant 0 : index
    %swap3A_66 = arith.constant 0 : index
    %swap3A_67 = arith.constant 0 : index
    %swap3A_68 = vector.load %arg10[%swap3A, %swap3A_66, %swap3A_67] : memref<57x57x128xf32, #tpu.memory_space<vmem>>, vector<57x57x128xf32>
    tpu.vector_store %arg10[%swap3A, %swap3A_66, %swap3A_67], %broadcast_in_dim3A_65 {strides = array<i32>} : memref<57x57x128xf32, #tpu.memory_space<vmem>>, vector<57x57x128xf32>,
    %slice3A = vector.extract_strided_slice %max3A_63 {offsets = [0, 0], sizes = [3136, 32], strides = [1, 1]} : vector<3136x128xf32> to vector<3136x32xf32>
    %reshape3A_69 = vector.shape_cast %slice3A : vector<3136x32xf32> to vector<56x56x32xf32>
    %swap3A_70 = arith.constant 0 : index
    %swap3A_71 = arith.constant 0 : index
    %swap3A_72 = arith.constant 96 : index
    %swap3A_73 = vector.load %arg10[%swap3A_70, %swap3A_71, %swap3A_72] : memref<57x57x128xf32, #tpu.memory_space<vmem>>, vector<56x56x32xf32>
    tpu.vector_store %arg10[%swap3A_70, %swap3A_71, %swap3A_72], %reshape3A_69 {strides = array<i32>} : memref<57x57x128xf32, #tpu.memory_space<vmem>>, vector<56x56x32xf32>,
    %slice3A_74 = vector.extract_strided_slice %max3A_63 {offsets = [0, 32], sizes = [3136, 32], strides = [1, 1]} : vector<3136x128xf32> to vector<3136x32xf32>
    %reshape3A_75 = vector.shape_cast %slice3A_74 : vector<3136x32xf32> to vector<56x56x32xf32>
    %swap3A_76 = arith.constant 0 : index
    %swap3A_77 = arith.constant 1 : index
    %swap3A_78 = arith.constant 64 : index
    %swap3A_79 = vector.load %arg10[%swap3A_76, %swap3A_77, %swap3A_78] : memref<57x57x128xf32, #tpu.memory_space<vmem>>, vector<56x56x32xf32>
    tpu.vector_store %arg10[%swap3A_76, %swap3A_77, %swap3A_78], %reshape3A_75 {strides = array<i32>} : memref<57x57x128xf32, #tpu.memory_space<vmem>>, vector<56x56x32xf32>,
    %slice3A_80 = vector.extract_strided_slice %max3A_63 {offsets = [0, 64], sizes = [3136, 32], strides = [1, 1]} : vector<3136x128xf32> to vector<3136x32xf32>
    %reshape3A_81 = vector.shape_cast %slice3A_80 : vector<3136x32xf32> to vector<56x56x32xf32>
    %swap3A_82 = arith.constant 1 : index
    %swap3A_83 = arith.constant 0 : index
    %swap3A_84 = arith.constant 32 : index
    %swap3A_85 = vector.load %arg10[%swap3A_82, %swap3A_83, %swap3A_84] : memref<57x57x128xf32, #tpu.memory_space<vmem>>, vector<56x56x32xf32>
    tpu.vector_store %arg10[%swap3A_82, %swap3A_83, %swap3A_84], %reshape3A_81 {strides = array<i32>} : memref<57x57x128xf32, #tpu.memory_space<vmem>>, vector<56x56x32xf32>,
    %slice3A_86 = vector.extract_strided_slice %max3A_63 {offsets = [0, 96], sizes = [3136, 32], strides = [1, 1]} : vector<3136x128xf32> to vector<3136x32xf32>
    %reshape3A_87 = vector.shape_cast %slice3A_86 : vector<3136x32xf32> to vector<56x56x32xf32>
    %swap3A_88 = arith.constant 1 : index
    %swap3A_89 = arith.constant 1 : index
    %swap3A_90 = arith.constant 0 : index
    %swap3A_91 = vector.load %arg10[%swap3A_88, %swap3A_89, %swap3A_90] : memref<57x57x128xf32, #tpu.memory_space<vmem>>, vector<56x56x32xf32>
    tpu.vector_store %arg10[%swap3A_88, %swap3A_89, %swap3A_90], %reshape3A_87 {strides = array<i32>} : memref<57x57x128xf32, #tpu.memory_space<vmem>>, vector<56x56x32xf32>,
    %broadcast_in_dim3A_92 = arith.constant 0.000000e+00 : f32
    %broadcast_in_dim3A_93 = vector.broadcast %broadcast_in_dim3A_92 : f32 to vector<3136x64xf32>
    %get3A_94 = arith.constant 0 : index
    %get3A_95 = arith.constant 0 : index
    %get3A_96 = arith.constant 0 : index
    %get3A_97 = vector.load %arg10[%get3A_94, %get3A_95, %get3A_96] : memref<57x57x128xf32, #tpu.memory_space<vmem>>, vector<56x56x128xf32>
    %reshape3A_98 = vector.shape_cast %get3A_97 : vector<56x56x128xf32> to vector<3136x128xf32>
    %get3A_99 = arith.constant 0 : index
    %get3A_100 = arith.constant 0 : index
    %get3A_101 = arith.constant 0 : index
    %get3A_102 = vector.load %arg4[%get3A_99, %get3A_100, %get3A_101] : memref<4x128x64xf32, #tpu.memory_space<vmem>>, vector<1x128x64xf32>
    %get3A_103 = vector.shape_cast %get3A_102 : vector<1x128x64xf32> to vector<128x64xf32>
    %dot_general3A_104 = arith.constant dense<0.000000e+00> : vector<3136x64xf32>
    %dot_general3A_105 = tpu.matmul %reshape3A_98, %get3A_103, %dot_general3A_104 {dimension_numbers = #tpu.dot_dimension_numbers<[1], [0], [0], [1], [0, 0, 1, 1], [], []>, transpose_lhs_hint = false} : vector<3136x128xf32>, vector<128x64xf32>, vector<3136x64xf32> -> vector<3136x64xf32>
    %add3A_106 = arith.addf %broadcast_in_dim3A_93, %dot_general3A_105 : vector<3136x64xf32>
    %get3A_107 = arith.constant 0 : index
    %get3A_108 = arith.constant 1 : index
    %get3A_109 = arith.constant 0 : index
    %get3A_110 = vector.load %arg10[%get3A_107, %get3A_108, %get3A_109] : memref<57x57x128xf32, #tpu.memory_space<vmem>>, vector<56x56x128xf32>
    %reshape3A_111 = vector.shape_cast %get3A_110 : vector<56x56x128xf32> to vector<3136x128xf32>
    %get3A_112 = arith.constant 1 : index
    %get3A_113 = arith.constant 0 : index
    %get3A_114 = arith.constant 0 : index
    %get3A_115 = vector.load %arg4[%get3A_112, %get3A_113, %get3A_114] : memref<4x128x64xf32, #tpu.memory_space<vmem>>, vector<1x128x64xf32>
    %get3A_116 = vector.shape_cast %get3A_115 : vector<1x128x64xf32> to vector<128x64xf32>
    %dot_general3A_117 = arith.constant dense<0.000000e+00> : vector<3136x64xf32>
    %dot_general3A_118 = tpu.matmul %reshape3A_111, %get3A_116, %dot_general3A_117 {dimension_numbers = #tpu.dot_dimension_numbers<[1], [0], [0], [1], [0, 0, 1, 1], [], []>, transpose_lhs_hint = false} : vector<3136x128xf32>, vector<128x64xf32>, vector<3136x64xf32> -> vector<3136x64xf32>
    %add3A_119 = arith.addf %add3A_106, %dot_general3A_118 : vector<3136x64xf32>
    %get3A_120 = arith.constant 1 : index
    %get3A_121 = arith.constant 0 : index
    %get3A_122 = arith.constant 0 : index
    %get3A_123 = vector.load %arg10[%get3A_120, %get3A_121, %get3A_122] : memref<57x57x128xf32, #tpu.memory_space<vmem>>, vector<56x56x128xf32>
    %reshape3A_124 = vector.shape_cast %get3A_123 : vector<56x56x128xf32> to vector<3136x128xf32>
    %get3A_125 = arith.constant 2 : index
    %get3A_126 = arith.constant 0 : index
    %get3A_127 = arith.constant 0 : index
    %get3A_128 = vector.load %arg4[%get3A_125, %get3A_126, %get3A_127] : memref<4x128x64xf32, #tpu.memory_space<vmem>>, vector<1x128x64xf32>
    %get3A_129 = vector.shape_cast %get3A_128 : vector<1x128x64xf32> to vector<128x64xf32>
    %dot_general3A_130 = arith.constant dense<0.000000e+00> : vector<3136x64xf32>
    %dot_general3A_131 = tpu.matmul %reshape3A_124, %get3A_129, %dot_general3A_130 {dimension_numbers = #tpu.dot_dimension_numbers<[1], [0], [0], [1], [0, 0, 1, 1], [], []>, transpose_lhs_hint = false} : vector<3136x128xf32>, vector<128x64xf32>, vector<3136x64xf32> -> vector<3136x64xf32>
    %add3A_132 = arith.addf %add3A_119, %dot_general3A_131 : vector<3136x64xf32>
    %get3A_133 = arith.constant 1 : index
    %get3A_134 = arith.constant 1 : index
    %get3A_135 = arith.constant 0 : index
    %get3A_136 = vector.load %arg10[%get3A_133, %get3A_134, %get3A_135] : memref<57x57x128xf32, #tpu.memory_space<vmem>>, vector<56x56x128xf32>
    %reshape3A_137 = vector.shape_cast %get3A_136 : vector<56x56x128xf32> to vector<3136x128xf32>
    %get3A_138 = arith.constant 3 : index
    %get3A_139 = arith.constant 0 : index
    %get3A_140 = arith.constant 0 : index
    %get3A_141 = vector.load %arg4[%get3A_138, %get3A_139, %get3A_140] : memref<4x128x64xf32, #tpu.memory_space<vmem>>, vector<1x128x64xf32>
    %get3A_142 = vector.shape_cast %get3A_141 : vector<1x128x64xf32> to vector<128x64xf32>
    %dot_general3A_143 = arith.constant dense<0.000000e+00> : vector<3136x64xf32>
    %dot_general3A_144 = tpu.matmul %reshape3A_137, %get3A_142, %dot_general3A_143 {dimension_numbers = #tpu.dot_dimension_numbers<[1], [0], [0], [1], [0, 0, 1, 1], [], []>, transpose_lhs_hint = false} : vector<3136x128xf32>, vector<128x64xf32>, vector<3136x64xf32> -> vector<3136x64xf32>
    %add3A_145 = arith.addf %add3A_132, %dot_general3A_144 : vector<3136x64xf32>
    %get3A_146 = arith.constant 0 : index
    %get3A_147 = arith.constant 0 : index
    %get3A_148 = vector.load %arg5[%get3A_146, %get3A_147] : memref<1x64xf32, #tpu.memory_space<vmem>>, vector<1x64xf32>
    %add3A_149 = vector.broadcast %get3A_148 : vector<1x64xf32> to vector<3136x64xf32>
    %add3A_150 = arith.addf %add3A_145, %add3A_149 : vector<3136x64xf32>
    %max3A_151 = arith.constant 0.000000e+00 : f32
    %max3A_152 = vector.broadcast %max3A_151 : f32 to vector<3136x64xf32>
    %max3A_153 = arith.maximumf %add3A_150, %max3A_152 : vector<3136x64xf32>
    %broadcast_in_dim3A_154 = arith.constant 0.000000e+00 : f32
    %broadcast_in_dim3A_155 = vector.broadcast %broadcast_in_dim3A_154 : f32 to vector<58x58x64xf32>
    %swap3A_156 = arith.constant 0 : index
    %swap3A_157 = arith.constant 0 : index
    %swap3A_158 = arith.constant 0 : index
    %swap3A_159 = vector.load %arg11[%swap3A_156, %swap3A_157, %swap3A_158] : memref<58x58x64xf32, #tpu.memory_space<vmem>>, vector<58x58x64xf32>
    tpu.vector_store %arg11[%swap3A_156, %swap3A_157, %swap3A_158], %broadcast_in_dim3A_155 {strides = array<i32>} : memref<58x58x64xf32, #tpu.memory_space<vmem>>, vector<58x58x64xf32>,
    %reshape3A_160 = vector.shape_cast %max3A_153 : vector<3136x64xf32> to vector<56x56x64xf32>
    %swap3A_161 = arith.constant 1 : index
    %swap3A_162 = arith.constant 1 : index
    %swap3A_163 = arith.constant 0 : index
    %swap3A_164 = vector.load %arg11[%swap3A_161, %swap3A_162, %swap3A_163] : memref<58x58x64xf32, #tpu.memory_space<vmem>>, vector<56x56x64xf32>
    tpu.vector_store %arg11[%swap3A_161, %swap3A_162, %swap3A_163], %reshape3A_160 {strides = array<i32>} : memref<58x58x64xf32, #tpu.memory_space<vmem>>, vector<56x56x64xf32>,
    %broadcast_in_dim3A_165 = arith.constant 0.000000e+00 : f32
    %broadcast_in_dim3A_166 = vector.broadcast %broadcast_in_dim3A_165 : f32 to vector<3136x64xf32>
    %get3A_167 = arith.constant 0 : index
    %get3A_168 = arith.constant 0 : index
    %get3A_169 = arith.constant 0 : index
    %get3A_170 = vector.load %arg11[%get3A_167, %get3A_168, %get3A_169] : memref<58x58x64xf32, #tpu.memory_space<vmem>>, vector<56x56x64xf32>
    %reshape3A_171 = vector.shape_cast %get3A_170 : vector<56x56x64xf32> to vector<3136x64xf32>
    %get3A_172 = arith.constant 0 : index
    %get3A_173 = arith.constant 0 : index
    %get3A_174 = arith.constant 0 : index
    %get3A_175 = vector.load %arg6[%get3A_172, %get3A_173, %get3A_174] : memref<9x64x64xf32, #tpu.memory_space<vmem>>, vector<1x64x64xf32>
    %get3A_176 = vector.shape_cast %get3A_175 : vector<1x64x64xf32> to vector<64x64xf32>
    %dot_general3A_177 = arith.constant dense<0.000000e+00> : vector<3136x64xf32>
    %dot_general3A_178 = tpu.matmul %reshape3A_171, %get3A_176, %dot_general3A_177 {dimension_numbers = #tpu.dot_dimension_numbers<[1], [0], [0], [1], [0, 0, 1, 1], [], []>, transpose_lhs_hint = false} : vector<3136x64xf32>, vector<64x64xf32>, vector<3136x64xf32> -> vector<3136x64xf32>
    %add3A_179 = arith.addf %broadcast_in_dim3A_166, %dot_general3A_178 : vector<3136x64xf32>
    %get3A_180 = arith.constant 0 : index
    %get3A_181 = arith.constant 1 : index
    %get3A_182 = arith.constant 0 : index
    %get3A_183 = vector.load %arg11[%get3A_180, %get3A_181, %get3A_182] : memref<58x58x64xf32, #tpu.memory_space<vmem>>, vector<56x56x64xf32>
    %reshape3A_184 = vector.shape_cast %get3A_183 : vector<56x56x64xf32> to vector<3136x64xf32>
    %get3A_185 = arith.constant 1 : index
    %get3A_186 = arith.constant 0 : index
    %get3A_187 = arith.constant 0 : index
    %get3A_188 = vector.load %arg6[%get3A_185, %get3A_186, %get3A_187] : memref<9x64x64xf32, #tpu.memory_space<vmem>>, vector<1x64x64xf32>
    %get3A_189 = vector.shape_cast %get3A_188 : vector<1x64x64xf32> to vector<64x64xf32>
    %dot_general3A_190 = arith.constant dense<0.000000e+00> : vector<3136x64xf32>
    %dot_general3A_191 = tpu.matmul %reshape3A_184, %get3A_189, %dot_general3A_190 {dimension_numbers = #tpu.dot_dimension_numbers<[1], [0], [0], [1], [0, 0, 1, 1], [], []>, transpose_lhs_hint = false} : vector<3136x64xf32>, vector<64x64xf32>, vector<3136x64xf32> -> vector<3136x64xf32>
    %add3A_192 = arith.addf %add3A_179, %dot_general3A_191 : vector<3136x64xf32>
    %get3A_193 = arith.constant 0 : index
    %get3A_194 = arith.constant 2 : index
    %get3A_195 = arith.constant 0 : index
    %get3A_196 = vector.load %arg11[%get3A_193, %get3A_194, %get3A_195] : memref<58x58x64xf32, #tpu.memory_space<vmem>>, vector<56x56x64xf32>
    %reshape3A_197 = vector.shape_cast %get3A_196 : vector<56x56x64xf32> to vector<3136x64xf32>
    %get3A_198 = arith.constant 2 : index
    %get3A_199 = arith.constant 0 : index
    %get3A_200 = arith.constant 0 : index
    %get3A_201 = vector.load %arg6[%get3A_198, %get3A_199, %get3A_200] : memref<9x64x64xf32, #tpu.memory_space<vmem>>, vector<1x64x64xf32>
    %get3A_202 = vector.shape_cast %get3A_201 : vector<1x64x64xf32> to vector<64x64xf32>
    %dot_general3A_203 = arith.constant dense<0.000000e+00> : vector<3136x64xf32>
    %dot_general3A_204 = tpu.matmul %reshape3A_197, %get3A_202, %dot_general3A_203 {dimension_numbers = #tpu.dot_dimension_numbers<[1], [0], [0], [1], [0, 0, 1, 1], [], []>, transpose_lhs_hint = false} : vector<3136x64xf32>, vector<64x64xf32>, vector<3136x64xf32> -> vector<3136x64xf32>
    %add3A_205 = arith.addf %add3A_192, %dot_general3A_204 : vector<3136x64xf32>
    %get3A_206 = arith.constant 1 : index
    %get3A_207 = arith.constant 0 : index
    %get3A_208 = arith.constant 0 : index
    %get3A_209 = vector.load %arg11[%get3A_206, %get3A_207, %get3A_208] : memref<58x58x64xf32, #tpu.memory_space<vmem>>, vector<56x56x64xf32>
    %reshape3A_210 = vector.shape_cast %get3A_209 : vector<56x56x64xf32> to vector<3136x64xf32>
    %get3A_211 = arith.constant 3 : index
    %get3A_212 = arith.constant 0 : index
    %get3A_213 = arith.constant 0 : index
    %get3A_214 = vector.load %arg6[%get3A_211, %get3A_212, %get3A_213] : memref<9x64x64xf32, #tpu.memory_space<vmem>>, vector<1x64x64xf32>
    %get3A_215 = vector.shape_cast %get3A_214 : vector<1x64x64xf32> to vector<64x64xf32>
    %dot_general3A_216 = arith.constant dense<0.000000e+00> : vector<3136x64xf32>
    %dot_general3A_217 = tpu.matmul %reshape3A_210, %get3A_215, %dot_general3A_216 {dimension_numbers = #tpu.dot_dimension_numbers<[1], [0], [0], [1], [0, 0, 1, 1], [], []>, transpose_lhs_hint = false} : vector<3136x64xf32>, vector<64x64xf32>, vector<3136x64xf32> -> vector<3136x64xf32>
    %add3A_218 = arith.addf %add3A_205, %dot_general3A_217 : vector<3136x64xf32>
    %get3A_219 = arith.constant 1 : index
    %get3A_220 = arith.constant 1 : index
    %get3A_221 = arith.constant 0 : index
    %get3A_222 = vector.load %arg11[%get3A_219, %get3A_220, %get3A_221] : memref<58x58x64xf32, #tpu.memory_space<vmem>>, vector<56x56x64xf32>
    %reshape3A_223 = vector.shape_cast %get3A_222 : vector<56x56x64xf32> to vector<3136x64xf32>
    %get3A_224 = arith.constant 4 : index
    %get3A_225 = arith.constant 0 : index
    %get3A_226 = arith.constant 0 : index
    %get3A_227 = vector.load %arg6[%get3A_224, %get3A_225, %get3A_226] : memref<9x64x64xf32, #tpu.memory_space<vmem>>, vector<1x64x64xf32>
    %get3A_228 = vector.shape_cast %get3A_227 : vector<1x64x64xf32> to vector<64x64xf32>
    %dot_general3A_229 = arith.constant dense<0.000000e+00> : vector<3136x64xf32>
    %dot_general3A_230 = tpu.matmul %reshape3A_223, %get3A_228, %dot_general3A_229 {dimension_numbers = #tpu.dot_dimension_numbers<[1], [0], [0], [1], [0, 0, 1, 1], [], []>, transpose_lhs_hint = false} : vector<3136x64xf32>, vector<64x64xf32>, vector<3136x64xf32> -> vector<3136x64xf32>
    %add3A_231 = arith.addf %add3A_218, %dot_general3A_230 : vector<3136x64xf32>
    %get3A_232 = arith.constant 1 : index
    %get3A_233 = arith.constant 2 : index
    %get3A_234 = arith.constant 0 : index
    %get3A_235 = vector.load %arg11[%get3A_232, %get3A_233, %get3A_234] : memref<58x58x64xf32, #tpu.memory_space<vmem>>, vector<56x56x64xf32>
    %reshape3A_236 = vector.shape_cast %get3A_235 : vector<56x56x64xf32> to vector<3136x64xf32>
    %get3A_237 = arith.constant 5 : index
    %get3A_238 = arith.constant 0 : index
    %get3A_239 = arith.constant 0 : index
    %get3A_240 = vector.load %arg6[%get3A_237, %get3A_238, %get3A_239] : memref<9x64x64xf32, #tpu.memory_space<vmem>>, vector<1x64x64xf32>
    %get3A_241 = vector.shape_cast %get3A_240 : vector<1x64x64xf32> to vector<64x64xf32>
    %dot_general3A_242 = arith.constant dense<0.000000e+00> : vector<3136x64xf32>
    %dot_general3A_243 = tpu.matmul %reshape3A_236, %get3A_241, %dot_general3A_242 {dimension_numbers = #tpu.dot_dimension_numbers<[1], [0], [0], [1], [0, 0, 1, 1], [], []>, transpose_lhs_hint = false} : vector<3136x64xf32>, vector<64x64xf32>, vector<3136x64xf32> -> vector<3136x64xf32>
    %add3A_244 = arith.addf %add3A_231, %dot_general3A_243 : vector<3136x64xf32>
    %get3A_245 = arith.constant 2 : index
    %get3A_246 = arith.constant 0 : index
    %get3A_247 = arith.constant 0 : index
    %get3A_248 = vector.load %arg11[%get3A_245, %get3A_246, %get3A_247] : memref<58x58x64xf32, #tpu.memory_space<vmem>>, vector<56x56x64xf32>
    %reshape3A_249 = vector.shape_cast %get3A_248 : vector<56x56x64xf32> to vector<3136x64xf32>
    %get3A_250 = arith.constant 6 : index
    %get3A_251 = arith.constant 0 : index
    %get3A_252 = arith.constant 0 : index
    %get3A_253 = vector.load %arg6[%get3A_250, %get3A_251, %get3A_252] : memref<9x64x64xf32, #tpu.memory_space<vmem>>, vector<1x64x64xf32>
    %get3A_254 = vector.shape_cast %get3A_253 : vector<1x64x64xf32> to vector<64x64xf32>
    %dot_general3A_255 = arith.constant dense<0.000000e+00> : vector<3136x64xf32>
    %dot_general3A_256 = tpu.matmul %reshape3A_249, %get3A_254, %dot_general3A_255 {dimension_numbers = #tpu.dot_dimension_numbers<[1], [0], [0], [1], [0, 0, 1, 1], [], []>, transpose_lhs_hint = false} : vector<3136x64xf32>, vector<64x64xf32>, vector<3136x64xf32> -> vector<3136x64xf32>
    %add3A_257 = arith.addf %add3A_244, %dot_general3A_256 : vector<3136x64xf32>
    %get3A_258 = arith.constant 2 : index
    %get3A_259 = arith.constant 1 : index
    %get3A_260 = arith.constant 0 : index
    %get3A_261 = vector.load %arg11[%get3A_258, %get3A_259, %get3A_260] : memref<58x58x64xf32, #tpu.memory_space<vmem>>, vector<56x56x64xf32>
    %reshape3A_262 = vector.shape_cast %get3A_261 : vector<56x56x64xf32> to vector<3136x64xf32>
    %get3A_263 = arith.constant 7 : index
    %get3A_264 = arith.constant 0 : index
    %get3A_265 = arith.constant 0 : index
    %get3A_266 = vector.load %arg6[%get3A_263, %get3A_264, %get3A_265] : memref<9x64x64xf32, #tpu.memory_space<vmem>>, vector<1x64x64xf32>
    %get3A_267 = vector.shape_cast %get3A_266 : vector<1x64x64xf32> to vector<64x64xf32>
    %dot_general3A_268 = arith.constant dense<0.000000e+00> : vector<3136x64xf32>
    %dot_general3A_269 = tpu.matmul %reshape3A_262, %get3A_267, %dot_general3A_268 {dimension_numbers = #tpu.dot_dimension_numbers<[1], [0], [0], [1], [0, 0, 1, 1], [], []>, transpose_lhs_hint = false} : vector<3136x64xf32>, vector<64x64xf32>, vector<3136x64xf32> -> vector<3136x64xf32>
    %add3A_270 = arith.addf %add3A_257, %dot_general3A_269 : vector<3136x64xf32>
    %get3A_271 = arith.constant 2 : index
    %get3A_272 = arith.constant 2 : index
    %get3A_273 = arith.constant 0 : index
    %get3A_274 = vector.load %arg11[%get3A_271, %get3A_272, %get3A_273] : memref<58x58x64xf32, #tpu.memory_space<vmem>>, vector<56x56x64xf32>
    %reshape3A_275 = vector.shape_cast %get3A_274 : vector<56x56x64xf32> to vector<3136x64xf32>
    %get3A_276 = arith.constant 8 : index
    %get3A_277 = arith.constant 0 : index
    %get3A_278 = arith.constant 0 : index
    %get3A_279 = vector.load %arg6[%get3A_276, %get3A_277, %get3A_278] : memref<9x64x64xf32, #tpu.memory_space<vmem>>, vector<1x64x64xf32>
    %get3A_280 = vector.shape_cast %get3A_279 : vector<1x64x64xf32> to vector<64x64xf32>
    %dot_general3A_281 = arith.constant dense<0.000000e+00> : vector<3136x64xf32>
    %dot_general3A_282 = tpu.matmul %reshape3A_275, %get3A_280, %dot_general3A_281 {dimension_numbers = #tpu.dot_dimension_numbers<[1], [0], [0], [1], [0, 0, 1, 1], [], []>, transpose_lhs_hint = false} : vector<3136x64xf32>, vector<64x64xf32>, vector<3136x64xf32> -> vector<3136x64xf32>
    %add3A_283 = arith.addf %add3A_270, %dot_general3A_282 : vector<3136x64xf32>
    %get3A_284 = arith.constant 0 : index
    %get3A_285 = arith.constant 0 : index
    %get3A_286 = vector.load %arg7[%get3A_284, %get3A_285] : memref<1x64xf32, #tpu.memory_space<vmem>>, vector<1x64xf32>
    %add3A_287 = vector.broadcast %get3A_286 : vector<1x64xf32> to vector<3136x64xf32>
    %add3A_288 = arith.addf %add3A_283, %add3A_287 : vector<3136x64xf32>
    %mul3A = arith.mulf %add3A_288, %add3A_288 : vector<3136x64xf32>
    %reduce_sum3A = arith.constant dense<0.000000e+00> : vector<3136xf32>
    %reduce_sum3A_289 = vector.multi_reduction <add>, %mul3A, %reduce_sum3A [1] : vector<3136x64xf32> to vector<3136xf32>
    %broadcast_in_dim3A_290 = vector.shape_cast %reduce_sum3A_289 : vector<3136xf32> to vector<3136x1xf32>
    %get3A_291 = arith.constant 0 : index
    %get3A_292 = arith.constant 0 : index
    %get3A_293 = vector.load %arg8[%get3A_291, %get3A_292] : memref<64x512xf32, #tpu.memory_space<vmem>>, vector<64x128xf32>
    %mul3A_294 = arith.mulf %get3A_293, %get3A_293 : vector<64x128xf32>
    %reduce_sum3A_295 = arith.constant dense<0.000000e+00> : vector<128xf32>
    %reduce_sum3A_296 = vector.multi_reduction <add>, %mul3A_294, %reduce_sum3A_295 [0] : vector<64x128xf32> to vector<128xf32>
    %dot_general3A_297 = arith.constant dense<0.000000e+00> : vector<3136x128xf32>
    %dot_general3A_298 = tpu.matmul %add3A_288, %get3A_293, %dot_general3A_297 {dimension_numbers = #tpu.dot_dimension_numbers<[1], [0], [0], [1], [0, 0, 1, 1], [], []>, transpose_lhs_hint = false} : vector<3136x64xf32>, vector<64x128xf32>, vector<3136x128xf32> -> vector<3136x128xf32>
    %mul3A_299 = arith.constant 2.000000e+00 : f32
    %mul3A_300 = vector.broadcast %mul3A_299 : f32 to vector<3136x128xf32>
    %mul3A_301 = arith.mulf %mul3A_300, %dot_general3A_298 : vector<3136x128xf32>
    %sub3A = vector.broadcast %broadcast_in_dim3A_290 : vector<3136x1xf32> to vector<3136x128xf32>
    %sub3A_302 = arith.subf %sub3A, %mul3A_301 : vector<3136x128xf32>
    %broadcast_in_dim3A_303 = vector.shape_cast %reduce_sum3A_296 : vector<128xf32> to vector<1x128xf32>
    %add3A_304 = vector.broadcast %broadcast_in_dim3A_303 : vector<1x128xf32> to vector<3136x128xf32>
    %add3A_305 = arith.addf %sub3A_302, %add3A_304 : vector<3136x128xf32>
    %reduce_min3A = arith.constant dense<0x7F800000> : vector<3136xf32>
    %reduce_min3A_306 = vector.multi_reduction <minimumf>, %add3A_305, %reduce_min3A [1] : vector<3136x128xf32> to vector<3136xf32>
    %broadcast_in_dim3A_307 = vector.shape_cast %reduce_min3A_306 : vector<3136xf32> to vector<3136x1xf32>
    %iota3A = tpu.iota {dimensions = array<i32: 1>} : vector<3136x128xi32>
    %add3A_308 = arith.constant 0 : i32
    %add3A_309 = vector.broadcast %add3A_308 : i32 to vector<3136x128xi32>
    %add3A_310 = arith.addi %iota3A, %add3A_309 : vector<3136x128xi32>
    %le3A = vector.broadcast %broadcast_in_dim3A_307 : vector<3136x1xf32> to vector<3136x128xf32>
    %le3A_311 = arith.cmpf ole, %add3A_305, %le3A : vector<3136x128xf32>
    %jit3A = arith.constant 4096 : i32
    %broadcast_in_dim3A_312 = vector.broadcast %jit3A : i32 to vector<3136x128xi32>
    %select_n3A = arith.select %le3A_311, %add3A_310, %broadcast_in_dim3A_312 : vector<3136x128xi1>, vector<3136x128xi32>
    %reduce_min3A_313 = arith.constant dense<2147483647> : vector<3136xi32>
    %reduce_min3A_314 = vector.multi_reduction <minsi>, %select_n3A, %reduce_min3A_313 [1] : vector<3136x128xi32> to vector<3136xi32>
    %get3A_315 = arith.constant 0 : index
    %get3A_316 = arith.constant 128 : index
    %get3A_317 = vector.load %arg8[%get3A_315, %get3A_316] : memref<64x512xf32, #tpu.memory_space<vmem>>, vector<64x128xf32>
    %mul3A_318 = arith.mulf %get3A_317, %get3A_317 : vector<64x128xf32>
    %reduce_sum3A_319 = arith.constant dense<0.000000e+00> : vector<128xf32>
    %reduce_sum3A_320 = vector.multi_reduction <add>, %mul3A_318, %reduce_sum3A_319 [0] : vector<64x128xf32> to vector<128xf32>
    %dot_general3A_321 = arith.constant dense<0.000000e+00> : vector<3136x128xf32>
    %dot_general3A_322 = tpu.matmul %add3A_288, %get3A_317, %dot_general3A_321 {dimension_numbers = #tpu.dot_dimension_numbers<[1], [0], [0], [1], [0, 0, 1, 1], [], []>, transpose_lhs_hint = false} : vector<3136x64xf32>, vector<64x128xf32>, vector<3136x128xf32> -> vector<3136x128xf32>
    %mul3A_323 = arith.constant 2.000000e+00 : f32
    %mul3A_324 = vector.broadcast %mul3A_323 : f32 to vector<3136x128xf32>
    %mul3A_325 = arith.mulf %mul3A_324, %dot_general3A_322 : vector<3136x128xf32>
    %sub3A_326 = vector.broadcast %broadcast_in_dim3A_290 : vector<3136x1xf32> to vector<3136x128xf32>
    %sub3A_327 = arith.subf %sub3A_326, %mul3A_325 : vector<3136x128xf32>
    %broadcast_in_dim3A_328 = vector.shape_cast %reduce_sum3A_320 : vector<128xf32> to vector<1x128xf32>
    %add3A_329 = vector.broadcast %broadcast_in_dim3A_328 : vector<1x128xf32> to vector<3136x128xf32>
    %add3A_330 = arith.addf %sub3A_327, %add3A_329 : vector<3136x128xf32>
    %reduce_min3A_331 = arith.constant dense<0x7F800000> : vector<3136xf32>
    %reduce_min3A_332 = vector.multi_reduction <minimumf>, %add3A_330, %reduce_min3A_331 [1] : vector<3136x128xf32> to vector<3136xf32>
    %broadcast_in_dim3A_333 = vector.shape_cast %reduce_min3A_332 : vector<3136xf32> to vector<3136x1xf32>
    %iota3A_334 = tpu.iota {dimensions = array<i32: 1>} : vector<3136x128xi32>
    %add3A_335 = arith.constant 128 : i32
    %add3A_336 = vector.broadcast %add3A_335 : i32 to vector<3136x128xi32>
    %add3A_337 = arith.addi %iota3A_334, %add3A_336 : vector<3136x128xi32>
    %le3A_338 = vector.broadcast %broadcast_in_dim3A_333 : vector<3136x1xf32> to vector<3136x128xf32>
    %le3A_339 = arith.cmpf ole, %add3A_330, %le3A_338 : vector<3136x128xf32>
    %jit3A_340 = arith.constant 4096 : i32
    %broadcast_in_dim3A_341 = vector.broadcast %jit3A_340 : i32 to vector<3136x128xi32>
    %select_n3A_342 = arith.select %le3A_339, %add3A_337, %broadcast_in_dim3A_341 : vector<3136x128xi1>, vector<3136x128xi32>
    %reduce_min3A_343 = arith.constant dense<2147483647> : vector<3136xi32>
    %reduce_min3A_344 = vector.multi_reduction <minsi>, %select_n3A_342, %reduce_min3A_343 [1] : vector<3136x128xi32> to vector<3136xi32>
    %get3A_345 = arith.constant 0 : index
    %get3A_346 = arith.constant 256 : index
    %get3A_347 = vector.load %arg8[%get3A_345, %get3A_346] : memref<64x512xf32, #tpu.memory_space<vmem>>, vector<64x128xf32>
    %mul3A_348 = arith.mulf %get3A_347, %get3A_347 : vector<64x128xf32>
    %reduce_sum3A_349 = arith.constant dense<0.000000e+00> : vector<128xf32>
    %reduce_sum3A_350 = vector.multi_reduction <add>, %mul3A_348, %reduce_sum3A_349 [0] : vector<64x128xf32> to vector<128xf32>
    %dot_general3A_351 = arith.constant dense<0.000000e+00> : vector<3136x128xf32>
    %dot_general3A_352 = tpu.matmul %add3A_288, %get3A_347, %dot_general3A_351 {dimension_numbers = #tpu.dot_dimension_numbers<[1], [0], [0], [1], [0, 0, 1, 1], [], []>, transpose_lhs_hint = false} : vector<3136x64xf32>, vector<64x128xf32>, vector<3136x128xf32> -> vector<3136x128xf32>
    %mul3A_353 = arith.constant 2.000000e+00 : f32
    %mul3A_354 = vector.broadcast %mul3A_353 : f32 to vector<3136x128xf32>
    %mul3A_355 = arith.mulf %mul3A_354, %dot_general3A_352 : vector<3136x128xf32>
    %sub3A_356 = vector.broadcast %broadcast_in_dim3A_290 : vector<3136x1xf32> to vector<3136x128xf32>
    %sub3A_357 = arith.subf %sub3A_356, %mul3A_355 : vector<3136x128xf32>
    %broadcast_in_dim3A_358 = vector.shape_cast %reduce_sum3A_350 : vector<128xf32> to vector<1x128xf32>
    %add3A_359 = vector.broadcast %broadcast_in_dim3A_358 : vector<1x128xf32> to vector<3136x128xf32>
    %add3A_360 = arith.addf %sub3A_357, %add3A_359 : vector<3136x128xf32>
    %reduce_min3A_361 = arith.constant dense<0x7F800000> : vector<3136xf32>
    %reduce_min3A_362 = vector.multi_reduction <minimumf>, %add3A_360, %reduce_min3A_361 [1] : vector<3136x128xf32> to vector<3136xf32>
    %broadcast_in_dim3A_363 = vector.shape_cast %reduce_min3A_362 : vector<3136xf32> to vector<3136x1xf32>
    %iota3A_364 = tpu.iota {dimensions = array<i32: 1>} : vector<3136x128xi32>
    %add3A_365 = arith.constant 256 : i32
    %add3A_366 = vector.broadcast %add3A_365 : i32 to vector<3136x128xi32>
    %add3A_367 = arith.addi %iota3A_364, %add3A_366 : vector<3136x128xi32>
    %le3A_368 = vector.broadcast %broadcast_in_dim3A_363 : vector<3136x1xf32> to vector<3136x128xf32>
    %le3A_369 = arith.cmpf ole, %add3A_360, %le3A_368 : vector<3136x128xf32>
    %jit3A_370 = arith.constant 4096 : i32
    %broadcast_in_dim3A_371 = vector.broadcast %jit3A_370 : i32 to vector<3136x128xi32>
    %select_n3A_372 = arith.select %le3A_369, %add3A_367, %broadcast_in_dim3A_371 : vector<3136x128xi1>, vector<3136x128xi32>
    %reduce_min3A_373 = arith.constant dense<2147483647> : vector<3136xi32>
    %reduce_min3A_374 = vector.multi_reduction <minsi>, %select_n3A_372, %reduce_min3A_373 [1] : vector<3136x128xi32> to vector<3136xi32>
    %get3A_375 = arith.constant 0 : index
    %get3A_376 = arith.constant 384 : index
    %get3A_377 = vector.load %arg8[%get3A_375, %get3A_376] : memref<64x512xf32, #tpu.memory_space<vmem>>, vector<64x128xf32>
    %mul3A_378 = arith.mulf %get3A_377, %get3A_377 : vector<64x128xf32>
    %reduce_sum3A_379 = arith.constant dense<0.000000e+00> : vector<128xf32>
    %reduce_sum3A_380 = vector.multi_reduction <add>, %mul3A_378, %reduce_sum3A_379 [0] : vector<64x128xf32> to vector<128xf32>
    %dot_general3A_381 = arith.constant dense<0.000000e+00> : vector<3136x128xf32>
    %dot_general3A_382 = tpu.matmul %add3A_288, %get3A_377, %dot_general3A_381 {dimension_numbers = #tpu.dot_dimension_numbers<[1], [0], [0], [1], [0, 0, 1, 1], [], []>, transpose_lhs_hint = false} : vector<3136x64xf32>, vector<64x128xf32>, vector<3136x128xf32> -> vector<3136x128xf32>
    %mul3A_383 = arith.constant 2.000000e+00 : f32
    %mul3A_384 = vector.broadcast %mul3A_383 : f32 to vector<3136x128xf32>
    %mul3A_385 = arith.mulf %mul3A_384, %dot_general3A_382 : vector<3136x128xf32>
    %sub3A_386 = vector.broadcast %broadcast_in_dim3A_290 : vector<3136x1xf32> to vector<3136x128xf32>
    %sub3A_387 = arith.subf %sub3A_386, %mul3A_385 : vector<3136x128xf32>
    %broadcast_in_dim3A_388 = vector.shape_cast %reduce_sum3A_380 : vector<128xf32> to vector<1x128xf32>
    %add3A_389 = vector.broadcast %broadcast_in_dim3A_388 : vector<1x128xf32> to vector<3136x128xf32>
    %add3A_390 = arith.addf %sub3A_387, %add3A_389 : vector<3136x128xf32>
    %reduce_min3A_391 = arith.constant dense<0x7F800000> : vector<3136xf32>
    %reduce_min3A_392 = vector.multi_reduction <minimumf>, %add3A_390, %reduce_min3A_391 [1] : vector<3136x128xf32> to vector<3136xf32>
    %broadcast_in_dim3A_393 = vector.shape_cast %reduce_min3A_392 : vector<3136xf32> to vector<3136x1xf32>
    %iota3A_394 = tpu.iota {dimensions = array<i32: 1>} : vector<3136x128xi32>
    %add3A_395 = arith.constant 384 : i32
    %add3A_396 = vector.broadcast %add3A_395 : i32 to vector<3136x128xi32>
    %add3A_397 = arith.addi %iota3A_394, %add3A_396 : vector<3136x128xi32>
    %le3A_398 = vector.broadcast %broadcast_in_dim3A_393 : vector<3136x1xf32> to vector<3136x128xf32>
    %le3A_399 = arith.cmpf ole, %add3A_390, %le3A_398 : vector<3136x128xf32>
    %jit3A_400 = arith.constant 4096 : i32
    %broadcast_in_dim3A_401 = vector.broadcast %jit3A_400 : i32 to vector<3136x128xi32>
    %select_n3A_402 = arith.select %le3A_399, %add3A_397, %broadcast_in_dim3A_401 : vector<3136x128xi1>, vector<3136x128xi32>
    %reduce_min3A_403 = arith.constant dense<2147483647> : vector<3136xi32>
    %reduce_min3A_404 = vector.multi_reduction <minsi>, %select_n3A_402, %reduce_min3A_403 [1] : vector<3136x128xi32> to vector<3136xi32>
    %min3A = arith.minimumf %broadcast_in_dim3A_307, %broadcast_in_dim3A_333 : vector<3136x1xf32>
    %min3A_405 = arith.minimumf %broadcast_in_dim3A_363, %broadcast_in_dim3A_393 : vector<3136x1xf32>
    %min3A_406 = arith.minimumf %min3A, %min3A_405 : vector<3136x1xf32>
    %broadcast_in_dim3A_407 = arith.constant 4096 : i32
    %broadcast_in_dim3A_408 = vector.broadcast %broadcast_in_dim3A_407 : i32 to vector<3136xi32>
    %squeeze3A = vector.shape_cast %broadcast_in_dim3A_307 : vector<3136x1xf32> to vector<3136xf32>
    %squeeze3A_409 = vector.shape_cast %min3A_406 : vector<3136x1xf32> to vector<3136xf32>
    %eq3A = arith.cmpf oeq, %squeeze3A, %squeeze3A_409 : vector<3136xf32>
    %jit3A_410 = arith.constant 4096 : i32
    %broadcast_in_dim3A_411 = vector.broadcast %jit3A_410 : i32 to vector<3136xi32>
    %select_n3A_412 = arith.select %eq3A, %reduce_min3A_314, %broadcast_in_dim3A_411 : vector<3136xi1>, vector<3136xi32>
    %min3A_413 = arith.minsi %broadcast_in_dim3A_408, %select_n3A_412 : vector<3136xi32>
    %squeeze3A_414 = vector.shape_cast %broadcast_in_dim3A_333 : vector<3136x1xf32> to vector<3136xf32>
    %squeeze3A_415 = vector.shape_cast %min3A_406 : vector<3136x1xf32> to vector<3136xf32>
    %eq3A_416 = arith.cmpf oeq, %squeeze3A_414, %squeeze3A_415 : vector<3136xf32>
    %jit3A_417 = arith.constant 4096 : i32
    %broadcast_in_dim3A_418 = vector.broadcast %jit3A_417 : i32 to vector<3136xi32>
    %select_n3A_419 = arith.select %eq3A_416, %reduce_min3A_344, %broadcast_in_dim3A_418 : vector<3136xi1>, vector<3136xi32>
    %min3A_420 = arith.minsi %min3A_413, %select_n3A_419 : vector<3136xi32>
    %squeeze3A_421 = vector.shape_cast %broadcast_in_dim3A_363 : vector<3136x1xf32> to vector<3136xf32>
    %squeeze3A_422 = vector.shape_cast %min3A_406 : vector<3136x1xf32> to vector<3136xf32>
    %eq3A_423 = arith.cmpf oeq, %squeeze3A_421, %squeeze3A_422 : vector<3136xf32>
    %jit3A_424 = arith.constant 4096 : i32
    %broadcast_in_dim3A_425 = vector.broadcast %jit3A_424 : i32 to vector<3136xi32>
    %select_n3A_426 = arith.select %eq3A_423, %reduce_min3A_374, %broadcast_in_dim3A_425 : vector<3136xi1>, vector<3136xi32>
    %min3A_427 = arith.minsi %min3A_420, %select_n3A_426 : vector<3136xi32>
    %squeeze3A_428 = vector.shape_cast %broadcast_in_dim3A_393 : vector<3136x1xf32> to vector<3136xf32>
    %squeeze3A_429 = vector.shape_cast %min3A_406 : vector<3136x1xf32> to vector<3136xf32>
    %eq3A_430 = arith.cmpf oeq, %squeeze3A_428, %squeeze3A_429 : vector<3136xf32>
    %jit3A_431 = arith.constant 4096 : i32
    %broadcast_in_dim3A_432 = vector.broadcast %jit3A_431 : i32 to vector<3136xi32>
    %select_n3A_433 = arith.select %eq3A_430, %reduce_min3A_404, %broadcast_in_dim3A_432 : vector<3136xi1>, vector<3136xi32>
    %min3A_434 = arith.minsi %min3A_427, %select_n3A_433 : vector<3136xi32>
    %swap3A_435 = arith.constant 0 : index
    %swap3A_436 = arith.constant 0 : index
    %swap3A_437 = arith.constant 0 : index
    %swap3A_438 = vector.load %arg9[%swap3A_435, %swap3A_436, %swap3A_437] : memref<1x1x3136xi32, #tpu.memory_space<vmem>>, vector<1x1x3136xi32>
    %swap3A_439 = vector.shape_cast %swap3A_438 : vector<1x1x3136xi32> to vector<3136xi32>
    %swap3A_440 = vector.shape_cast %min3A_434 : vector<3136xi32> to vector<1x1x3136xi32>
    tpu.vector_store %arg9[%swap3A_435, %swap3A_436, %swap3A_437], %swap3A_440 {strides = array<i32>} : memref<1x1x3136xi32, #tpu.memory_space<vmem>>, vector<1x1x3136xi32>,
    return
  }
  func.func @transform_0(%arg0: i32) -> (i32, i32, i32, i32) {
    %c0_i32 = arith.constant 0 : i32
    %c0_i32_0 = arith.constant 0 : i32
    %c0_i32_1 = arith.constant 0 : i32
    %c0_i32_2 = arith.constant 0 : i32
    return %arg0, %c0_i32, %c0_i32_0, %c0_i32_1 : i32, i32, i32, i32
  }
  func.func @transform_1(%arg0: i32) -> (i32, i32, i32) {
    %c0_i32 = arith.constant 0 : i32
    %c0_i32_0 = arith.constant 0 : i32
    %c0_i32_1 = arith.constant 0 : i32
    %c0_i32_2 = arith.constant 0 : i32
    return %c0_i32, %c0_i32_0, %c0_i32_1 : i32, i32, i32
  }
  func.func @transform_2(%arg0: i32) -> (i32, i32) {
    %c0_i32 = arith.constant 0 : i32
    %c0_i32_0 = arith.constant 0 : i32
    %c0_i32_1 = arith.constant 0 : i32
    return %c0_i32, %c0_i32_0 : i32, i32
  }
  func.func @transform_3(%arg0: i32) -> (i32, i32, i32) {
    %c0_i32 = arith.constant 0 : i32
    %c0_i32_0 = arith.constant 0 : i32
    %c0_i32_1 = arith.constant 0 : i32
    %c0_i32_2 = arith.constant 0 : i32
    return %c0_i32, %c0_i32_0, %c0_i32_1 : i32, i32, i32
  }
  func.func @transform_4(%arg0: i32) -> (i32, i32) {
    %c0_i32 = arith.constant 0 : i32
    %c0_i32_0 = arith.constant 0 : i32
    %c0_i32_1 = arith.constant 0 : i32
    return %c0_i32, %c0_i32_0 : i32, i32
  }
  func.func @transform_5(%arg0: i32) -> (i32, i32, i32) {
    %c0_i32 = arith.constant 0 : i32
    %c0_i32_0 = arith.constant 0 : i32
    %c0_i32_1 = arith.constant 0 : i32
    %c0_i32_2 = arith.constant 0 : i32
    return %c0_i32, %c0_i32_0, %c0_i32_1 : i32, i32, i32
  }
  func.func @transform_6(%arg0: i32) -> (i32, i32) {
    %c0_i32 = arith.constant 0 : i32
    %c0_i32_0 = arith.constant 0 : i32
    %c0_i32_1 = arith.constant 0 : i32
    return %c0_i32, %c0_i32_0 : i32, i32
  }
  func.func @transform_7(%arg0: i32) -> (i32, i32) {
    %c0_i32 = arith.constant 0 : i32
    %c0_i32_0 = arith.constant 0 : i32
    %c0_i32_1 = arith.constant 0 : i32
    return %c0_i32, %c0_i32_0 : i32, i32
  }
  func.func @transform_8(%arg0: i32) -> (i32, i32, i32) {
    %c0_i32 = arith.constant 0 : i32
    %c0_i32_0 = arith.constant 0 : i32
    %c0_i32_1 = arith.constant 0 : i32
    return %arg0, %c0_i32, %c0_i32_0 : i32, i32, i32
  }
}

module attributes {stable_mosaic.version = 14 : i64} {
  func.func @_dec_body(%arg0: i32, %arg1: memref<1x3136x64xf32, #tpu.memory_space<vmem>>, %arg2: memref<9x64x64xf32, #tpu.memory_space<vmem>>, %arg3: memref<1x64xf32, #tpu.memory_space<vmem>>, %arg4: memref<9x64x128xf32, #tpu.memory_space<vmem>>, %arg5: memref<1x128xf32, #tpu.memory_space<vmem>>, %arg6: memref<4x128x16xf32, #tpu.memory_space<vmem>>, %arg7: memref<1x16xf32, #tpu.memory_space<vmem>>, %arg8: memref<1x3136x16xf32, #tpu.memory_space<vmem>>, %arg9: memref<1x64x3136xf32, #tpu.memory_space<vmem>>, %arg10: memref<58x58x64xf32, #tpu.memory_space<vmem>>, %arg11: memref<58x58x64xf32, #tpu.memory_space<vmem>>, %arg12: memref<57x57x128xf32, #tpu.memory_space<vmem>>) attributes {dimension_semantics = [#tpu.dimension_semantics<parallel>], iteration_bounds = array<i64: 16>, scalar_prefetch = 0 : i64, scratch_operands = 3 : i64, tpu.core_type = #tpu.core_type<tc>, window_params = [{transform_indices = @transform_0, window_bounds = array<i64: 1, 3136, 64>}, {pipeline_mode = #tpu.pipeline_mode<synchronous>, transform_indices = @transform_1, window_bounds = array<i64: 9, 64, 64>}, {pipeline_mode = #tpu.pipeline_mode<synchronous>, transform_indices = @transform_2, window_bounds = array<i64: 1, 64>}, {pipeline_mode = #tpu.pipeline_mode<synchronous>, transform_indices = @transform_3, window_bounds = array<i64: 9, 64, 128>}, {pipeline_mode = #tpu.pipeline_mode<synchronous>, transform_indices = @transform_4, window_bounds = array<i64: 1, 128>}, {pipeline_mode = #tpu.pipeline_mode<synchronous>, transform_indices = @transform_5, window_bounds = array<i64: 4, 128, 16>}, {pipeline_mode = #tpu.pipeline_mode<synchronous>, transform_indices = @transform_6, window_bounds = array<i64: 1, 16>}, {transform_indices = @transform_7, window_bounds = array<i64: 1, 3136, 16>}, {transform_indices = @transform_8, window_bounds = array<i64: 1, 64, 3136>}]} {
    %get3A = arith.constant 0 : index
    %get3A_0 = arith.constant 0 : index
    %get3A_1 = arith.constant 0 : index
    %get3A_2 = vector.load %arg1[%get3A, %get3A_0, %get3A_1] : memref<1x3136x64xf32, #tpu.memory_space<vmem>>, vector<1x3136x64xf32>
    %get3A_3 = vector.shape_cast %get3A_2 : vector<1x3136x64xf32> to vector<3136x64xf32>
    %transpose3A = tpu.transpose %get3A_3, [1, 0] : vector<3136x64xf32> -> vector<64x3136xf32>
    %swap3A = arith.constant 0 : index
    %swap3A_4 = arith.constant 0 : index
    %swap3A_5 = arith.constant 0 : index
    %swap3A_6 = vector.load %arg9[%swap3A, %swap3A_4, %swap3A_5] : memref<1x64x3136xf32, #tpu.memory_space<vmem>>, vector<1x64x3136xf32>
    %swap3A_7 = vector.shape_cast %swap3A_6 : vector<1x64x3136xf32> to vector<64x3136xf32>
    %swap3A_8 = vector.shape_cast %transpose3A : vector<64x3136xf32> to vector<1x64x3136xf32>
    tpu.vector_store %arg9[%swap3A, %swap3A_4, %swap3A_5], %swap3A_8 {strides = array<i32>} : memref<1x64x3136xf32, #tpu.memory_space<vmem>>, vector<1x64x3136xf32>,
    %broadcast_in_dim3A = arith.constant 0.000000e+00 : f32
    %broadcast_in_dim3A_9 = vector.broadcast %broadcast_in_dim3A : f32 to vector<58x58x64xf32>
    %swap3A_10 = arith.constant 0 : index
    %swap3A_11 = arith.constant 0 : index
    %swap3A_12 = arith.constant 0 : index
    %swap3A_13 = vector.load %arg10[%swap3A_10, %swap3A_11, %swap3A_12] : memref<58x58x64xf32, #tpu.memory_space<vmem>>, vector<58x58x64xf32>
    tpu.vector_store %arg10[%swap3A_10, %swap3A_11, %swap3A_12], %broadcast_in_dim3A_9 {strides = array<i32>} : memref<58x58x64xf32, #tpu.memory_space<vmem>>, vector<58x58x64xf32>,
    %get3A_14 = arith.constant 0 : index
    %get3A_15 = arith.constant 0 : index
    %get3A_16 = arith.constant 0 : index
    %get3A_17 = vector.load %arg1[%get3A_14, %get3A_15, %get3A_16] : memref<1x3136x64xf32, #tpu.memory_space<vmem>>, vector<1x3136x64xf32>
    %get3A_18 = vector.shape_cast %get3A_17 : vector<1x3136x64xf32> to vector<3136x64xf32>
    %reshape3A = vector.shape_cast %get3A_18 : vector<3136x64xf32> to vector<56x56x64xf32>
    %swap3A_19 = arith.constant 1 : index
    %swap3A_20 = arith.constant 1 : index
    %swap3A_21 = arith.constant 0 : index
    %swap3A_22 = vector.load %arg10[%swap3A_19, %swap3A_20, %swap3A_21] : memref<58x58x64xf32, #tpu.memory_space<vmem>>, vector<56x56x64xf32>
    tpu.vector_store %arg10[%swap3A_19, %swap3A_20, %swap3A_21], %reshape3A {strides = array<i32>} : memref<58x58x64xf32, #tpu.memory_space<vmem>>, vector<56x56x64xf32>,
    %broadcast_in_dim3A_23 = arith.constant 0.000000e+00 : f32
    %broadcast_in_dim3A_24 = vector.broadcast %broadcast_in_dim3A_23 : f32 to vector<3136x64xf32>
    %get3A_25 = arith.constant 0 : index
    %get3A_26 = arith.constant 0 : index
    %get3A_27 = arith.constant 0 : index
    %get3A_28 = vector.load %arg10[%get3A_25, %get3A_26, %get3A_27] : memref<58x58x64xf32, #tpu.memory_space<vmem>>, vector<56x56x64xf32>
    %reshape3A_29 = vector.shape_cast %get3A_28 : vector<56x56x64xf32> to vector<3136x64xf32>
    %get3A_30 = arith.constant 0 : index
    %get3A_31 = arith.constant 0 : index
    %get3A_32 = arith.constant 0 : index
    %get3A_33 = vector.load %arg2[%get3A_30, %get3A_31, %get3A_32] : memref<9x64x64xf32, #tpu.memory_space<vmem>>, vector<1x64x64xf32>
    %get3A_34 = vector.shape_cast %get3A_33 : vector<1x64x64xf32> to vector<64x64xf32>
    %dot_general3A = arith.constant dense<0.000000e+00> : vector<3136x64xf32>
    %dot_general3A_35 = tpu.matmul %reshape3A_29, %get3A_34, %dot_general3A {dimension_numbers = #tpu.dot_dimension_numbers<[1], [0], [0], [1], [0, 0, 1, 1], [], []>, transpose_lhs_hint = false} : vector<3136x64xf32>, vector<64x64xf32>, vector<3136x64xf32> -> vector<3136x64xf32>
    %add3A = arith.addf %broadcast_in_dim3A_24, %dot_general3A_35 : vector<3136x64xf32>
    %get3A_36 = arith.constant 0 : index
    %get3A_37 = arith.constant 1 : index
    %get3A_38 = arith.constant 0 : index
    %get3A_39 = vector.load %arg10[%get3A_36, %get3A_37, %get3A_38] : memref<58x58x64xf32, #tpu.memory_space<vmem>>, vector<56x56x64xf32>
    %reshape3A_40 = vector.shape_cast %get3A_39 : vector<56x56x64xf32> to vector<3136x64xf32>
    %get3A_41 = arith.constant 1 : index
    %get3A_42 = arith.constant 0 : index
    %get3A_43 = arith.constant 0 : index
    %get3A_44 = vector.load %arg2[%get3A_41, %get3A_42, %get3A_43] : memref<9x64x64xf32, #tpu.memory_space<vmem>>, vector<1x64x64xf32>
    %get3A_45 = vector.shape_cast %get3A_44 : vector<1x64x64xf32> to vector<64x64xf32>
    %dot_general3A_46 = arith.constant dense<0.000000e+00> : vector<3136x64xf32>
    %dot_general3A_47 = tpu.matmul %reshape3A_40, %get3A_45, %dot_general3A_46 {dimension_numbers = #tpu.dot_dimension_numbers<[1], [0], [0], [1], [0, 0, 1, 1], [], []>, transpose_lhs_hint = false} : vector<3136x64xf32>, vector<64x64xf32>, vector<3136x64xf32> -> vector<3136x64xf32>
    %add3A_48 = arith.addf %add3A, %dot_general3A_47 : vector<3136x64xf32>
    %get3A_49 = arith.constant 0 : index
    %get3A_50 = arith.constant 2 : index
    %get3A_51 = arith.constant 0 : index
    %get3A_52 = vector.load %arg10[%get3A_49, %get3A_50, %get3A_51] : memref<58x58x64xf32, #tpu.memory_space<vmem>>, vector<56x56x64xf32>
    %reshape3A_53 = vector.shape_cast %get3A_52 : vector<56x56x64xf32> to vector<3136x64xf32>
    %get3A_54 = arith.constant 2 : index
    %get3A_55 = arith.constant 0 : index
    %get3A_56 = arith.constant 0 : index
    %get3A_57 = vector.load %arg2[%get3A_54, %get3A_55, %get3A_56] : memref<9x64x64xf32, #tpu.memory_space<vmem>>, vector<1x64x64xf32>
    %get3A_58 = vector.shape_cast %get3A_57 : vector<1x64x64xf32> to vector<64x64xf32>
    %dot_general3A_59 = arith.constant dense<0.000000e+00> : vector<3136x64xf32>
    %dot_general3A_60 = tpu.matmul %reshape3A_53, %get3A_58, %dot_general3A_59 {dimension_numbers = #tpu.dot_dimension_numbers<[1], [0], [0], [1], [0, 0, 1, 1], [], []>, transpose_lhs_hint = false} : vector<3136x64xf32>, vector<64x64xf32>, vector<3136x64xf32> -> vector<3136x64xf32>
    %add3A_61 = arith.addf %add3A_48, %dot_general3A_60 : vector<3136x64xf32>
    %get3A_62 = arith.constant 1 : index
    %get3A_63 = arith.constant 0 : index
    %get3A_64 = arith.constant 0 : index
    %get3A_65 = vector.load %arg10[%get3A_62, %get3A_63, %get3A_64] : memref<58x58x64xf32, #tpu.memory_space<vmem>>, vector<56x56x64xf32>
    %reshape3A_66 = vector.shape_cast %get3A_65 : vector<56x56x64xf32> to vector<3136x64xf32>
    %get3A_67 = arith.constant 3 : index
    %get3A_68 = arith.constant 0 : index
    %get3A_69 = arith.constant 0 : index
    %get3A_70 = vector.load %arg2[%get3A_67, %get3A_68, %get3A_69] : memref<9x64x64xf32, #tpu.memory_space<vmem>>, vector<1x64x64xf32>
    %get3A_71 = vector.shape_cast %get3A_70 : vector<1x64x64xf32> to vector<64x64xf32>
    %dot_general3A_72 = arith.constant dense<0.000000e+00> : vector<3136x64xf32>
    %dot_general3A_73 = tpu.matmul %reshape3A_66, %get3A_71, %dot_general3A_72 {dimension_numbers = #tpu.dot_dimension_numbers<[1], [0], [0], [1], [0, 0, 1, 1], [], []>, transpose_lhs_hint = false} : vector<3136x64xf32>, vector<64x64xf32>, vector<3136x64xf32> -> vector<3136x64xf32>
    %add3A_74 = arith.addf %add3A_61, %dot_general3A_73 : vector<3136x64xf32>
    %get3A_75 = arith.constant 1 : index
    %get3A_76 = arith.constant 1 : index
    %get3A_77 = arith.constant 0 : index
    %get3A_78 = vector.load %arg10[%get3A_75, %get3A_76, %get3A_77] : memref<58x58x64xf32, #tpu.memory_space<vmem>>, vector<56x56x64xf32>
    %reshape3A_79 = vector.shape_cast %get3A_78 : vector<56x56x64xf32> to vector<3136x64xf32>
    %get3A_80 = arith.constant 4 : index
    %get3A_81 = arith.constant 0 : index
    %get3A_82 = arith.constant 0 : index
    %get3A_83 = vector.load %arg2[%get3A_80, %get3A_81, %get3A_82] : memref<9x64x64xf32, #tpu.memory_space<vmem>>, vector<1x64x64xf32>
    %get3A_84 = vector.shape_cast %get3A_83 : vector<1x64x64xf32> to vector<64x64xf32>
    %dot_general3A_85 = arith.constant dense<0.000000e+00> : vector<3136x64xf32>
    %dot_general3A_86 = tpu.matmul %reshape3A_79, %get3A_84, %dot_general3A_85 {dimension_numbers = #tpu.dot_dimension_numbers<[1], [0], [0], [1], [0, 0, 1, 1], [], []>, transpose_lhs_hint = false} : vector<3136x64xf32>, vector<64x64xf32>, vector<3136x64xf32> -> vector<3136x64xf32>
    %add3A_87 = arith.addf %add3A_74, %dot_general3A_86 : vector<3136x64xf32>
    %get3A_88 = arith.constant 1 : index
    %get3A_89 = arith.constant 2 : index
    %get3A_90 = arith.constant 0 : index
    %get3A_91 = vector.load %arg10[%get3A_88, %get3A_89, %get3A_90] : memref<58x58x64xf32, #tpu.memory_space<vmem>>, vector<56x56x64xf32>
    %reshape3A_92 = vector.shape_cast %get3A_91 : vector<56x56x64xf32> to vector<3136x64xf32>
    %get3A_93 = arith.constant 5 : index
    %get3A_94 = arith.constant 0 : index
    %get3A_95 = arith.constant 0 : index
    %get3A_96 = vector.load %arg2[%get3A_93, %get3A_94, %get3A_95] : memref<9x64x64xf32, #tpu.memory_space<vmem>>, vector<1x64x64xf32>
    %get3A_97 = vector.shape_cast %get3A_96 : vector<1x64x64xf32> to vector<64x64xf32>
    %dot_general3A_98 = arith.constant dense<0.000000e+00> : vector<3136x64xf32>
    %dot_general3A_99 = tpu.matmul %reshape3A_92, %get3A_97, %dot_general3A_98 {dimension_numbers = #tpu.dot_dimension_numbers<[1], [0], [0], [1], [0, 0, 1, 1], [], []>, transpose_lhs_hint = false} : vector<3136x64xf32>, vector<64x64xf32>, vector<3136x64xf32> -> vector<3136x64xf32>
    %add3A_100 = arith.addf %add3A_87, %dot_general3A_99 : vector<3136x64xf32>
    %get3A_101 = arith.constant 2 : index
    %get3A_102 = arith.constant 0 : index
    %get3A_103 = arith.constant 0 : index
    %get3A_104 = vector.load %arg10[%get3A_101, %get3A_102, %get3A_103] : memref<58x58x64xf32, #tpu.memory_space<vmem>>, vector<56x56x64xf32>
    %reshape3A_105 = vector.shape_cast %get3A_104 : vector<56x56x64xf32> to vector<3136x64xf32>
    %get3A_106 = arith.constant 6 : index
    %get3A_107 = arith.constant 0 : index
    %get3A_108 = arith.constant 0 : index
    %get3A_109 = vector.load %arg2[%get3A_106, %get3A_107, %get3A_108] : memref<9x64x64xf32, #tpu.memory_space<vmem>>, vector<1x64x64xf32>
    %get3A_110 = vector.shape_cast %get3A_109 : vector<1x64x64xf32> to vector<64x64xf32>
    %dot_general3A_111 = arith.constant dense<0.000000e+00> : vector<3136x64xf32>
    %dot_general3A_112 = tpu.matmul %reshape3A_105, %get3A_110, %dot_general3A_111 {dimension_numbers = #tpu.dot_dimension_numbers<[1], [0], [0], [1], [0, 0, 1, 1], [], []>, transpose_lhs_hint = false} : vector<3136x64xf32>, vector<64x64xf32>, vector<3136x64xf32> -> vector<3136x64xf32>
    %add3A_113 = arith.addf %add3A_100, %dot_general3A_112 : vector<3136x64xf32>
    %get3A_114 = arith.constant 2 : index
    %get3A_115 = arith.constant 1 : index
    %get3A_116 = arith.constant 0 : index
    %get3A_117 = vector.load %arg10[%get3A_114, %get3A_115, %get3A_116] : memref<58x58x64xf32, #tpu.memory_space<vmem>>, vector<56x56x64xf32>
    %reshape3A_118 = vector.shape_cast %get3A_117 : vector<56x56x64xf32> to vector<3136x64xf32>
    %get3A_119 = arith.constant 7 : index
    %get3A_120 = arith.constant 0 : index
    %get3A_121 = arith.constant 0 : index
    %get3A_122 = vector.load %arg2[%get3A_119, %get3A_120, %get3A_121] : memref<9x64x64xf32, #tpu.memory_space<vmem>>, vector<1x64x64xf32>
    %get3A_123 = vector.shape_cast %get3A_122 : vector<1x64x64xf32> to vector<64x64xf32>
    %dot_general3A_124 = arith.constant dense<0.000000e+00> : vector<3136x64xf32>
    %dot_general3A_125 = tpu.matmul %reshape3A_118, %get3A_123, %dot_general3A_124 {dimension_numbers = #tpu.dot_dimension_numbers<[1], [0], [0], [1], [0, 0, 1, 1], [], []>, transpose_lhs_hint = false} : vector<3136x64xf32>, vector<64x64xf32>, vector<3136x64xf32> -> vector<3136x64xf32>
    %add3A_126 = arith.addf %add3A_113, %dot_general3A_125 : vector<3136x64xf32>
    %get3A_127 = arith.constant 2 : index
    %get3A_128 = arith.constant 2 : index
    %get3A_129 = arith.constant 0 : index
    %get3A_130 = vector.load %arg10[%get3A_127, %get3A_128, %get3A_129] : memref<58x58x64xf32, #tpu.memory_space<vmem>>, vector<56x56x64xf32>
    %reshape3A_131 = vector.shape_cast %get3A_130 : vector<56x56x64xf32> to vector<3136x64xf32>
    %get3A_132 = arith.constant 8 : index
    %get3A_133 = arith.constant 0 : index
    %get3A_134 = arith.constant 0 : index
    %get3A_135 = vector.load %arg2[%get3A_132, %get3A_133, %get3A_134] : memref<9x64x64xf32, #tpu.memory_space<vmem>>, vector<1x64x64xf32>
    %get3A_136 = vector.shape_cast %get3A_135 : vector<1x64x64xf32> to vector<64x64xf32>
    %dot_general3A_137 = arith.constant dense<0.000000e+00> : vector<3136x64xf32>
    %dot_general3A_138 = tpu.matmul %reshape3A_131, %get3A_136, %dot_general3A_137 {dimension_numbers = #tpu.dot_dimension_numbers<[1], [0], [0], [1], [0, 0, 1, 1], [], []>, transpose_lhs_hint = false} : vector<3136x64xf32>, vector<64x64xf32>, vector<3136x64xf32> -> vector<3136x64xf32>
    %add3A_139 = arith.addf %add3A_126, %dot_general3A_138 : vector<3136x64xf32>
    %get3A_140 = arith.constant 0 : index
    %get3A_141 = arith.constant 0 : index
    %get3A_142 = vector.load %arg3[%get3A_140, %get3A_141] : memref<1x64xf32, #tpu.memory_space<vmem>>, vector<1x64xf32>
    %add3A_143 = vector.broadcast %get3A_142 : vector<1x64xf32> to vector<3136x64xf32>
    %add3A_144 = arith.addf %add3A_139, %add3A_143 : vector<3136x64xf32>
    %max3A = arith.constant 0.000000e+00 : f32
    %max3A_145 = vector.broadcast %max3A : f32 to vector<3136x64xf32>
    %max3A_146 = arith.maximumf %add3A_144, %max3A_145 : vector<3136x64xf32>
    %broadcast_in_dim3A_147 = arith.constant 0.000000e+00 : f32
    %broadcast_in_dim3A_148 = vector.broadcast %broadcast_in_dim3A_147 : f32 to vector<58x58x64xf32>
    %swap3A_149 = arith.constant 0 : index
    %swap3A_150 = arith.constant 0 : index
    %swap3A_151 = arith.constant 0 : index
    %swap3A_152 = vector.load %arg11[%swap3A_149, %swap3A_150, %swap3A_151] : memref<58x58x64xf32, #tpu.memory_space<vmem>>, vector<58x58x64xf32>
    tpu.vector_store %arg11[%swap3A_149, %swap3A_150, %swap3A_151], %broadcast_in_dim3A_148 {strides = array<i32>} : memref<58x58x64xf32, #tpu.memory_space<vmem>>, vector<58x58x64xf32>,
    %reshape3A_153 = vector.shape_cast %max3A_146 : vector<3136x64xf32> to vector<56x56x64xf32>
    %swap3A_154 = arith.constant 1 : index
    %swap3A_155 = arith.constant 1 : index
    %swap3A_156 = arith.constant 0 : index
    %swap3A_157 = vector.load %arg11[%swap3A_154, %swap3A_155, %swap3A_156] : memref<58x58x64xf32, #tpu.memory_space<vmem>>, vector<56x56x64xf32>
    tpu.vector_store %arg11[%swap3A_154, %swap3A_155, %swap3A_156], %reshape3A_153 {strides = array<i32>} : memref<58x58x64xf32, #tpu.memory_space<vmem>>, vector<56x56x64xf32>,
    %broadcast_in_dim3A_158 = arith.constant 0.000000e+00 : f32
    %broadcast_in_dim3A_159 = vector.broadcast %broadcast_in_dim3A_158 : f32 to vector<3136x128xf32>
    %get3A_160 = arith.constant 0 : index
    %get3A_161 = arith.constant 0 : index
    %get3A_162 = arith.constant 0 : index
    %get3A_163 = vector.load %arg11[%get3A_160, %get3A_161, %get3A_162] : memref<58x58x64xf32, #tpu.memory_space<vmem>>, vector<56x56x64xf32>
    %reshape3A_164 = vector.shape_cast %get3A_163 : vector<56x56x64xf32> to vector<3136x64xf32>
    %get3A_165 = arith.constant 0 : index
    %get3A_166 = arith.constant 0 : index
    %get3A_167 = arith.constant 0 : index
    %get3A_168 = vector.load %arg4[%get3A_165, %get3A_166, %get3A_167] : memref<9x64x128xf32, #tpu.memory_space<vmem>>, vector<1x64x128xf32>
    %get3A_169 = vector.shape_cast %get3A_168 : vector<1x64x128xf32> to vector<64x128xf32>
    %dot_general3A_170 = arith.constant dense<0.000000e+00> : vector<3136x128xf32>
    %dot_general3A_171 = tpu.matmul %reshape3A_164, %get3A_169, %dot_general3A_170 {dimension_numbers = #tpu.dot_dimension_numbers<[1], [0], [0], [1], [0, 0, 1, 1], [], []>, transpose_lhs_hint = false} : vector<3136x64xf32>, vector<64x128xf32>, vector<3136x128xf32> -> vector<3136x128xf32>
    %add3A_172 = arith.addf %broadcast_in_dim3A_159, %dot_general3A_171 : vector<3136x128xf32>
    %get3A_173 = arith.constant 0 : index
    %get3A_174 = arith.constant 1 : index
    %get3A_175 = arith.constant 0 : index
    %get3A_176 = vector.load %arg11[%get3A_173, %get3A_174, %get3A_175] : memref<58x58x64xf32, #tpu.memory_space<vmem>>, vector<56x56x64xf32>
    %reshape3A_177 = vector.shape_cast %get3A_176 : vector<56x56x64xf32> to vector<3136x64xf32>
    %get3A_178 = arith.constant 1 : index
    %get3A_179 = arith.constant 0 : index
    %get3A_180 = arith.constant 0 : index
    %get3A_181 = vector.load %arg4[%get3A_178, %get3A_179, %get3A_180] : memref<9x64x128xf32, #tpu.memory_space<vmem>>, vector<1x64x128xf32>
    %get3A_182 = vector.shape_cast %get3A_181 : vector<1x64x128xf32> to vector<64x128xf32>
    %dot_general3A_183 = arith.constant dense<0.000000e+00> : vector<3136x128xf32>
    %dot_general3A_184 = tpu.matmul %reshape3A_177, %get3A_182, %dot_general3A_183 {dimension_numbers = #tpu.dot_dimension_numbers<[1], [0], [0], [1], [0, 0, 1, 1], [], []>, transpose_lhs_hint = false} : vector<3136x64xf32>, vector<64x128xf32>, vector<3136x128xf32> -> vector<3136x128xf32>
    %add3A_185 = arith.addf %add3A_172, %dot_general3A_184 : vector<3136x128xf32>
    %get3A_186 = arith.constant 0 : index
    %get3A_187 = arith.constant 2 : index
    %get3A_188 = arith.constant 0 : index
    %get3A_189 = vector.load %arg11[%get3A_186, %get3A_187, %get3A_188] : memref<58x58x64xf32, #tpu.memory_space<vmem>>, vector<56x56x64xf32>
    %reshape3A_190 = vector.shape_cast %get3A_189 : vector<56x56x64xf32> to vector<3136x64xf32>
    %get3A_191 = arith.constant 2 : index
    %get3A_192 = arith.constant 0 : index
    %get3A_193 = arith.constant 0 : index
    %get3A_194 = vector.load %arg4[%get3A_191, %get3A_192, %get3A_193] : memref<9x64x128xf32, #tpu.memory_space<vmem>>, vector<1x64x128xf32>
    %get3A_195 = vector.shape_cast %get3A_194 : vector<1x64x128xf32> to vector<64x128xf32>
    %dot_general3A_196 = arith.constant dense<0.000000e+00> : vector<3136x128xf32>
    %dot_general3A_197 = tpu.matmul %reshape3A_190, %get3A_195, %dot_general3A_196 {dimension_numbers = #tpu.dot_dimension_numbers<[1], [0], [0], [1], [0, 0, 1, 1], [], []>, transpose_lhs_hint = false} : vector<3136x64xf32>, vector<64x128xf32>, vector<3136x128xf32> -> vector<3136x128xf32>
    %add3A_198 = arith.addf %add3A_185, %dot_general3A_197 : vector<3136x128xf32>
    %get3A_199 = arith.constant 1 : index
    %get3A_200 = arith.constant 0 : index
    %get3A_201 = arith.constant 0 : index
    %get3A_202 = vector.load %arg11[%get3A_199, %get3A_200, %get3A_201] : memref<58x58x64xf32, #tpu.memory_space<vmem>>, vector<56x56x64xf32>
    %reshape3A_203 = vector.shape_cast %get3A_202 : vector<56x56x64xf32> to vector<3136x64xf32>
    %get3A_204 = arith.constant 3 : index
    %get3A_205 = arith.constant 0 : index
    %get3A_206 = arith.constant 0 : index
    %get3A_207 = vector.load %arg4[%get3A_204, %get3A_205, %get3A_206] : memref<9x64x128xf32, #tpu.memory_space<vmem>>, vector<1x64x128xf32>
    %get3A_208 = vector.shape_cast %get3A_207 : vector<1x64x128xf32> to vector<64x128xf32>
    %dot_general3A_209 = arith.constant dense<0.000000e+00> : vector<3136x128xf32>
    %dot_general3A_210 = tpu.matmul %reshape3A_203, %get3A_208, %dot_general3A_209 {dimension_numbers = #tpu.dot_dimension_numbers<[1], [0], [0], [1], [0, 0, 1, 1], [], []>, transpose_lhs_hint = false} : vector<3136x64xf32>, vector<64x128xf32>, vector<3136x128xf32> -> vector<3136x128xf32>
    %add3A_211 = arith.addf %add3A_198, %dot_general3A_210 : vector<3136x128xf32>
    %get3A_212 = arith.constant 1 : index
    %get3A_213 = arith.constant 1 : index
    %get3A_214 = arith.constant 0 : index
    %get3A_215 = vector.load %arg11[%get3A_212, %get3A_213, %get3A_214] : memref<58x58x64xf32, #tpu.memory_space<vmem>>, vector<56x56x64xf32>
    %reshape3A_216 = vector.shape_cast %get3A_215 : vector<56x56x64xf32> to vector<3136x64xf32>
    %get3A_217 = arith.constant 4 : index
    %get3A_218 = arith.constant 0 : index
    %get3A_219 = arith.constant 0 : index
    %get3A_220 = vector.load %arg4[%get3A_217, %get3A_218, %get3A_219] : memref<9x64x128xf32, #tpu.memory_space<vmem>>, vector<1x64x128xf32>
    %get3A_221 = vector.shape_cast %get3A_220 : vector<1x64x128xf32> to vector<64x128xf32>
    %dot_general3A_222 = arith.constant dense<0.000000e+00> : vector<3136x128xf32>
    %dot_general3A_223 = tpu.matmul %reshape3A_216, %get3A_221, %dot_general3A_222 {dimension_numbers = #tpu.dot_dimension_numbers<[1], [0], [0], [1], [0, 0, 1, 1], [], []>, transpose_lhs_hint = false} : vector<3136x64xf32>, vector<64x128xf32>, vector<3136x128xf32> -> vector<3136x128xf32>
    %add3A_224 = arith.addf %add3A_211, %dot_general3A_223 : vector<3136x128xf32>
    %get3A_225 = arith.constant 1 : index
    %get3A_226 = arith.constant 2 : index
    %get3A_227 = arith.constant 0 : index
    %get3A_228 = vector.load %arg11[%get3A_225, %get3A_226, %get3A_227] : memref<58x58x64xf32, #tpu.memory_space<vmem>>, vector<56x56x64xf32>
    %reshape3A_229 = vector.shape_cast %get3A_228 : vector<56x56x64xf32> to vector<3136x64xf32>
    %get3A_230 = arith.constant 5 : index
    %get3A_231 = arith.constant 0 : index
    %get3A_232 = arith.constant 0 : index
    %get3A_233 = vector.load %arg4[%get3A_230, %get3A_231, %get3A_232] : memref<9x64x128xf32, #tpu.memory_space<vmem>>, vector<1x64x128xf32>
    %get3A_234 = vector.shape_cast %get3A_233 : vector<1x64x128xf32> to vector<64x128xf32>
    %dot_general3A_235 = arith.constant dense<0.000000e+00> : vector<3136x128xf32>
    %dot_general3A_236 = tpu.matmul %reshape3A_229, %get3A_234, %dot_general3A_235 {dimension_numbers = #tpu.dot_dimension_numbers<[1], [0], [0], [1], [0, 0, 1, 1], [], []>, transpose_lhs_hint = false} : vector<3136x64xf32>, vector<64x128xf32>, vector<3136x128xf32> -> vector<3136x128xf32>
    %add3A_237 = arith.addf %add3A_224, %dot_general3A_236 : vector<3136x128xf32>
    %get3A_238 = arith.constant 2 : index
    %get3A_239 = arith.constant 0 : index
    %get3A_240 = arith.constant 0 : index
    %get3A_241 = vector.load %arg11[%get3A_238, %get3A_239, %get3A_240] : memref<58x58x64xf32, #tpu.memory_space<vmem>>, vector<56x56x64xf32>
    %reshape3A_242 = vector.shape_cast %get3A_241 : vector<56x56x64xf32> to vector<3136x64xf32>
    %get3A_243 = arith.constant 6 : index
    %get3A_244 = arith.constant 0 : index
    %get3A_245 = arith.constant 0 : index
    %get3A_246 = vector.load %arg4[%get3A_243, %get3A_244, %get3A_245] : memref<9x64x128xf32, #tpu.memory_space<vmem>>, vector<1x64x128xf32>
    %get3A_247 = vector.shape_cast %get3A_246 : vector<1x64x128xf32> to vector<64x128xf32>
    %dot_general3A_248 = arith.constant dense<0.000000e+00> : vector<3136x128xf32>
    %dot_general3A_249 = tpu.matmul %reshape3A_242, %get3A_247, %dot_general3A_248 {dimension_numbers = #tpu.dot_dimension_numbers<[1], [0], [0], [1], [0, 0, 1, 1], [], []>, transpose_lhs_hint = false} : vector<3136x64xf32>, vector<64x128xf32>, vector<3136x128xf32> -> vector<3136x128xf32>
    %add3A_250 = arith.addf %add3A_237, %dot_general3A_249 : vector<3136x128xf32>
    %get3A_251 = arith.constant 2 : index
    %get3A_252 = arith.constant 1 : index
    %get3A_253 = arith.constant 0 : index
    %get3A_254 = vector.load %arg11[%get3A_251, %get3A_252, %get3A_253] : memref<58x58x64xf32, #tpu.memory_space<vmem>>, vector<56x56x64xf32>
    %reshape3A_255 = vector.shape_cast %get3A_254 : vector<56x56x64xf32> to vector<3136x64xf32>
    %get3A_256 = arith.constant 7 : index
    %get3A_257 = arith.constant 0 : index
    %get3A_258 = arith.constant 0 : index
    %get3A_259 = vector.load %arg4[%get3A_256, %get3A_257, %get3A_258] : memref<9x64x128xf32, #tpu.memory_space<vmem>>, vector<1x64x128xf32>
    %get3A_260 = vector.shape_cast %get3A_259 : vector<1x64x128xf32> to vector<64x128xf32>
    %dot_general3A_261 = arith.constant dense<0.000000e+00> : vector<3136x128xf32>
    %dot_general3A_262 = tpu.matmul %reshape3A_255, %get3A_260, %dot_general3A_261 {dimension_numbers = #tpu.dot_dimension_numbers<[1], [0], [0], [1], [0, 0, 1, 1], [], []>, transpose_lhs_hint = false} : vector<3136x64xf32>, vector<64x128xf32>, vector<3136x128xf32> -> vector<3136x128xf32>
    %add3A_263 = arith.addf %add3A_250, %dot_general3A_262 : vector<3136x128xf32>
    %get3A_264 = arith.constant 2 : index
    %get3A_265 = arith.constant 2 : index
    %get3A_266 = arith.constant 0 : index
    %get3A_267 = vector.load %arg11[%get3A_264, %get3A_265, %get3A_266] : memref<58x58x64xf32, #tpu.memory_space<vmem>>, vector<56x56x64xf32>
    %reshape3A_268 = vector.shape_cast %get3A_267 : vector<56x56x64xf32> to vector<3136x64xf32>
    %get3A_269 = arith.constant 8 : index
    %get3A_270 = arith.constant 0 : index
    %get3A_271 = arith.constant 0 : index
    %get3A_272 = vector.load %arg4[%get3A_269, %get3A_270, %get3A_271] : memref<9x64x128xf32, #tpu.memory_space<vmem>>, vector<1x64x128xf32>
    %get3A_273 = vector.shape_cast %get3A_272 : vector<1x64x128xf32> to vector<64x128xf32>
    %dot_general3A_274 = arith.constant dense<0.000000e+00> : vector<3136x128xf32>
    %dot_general3A_275 = tpu.matmul %reshape3A_268, %get3A_273, %dot_general3A_274 {dimension_numbers = #tpu.dot_dimension_numbers<[1], [0], [0], [1], [0, 0, 1, 1], [], []>, transpose_lhs_hint = false} : vector<3136x64xf32>, vector<64x128xf32>, vector<3136x128xf32> -> vector<3136x128xf32>
    %add3A_276 = arith.addf %add3A_263, %dot_general3A_275 : vector<3136x128xf32>
    %get3A_277 = arith.constant 0 : index
    %get3A_278 = arith.constant 0 : index
    %get3A_279 = vector.load %arg5[%get3A_277, %get3A_278] : memref<1x128xf32, #tpu.memory_space<vmem>>, vector<1x128xf32>
    %add3A_280 = vector.broadcast %get3A_279 : vector<1x128xf32> to vector<3136x128xf32>
    %add3A_281 = arith.addf %add3A_276, %add3A_280 : vector<3136x128xf32>
    %max3A_282 = arith.constant 0.000000e+00 : f32
    %max3A_283 = vector.broadcast %max3A_282 : f32 to vector<3136x128xf32>
    %max3A_284 = arith.maximumf %add3A_281, %max3A_283 : vector<3136x128xf32>
    %broadcast_in_dim3A_285 = arith.constant 0.000000e+00 : f32
    %broadcast_in_dim3A_286 = vector.broadcast %broadcast_in_dim3A_285 : f32 to vector<57x57x128xf32>
    %swap3A_287 = arith.constant 0 : index
    %swap3A_288 = arith.constant 0 : index
    %swap3A_289 = arith.constant 0 : index
    %swap3A_290 = vector.load %arg12[%swap3A_287, %swap3A_288, %swap3A_289] : memref<57x57x128xf32, #tpu.memory_space<vmem>>, vector<57x57x128xf32>
    tpu.vector_store %arg12[%swap3A_287, %swap3A_288, %swap3A_289], %broadcast_in_dim3A_286 {strides = array<i32>} : memref<57x57x128xf32, #tpu.memory_space<vmem>>, vector<57x57x128xf32>,
    %slice3A = vector.extract_strided_slice %max3A_284 {offsets = [0, 0], sizes = [3136, 32], strides = [1, 1]} : vector<3136x128xf32> to vector<3136x32xf32>
    %reshape3A_291 = vector.shape_cast %slice3A : vector<3136x32xf32> to vector<56x56x32xf32>
    %swap3A_292 = arith.constant 0 : index
    %swap3A_293 = arith.constant 0 : index
    %swap3A_294 = arith.constant 96 : index
    %swap3A_295 = vector.load %arg12[%swap3A_292, %swap3A_293, %swap3A_294] : memref<57x57x128xf32, #tpu.memory_space<vmem>>, vector<56x56x32xf32>
    tpu.vector_store %arg12[%swap3A_292, %swap3A_293, %swap3A_294], %reshape3A_291 {strides = array<i32>} : memref<57x57x128xf32, #tpu.memory_space<vmem>>, vector<56x56x32xf32>,
    %slice3A_296 = vector.extract_strided_slice %max3A_284 {offsets = [0, 32], sizes = [3136, 32], strides = [1, 1]} : vector<3136x128xf32> to vector<3136x32xf32>
    %reshape3A_297 = vector.shape_cast %slice3A_296 : vector<3136x32xf32> to vector<56x56x32xf32>
    %swap3A_298 = arith.constant 0 : index
    %swap3A_299 = arith.constant 1 : index
    %swap3A_300 = arith.constant 64 : index
    %swap3A_301 = vector.load %arg12[%swap3A_298, %swap3A_299, %swap3A_300] : memref<57x57x128xf32, #tpu.memory_space<vmem>>, vector<56x56x32xf32>
    tpu.vector_store %arg12[%swap3A_298, %swap3A_299, %swap3A_300], %reshape3A_297 {strides = array<i32>} : memref<57x57x128xf32, #tpu.memory_space<vmem>>, vector<56x56x32xf32>,
    %slice3A_302 = vector.extract_strided_slice %max3A_284 {offsets = [0, 64], sizes = [3136, 32], strides = [1, 1]} : vector<3136x128xf32> to vector<3136x32xf32>
    %reshape3A_303 = vector.shape_cast %slice3A_302 : vector<3136x32xf32> to vector<56x56x32xf32>
    %swap3A_304 = arith.constant 1 : index
    %swap3A_305 = arith.constant 0 : index
    %swap3A_306 = arith.constant 32 : index
    %swap3A_307 = vector.load %arg12[%swap3A_304, %swap3A_305, %swap3A_306] : memref<57x57x128xf32, #tpu.memory_space<vmem>>, vector<56x56x32xf32>
    tpu.vector_store %arg12[%swap3A_304, %swap3A_305, %swap3A_306], %reshape3A_303 {strides = array<i32>} : memref<57x57x128xf32, #tpu.memory_space<vmem>>, vector<56x56x32xf32>,
    %slice3A_308 = vector.extract_strided_slice %max3A_284 {offsets = [0, 96], sizes = [3136, 32], strides = [1, 1]} : vector<3136x128xf32> to vector<3136x32xf32>
    %reshape3A_309 = vector.shape_cast %slice3A_308 : vector<3136x32xf32> to vector<56x56x32xf32>
    %swap3A_310 = arith.constant 1 : index
    %swap3A_311 = arith.constant 1 : index
    %swap3A_312 = arith.constant 0 : index
    %swap3A_313 = vector.load %arg12[%swap3A_310, %swap3A_311, %swap3A_312] : memref<57x57x128xf32, #tpu.memory_space<vmem>>, vector<56x56x32xf32>
    tpu.vector_store %arg12[%swap3A_310, %swap3A_311, %swap3A_312], %reshape3A_309 {strides = array<i32>} : memref<57x57x128xf32, #tpu.memory_space<vmem>>, vector<56x56x32xf32>,
    %broadcast_in_dim3A_314 = arith.constant 0.000000e+00 : f32
    %broadcast_in_dim3A_315 = vector.broadcast %broadcast_in_dim3A_314 : f32 to vector<3136x16xf32>
    %get3A_316 = arith.constant 0 : index
    %get3A_317 = arith.constant 0 : index
    %get3A_318 = arith.constant 0 : index
    %get3A_319 = vector.load %arg12[%get3A_316, %get3A_317, %get3A_318] : memref<57x57x128xf32, #tpu.memory_space<vmem>>, vector<56x56x128xf32>
    %reshape3A_320 = vector.shape_cast %get3A_319 : vector<56x56x128xf32> to vector<3136x128xf32>
    %get3A_321 = arith.constant 0 : index
    %get3A_322 = arith.constant 0 : index
    %get3A_323 = arith.constant 0 : index
    %get3A_324 = vector.load %arg6[%get3A_321, %get3A_322, %get3A_323] : memref<4x128x16xf32, #tpu.memory_space<vmem>>, vector<1x128x16xf32>
    %get3A_325 = vector.shape_cast %get3A_324 : vector<1x128x16xf32> to vector<128x16xf32>
    %dot_general3A_326 = arith.constant dense<0.000000e+00> : vector<3136x16xf32>
    %dot_general3A_327 = tpu.matmul %reshape3A_320, %get3A_325, %dot_general3A_326 {dimension_numbers = #tpu.dot_dimension_numbers<[1], [0], [0], [1], [0, 0, 1, 1], [], []>, transpose_lhs_hint = false} : vector<3136x128xf32>, vector<128x16xf32>, vector<3136x16xf32> -> vector<3136x16xf32>
    %add3A_328 = arith.addf %broadcast_in_dim3A_315, %dot_general3A_327 : vector<3136x16xf32>
    %get3A_329 = arith.constant 0 : index
    %get3A_330 = arith.constant 1 : index
    %get3A_331 = arith.constant 0 : index
    %get3A_332 = vector.load %arg12[%get3A_329, %get3A_330, %get3A_331] : memref<57x57x128xf32, #tpu.memory_space<vmem>>, vector<56x56x128xf32>
    %reshape3A_333 = vector.shape_cast %get3A_332 : vector<56x56x128xf32> to vector<3136x128xf32>
    %get3A_334 = arith.constant 1 : index
    %get3A_335 = arith.constant 0 : index
    %get3A_336 = arith.constant 0 : index
    %get3A_337 = vector.load %arg6[%get3A_334, %get3A_335, %get3A_336] : memref<4x128x16xf32, #tpu.memory_space<vmem>>, vector<1x128x16xf32>
    %get3A_338 = vector.shape_cast %get3A_337 : vector<1x128x16xf32> to vector<128x16xf32>
    %dot_general3A_339 = arith.constant dense<0.000000e+00> : vector<3136x16xf32>
    %dot_general3A_340 = tpu.matmul %reshape3A_333, %get3A_338, %dot_general3A_339 {dimension_numbers = #tpu.dot_dimension_numbers<[1], [0], [0], [1], [0, 0, 1, 1], [], []>, transpose_lhs_hint = false} : vector<3136x128xf32>, vector<128x16xf32>, vector<3136x16xf32> -> vector<3136x16xf32>
    %add3A_341 = arith.addf %add3A_328, %dot_general3A_340 : vector<3136x16xf32>
    %get3A_342 = arith.constant 1 : index
    %get3A_343 = arith.constant 0 : index
    %get3A_344 = arith.constant 0 : index
    %get3A_345 = vector.load %arg12[%get3A_342, %get3A_343, %get3A_344] : memref<57x57x128xf32, #tpu.memory_space<vmem>>, vector<56x56x128xf32>
    %reshape3A_346 = vector.shape_cast %get3A_345 : vector<56x56x128xf32> to vector<3136x128xf32>
    %get3A_347 = arith.constant 2 : index
    %get3A_348 = arith.constant 0 : index
    %get3A_349 = arith.constant 0 : index
    %get3A_350 = vector.load %arg6[%get3A_347, %get3A_348, %get3A_349] : memref<4x128x16xf32, #tpu.memory_space<vmem>>, vector<1x128x16xf32>
    %get3A_351 = vector.shape_cast %get3A_350 : vector<1x128x16xf32> to vector<128x16xf32>
    %dot_general3A_352 = arith.constant dense<0.000000e+00> : vector<3136x16xf32>
    %dot_general3A_353 = tpu.matmul %reshape3A_346, %get3A_351, %dot_general3A_352 {dimension_numbers = #tpu.dot_dimension_numbers<[1], [0], [0], [1], [0, 0, 1, 1], [], []>, transpose_lhs_hint = false} : vector<3136x128xf32>, vector<128x16xf32>, vector<3136x16xf32> -> vector<3136x16xf32>
    %add3A_354 = arith.addf %add3A_341, %dot_general3A_353 : vector<3136x16xf32>
    %get3A_355 = arith.constant 1 : index
    %get3A_356 = arith.constant 1 : index
    %get3A_357 = arith.constant 0 : index
    %get3A_358 = vector.load %arg12[%get3A_355, %get3A_356, %get3A_357] : memref<57x57x128xf32, #tpu.memory_space<vmem>>, vector<56x56x128xf32>
    %reshape3A_359 = vector.shape_cast %get3A_358 : vector<56x56x128xf32> to vector<3136x128xf32>
    %get3A_360 = arith.constant 3 : index
    %get3A_361 = arith.constant 0 : index
    %get3A_362 = arith.constant 0 : index
    %get3A_363 = vector.load %arg6[%get3A_360, %get3A_361, %get3A_362] : memref<4x128x16xf32, #tpu.memory_space<vmem>>, vector<1x128x16xf32>
    %get3A_364 = vector.shape_cast %get3A_363 : vector<1x128x16xf32> to vector<128x16xf32>
    %dot_general3A_365 = arith.constant dense<0.000000e+00> : vector<3136x16xf32>
    %dot_general3A_366 = tpu.matmul %reshape3A_359, %get3A_364, %dot_general3A_365 {dimension_numbers = #tpu.dot_dimension_numbers<[1], [0], [0], [1], [0, 0, 1, 1], [], []>, transpose_lhs_hint = false} : vector<3136x128xf32>, vector<128x16xf32>, vector<3136x16xf32> -> vector<3136x16xf32>
    %add3A_367 = arith.addf %add3A_354, %dot_general3A_366 : vector<3136x16xf32>
    %get3A_368 = arith.constant 0 : index
    %get3A_369 = arith.constant 0 : index
    %get3A_370 = vector.load %arg7[%get3A_368, %get3A_369] : memref<1x16xf32, #tpu.memory_space<vmem>>, vector<1x16xf32>
    %add3A_371 = vector.broadcast %get3A_370 : vector<1x16xf32> to vector<3136x16xf32>
    %add3A_372 = arith.addf %add3A_367, %add3A_371 : vector<3136x16xf32>
    %logistic3A = arith.negf %add3A_372 : vector<3136x16xf32>
    %logistic3A_373 = math.exp %logistic3A : vector<3136x16xf32>
    %logistic3A_374 = arith.constant 1.000000e+00 : f32
    %logistic3A_375 = vector.broadcast %logistic3A_374 : f32 to vector<3136x16xf32>
    %logistic3A_376 = arith.addf %logistic3A_375, %logistic3A_373 : vector<3136x16xf32>
    %logistic3A_377 = arith.divf %logistic3A_375, %logistic3A_376 : vector<3136x16xf32>
    %swap3A_378 = arith.constant 0 : index
    %swap3A_379 = arith.constant 0 : index
    %swap3A_380 = arith.constant 0 : index
    %swap3A_381 = vector.load %arg8[%swap3A_378, %swap3A_379, %swap3A_380] : memref<1x3136x16xf32, #tpu.memory_space<vmem>>, vector<1x3136x16xf32>
    %swap3A_382 = vector.shape_cast %swap3A_381 : vector<1x3136x16xf32> to vector<3136x16xf32>
    %swap3A_383 = vector.shape_cast %logistic3A_377 : vector<3136x16xf32> to vector<1x3136x16xf32>
    tpu.vector_store %arg8[%swap3A_378, %swap3A_379, %swap3A_380], %swap3A_383 {strides = array<i32>} : memref<1x3136x16xf32, #tpu.memory_space<vmem>>, vector<1x3136x16xf32>,
    return
  }
  func.func @transform_0(%arg0: i32) -> (i32, i32, i32) {
    %c0_i32 = arith.constant 0 : i32
    %c0_i32_0 = arith.constant 0 : i32
    %c0_i32_1 = arith.constant 0 : i32
    return %arg0, %c0_i32, %c0_i32_0 : i32, i32, i32
  }
  func.func @transform_1(%arg0: i32) -> (i32, i32, i32) {
    %c0_i32 = arith.constant 0 : i32
    %c0_i32_0 = arith.constant 0 : i32
    %c0_i32_1 = arith.constant 0 : i32
    %c0_i32_2 = arith.constant 0 : i32
    return %c0_i32, %c0_i32_0, %c0_i32_1 : i32, i32, i32
  }
  func.func @transform_2(%arg0: i32) -> (i32, i32) {
    %c0_i32 = arith.constant 0 : i32
    %c0_i32_0 = arith.constant 0 : i32
    %c0_i32_1 = arith.constant 0 : i32
    return %c0_i32, %c0_i32_0 : i32, i32
  }
  func.func @transform_3(%arg0: i32) -> (i32, i32, i32) {
    %c0_i32 = arith.constant 0 : i32
    %c0_i32_0 = arith.constant 0 : i32
    %c0_i32_1 = arith.constant 0 : i32
    %c0_i32_2 = arith.constant 0 : i32
    return %c0_i32, %c0_i32_0, %c0_i32_1 : i32, i32, i32
  }
  func.func @transform_4(%arg0: i32) -> (i32, i32) {
    %c0_i32 = arith.constant 0 : i32
    %c0_i32_0 = arith.constant 0 : i32
    %c0_i32_1 = arith.constant 0 : i32
    return %c0_i32, %c0_i32_0 : i32, i32
  }
  func.func @transform_5(%arg0: i32) -> (i32, i32, i32) {
    %c0_i32 = arith.constant 0 : i32
    %c0_i32_0 = arith.constant 0 : i32
    %c0_i32_1 = arith.constant 0 : i32
    %c0_i32_2 = arith.constant 0 : i32
    return %c0_i32, %c0_i32_0, %c0_i32_1 : i32, i32, i32
  }
  func.func @transform_6(%arg0: i32) -> (i32, i32) {
    %c0_i32 = arith.constant 0 : i32
    %c0_i32_0 = arith.constant 0 : i32
    %c0_i32_1 = arith.constant 0 : i32
    return %c0_i32, %c0_i32_0 : i32, i32
  }
  func.func @transform_7(%arg0: i32) -> (i32, i32, i32) {
    %c0_i32 = arith.constant 0 : i32
    %c0_i32_0 = arith.constant 0 : i32
    %c0_i32_1 = arith.constant 0 : i32
    return %arg0, %c0_i32, %c0_i32_0 : i32, i32, i32
  }
  func.func @transform_8(%arg0: i32) -> (i32, i32, i32) {
    %c0_i32 = arith.constant 0 : i32
    %c0_i32_0 = arith.constant 0 : i32
    %c0_i32_1 = arith.constant 0 : i32
    return %arg0, %c0_i32, %c0_i32_0 : i32, i32, i32
  }
}

</mosaic_0001>

<sc_bundles>
// kernel: kernel.5.cloned.1.call-start
scs
__scs_entry_jumppad:
0x0: {  	(pc) =	sbr.rel $0x88, $3  }
0x1: {  	(tag) =	ssettag $0x0;
	lr =	simm.s32 $0x1  }
0x2: {  	[smem:$0x3F93] =	sst lr;
	_ =	strace $0xD0000000  }
0x3: {  	_ = 	snop  }
0x4: {  	_ = 	snop  }
0x5: {  	_ = 	snop  }
0x6: {  	_ = 	snop  }
0x7: {  	_ = 	snop  }
__scs_overlays_trampoline_lowered:
0x8: {  	[smem:$0x3FA2] =	sst s0  }
0x9: {  	[smem:$0x3FA3] =	sst s1  }
0xa: {  	[smem:$0x3FA4] =	sst s2  }
0xb: {  	[smem:$0x3FA5] =	sst s3  }
0xc: {  	[smem:$0x3FA6] =	sst s4  }
0xd: {  	[smem:$0x3FA7] =	sst s5  }
0xe: {  	[smem:$0x3FA8] =	sst s6  }
0xf: {  	[smem:$0x3FA9] =	sst s7  }
0x10: {  	[smem:$0x3FAA] =	sst s8  }
0x11: {  	[smem:$0x3FAB] =	sst s9;
	s0 =	simm.s32 @!p0 $0x0  }
0x12: {  	s1 =	sld [smem:$0x3F91];
	s0 =	simm.s32 @p0 $0x1  }
0x13: {  	[smem:$0x3FAC] =	sst s0;
	s0 =	simm.s32 @!p1 $0x0  }
0x14: {  	s2 =	sld [smem:$0x3F90];
	s0 =	simm.s32 @p1 $0x1  }
0x15: {  	[smem:$0x3FAD] =	sst s0;
	s0 =	simm.s32 @!p2 $0x0  }
0x16: {  	s3 =	sld [smem:$0x3FDB];
	s0 =	simm.s32 @p2 $0x1  }
0x17: {  	s4 =	simm.s32 $0x1BF5;
	[smem:$0x3FAF] =	sst s0  }
0x18: {  	s0 =	sld [smem:$0x3F92];
	_ =	swait.ge [sflag:s4], $0x0  }
0x19: {  	s7 =	sld [smem:$0x3F93]  }
0x1a: {  	s8 =	sadd.s32 $0xFFFFE003, lr  }
0x1b: {  	s9 =	sadd.s32 $0xFFFFFEF7, lr;
	s5 =	simm.s32 $0xFFFFFFFF;
	p2 =	slt.u32 s8, $0xFFFFF086  }
0x1c: {  	p1 =	slt.u32 s9, $0xF7A;
	s5 =	simm.s32 @!p2 $0x0  }
0x1d: {  	s5 =	simm.s32 @p1 $0x1;
	p0 =	seq.s32 s7, s2  }
0x1e: {  	s7 =	smul.u32 @!p0 $0xF7A, s2;
	p2 =	seq.s32 @!p0 s5, $0x0  }
0x1f: {  	s9 =	smul.u32 $0xF7A, s1;
	s8 =	simm.s32 @!p0 $0x1BF5;
	p2 =	por !p2, p0  }
0x20: {  	[sflag:s8] =	ssyncset.s32 @!p0 $0xFFFFF086;
	s6 =	sadd.s32 @!p0 s3, s7;
	s7 =	simm.s32 @!p0 $0x108  }
0x21: {  	s3 =	sadd.s32 s3, s9;
	s6 =	sadd.s32 @!p0 $0x88, s6;
	s7 =	simm.s32 @p2 $0x1082  }
0x22: {  	[simem:s7], [sflag:s8] =	dma.local @!p0 [hbm:s6], $0xF7A  }
0x23: {  	s9 =	sor.u32 $0xD0000000, s2;
	s6 =	simm.s32 $0x108;
	_ =	swait.ge @!p0 [sflag:s8], $0x0  }
0x24: {  	s3 =	sadd.s32 $0x88, s3;
	s6 =	simm.s32 @!p1 $0x1082;
	[sflag:s4] =	ssyncset.s32 $0xFFFFF086  }
0x25: {  	[simem:s6], [sflag:s4] =	dma.local [hbm:s3], $0xF7A  }
0x26: {  	[smem:$0x3F93] =	sst s1;
	(tag) =	ssettag s2;
	_ =	strace s9  }
0x27: {  	s1 =	sld [smem:$0x3FA3]  }
0x28: {  	s2 =	sld [smem:$0x3FA4]  }
0x29: {  	s4 =	sld [smem:$0x3FA6]  }
0x2a: {  	p0 =	seq.s32 s5, $0x0;
	s5 =	sld [smem:$0x3FA7]  }
0x2b: {  	s6 =	sld [smem:$0x3FA8]  }
0x2c: {  	s7 =	sld [smem:$0x3FA9]  }
0x2d: {  	s3 =	simm.s32 $0x108;
	s8 =	sld [smem:$0x3FAA]  }
0x2e: {  	s3 =	simm.s32 @!p0 $0x1082;
	s9 =	sld [smem:$0x3FAB]  }
0x2f: {  	lr =	sadd.s32 s0, s3;
	s0 =	sld [smem:$0x3FA2]  }
0x30: {  	s3 =	sld [smem:$0x3FA5]  }
0x31: {  	[smem:$0x3FAE] =	sst s10  }
0x32: {  	s10 =	sld [smem:$0x3FAC];
	_ =	sdelay $0x3  }
0x33: {  	p0 =	seq.s32 s10, $0x1;
	s10 =	sld [smem:$0x3FAE];
	_ =	sdelay $0x3  }
0x34: {  	[smem:$0x3FAE] =	sst s10  }
0x35: {  	s10 =	sld [smem:$0x3FAD];
	_ =	sdelay $0x3  }
0x36: {  	p1 =	seq.s32 s10, $0x1;
	s10 =	sld [smem:$0x3FAE];
	_ =	sdelay $0x3  }
0x37: {  	[smem:$0x3FAE] =	sst s10  }
0x38: {  	s10 =	sld [smem:$0x3FAF]  }
0x39: {  	_ = 	snop;
	(pc) =	sbr.ind lr, $3  }
0x3a: {  	_ = 	snop  }
0x3b: {  	_ = 	snop  }
0x3c: {  	p2 =	seq.s32 s10, $0x1;
	s10 =	sld [smem:$0x3FAE]  }
0x3d: {  	_ =	shalt  }
0x3e: {  	_ =	shalt  }
0x3f: {  	_ =	shalt  }
0x40: {  	_ =	shalt  }
0x41: {  	_ =	shalt  }
0x42: {  	_ =	shalt  }
0x43: {  	_ =	shalt  }
0x44: {  	_ =	shalt  }
0x45: {  	_ =	shalt  }
0x46: {  	_ =	shalt  }
0x47: {  	_ =	shalt  }
0x48: {  	_ =	shalt  }
0x49: {  	_ =	shalt  }
0x4a: {  	_ =	shalt  }
0x4b: {  	_ =	shalt  }
0x4c: {  	_ =	shalt  }
0x4d: {  	_ =	shalt  }
0x4e: {  	_ =	shalt  }
0x4f: {  	_ =	shalt  }
0x50: {  	_ =	shalt  }
0x51: {  	_ =	shalt  }
0x52: {  	_ =	shalt  }
0x53: {  	_ =	shalt  }
0x54: {  	_ =	shalt  }
0x55: {  	_ =	shalt  }
0x56: {  	_ =	shalt  }
0x57: {  	_ =	shalt  }
0x58: {  	_ =	shalt  }
0x59: {  	_ =	shalt  }
0x5a: {  	_ =	shalt  }
0x5b: {  	_ =	shalt  }
0x5c: {  	_ =	shalt  }
0x5d: {  	_ =	shalt  }
0x5e: {  	_ =	shalt  }
0x5f: {  	_ =	shalt  }
0x60: {  	_ =	shalt  }
0x61: {  	_ =	shalt  }
0x62: {  	_ =	shalt  }
0x63: {  	_ =	shalt  }
0x64: {  	_ =	shalt  }
0x65: {  	_ =	shalt  }
0x66: {  	_ =	shalt  }
0x67: {  	_ =	shalt  }
0x68: {  	_ =	shalt  }
0x69: {  	_ =	shalt  }
0x6a: {  	_ =	shalt  }
0x6b: {  	_ =	shalt  }
0x6c: {  	_ =	shalt  }
0x6d: {  	_ =	shalt  }
0x6e: {  	_ =	shalt  }
0x6f: {  	_ =	shalt  }
0x70: {  	_ =	shalt  }
0x71: {  	_ =	shalt  }
0x72: {  	_ =	shalt  }
0x73: {  	_ =	shalt  }
0x74: {  	_ =	shalt  }
0x75: {  	_ =	shalt  }
0x76: {  	_ =	shalt  }
0x77: {  	_ =	shalt  }
0x78: {  	_ =	shalt  }
0x79: {  	_ =	shalt  }
0x7a: {  	_ =	shalt  }
0x7b: {  	_ =	shalt  }
0x7c: {  	_ =	shalt  }
0x7d: {  	_ =	shalt  }
0x7e: {  	_ =	shalt  }
0x7f: {  	_ =	shalt  }
0x80: {  	_ =	shalt  }
0x81: {  	_ =	shalt  }
0x82: {  	_ =	shalt  }
0x83: {  	_ =	shalt  }
0x84: {  	_ =	shalt  }
0x85: {  	_ =	shalt  }
0x86: {  	_ =	shalt  }
0x87: {  	_ =	shalt  }
.Lfunc_end0:
.L_simem_size_0:
called_computation_lowered:
.L_overlay_start_0:
0x88: {  	s2 =	sld [smem:$0x3FD9]  }
0x89: {  	s3 =	sld [smem:$0x3FFE];
	_ =	sdelay $0x1  }
0x8a: {  	s1 =	srdreg.scid  }
0x8b: {  	s0 =	sand.u32 $0x1, s1  }
0x8c: {  	s14 =	sshll.u32 s0, $0xA;
	s2 =	sadd.s32 s3, s2  }
0x8d: {  	s2 =	sadd.s32 s2, s14  }
0x8e: {  	[smem:$0x3FBA] =	sst s2  }
0x8f: {  	_ = 	snop  }
0x90: {  	s2 =	sld [smem:$0x3FD0];
	_ =	sdelay $0x2  }
0x91: {  	s15 =	simm.s32 $0xA;
	s4 =	simm.s32 $0x10  }
0x92: {  	[smem:s4], [sflag:s15] =	dma.local [hbm:s2], $0x1  }
0x93: {  	_ =	swait.eq [sflag:s15], $0x1  }
0x94: {  	[sflag:s15] =	ssyncset.done $0x0  }
0x95: {  	s16 =	sld [smem:$0x10];
	[sflag:s15] =	ssyncadd.s32 $0xFFFFFFFF  }
0x96: {  	s17 =	sld [smem:$0x12];
	(tm) =	ssettm $0x1  }
0x97: {  	s18 =	sld [smem:$0x3FFB];
	_ =	sdelay $0x3  }
0x98: {  	_ =	strace s18  }
0x99: {  	s4 =	sld [smem:$0x3FFC];
	_ =	sdelay $0x3  }
0x9a: {  	_ =	strace s4  }
0x9b: {  	s4 =	sld [smem:$0x3FFD];
	_ =	sdelay $0x3  }
0x9c: {  	_ =	strace s4  }
0x9d: {  	_ =	strace $0x8FFFFFFF  }
0x9e: {  	s19 =	sld [smem:$0x3FDB];
	_ =	sdelay $0x1  }
0x9f: {  	s5 =	simm.s32 $_scs_section_size  }
0xa0: {  	s6 =	simm.s32 $_size__tile_overlayer_lowered;
	s7 =	simm.s32 $_tile_overlayer_lowered  }
0xa1: {  	s22 =	simm.s32 $0x1BFF;
	s21 =	sshll.u32 s7, $0x1;
	s4 =	sadd.s32 s5, s19  }
0xa2: {  	s8 =	simm.s32 $0x0;
	s20 =	sshll.u32 s6, $0x1;
	s6 =	sadd.s32 s21, s4  }
0xa3: {  	[timem:s8], [sflag:s22] =	dma.local [hbm:s6], s20  }
0xa4: {  	_ =	swait.ge [sflag:s22], s20  }
0xa5: {  	s5 =	ssub.s32 $0x0, s20;
	[sflag:s22] =	ssyncset.done $0x0  }
0xa6: {  	[sflag:s22] =	ssyncadd.s32 s5;
	_ =	sdelay $0x1  }
0xa7: {  	s23 =	simm.s32 $0x1B8B  }
0xa8: {  	_ =	swait.ge [sflag:s23], $0x1  }
0xa9: {  	[sflag:s23] =	ssyncset.done $0x0  }
0xaa: {  	s25 =	simm.s32 $0x1B8E;
	s24 =	sld [smem:$0x3FFE];
	[sflag:s23] =	ssyncadd.s32 $0xFFFFFFFF  }
0xab: {  	s26 =	simm.s32 $execute0_lowered;
	[smem:$0x3FD2] =	sst s25  }
0xac: {  	s6 =	sshll.u32 s26, $0x1;
	_ =	strace $0x80000046;
	[dreg:$0x1] =	wrdreg $0xFFFFFFFF  }
0xad: {  	s28 =	simm.s32 $_size_execute0_lowered;
	s4 =	sadd.s32 s4, s6;
	[dreg:$0x0] =	wrdreg $0x0  }
0xae: {  	s6 =	sshll.u32 s28, $0x1;
	[dreg:$0x2] =	wrdreg s4  }
0xaf: {  	[dreg:$0x3] =	wrdreg s6  }
0xb0: {  	[dreg:$0x4] =	wrdreg $0xC0  }
0xb1: {  	_ =	task [dreg:s8], $0x5FFFF  }
0xb2: {  	[dreg:$0x1] =	wrdreg $0xFFFFFFFF  }
0xb3: {  	[dreg:$0x0] =	wrdreg $0x60  }
0xb4: {  	[dreg:$0x2] =	wrdreg s16  }
0xb5: {  	[dreg:$0x3] =	wrdreg s17  }
0xb6: {  	[dreg:$0x4] =	wrdreg s24  }
0xb7: {  	[dreg:$0x5] =	wrdreg $0x9  }
0xb8: {  	_ =	task.clear_ibuf [dreg:s8], $0x6FFFF;
	_ =	strace $0x90000046  }
0xb9: {  	s29 =	simm.s32 $0x9;
	_ =	strace $0x80000048  }
0xba: {  	_ =	swait.ge [sflag:s29], $0x1  }
0xbb: {  	[sflag:s29] =	ssyncadd.s32 $0xFFFFFFFF  }
0xbc: {  	_ =	strace $0x90000048  }
0xbd: {  	_ =	sfence  }
0xbe: {  	s30 =	sld [smem:$0x0];
	_ =	sdelay $0x2  }
0xbf: {  	s31 =	sshll.u32 s1, $0xD;
	s1 =	sshrl.u32 s1, $0x2  }
0xc0: {  	s3 =	sand.u32 $0x4000, s31;
	s1 =	sadd.s32 s1, s30  }
0xc1: {  	s0 =	sor.u32 s3, s0;
	s1 =	sshll.u32 s1, $0x11  }
0xc2: {  	s0 =	sor.u32 s1, s0  }
0xc3: {  	s0 =	sadd.s32 $0x8F2B, s0  }
0xc4: {  	[sflag:s0] =	ssyncadd.remote.s32 $0x1  }
0xc5: {  	_ =	sfence.sel $0xFFFF  }
0xc6: {  	[dreg:$0x0] =	wrdreg $0xFFFFFFFF;
	(pc) =	sbr.abs _section_cstart, $3  }
0xc7: {  	[dreg:$0x1] =	wrdreg $0xFFFFFFFF  }
0xc8: {  	_ =	task.clear_ibuf [dreg:s8], $0x2FFFF;
	_ =	strace $0x9FFFFFFF  }
0xc9: {  	(tm) =	ssettm $0x7FFFFFFF  }
tec
execute0_lowered:
.L_overlay_start_1:
0x0: {  	(tag) =	ssettag $0x1  }
0x1: {  	v0 =	vlaneseq.u32  }
0x2: {  	v1 =	vand.u32 $0x1, v0  }
0x3: {  	v17 =	vmul.u32 $0x40, v1;
	v1 =	vmul.u32 $0x40, v0;
	_ =	sdelay $0x1  }
0x4: {  	v0 =	vor.u32 $0x8, v1  }
0x5: {  	[tilespmem:$0x1FC60] =	vst v0;
	v0 =	vor.u32 $0x9, v1  }
0x6: {  	[tilespmem:$0x1FC70] =	vst v0;
	v0 =	vor.u32 $0xA, v1  }
0x7: {  	[tilespmem:$0x1FC80] =	vst v0;
	v0 =	vor.u32 $0xB, v1  }
0x8: {  	[tilespmem:$0x1FC90] =	vst v0;
	v0 =	vor.u32 $0xC, v1  }
0x9: {  	[tilespmem:$0x1FCA0] =	vst v0;
	v0 =	vor.u32 $0xD, v1  }
0xa: {  	[tilespmem:$0x1FCB0] =	vst v0;
	v0 =	vor.u32 $0xE, v1  }
0xb: {  	[tilespmem:$0x1FCC0] =	vst v0;
	v0 =	vor.u32 $0xF, v1  }
0xc: {  	[tilespmem:$0x1FCD0] =	vst v0;
	v0 =	vor.u32 $0x10, v1  }
0xd: {  	[tilespmem:$0x1FCE0] =	vst v0;
	v0 =	vor.u32 $0x11, v1  }
0xe: {  	[tilespmem:$0x1FCF0] =	vst v0;
	v0 =	vor.u32 $0x12, v1  }
0xf: {  	[tilespmem:$0x1FD00] =	vst v0;
	v0 =	vor.u32 $0x13, v1  }
0x10: {  	[tilespmem:$0x1FD10] =	vst v0;
	v0 =	vor.u32 $0x14, v1  }
0x11: {  	[tilespmem:$0x1FD20] =	vst v0;
	v0 =	vor.u32 $0x15, v1  }
0x12: {  	[tilespmem:$0x1FD30] =	vst v0;
	v0 =	vor.u32 $0x16, v1  }
0x13: {  	[tilespmem:$0x1FD40] =	vst v0;
	v0 =	vor.u32 $0x17, v1  }
0x14: {  	[tilespmem:$0x1FD50] =	vst v0;
	v0 =	vor.u32 $0x18, v1  }
0x15: {  	[tilespmem:$0x1FD60] =	vst v0;
	v0 =	vor.u32 $0x19, v1  }
0x16: {  	[tilespmem:$0x1FD70] =	vst v0;
	v0 =	vor.u32 $0x1A, v1  }
0x17: {  	[tilespmem:$0x1FD80] =	vst v0;
	v0 =	vor.u32 $0x1B, v1  }
0x18: {  	[tilespmem:$0x1FD90] =	vst v0;
	v0 =	vor.u32 $0x1C, v1  }
0x19: {  	[tilespmem:$0x1FDA0] =	vst v0;
	v0 =	vor.u32 $0x1D, v1  }
0x1a: {  	[tilespmem:$0x1FDB0] =	vst v0;
	v0 =	vor.u32 $0x1E, v1  }
0x1b: {  	[tilespmem:$0x1FDC0] =	vst v0;
	v0 =	vor.u32 $0x1F, v1  }
0x1c: {  	[tilespmem:$0x1FDD0] =	vst v0;
	v0 =	vor.u32 $0x20, v1  }
0x1d: {  	[tilespmem:$0x1FDE0] =	vst v0;
	v0 =	vor.u32 $0x21, v1  }
0x1e: {  	[tilespmem:$0x1FDF0] =	vst v0;
	v0 =	vor.u32 $0x22, v1  }
0x1f: {  	[tilespmem:$0x1FE00] =	vst v0;
	v0 =	vor.u32 $0x23, v1  }
0x20: {  	[tilespmem:$0x1FE10] =	vst v0;
	v0 =	vor.u32 $0x24, v1  }
0x21: {  	[tilespmem:$0x1FE20] =	vst v0;
	v0 =	vor.u32 $0x25, v1  }
0x22: {  	[tilespmem:$0x1FE30] =	vst v0;
	v0 =	vor.u32 $0x26, v1  }
0x23: {  	[tilespmem:$0x1FE40] =	vst v0;
	v0 =	vor.u32 $0x27, v1  }
0x24: {  	s0 =	rddreg [dreg:$0x0];
	[tilespmem:$0x1FE50] =	vst v0;
	v0 =	vor.u32 $0x28, v1  }
0x25: {  	s6 =	rddreg [dreg:$0x1];
	[tilespmem:$0x1FE60] =	vst v0;
	v0 =	vor.u32 $0x29, v1  }
0x26: {  	s4 =	rddreg [dreg:$0x2];
	s3 =	simm.s32 $0x0;
	[tilespmem:$0x1FE70] =	vst v0;
	v0 =	vor.u32 $0x2A, v1  }
0x27: {  	s2 =	srdreg.scid;
	[smem:$0x7FF] =	sst s3;
	[tilespmem:$0x1FE80] =	vst v0;
	v0 =	vor.u32 $0x2B, v1  }
0x28: {  	s5 =	sand.u32 $0x1, s2;
	s2 =	rddreg [dreg:$0x3];
	_ =	strace $0x80000047;
	[tilespmem:$0x1FE90] =	vst v0  }
0x29: {  	v18 =	vor.u32 $0xFFFFF380, v17;
	[tilespmem:$0x1FFB0] =	vst v17  }
0x2a: {  	v13 =	vor.u32 $0x2, v1;
	[tilespmem:$0x1FFC0] =	vst v18  }
0x2b: {  	v14 =	vor.u32 $0x3, v1;
	[tilespmem:$0x1FFD0] =	vst v13  }
0x2c: {  	v16 =	vor.u32 $0x1, v1;
	[tilespmem:$0x1FFE0] =	vst v14  }
0x2d: {  	v0 =	vor.u32 $0x2C, v1;
	[tilespmem:$0x1FFF0] =	vst v16  }
0x2e: {  	[tilespmem:$0x1FEA0] =	vst v0;
	v0 =	vor.u32 $0x2D, v1  }
0x2f: {  	[tilespmem:$0x1FEB0] =	vst v0;
	v0 =	vor.u32 $0x2E, v1  }
0x30: {  	[tilespmem:$0x1FEC0] =	vst v0;
	v0 =	vor.u32 $0x2F, v1  }
0x31: {  	[tilespmem:$0x1FED0] =	vst v0;
	v0 =	vor.u32 $0x30, v1  }
0x32: {  	[tilespmem:$0x1FEE0] =	vst v0;
	v0 =	vor.u32 $0x31, v1  }
0x33: {  	[tilespmem:$0x1FEF0] =	vst v0;
	v0 =	vor.u32 $0x32, v1  }
0x34: {  	[tilespmem:$0x1FF00] =	vst v0;
	v0 =	vor.u32 $0x33, v1  }
0x35: {  	s1 =	stileid.u32;
	[tilespmem:$0x1FF10] =	vst v0;
	v0 =	vor.u32 $0x34, v1  }
0x36: {  	s7 =	sshll.u32 s1, $0x1;
	[tilespmem:$0x1FF20] =	vst v0;
	v0 =	vor.u32 $0x35, v1  }
0x37: {  	s7 =	sor.u32 s5, s7;
	[tilespmem:$0x1FF30] =	vst v0;
	v0 =	vor.u32 $0x36, v1  }
0x38: {  	s5 =	ssub.s32 $0x2, s5;
	s8 =	smul.u32 $0x620, s7;
	[tilespmem:$0x1FF40] =	vst v0;
	v0 =	vor.u32 $0x37, v1  }
0x39: {  	s29 =	sshrl.u32 s5, $0x1;
	s7 =	smul.u32 $0x3100, s7;
	[tilespmem:$0x1FF50] =	vst v0;
	v0 =	vor.u32 $0x38, v1  }
0x3a: {  	s12 =	simm.s32 $0x0;
	s9 =	sadd.s32 $0x1800, s4;
	s11 =	ssub.s32 s5, s29;
	[tilespmem:$0x1FF60] =	vst v0;
	v0 =	vor.u32 $0x39, v1  }
0x3b: {  	s10 =	sshrl.u32 s8, $0x3;
	s8 =	sadd.s32 $0x310, s8;
	s5 =	sadd.s32 s9, s7;
	[tilespmem:$0x1FF70] =	vst v0;
	v0 =	vor.u32 $0x3A, v1  }
0x3c: {  	s4 =	sadd.s32 s6, s10;
	s30 =	sshrl.u32 s8, $0x3;
	s31 =	sshll.u32 s8, $0x3;
	[tilespmem:$0x1FF80] =	vst v0;
	v0 =	vor.u32 $0x3B, v1  }
0x3d: {  	v15 =	vor.u32 $0x4, v1;
	s8 =	smax.u32 s11, $0x1;
	s10 =	simm.s32 $0x8000;
	s11 =	simm.s32 $0x8380;
	[tilespmem:$0x1FF90] =	vst v0;
	v0 =	vor.u32 $0x3C, v1  }
0x3e: {  	v7 =	vor.u32 $0x5, v1;
	v8 =	vor.u32 $0x6, v1;
	v9 =	vor.u32 $0x7, v1;
	s6 =	sadd.s32 s6, s30;
	s7 =	sadd.s32 s9, s31;
	s9 =	simm.s32 $0x1;
	[tilespmem:$0x1FFA0] =	vst v0  }
.LBB2_1:
0x3f: {  	[tilespmem:s3], [sflag:$0x1] =	stream.linear.gather [hbm4b:s0+s3], $0x8000, $0x38;
	[tilespmem:$0x14780] =	vst v63  }
0x40: {  	_ =	swait.ge [sflag:s9], $0x8000  }
0x41: {  	[sflag:s9] =	ssyncset.done $0x0  }
0x42: {  	[sflag:s9] =	ssyncadd.s32 $0xFFFF8000  }
0x43: {  	[tilespmem:s10], [sflag:$0x1] =	stream.linear.gather [hbm4b:s4+s3], $0x310, $0x38;
	[tilespmem:$0x14780] =	vst v63  }
0x44: {  	_ =	swait.ge [sflag:s9], $0x310  }
0x45: {  	v42 =	vld [tilespmem:$0x1FC90]  }
0x46: {  	v43 =	vld [tilespmem:$0x1FCA0]  }
0x47: {  	v44 =	vld [tilespmem:$0x1FCB0]  }
0x48: {  	v45 =	vld [tilespmem:$0x1FCC0]  }
0x49: {  	v46 =	vld [tilespmem:$0x1FCD0]  }
0x4a: {  	v47 =	vld [tilespmem:$0x1FCE0]  }
0x4b: {  	v48 =	vld [tilespmem:$0x1FCF0]  }
0x4c: {  	v49 =	vld [tilespmem:$0x1FD00]  }
0x4d: {  	v50 =	vld [tilespmem:$0x1FD10]  }
0x4e: {  	v51 =	vld [tilespmem:$0x1FD20]  }
0x4f: {  	v52 =	vld [tilespmem:$0x1FD30]  }
0x50: {  	v53 =	vld [tilespmem:$0x1FD40]  }
0x51: {  	v54 =	vld [tilespmem:$0x1FD50]  }
0x52: {  	v55 =	vld [tilespmem:$0x1FD60]  }
0x53: {  	v56 =	vld [tilespmem:$0x1FD70]  }
0x54: {  	v57 =	vld [tilespmem:$0x1FD80]  }
0x55: {  	v58 =	vld [tilespmem:$0x1FD90]  }
0x56: {  	v59 =	vld [tilespmem:$0x1FDA0]  }
0x57: {  	v60 =	vld [tilespmem:$0x1FDB0]  }
0x58: {  	v61 =	vld [tilespmem:$0x1FDC0]  }
0x59: {  	v62 =	vld [tilespmem:$0x1FDD0]  }
0x5a: {  	v26 =	vld [tilespmem:$0x1FDE0]  }
0x5b: {  	v27 =	vld [tilespmem:$0x1FDF0]  }
0x5c: {  	v28 =	vld [tilespmem:$0x1FE00]  }
0x5d: {  	v29 =	vld [tilespmem:$0x1FE10]  }
0x5e: {  	v30 =	vld [tilespmem:$0x1FE20]  }
0x5f: {  	v31 =	vld [tilespmem:$0x1FE30]  }
0x60: {  	v32 =	vld [tilespmem:$0x1FE40]  }
0x61: {  	v33 =	vld [tilespmem:$0x1FE50]  }
0x62: {  	v34 =	vld [tilespmem:$0x1FE60]  }
0x63: {  	v35 =	vld [tilespmem:$0x1FE70]  }
0x64: {  	v36 =	vld [tilespmem:$0x1FE80]  }
0x65: {  	v37 =	vld [tilespmem:$0x1FE90]  }
0x66: {  	v38 =	vld [tilespmem:$0x1FEA0]  }
0x67: {  	v39 =	vld [tilespmem:$0x1FEB0]  }
0x68: {  	v40 =	vld [tilespmem:$0x1FEC0]  }
0x69: {  	v41 =	vld [tilespmem:$0x1FED0]  }
0x6a: {  	s13 =	simm.s32 $0xFFFFFFFC;
	[sflag:s9] =	ssyncset.done $0x0;
	v20 =	vld [tilespmem:$0x1FEE0]  }
0x6b: {  	s14 =	simm.s32 $0xC00;
	s15 =	simm.s32 $0x8020;
	v21 =	vld [tilespmem:$0x1FEF0];
	[sflag:s9] =	ssyncadd.s32 $0xFFFFFCF0  }
.LBB2_2:
0x6c: {  	v0 =	vld [tilespmem:s15+$0xFFFFFFE0];
	_ =	sdelay $0x4  }
0x6d: {  	v0 =	vshll.u32 v0, $0x6;
	_ =	sdelay $0x2  }
0x6e: {  	s16 =	sadd.s32 $0xFFFFF400, s14  }
0x6f: {  	v2 =	vor.u32 s16, v1  }
0x70: {  	v2 =	vand.u32 v18, v2;
	v3 =	vld.idx.msk [tilespmem:v0+s3+$0x0], $0xffff  }
0x71: {  	v4 =	vor.u32 $0x1, v0;
	_ =	sdelay $0x3  }
0x72: {  	[tilespmem:v2+s11+$0x0] =	vst.idx.msk $0xffff, v3  }
0x73: {  	v3 =	vor.u32 s16, v16;
	v2 =	vld.idx.msk [tilespmem:v4+s3+$0x0], $0xffff  }
0x74: {  	v4 =	vor.u32 $0x2, v0;
	_ =	sdelay $0x3  }
0x75: {  	[tilespmem:v3+s11+$0x0] =	vst.idx.msk $0xffff, v2  }
0x76: {  	v3 =	vor.u32 s16, v13;
	v2 =	vld.idx.msk [tilespmem:v4+s3+$0x0], $0xffff  }
0x77: {  	v4 =	vor.u32 $0x3, v0;
	_ =	sdelay $0x3  }
0x78: {  	[tilespmem:v3+s11+$0x0] =	vst.idx.msk $0xffff, v2  }
0x79: {  	v3 =	vor.u32 s16, v14;
	v2 =	vld.idx.msk [tilespmem:v4+s3+$0x0], $0xffff  }
0x7a: {  	v4 =	vor.u32 $0x4, v0;
	_ =	sdelay $0x3  }
0x7b: {  	[tilespmem:v3+s11+$0x0] =	vst.idx.msk $0xffff, v2  }
0x7c: {  	v3 =	vor.u32 s16, v15;
	v2 =	vld.idx.msk [tilespmem:v4+s3+$0x0], $0xffff  }
0x7d: {  	v4 =	vor.u32 $0x5, v0;
	_ =	sdelay $0x3  }
0x7e: {  	[tilespmem:v3+s11+$0x0] =	vst.idx.msk $0xffff, v2  }
0x7f: {  	v3 =	vor.u32 s16, v7;
	v2 =	vld.idx.msk [tilespmem:v4+s3+$0x0], $0xffff  }
0x80: {  	v4 =	vor.u32 $0x6, v0;
	_ =	sdelay $0x3  }
0x81: {  	[tilespmem:v3+s11+$0x0] =	vst.idx.msk $0xffff, v2  }
0x82: {  	v3 =	vor.u32 s16, v8;
	v2 =	vld.idx.msk [tilespmem:v4+s3+$0x0], $0xffff  }
0x83: {  	v4 =	vor.u32 $0x7, v0;
	_ =	sdelay $0x3  }
0x84: {  	[tilespmem:v3+s11+$0x0] =	vst.idx.msk $0xffff, v2  }
0x85: {  	v3 =	vor.u32 s16, v9;
	v2 =	vld.idx.msk [tilespmem:v4+s3+$0x0], $0xffff;
	_ =	sdelay $0x4  }
0x86: {  	[tilespmem:v3+s11+$0x0] =	vst.idx.msk $0xffff, v2;
	v2 =	vld [tilespmem:s15+$0xFFFFFFF0]  }
0x87: {  	v3 =	vld [tilespmem:s15+$0x0]  }
0x88: {  	v6 =	vld [tilespmem:s15+$0x10];
	_ =	sdelay $0x2  }
0x89: {  	v5 =	vshll.u32 v2, $0x6  }
0x8a: {  	v4 =	vshll.u32 v3, $0x6  }
0x8b: {  	v3 =	vshll.u32 v6, $0x6  }
0x8c: {  	s17 =	sadd.s32 $0xFFFFF800, s14  }
0x8d: {  	s18 =	sadd.s32 $0xFFFFFC00, s14;
	v10 =	vor.u32 $0xFFFFFB80, v17;
	v2 =	vor.u32 s17, v1;
	v6 =	vor.u32 $0xFFFFF780, v17  }
0x8e: {  	v23 =	vmovc v7;
	v12 =	vor.u32 $0xFFFFFF80, v17;
	v7 =	vor.u32 s18, v1;
	[tilespmem:$0x1FC30] =	vst v6;
	v2 =	vand.u32 v6, v2;
	v6 =	vld.idx.msk [tilespmem:v5+s3+$0x0], $0xffff  }
0x8f: {  	v24 =	vmovc v8;
	v25 =	vmovc v9;
	v7 =	vand.u32 v10, v7;
	v9 =	vor.u32 s14, v1;
	v63 =	vor.u32 $0x1, v5;
	v8 =	vld.idx.msk [tilespmem:v4+s3+$0x0], $0xffff  }
0x90: {  	[tilespmem:$0x1FC40] =	vst v10;
	v9 =	vand.u32 v12, v9;
	v10 =	vor.u32 $0x1, v4;
	v11 =	vld.idx.msk [tilespmem:v3+s3+$0x0], $0xffff  }
0x91: {  	[tilespmem:$0x1FC50] =	vst v12;
	v12 =	vor.u32 $0x1, v3;
	_ =	sdelay $0x1  }
0x92: {  	[tilespmem:v2+s11+$0x0] =	vst.idx.msk $0xffff, v6  }
0x93: {  	v6 =	vor.u32 s17, v16;
	[tilespmem:v7+s11+$0x0] =	vst.idx.msk $0xffff, v8;
	v2 =	vld.idx.msk [tilespmem:v63+s3+$0x0], $0xffff  }
0x94: {  	v7 =	vor.u32 $0x2, v5;
	[tilespmem:v9+s11+$0x0] =	vst.idx.msk $0xffff, v11;
	v8 =	vld.idx.msk [tilespmem:v10+s3+$0x0], $0xffff;
	v10 =	vor.u32 s18, v16  }
0x95: {  	v9 =	vor.u32 $0x2, v4;
	v11 =	vld.idx.msk [tilespmem:v12+s3+$0x0], $0xffff;
	v12 =	vor.u32 s14, v16  }
0x96: {  	v63 =	vor.u32 $0x2, v3;
	_ =	sdelay $0x1  }
0x97: {  	[tilespmem:v6+s11+$0x0] =	vst.idx.msk $0xffff, v2  }
0x98: {  	v6 =	vor.u32 s17, v13;
	[tilespmem:v10+s11+$0x0] =	vst.idx.msk $0xffff, v8;
	v2 =	vld.idx.msk [tilespmem:v7+s3+$0x0], $0xffff  }
0x99: {  	v7 =	vor.u32 $0x3, v5;
	v8 =	vld.idx.msk [tilespmem:v9+s3+$0x0], $0xffff;
	v9 =	vor.u32 s18, v13;
	[tilespmem:v12+s11+$0x0] =	vst.idx.msk $0xffff, v11  }
0x9a: {  	v10 =	vor.u32 $0x3, v4;
	v12 =	vor.u32 s14, v13;
	v11 =	vld.idx.msk [tilespmem:v63+s3+$0x0], $0xffff  }
0x9b: {  	v63 =	vor.u32 $0x3, v3;
	_ =	sdelay $0x1  }
0x9c: {  	[tilespmem:v6+s11+$0x0] =	vst.idx.msk $0xffff, v2  }
0x9d: {  	v6 =	vor.u32 s17, v14;
	[tilespmem:v9+s11+$0x0] =	vst.idx.msk $0xffff, v8;
	v2 =	vld.idx.msk [tilespmem:v7+s3+$0x0], $0xffff  }
0x9e: {  	v9 =	vor.u32 s18, v14;
	v7 =	vor.u32 $0x4, v5;
	v8 =	vld.idx.msk [tilespmem:v10+s3+$0x0], $0xffff;
	[tilespmem:v12+s11+$0x0] =	vst.idx.msk $0xffff, v11  }
0x9f: {  	v10 =	vor.u32 $0x4, v4;
	v12 =	vor.u32 s14, v14;
	v11 =	vld.idx.msk [tilespmem:v63+s3+$0x0], $0xffff  }
0xa0: {  	v63 =	vor.u32 $0x4, v3;
	_ =	sdelay $0x1  }
0xa1: {  	[tilespmem:v6+s11+$0x0] =	vst.idx.msk $0xffff, v2  }
0xa2: {  	v6 =	vor.u32 s17, v15;
	[tilespmem:v9+s11+$0x0] =	vst.idx.msk $0xffff, v8;
	v2 =	vld.idx.msk [tilespmem:v7+s3+$0x0], $0xffff  }
0xa3: {  	v9 =	vor.u32 s18, v15;
	v7 =	vor.u32 $0x5, v5;
	v8 =	vld.idx.msk [tilespmem:v10+s3+$0x0], $0xffff;
	[tilespmem:v12+s11+$0x0] =	vst.idx.msk $0xffff, v11  }
0xa4: {  	v10 =	vor.u32 $0x5, v4;
	v12 =	vor.u32 s14, v15;
	v11 =	vld.idx.msk [tilespmem:v63+s3+$0x0], $0xffff  }
0xa5: {  	v63 =	vor.u32 $0x5, v3;
	_ =	sdelay $0x1  }
0xa6: {  	[tilespmem:v6+s11+$0x0] =	vst.idx.msk $0xffff, v2  }
0xa7: {  	v6 =	vor.u32 s17, v23;
	[tilespmem:v9+s11+$0x0] =	vst.idx.msk $0xffff, v8;
	v2 =	vld.idx.msk [tilespmem:v7+s3+$0x0], $0xffff  }
0xa8: {  	v9 =	vor.u32 s18, v23;
	v7 =	vor.u32 $0x6, v5;
	v8 =	vld.idx.msk [tilespmem:v10+s3+$0x0], $0xffff;
	[tilespmem:v12+s11+$0x0] =	vst.idx.msk $0xffff, v11  }
0xa9: {  	v10 =	vor.u32 $0x6, v4;
	v12 =	vor.u32 s14, v23;
	v11 =	vld.idx.msk [tilespmem:v63+s3+$0x0], $0xffff  }
0xaa: {  	v63 =	vor.u32 $0x6, v3;
	_ =	sdelay $0x1  }
0xab: {  	[tilespmem:v6+s11+$0x0] =	vst.idx.msk $0xffff, v2  }
0xac: {  	v6 =	vor.u32 s17, v24;
	[tilespmem:v9+s11+$0x0] =	vst.idx.msk $0xffff, v8;
	v2 =	vld.idx.msk [tilespmem:v7+s3+$0x0], $0xffff  }
0xad: {  	v9 =	vor.u32 s18, v24;
	v7 =	vor.u32 $0x7, v5;
	v8 =	vld.idx.msk [tilespmem:v10+s3+$0x0], $0xffff;
	[tilespmem:v12+s11+$0x0] =	vst.idx.msk $0xffff, v11  }
0xae: {  	v10 =	vor.u32 $0x7, v4;
	v12 =	vor.u32 s14, v24;
	v11 =	vld.idx.msk [tilespmem:v63+s3+$0x0], $0xffff  }
0xaf: {  	v63 =	vor.u32 $0x7, v3;
	_ =	sdelay $0x1  }
0xb0: {  	v19 =	vld [tilespmem:$0x1FC60];
	[tilespmem:v6+s11+$0x0] =	vst.idx.msk $0xffff, v2  }
0xb1: {  	v2 =	vor.u32 $0x8, v0;
	[tilespmem:v9+s11+$0x0] =	vst.idx.msk $0xffff, v8;
	v6 =	vld.idx.msk [tilespmem:v7+s3+$0x0], $0xffff;
	v7 =	vor.u32 s17, v25  }
0xb2: {  	v8 =	vor.u32 $0x8, v5;
	v9 =	vld.idx.msk [tilespmem:v10+s3+$0x0], $0xffff;
	v10 =	vor.u32 s18, v25;
	[tilespmem:v12+s11+$0x0] =	vst.idx.msk $0xffff, v11  }
0xb3: {  	v11 =	vor.u32 $0x8, v4;
	v12 =	vld.idx.msk [tilespmem:v63+s3+$0x0], $0xffff;
	v63 =	vor.u32 s14, v25  }
0xb4: {  	v13 =	vor.u32 $0x8, v3;
	_ =	sdelay $0x1  }
0xb5: {  	v14 =	vor.u32 s16, v19;
	v2 =	vld.idx.msk [tilespmem:v2+s3+$0x0], $0xffff;
	[tilespmem:v7+s11+$0x0] =	vst.idx.msk $0xffff, v6  }
0xb6: {  	v6 =	vor.u32 $0x9, v0;
	[tilespmem:v10+s11+$0x0] =	vst.idx.msk $0xffff, v9;
	v7 =	vld.idx.msk [tilespmem:v8+s3+$0x0], $0xffff;
	v8 =	vor.u32 s17, v19  }
0xb7: {  	v9 =	vor.u32 $0x9, v5;
	v10 =	vld.idx.msk [tilespmem:v11+s3+$0x0], $0xffff;
	v11 =	vor.u32 s18, v19;
	[tilespmem:v63+s11+$0x0] =	vst.idx.msk $0xffff, v12  }
0xb8: {  	v12 =	vor.u32 $0x9, v4;
	v63 =	vor.u32 s14, v19;
	v13 =	vld.idx.msk [tilespmem:v13+s3+$0x0], $0xffff  }
0xb9: {  	v22 =	vmov v15;
	v15 =	vor.u32 $0x9, v3;
	v19 =	vld [tilespmem:$0x1FC70]  }
0xba: {  	[tilespmem:v14+s11+$0x0] =	vst.idx.msk $0xffff, v2  }
0xbb: {  	v2 =	vld.idx.msk [tilespmem:v6+s3+$0x0], $0xffff;
	[tilespmem:v8+s11+$0x0] =	vst.idx.msk $0xffff, v7  }
0xbc: {  	[tilespmem:v11+s11+$0x0] =	vst.idx.msk $0xffff, v10;
	v8 =	vld.idx.msk [tilespmem:v9+s3+$0x0], $0xffff  }
0xbd: {  	v11 =	vld.idx.msk [tilespmem:v12+s3+$0x0], $0xffff;
	[tilespmem:v63+s11+$0x0] =	vst.idx.msk $0xffff, v13  }
0xbe: {  	v6 =	vor.u32 s16, v19;
	v7 =	vor.u32 $0xA, v0;
	v14 =	vld.idx.msk [tilespmem:v15+s3+$0x0], $0xffff  }
0xbf: {  	v9 =	vor.u32 s17, v19;
	v12 =	vor.u32 s18, v19;
	v15 =	vor.u32 s14, v19;
	v19 =	vld [tilespmem:$0x1FC80]  }
0xc0: {  	v10 =	vor.u32 $0xA, v5  }
0xc1: {  	v13 =	vor.u32 $0xA, v4;
	_ =	sdelay $0x1  }
0xc2: {  	v63 =	vor.u32 $0xA, v3;
	[tilespmem:v6+s11+$0x0] =	vst.idx.msk $0xffff, v2  }
0xc3: {  	v2 =	vld.idx.msk [tilespmem:v7+s3+$0x0], $0xffff;
	[tilespmem:v9+s11+$0x0] =	vst.idx.msk $0xffff, v8;
	v6 =	vor.u32 s16, v19  }
0xc4: {  	v7 =	vor.u32 $0xB, v0;
	[tilespmem:v12+s11+$0x0] =	vst.idx.msk $0xffff, v11;
	v8 =	vld.idx.msk [tilespmem:v10+s3+$0x0], $0xffff;
	v9 =	vor.u32 s17, v19  }
0xc5: {  	v10 =	vor.u32 $0xB, v5;
	v11 =	vld.idx.msk [tilespmem:v13+s3+$0x0], $0xffff;
	v12 =	vor.u32 s18, v19  }
0xc6: {  	[tilespmem:v15+s11+$0x0] =	vst.idx.msk $0xffff, v14;
	v13 =	vor.u32 $0xB, v4  }
0xc7: {  	v15 =	vor.u32 s14, v19;
	v14 =	vld.idx.msk [tilespmem:v63+s3+$0x0], $0xffff  }
0xc8: {  	v63 =	vor.u32 $0xB, v3;
	[tilespmem:v6+s11+$0x0] =	vst.idx.msk $0xffff, v2  }
0xc9: {  	v6 =	vor.u32 s16, v42;
	[tilespmem:v9+s11+$0x0] =	vst.idx.msk $0xffff, v8;
	v2 =	vld.idx.msk [tilespmem:v7+s3+$0x0], $0xffff  }
0xca: {  	v9 =	vor.u32 s17, v42;
	[tilespmem:v12+s11+$0x0] =	vst.idx.msk $0xffff, v11;
	v7 =	vor.u32 $0xC, v0;
	v8 =	vld.idx.msk [tilespmem:v10+s3+$0x0], $0xffff  }
0xcb: {  	v12 =	vor.u32 s18, v42;
	v10 =	vor.u32 $0xC, v5;
	v11 =	vld.idx.msk [tilespmem:v13+s3+$0x0], $0xffff  }
0xcc: {  	[tilespmem:v15+s11+$0x0] =	vst.idx.msk $0xffff, v14;
	v13 =	vor.u32 $0xC, v4  }
0xcd: {  	v15 =	vor.u32 s14, v42;
	v14 =	vld.idx.msk [tilespmem:v63+s3+$0x0], $0xffff  }
0xce: {  	v63 =	vor.u32 $0xC, v3;
	[tilespmem:v6+s11+$0x0] =	vst.idx.msk $0xffff, v2  }
0xcf: {  	v6 =	vor.u32 s16, v43;
	[tilespmem:v9+s11+$0x0] =	vst.idx.msk $0xffff, v8;
	v2 =	vld.idx.msk [tilespmem:v7+s3+$0x0], $0xffff  }
0xd0: {  	v9 =	vor.u32 s17, v43;
	[tilespmem:v12+s11+$0x0] =	vst.idx.msk $0xffff, v11;
	v7 =	vor.u32 $0xD, v0;
	v8 =	vld.idx.msk [tilespmem:v10+s3+$0x0], $0xffff  }
0xd1: {  	v12 =	vor.u32 s18, v43;
	v10 =	vor.u32 $0xD, v5;
	v11 =	vld.idx.msk [tilespmem:v13+s3+$0x0], $0xffff  }
0xd2: {  	[tilespmem:v15+s11+$0x0] =	vst.idx.msk $0xffff, v14;
	v13 =	vor.u32 $0xD, v4  }
0xd3: {  	v15 =	vor.u32 s14, v43;
	v14 =	vld.idx.msk [tilespmem:v63+s3+$0x0], $0xffff  }
0xd4: {  	v63 =	vor.u32 $0xD, v3;
	[tilespmem:v6+s11+$0x0] =	vst.idx.msk $0xffff, v2  }
0xd5: {  	v6 =	vor.u32 s16, v44;
	[tilespmem:v9+s11+$0x0] =	vst.idx.msk $0xffff, v8;
	v2 =	vld.idx.msk [tilespmem:v7+s3+$0x0], $0xffff  }
0xd6: {  	v9 =	vor.u32 s17, v44;
	[tilespmem:v12+s11+$0x0] =	vst.idx.msk $0xffff, v11;
	v7 =	vor.u32 $0xE, v0;
	v8 =	vld.idx.msk [tilespmem:v10+s3+$0x0], $0xffff  }
0xd7: {  	v12 =	vor.u32 s18, v44;
	v10 =	vor.u32 $0xE, v5;
	v11 =	vld.idx.msk [tilespmem:v13+s3+$0x0], $0xffff  }
0xd8: {  	[tilespmem:v15+s11+$0x0] =	vst.idx.msk $0xffff, v14;
	v13 =	vor.u32 $0xE, v4  }
0xd9: {  	v15 =	vor.u32 s14, v44;
	v14 =	vld.idx.msk [tilespmem:v63+s3+$0x0], $0xffff  }
0xda: {  	v63 =	vor.u32 $0xE, v3;
	[tilespmem:v6+s11+$0x0] =	vst.idx.msk $0xffff, v2  }
0xdb: {  	v6 =	vor.u32 s16, v45;
	[tilespmem:v9+s11+$0x0] =	vst.idx.msk $0xffff, v8;
	v2 =	vld.idx.msk [tilespmem:v7+s3+$0x0], $0xffff  }
0xdc: {  	v9 =	vor.u32 s17, v45;
	[tilespmem:v12+s11+$0x0] =	vst.idx.msk $0xffff, v11;
	v7 =	vor.u32 $0xF, v0;
	v8 =	vld.idx.msk [tilespmem:v10+s3+$0x0], $0xffff  }
0xdd: {  	v12 =	vor.u32 s18, v45;
	v10 =	vor.u32 $0xF, v5;
	v11 =	vld.idx.msk [tilespmem:v13+s3+$0x0], $0xffff  }
0xde: {  	[tilespmem:v15+s11+$0x0] =	vst.idx.msk $0xffff, v14;
	v13 =	vor.u32 $0xF, v4  }
0xdf: {  	v15 =	vor.u32 s14, v45;
	v14 =	vld.idx.msk [tilespmem:v63+s3+$0x0], $0xffff  }
0xe0: {  	v63 =	vor.u32 $0xF, v3;
	[tilespmem:v6+s11+$0x0] =	vst.idx.msk $0xffff, v2  }
0xe1: {  	v6 =	vor.u32 s16, v46;
	[tilespmem:v9+s11+$0x0] =	vst.idx.msk $0xffff, v8;
	v2 =	vld.idx.msk [tilespmem:v7+s3+$0x0], $0xffff  }
0xe2: {  	v9 =	vor.u32 s17, v46;
	[tilespmem:v12+s11+$0x0] =	vst.idx.msk $0xffff, v11;
	v7 =	vor.u32 $0x10, v0;
	v8 =	vld.idx.msk [tilespmem:v10+s3+$0x0], $0xffff  }
0xe3: {  	v12 =	vor.u32 s18, v46;
	v10 =	vor.u32 $0x10, v5;
	v11 =	vld.idx.msk [tilespmem:v13+s3+$0x0], $0xffff  }
0xe4: {  	[tilespmem:v15+s11+$0x0] =	vst.idx.msk $0xffff, v14;
	v13 =	vor.u32 $0x10, v4  }
0xe5: {  	v15 =	vor.u32 s14, v46;
	v14 =	vld.idx.msk [tilespmem:v63+s3+$0x0], $0xffff  }
0xe6: {  	v63 =	vor.u32 $0x10, v3;
	[tilespmem:v6+s11+$0x0] =	vst.idx.msk $0xffff, v2  }
0xe7: {  	v6 =	vor.u32 s16, v47;
	[tilespmem:v9+s11+$0x0] =	vst.idx.msk $0xffff, v8;
	v2 =	vld.idx.msk [tilespmem:v7+s3+$0x0], $0xffff  }
0xe8: {  	v9 =	vor.u32 s17, v47;
	[tilespmem:v12+s11+$0x0] =	vst.idx.msk $0xffff, v11;
	v7 =	vor.u32 $0x11, v0;
	v8 =	vld.idx.msk [tilespmem:v10+s3+$0x0], $0xffff  }
0xe9: {  	v12 =	vor.u32 s18, v47;
	v10 =	vor.u32 $0x11, v5;
	v11 =	vld.idx.msk [tilespmem:v13+s3+$0x0], $0xffff  }
0xea: {  	[tilespmem:v15+s11+$0x0] =	vst.idx.msk $0xffff, v14;
	v13 =	vor.u32 $0x11, v4  }
0xeb: {  	v15 =	vor.u32 s14, v47;
	v14 =	vld.idx.msk [tilespmem:v63+s3+$0x0], $0xffff  }
0xec: {  	v63 =	vor.u32 $0x11, v3;
	[tilespmem:v6+s11+$0x0] =	vst.idx.msk $0xffff, v2  }
0xed: {  	v6 =	vor.u32 s16, v48;
	[tilespmem:v9+s11+$0x0] =	vst.idx.msk $0xffff, v8;
	v2 =	vld.idx.msk [tilespmem:v7+s3+$0x0], $0xffff  }
0xee: {  	v9 =	vor.u32 s17, v48;
	[tilespmem:v12+s11+$0x0] =	vst.idx.msk $0xffff, v11;
	v7 =	vor.u32 $0x12, v0;
	v8 =	vld.idx.msk [tilespmem:v10+s3+$0x0], $0xffff  }
0xef: {  	v12 =	vor.u32 s18, v48;
	v10 =	vor.u32 $0x12, v5;
	v11 =	vld.idx.msk [tilespmem:v13+s3+$0x0], $0xffff  }
0xf0: {  	[tilespmem:v15+s11+$0x0] =	vst.idx.msk $0xffff, v14;
	v13 =	vor.u32 $0x12, v4  }
0xf1: {  	v15 =	vor.u32 s14, v48;
	v14 =	vld.idx.msk [tilespmem:v63+s3+$0x0], $0xffff  }
0xf2: {  	v63 =	vor.u32 $0x12, v3;
	[tilespmem:v6+s11+$0x0] =	vst.idx.msk $0xffff, v2  }
0xf3: {  	v6 =	vor.u32 s16, v49;
	[tilespmem:v9+s11+$0x0] =	vst.idx.msk $0xffff, v8;
	v2 =	vld.idx.msk [tilespmem:v7+s3+$0x0], $0xffff  }
0xf4: {  	v9 =	vor.u32 s17, v49;
	[tilespmem:v12+s11+$0x0] =	vst.idx.msk $0xffff, v11;
	v7 =	vor.u32 $0x13, v0;
	v8 =	vld.idx.msk [tilespmem:v10+s3+$0x0], $0xffff  }
0xf5: {  	v12 =	vor.u32 s18, v49;
	v10 =	vor.u32 $0x13, v5;
	v11 =	vld.idx.msk [tilespmem:v13+s3+$0x0], $0xffff  }
0xf6: {  	[tilespmem:v15+s11+$0x0] =	vst.idx.msk $0xffff, v14;
	v13 =	vor.u32 $0x13, v4  }
0xf7: {  	v15 =	vor.u32 s14, v49;
	v14 =	vld.idx.msk [tilespmem:v63+s3+$0x0], $0xffff  }
0xf8: {  	v63 =	vor.u32 $0x13, v3;
	[tilespmem:v6+s11+$0x0] =	vst.idx.msk $0xffff, v2  }
0xf9: {  	v6 =	vor.u32 s16, v50;
	[tilespmem:v9+s11+$0x0] =	vst.idx.msk $0xffff, v8;
	v2 =	vld.idx.msk [tilespmem:v7+s3+$0x0], $0xffff  }
0xfa: {  	v9 =	vor.u32 s17, v50;
	[tilespmem:v12+s11+$0x0] =	vst.idx.msk $0xffff, v11;
	v7 =	vor.u32 $0x14, v0;
	v8 =	vld.idx.msk [tilespmem:v10+s3+$0x0], $0xffff  }
0xfb: {  	v12 =	vor.u32 s18, v50;
	v10 =	vor.u32 $0x14, v5;
	v11 =	vld.idx.msk [tilespmem:v13+s3+$0x0], $0xffff  }
0xfc: {  	[tilespmem:v15+s11+$0x0] =	vst.idx.msk $0xffff, v14;
	v13 =	vor.u32 $0x14, v4  }
0xfd: {  	v15 =	vor.u32 s14, v50;
	v14 =	vld.idx.msk [tilespmem:v63+s3+$0x0], $0xffff  }
0xfe: {  	v63 =	vor.u32 $0x14, v3;
	[tilespmem:v6+s11+$0x0] =	vst.idx.msk $0xffff, v2  }
0xff: {  	v6 =	vor.u32 s16, v51;
	[tilespmem:v9+s11+$0x0] =	vst.idx.msk $0xffff, v8;
	v2 =	vld.idx.msk [tilespmem:v7+s3+$0x0], $0xffff  }
0x100: {  	v9 =	vor.u32 s17, v51;
	[tilespmem:v12+s11+$0x0] =	vst.idx.msk $0xffff, v11;
	v7 =	vor.u32 $0x15, v0;
	v8 =	vld.idx.msk [tilespmem:v10+s3+$0x0], $0xffff  }
0x101: {  	v12 =	vor.u32 s18, v51;
	v10 =	vor.u32 $0x15, v5;
	v11 =	vld.idx.msk [tilespmem:v13+s3+$0x0], $0xffff  }
0x102: {  	[tilespmem:v15+s11+$0x0] =	vst.idx.msk $0xffff, v14;
	v13 =	vor.u32 $0x15, v4  }
0x103: {  	v15 =	vor.u32 s14, v51;
	v14 =	vld.idx.msk [tilespmem:v63+s3+$0x0], $0xffff  }
0x104: {  	v63 =	vor.u32 $0x15, v3;
	[tilespmem:v6+s11+$0x0] =	vst.idx.msk $0xffff, v2  }
0x105: {  	v6 =	vor.u32 s16, v52;
	[tilespmem:v9+s11+$0x0] =	vst.idx.msk $0xffff, v8;
	v2 =	vld.idx.msk [tilespmem:v7+s3+$0x0], $0xffff  }
0x106: {  	v9 =	vor.u32 s17, v52;
	[tilespmem:v12+s11+$0x0] =	vst.idx.msk $0xffff, v11;
	v7 =	vor.u32 $0x16, v0;
	v8 =	vld.idx.msk [tilespmem:v10+s3+$0x0], $0xffff  }
0x107: {  	v12 =	vor.u32 s18, v52;
	v10 =	vor.u32 $0x16, v5;
	v11 =	vld.idx.msk [tilespmem:v13+s3+$0x0], $0xffff  }
0x108: {  	[tilespmem:v15+s11+$0x0] =	vst.idx.msk $0xffff, v14;
	v13 =	vor.u32 $0x16, v4  }
0x109: {  	v15 =	vor.u32 s14, v52;
	v14 =	vld.idx.msk [tilespmem:v63+s3+$0x0], $0xffff  }
0x10a: {  	v63 =	vor.u32 $0x16, v3;
	[tilespmem:v6+s11+$0x0] =	vst.idx.msk $0xffff, v2  }
0x10b: {  	v6 =	vor.u32 s16, v53;
	[tilespmem:v9+s11+$0x0] =	vst.idx.msk $0xffff, v8;
	v2 =	vld.idx.msk [tilespmem:v7+s3+$0x0], $0xffff  }
0x10c: {  	v9 =	vor.u32 s17, v53;
	[tilespmem:v12+s11+$0x0] =	vst.idx.msk $0xffff, v11;
	v7 =	vor.u32 $0x17, v0;
	v8 =	vld.idx.msk [tilespmem:v10+s3+$0x0], $0xffff  }
0x10d: {  	v12 =	vor.u32 s18, v53;
	v10 =	vor.u32 $0x17, v5;
	v11 =	vld.idx.msk [tilespmem:v13+s3+$0x0], $0xffff  }
0x10e: {  	[tilespmem:v15+s11+$0x0] =	vst.idx.msk $0xffff, v14;
	v13 =	vor.u32 $0x17, v4  }
0x10f: {  	v15 =	vor.u32 s14, v53;
	v14 =	vld.idx.msk [tilespmem:v63+s3+$0x0], $0xffff  }
0x110: {  	v63 =	vor.u32 $0x17, v3;
	[tilespmem:v6+s11+$0x0] =	vst.idx.msk $0xffff, v2  }
0x111: {  	v6 =	vor.u32 s16, v54;
	[tilespmem:v9+s11+$0x0] =	vst.idx.msk $0xffff, v8;
	v2 =	vld.idx.msk [tilespmem:v7+s3+$0x0], $0xffff  }
0x112: {  	v9 =	vor.u32 s17, v54;
	[tilespmem:v12+s11+$0x0] =	vst.idx.msk $0xffff, v11;
	v7 =	vor.u32 $0x18, v0;
	v8 =	vld.idx.msk [tilespmem:v10+s3+$0x0], $0xffff  }
0x113: {  	v12 =	vor.u32 s18, v54;
	v10 =	vor.u32 $0x18, v5;
	v11 =	vld.idx.msk [tilespmem:v13+s3+$0x0], $0xffff  }
0x114: {  	[tilespmem:v15+s11+$0x0] =	vst.idx.msk $0xffff, v14;
	v13 =	vor.u32 $0x18, v4  }
0x115: {  	v15 =	vor.u32 s14, v54;
	v14 =	vld.idx.msk [tilespmem:v63+s3+$0x0], $0xffff  }
0x116: {  	v63 =	vor.u32 $0x18, v3;
	[tilespmem:v6+s11+$0x0] =	vst.idx.msk $0xffff, v2  }
0x117: {  	v6 =	vor.u32 s16, v55;
	[tilespmem:v9+s11+$0x0] =	vst.idx.msk $0xffff, v8;
	v2 =	vld.idx.msk [tilespmem:v7+s3+$0x0], $0xffff  }
0x118: {  	v9 =	vor.u32 s17, v55;
	[tilespmem:v12+s11+$0x0] =	vst.idx.msk $0xffff, v11;
	v7 =	vor.u32 $0x19, v0;
	v8 =	vld.idx.msk [tilespmem:v10+s3+$0x0], $0xffff  }
0x119: {  	v12 =	vor.u32 s18, v55;
	v10 =	vor.u32 $0x19, v5;
	v11 =	vld.idx.msk [tilespmem:v13+s3+$0x0], $0xffff  }
0x11a: {  	[tilespmem:v15+s11+$0x0] =	vst.idx.msk $0xffff, v14;
	v13 =	vor.u32 $0x19, v4  }
0x11b: {  	v15 =	vor.u32 s14, v55;
	v14 =	vld.idx.msk [tilespmem:v63+s3+$0x0], $0xffff  }
0x11c: {  	v63 =	vor.u32 $0x19, v3;
	[tilespmem:v6+s11+$0x0] =	vst.idx.msk $0xffff, v2  }
0x11d: {  	v6 =	vor.u32 s16, v56;
	[tilespmem:v9+s11+$0x0] =	vst.idx.msk $0xffff, v8;
	v2 =	vld.idx.msk [tilespmem:v7+s3+$0x0], $0xffff  }
0x11e: {  	v9 =	vor.u32 s17, v56;
	[tilespmem:v12+s11+$0x0] =	vst.idx.msk $0xffff, v11;
	v7 =	vor.u32 $0x1A, v0;
	v8 =	vld.idx.msk [tilespmem:v10+s3+$0x0], $0xffff  }
0x11f: {  	v12 =	vor.u32 s18, v56;
	v10 =	vor.u32 $0x1A, v5;
	v11 =	vld.idx.msk [tilespmem:v13+s3+$0x0], $0xffff  }
0x120: {  	[tilespmem:v15+s11+$0x0] =	vst.idx.msk $0xffff, v14;
	v13 =	vor.u32 $0x1A, v4  }
0x121: {  	v15 =	vor.u32 s14, v56;
	v14 =	vld.idx.msk [tilespmem:v63+s3+$0x0], $0xffff  }
0x122: {  	v63 =	vor.u32 $0x1A, v3;
	[tilespmem:v6+s11+$0x0] =	vst.idx.msk $0xffff, v2  }
0x123: {  	v6 =	vor.u32 s16, v57;
	[tilespmem:v9+s11+$0x0] =	vst.idx.msk $0xffff, v8;
	v2 =	vld.idx.msk [tilespmem:v7+s3+$0x0], $0xffff  }
0x124: {  	v9 =	vor.u32 s17, v57;
	[tilespmem:v12+s11+$0x0] =	vst.idx.msk $0xffff, v11;
	v7 =	vor.u32 $0x1B, v0;
	v8 =	vld.idx.msk [tilespmem:v10+s3+$0x0], $0xffff  }
0x125: {  	v12 =	vor.u32 s18, v57;
	v10 =	vor.u32 $0x1B, v5;
	v11 =	vld.idx.msk [tilespmem:v13+s3+$0x0], $0xffff  }
0x126: {  	[tilespmem:v15+s11+$0x0] =	vst.idx.msk $0xffff, v14;
	v13 =	vor.u32 $0x1B, v4  }
0x127: {  	v15 =	vor.u32 s14, v57;
	v14 =	vld.idx.msk [tilespmem:v63+s3+$0x0], $0xffff  }
0x128: {  	v63 =	vor.u32 $0x1B, v3;
	[tilespmem:v6+s11+$0x0] =	vst.idx.msk $0xffff, v2  }
0x129: {  	v6 =	vor.u32 s16, v58;
	[tilespmem:v9+s11+$0x0] =	vst.idx.msk $0xffff, v8;
	v2 =	vld.idx.msk [tilespmem:v7+s3+$0x0], $0xffff  }
0x12a: {  	v9 =	vor.u32 s17, v58;
	[tilespmem:v12+s11+$0x0] =	vst.idx.msk $0xffff, v11;
	v7 =	vor.u32 $0x1C, v0;
	v8 =	vld.idx.msk [tilespmem:v10+s3+$0x0], $0xffff  }
0x12b: {  	v12 =	vor.u32 s18, v58;
	v10 =	vor.u32 $0x1C, v5;
	v11 =	vld.idx.msk [tilespmem:v13+s3+$0x0], $0xffff  }
0x12c: {  	[tilespmem:v15+s11+$0x0] =	vst.idx.msk $0xffff, v14;
	v13 =	vor.u32 $0x1C, v4  }
0x12d: {  	v15 =	vor.u32 s14, v58;
	v14 =	vld.idx.msk [tilespmem:v63+s3+$0x0], $0xffff  }
0x12e: {  	v63 =	vor.u32 $0x1C, v3;
	[tilespmem:v6+s11+$0x0] =	vst.idx.msk $0xffff, v2  }
0x12f: {  	v6 =	vor.u32 s16, v59;
	[tilespmem:v9+s11+$0x0] =	vst.idx.msk $0xffff, v8;
	v2 =	vld.idx.msk [tilespmem:v7+s3+$0x0], $0xffff  }
0x130: {  	v9 =	vor.u32 s17, v59;
	[tilespmem:v12+s11+$0x0] =	vst.idx.msk $0xffff, v11;
	v7 =	vor.u32 $0x1D, v0;
	v8 =	vld.idx.msk [tilespmem:v10+s3+$0x0], $0xffff  }
0x131: {  	v12 =	vor.u32 s18, v59;
	v10 =	vor.u32 $0x1D, v5;
	v11 =	vld.idx.msk [tilespmem:v13+s3+$0x0], $0xffff  }
0x132: {  	[tilespmem:v15+s11+$0x0] =	vst.idx.msk $0xffff, v14;
	v13 =	vor.u32 $0x1D, v4  }
0x133: {  	v15 =	vor.u32 s14, v59;
	v14 =	vld.idx.msk [tilespmem:v63+s3+$0x0], $0xffff  }
0x134: {  	v63 =	vor.u32 $0x1D, v3;
	[tilespmem:v6+s11+$0x0] =	vst.idx.msk $0xffff, v2  }
0x135: {  	v6 =	vor.u32 s16, v60;
	[tilespmem:v9+s11+$0x0] =	vst.idx.msk $0xffff, v8;
	v2 =	vld.idx.msk [tilespmem:v7+s3+$0x0], $0xffff  }
0x136: {  	v9 =	vor.u32 s17, v60;
	[tilespmem:v12+s11+$0x0] =	vst.idx.msk $0xffff, v11;
	v7 =	vor.u32 $0x1E, v0;
	v8 =	vld.idx.msk [tilespmem:v10+s3+$0x0], $0xffff  }
0x137: {  	v12 =	vor.u32 s18, v60;
	v10 =	vor.u32 $0x1E, v5;
	v11 =	vld.idx.msk [tilespmem:v13+s3+$0x0], $0xffff  }
0x138: {  	[tilespmem:v15+s11+$0x0] =	vst.idx.msk $0xffff, v14;
	v13 =	vor.u32 $0x1E, v4  }
0x139: {  	v15 =	vor.u32 s14, v60;
	v14 =	vld.idx.msk [tilespmem:v63+s3+$0x0], $0xffff  }
0x13a: {  	v63 =	vor.u32 $0x1E, v3;
	[tilespmem:v6+s11+$0x0] =	vst.idx.msk $0xffff, v2  }
0x13b: {  	v6 =	vor.u32 s16, v61;
	[tilespmem:v9+s11+$0x0] =	vst.idx.msk $0xffff, v8;
	v2 =	vld.idx.msk [tilespmem:v7+s3+$0x0], $0xffff  }
0x13c: {  	v9 =	vor.u32 s17, v61;
	[tilespmem:v12+s11+$0x0] =	vst.idx.msk $0xffff, v11;
	v7 =	vor.u32 $0x1F, v0;
	v8 =	vld.idx.msk [tilespmem:v10+s3+$0x0], $0xffff  }
0x13d: {  	v12 =	vor.u32 s18, v61;
	v10 =	vor.u32 $0x1F, v5;
	v11 =	vld.idx.msk [tilespmem:v13+s3+$0x0], $0xffff  }
0x13e: {  	[tilespmem:v15+s11+$0x0] =	vst.idx.msk $0xffff, v14;
	v13 =	vor.u32 $0x1F, v4  }
0x13f: {  	v15 =	vor.u32 s14, v61;
	v14 =	vld.idx.msk [tilespmem:v63+s3+$0x0], $0xffff  }
0x140: {  	v63 =	vor.u32 $0x1F, v3;
	[tilespmem:v6+s11+$0x0] =	vst.idx.msk $0xffff, v2  }
0x141: {  	v6 =	vor.u32 s16, v62;
	[tilespmem:v9+s11+$0x0] =	vst.idx.msk $0xffff, v8;
	v2 =	vld.idx.msk [tilespmem:v7+s3+$0x0], $0xffff  }
0x142: {  	v9 =	vor.u32 s17, v62;
	[tilespmem:v12+s11+$0x0] =	vst.idx.msk $0xffff, v11;
	v7 =	vor.u32 $0x20, v0;
	v8 =	vld.idx.msk [tilespmem:v10+s3+$0x0], $0xffff  }
0x143: {  	v12 =	vor.u32 s18, v62;
	v10 =	vor.u32 $0x20, v5;
	v11 =	vld.idx.msk [tilespmem:v13+s3+$0x0], $0xffff  }
0x144: {  	[tilespmem:v15+s11+$0x0] =	vst.idx.msk $0xffff, v14;
	v13 =	vor.u32 $0x20, v4  }
0x145: {  	v15 =	vor.u32 s14, v62;
	v14 =	vld.idx.msk [tilespmem:v63+s3+$0x0], $0xffff  }
0x146: {  	v63 =	vor.u32 $0x20, v3;
	[tilespmem:v6+s11+$0x0] =	vst.idx.msk $0xffff, v2  }
0x147: {  	v6 =	vor.u32 s16, v26;
	[tilespmem:v9+s11+$0x0] =	vst.idx.msk $0xffff, v8;
	v2 =	vld.idx.msk [tilespmem:v7+s3+$0x0], $0xffff  }
0x148: {  	v9 =	vor.u32 s17, v26;
	[tilespmem:v12+s11+$0x0] =	vst.idx.msk $0xffff, v11;
	v7 =	vor.u32 $0x21, v0;
	v8 =	vld.idx.msk [tilespmem:v10+s3+$0x0], $0xffff  }
0x149: {  	v12 =	vor.u32 s18, v26;
	v10 =	vor.u32 $0x21, v5;
	v11 =	vld.idx.msk [tilespmem:v13+s3+$0x0], $0xffff  }
0x14a: {  	[tilespmem:v15+s11+$0x0] =	vst.idx.msk $0xffff, v14;
	v13 =	vor.u32 $0x21, v4  }
0x14b: {  	v15 =	vor.u32 s14, v26;
	v14 =	vld.idx.msk [tilespmem:v63+s3+$0x0], $0xffff  }
0x14c: {  	v63 =	vor.u32 $0x21, v3;
	[tilespmem:v6+s11+$0x0] =	vst.idx.msk $0xffff, v2  }
0x14d: {  	v6 =	vor.u32 s16, v27;
	[tilespmem:v9+s11+$0x0] =	vst.idx.msk $0xffff, v8;
	v2 =	vld.idx.msk [tilespmem:v7+s3+$0x0], $0xffff  }
0x14e: {  	v9 =	vor.u32 s17, v27;
	[tilespmem:v12+s11+$0x0] =	vst.idx.msk $0xffff, v11;
	v7 =	vor.u32 $0x22, v0;
	v8 =	vld.idx.msk [tilespmem:v10+s3+$0x0], $0xffff  }
0x14f: {  	v12 =	vor.u32 s18, v27;
	v10 =	vor.u32 $0x22, v5;
	v11 =	vld.idx.msk [tilespmem:v13+s3+$0x0], $0xffff  }
0x150: {  	[tilespmem:v15+s11+$0x0] =	vst.idx.msk $0xffff, v14;
	v13 =	vor.u32 $0x22, v4  }
0x151: {  	v15 =	vor.u32 s14, v27;
	v14 =	vld.idx.msk [tilespmem:v63+s3+$0x0], $0xffff  }
0x152: {  	v63 =	vor.u32 $0x22, v3;
	[tilespmem:v6+s11+$0x0] =	vst.idx.msk $0xffff, v2  }
0x153: {  	v6 =	vor.u32 s16, v28;
	[tilespmem:v9+s11+$0x0] =	vst.idx.msk $0xffff, v8;
	v2 =	vld.idx.msk [tilespmem:v7+s3+$0x0], $0xffff  }
0x154: {  	v9 =	vor.u32 s17, v28;
	[tilespmem:v12+s11+$0x0] =	vst.idx.msk $0xffff, v11;
	v7 =	vor.u32 $0x23, v0;
	v8 =	vld.idx.msk [tilespmem:v10+s3+$0x0], $0xffff  }
0x155: {  	v12 =	vor.u32 s18, v28;
	v10 =	vor.u32 $0x23, v5;
	v11 =	vld.idx.msk [tilespmem:v13+s3+$0x0], $0xffff  }
0x156: {  	[tilespmem:v15+s11+$0x0] =	vst.idx.msk $0xffff, v14;
	v13 =	vor.u32 $0x23, v4  }
0x157: {  	v15 =	vor.u32 s14, v28;
	v14 =	vld.idx.msk [tilespmem:v63+s3+$0x0], $0xffff  }
0x158: {  	v63 =	vor.u32 $0x23, v3;
	[tilespmem:v6+s11+$0x0] =	vst.idx.msk $0xffff, v2  }
0x159: {  	v6 =	vor.u32 s16, v29;
	[tilespmem:v9+s11+$0x0] =	vst.idx.msk $0xffff, v8;
	v2 =	vld.idx.msk [tilespmem:v7+s3+$0x0], $0xffff  }
0x15a: {  	v9 =	vor.u32 s17, v29;
	[tilespmem:v12+s11+$0x0] =	vst.idx.msk $0xffff, v11;
	v7 =	vor.u32 $0x24, v0;
	v8 =	vld.idx.msk [tilespmem:v10+s3+$0x0], $0xffff  }
0x15b: {  	v12 =	vor.u32 s18, v29;
	v10 =	vor.u32 $0x24, v5;
	v11 =	vld.idx.msk [tilespmem:v13+s3+$0x0], $0xffff  }
0x15c: {  	[tilespmem:v15+s11+$0x0] =	vst.idx.msk $0xffff, v14;
	v13 =	vor.u32 $0x24, v4  }
0x15d: {  	v15 =	vor.u32 s14, v29;
	v14 =	vld.idx.msk [tilespmem:v63+s3+$0x0], $0xffff  }
0x15e: {  	v63 =	vor.u32 $0x24, v3;
	[tilespmem:v6+s11+$0x0] =	vst.idx.msk $0xffff, v2  }
0x15f: {  	v6 =	vor.u32 s16, v30;
	[tilespmem:v9+s11+$0x0] =	vst.idx.msk $0xffff, v8;
	v2 =	vld.idx.msk [tilespmem:v7+s3+$0x0], $0xffff  }
0x160: {  	v9 =	vor.u32 s17, v30;
	[tilespmem:v12+s11+$0x0] =	vst.idx.msk $0xffff, v11;
	v7 =	vor.u32 $0x25, v0;
	v8 =	vld.idx.msk [tilespmem:v10+s3+$0x0], $0xffff  }
0x161: {  	v12 =	vor.u32 s18, v30;
	v10 =	vor.u32 $0x25, v5;
	v11 =	vld.idx.msk [tilespmem:v13+s3+$0x0], $0xffff  }
0x162: {  	[tilespmem:v15+s11+$0x0] =	vst.idx.msk $0xffff, v14;
	v13 =	vor.u32 $0x25, v4  }
0x163: {  	v15 =	vor.u32 s14, v30;
	v14 =	vld.idx.msk [tilespmem:v63+s3+$0x0], $0xffff  }
0x164: {  	v63 =	vor.u32 $0x25, v3;
	[tilespmem:v6+s11+$0x0] =	vst.idx.msk $0xffff, v2  }
0x165: {  	v6 =	vor.u32 s16, v31;
	[tilespmem:v9+s11+$0x0] =	vst.idx.msk $0xffff, v8;
	v2 =	vld.idx.msk [tilespmem:v7+s3+$0x0], $0xffff  }
0x166: {  	v9 =	vor.u32 s17, v31;
	[tilespmem:v12+s11+$0x0] =	vst.idx.msk $0xffff, v11;
	v7 =	vor.u32 $0x26, v0;
	v8 =	vld.idx.msk [tilespmem:v10+s3+$0x0], $0xffff  }
0x167: {  	v12 =	vor.u32 s18, v31;
	v10 =	vor.u32 $0x26, v5;
	v11 =	vld.idx.msk [tilespmem:v13+s3+$0x0], $0xffff  }
0x168: {  	[tilespmem:v15+s11+$0x0] =	vst.idx.msk $0xffff, v14;
	v13 =	vor.u32 $0x26, v4  }
0x169: {  	v15 =	vor.u32 s14, v31;
	v14 =	vld.idx.msk [tilespmem:v63+s3+$0x0], $0xffff  }
0x16a: {  	v63 =	vor.u32 $0x26, v3;
	[tilespmem:v6+s11+$0x0] =	vst.idx.msk $0xffff, v2  }
0x16b: {  	v6 =	vor.u32 s16, v32;
	[tilespmem:v9+s11+$0x0] =	vst.idx.msk $0xffff, v8;
	v2 =	vld.idx.msk [tilespmem:v7+s3+$0x0], $0xffff  }
0x16c: {  	v9 =	vor.u32 s17, v32;
	[tilespmem:v12+s11+$0x0] =	vst.idx.msk $0xffff, v11;
	v7 =	vor.u32 $0x27, v0;
	v8 =	vld.idx.msk [tilespmem:v10+s3+$0x0], $0xffff  }
0x16d: {  	v12 =	vor.u32 s18, v32;
	v10 =	vor.u32 $0x27, v5;
	v11 =	vld.idx.msk [tilespmem:v13+s3+$0x0], $0xffff  }
0x16e: {  	[tilespmem:v15+s11+$0x0] =	vst.idx.msk $0xffff, v14;
	v13 =	vor.u32 $0x27, v4  }
0x16f: {  	v15 =	vor.u32 s14, v32;
	v14 =	vld.idx.msk [tilespmem:v63+s3+$0x0], $0xffff  }
0x170: {  	v63 =	vor.u32 $0x27, v3;
	[tilespmem:v6+s11+$0x0] =	vst.idx.msk $0xffff, v2  }
0x171: {  	v6 =	vor.u32 s16, v33;
	[tilespmem:v9+s11+$0x0] =	vst.idx.msk $0xffff, v8;
	v2 =	vld.idx.msk [tilespmem:v7+s3+$0x0], $0xffff  }
0x172: {  	v9 =	vor.u32 s17, v33;
	[tilespmem:v12+s11+$0x0] =	vst.idx.msk $0xffff, v11;
	v7 =	vor.u32 $0x28, v0;
	v8 =	vld.idx.msk [tilespmem:v10+s3+$0x0], $0xffff  }
0x173: {  	v12 =	vor.u32 s18, v33;
	v10 =	vor.u32 $0x28, v5;
	v11 =	vld.idx.msk [tilespmem:v13+s3+$0x0], $0xffff  }
0x174: {  	[tilespmem:v15+s11+$0x0] =	vst.idx.msk $0xffff, v14;
	v13 =	vor.u32 $0x28, v4  }
0x175: {  	v15 =	vor.u32 s14, v33;
	v14 =	vld.idx.msk [tilespmem:v63+s3+$0x0], $0xffff  }
0x176: {  	v63 =	vor.u32 $0x28, v3;
	[tilespmem:v6+s11+$0x0] =	vst.idx.msk $0xffff, v2  }
0x177: {  	v6 =	vor.u32 s16, v34;
	[tilespmem:v9+s11+$0x0] =	vst.idx.msk $0xffff, v8;
	v2 =	vld.idx.msk [tilespmem:v7+s3+$0x0], $0xffff  }
0x178: {  	v9 =	vor.u32 s17, v34;
	[tilespmem:v12+s11+$0x0] =	vst.idx.msk $0xffff, v11;
	v7 =	vor.u32 $0x29, v0;
	v8 =	vld.idx.msk [tilespmem:v10+s3+$0x0], $0xffff  }
0x179: {  	v12 =	vor.u32 s18, v34;
	v10 =	vor.u32 $0x29, v5;
	v11 =	vld.idx.msk [tilespmem:v13+s3+$0x0], $0xffff  }
0x17a: {  	[tilespmem:v15+s11+$0x0] =	vst.idx.msk $0xffff, v14;
	v13 =	vor.u32 $0x29, v4  }
0x17b: {  	v15 =	vor.u32 s14, v34;
	v14 =	vld.idx.msk [tilespmem:v63+s3+$0x0], $0xffff  }
0x17c: {  	v63 =	vor.u32 $0x29, v3;
	[tilespmem:v6+s11+$0x0] =	vst.idx.msk $0xffff, v2  }
0x17d: {  	v6 =	vor.u32 s16, v35;
	[tilespmem:v9+s11+$0x0] =	vst.idx.msk $0xffff, v8;
	v2 =	vld.idx.msk [tilespmem:v7+s3+$0x0], $0xffff  }
0x17e: {  	v9 =	vor.u32 s17, v35;
	[tilespmem:v12+s11+$0x0] =	vst.idx.msk $0xffff, v11;
	v7 =	vor.u32 $0x2A, v0;
	v8 =	vld.idx.msk [tilespmem:v10+s3+$0x0], $0xffff  }
0x17f: {  	v12 =	vor.u32 s18, v35;
	v10 =	vor.u32 $0x2A, v5;
	v11 =	vld.idx.msk [tilespmem:v13+s3+$0x0], $0xffff  }
0x180: {  	[tilespmem:v15+s11+$0x0] =	vst.idx.msk $0xffff, v14;
	v13 =	vor.u32 $0x2A, v4  }
0x181: {  	v15 =	vor.u32 s14, v35;
	v14 =	vld.idx.msk [tilespmem:v63+s3+$0x0], $0xffff  }
0x182: {  	v63 =	vor.u32 $0x2A, v3;
	[tilespmem:v6+s11+$0x0] =	vst.idx.msk $0xffff, v2  }
0x183: {  	v6 =	vor.u32 s16, v36;
	[tilespmem:v9+s11+$0x0] =	vst.idx.msk $0xffff, v8;
	v2 =	vld.idx.msk [tilespmem:v7+s3+$0x0], $0xffff  }
0x184: {  	v9 =	vor.u32 s17, v36;
	[tilespmem:v12+s11+$0x0] =	vst.idx.msk $0xffff, v11;
	v7 =	vor.u32 $0x2B, v0;
	v8 =	vld.idx.msk [tilespmem:v10+s3+$0x0], $0xffff  }
0x185: {  	v12 =	vor.u32 s18, v36;
	v10 =	vor.u32 $0x2B, v5;
	v11 =	vld.idx.msk [tilespmem:v13+s3+$0x0], $0xffff  }
0x186: {  	[tilespmem:v15+s11+$0x0] =	vst.idx.msk $0xffff, v14;
	v13 =	vor.u32 $0x2B, v4  }
0x187: {  	v15 =	vor.u32 s14, v36;
	v14 =	vld.idx.msk [tilespmem:v63+s3+$0x0], $0xffff  }
0x188: {  	v63 =	vor.u32 $0x2B, v3;
	[tilespmem:v6+s11+$0x0] =	vst.idx.msk $0xffff, v2  }
0x189: {  	v6 =	vor.u32 s16, v37;
	[tilespmem:v9+s11+$0x0] =	vst.idx.msk $0xffff, v8;
	v2 =	vld.idx.msk [tilespmem:v7+s3+$0x0], $0xffff  }
0x18a: {  	v9 =	vor.u32 s17, v37;
	[tilespmem:v12+s11+$0x0] =	vst.idx.msk $0xffff, v11;
	v7 =	vor.u32 $0x2C, v0;
	v8 =	vld.idx.msk [tilespmem:v10+s3+$0x0], $0xffff  }
0x18b: {  	v12 =	vor.u32 s18, v37;
	v10 =	vor.u32 $0x2C, v5;
	v11 =	vld.idx.msk [tilespmem:v13+s3+$0x0], $0xffff  }
0x18c: {  	[tilespmem:v15+s11+$0x0] =	vst.idx.msk $0xffff, v14;
	v13 =	vor.u32 $0x2C, v4  }
0x18d: {  	v15 =	vor.u32 s14, v37;
	v14 =	vld.idx.msk [tilespmem:v63+s3+$0x0], $0xffff  }
0x18e: {  	v63 =	vor.u32 $0x2C, v3;
	[tilespmem:v6+s11+$0x0] =	vst.idx.msk $0xffff, v2  }
0x18f: {  	v6 =	vor.u32 s16, v38;
	[tilespmem:v9+s11+$0x0] =	vst.idx.msk $0xffff, v8;
	v2 =	vld.idx.msk [tilespmem:v7+s3+$0x0], $0xffff  }
0x190: {  	v9 =	vor.u32 s17, v38;
	[tilespmem:v12+s11+$0x0] =	vst.idx.msk $0xffff, v11;
	v7 =	vor.u32 $0x2D, v0;
	v8 =	vld.idx.msk [tilespmem:v10+s3+$0x0], $0xffff  }
0x191: {  	v12 =	vor.u32 s18, v38;
	v10 =	vor.u32 $0x2D, v5;
	v11 =	vld.idx.msk [tilespmem:v13+s3+$0x0], $0xffff  }
0x192: {  	[tilespmem:v15+s11+$0x0] =	vst.idx.msk $0xffff, v14;
	v13 =	vor.u32 $0x2D, v4  }
0x193: {  	v15 =	vor.u32 s14, v38;
	v14 =	vld.idx.msk [tilespmem:v63+s3+$0x0], $0xffff  }
0x194: {  	v63 =	vor.u32 $0x2D, v3;
	[tilespmem:v6+s11+$0x0] =	vst.idx.msk $0xffff, v2  }
0x195: {  	v6 =	vor.u32 s16, v39;
	[tilespmem:v9+s11+$0x0] =	vst.idx.msk $0xffff, v8;
	v2 =	vld.idx.msk [tilespmem:v7+s3+$0x0], $0xffff  }
0x196: {  	v9 =	vor.u32 s17, v39;
	[tilespmem:v12+s11+$0x0] =	vst.idx.msk $0xffff, v11;
	v7 =	vor.u32 $0x2E, v0;
	v8 =	vld.idx.msk [tilespmem:v10+s3+$0x0], $0xffff  }
0x197: {  	v12 =	vor.u32 s18, v39;
	v10 =	vor.u32 $0x2E, v5;
	v11 =	vld.idx.msk [tilespmem:v13+s3+$0x0], $0xffff  }
0x198: {  	[tilespmem:v15+s11+$0x0] =	vst.idx.msk $0xffff, v14;
	v13 =	vor.u32 $0x2E, v4  }
0x199: {  	v15 =	vor.u32 s14, v39;
	v14 =	vld.idx.msk [tilespmem:v63+s3+$0x0], $0xffff  }
0x19a: {  	v63 =	vor.u32 $0x2E, v3;
	[tilespmem:v6+s11+$0x0] =	vst.idx.msk $0xffff, v2  }
0x19b: {  	v6 =	vor.u32 s16, v40;
	[tilespmem:v9+s11+$0x0] =	vst.idx.msk $0xffff, v8;
	v2 =	vld.idx.msk [tilespmem:v7+s3+$0x0], $0xffff  }
0x19c: {  	v9 =	vor.u32 s17, v40;
	[tilespmem:v12+s11+$0x0] =	vst.idx.msk $0xffff, v11;
	v7 =	vor.u32 $0x2F, v0;
	v8 =	vld.idx.msk [tilespmem:v10+s3+$0x0], $0xffff  }
0x19d: {  	v12 =	vor.u32 s18, v40;
	v10 =	vor.u32 $0x2F, v5;
	v11 =	vld.idx.msk [tilespmem:v13+s3+$0x0], $0xffff  }
0x19e: {  	[tilespmem:v15+s11+$0x0] =	vst.idx.msk $0xffff, v14;
	v13 =	vor.u32 $0x2F, v4  }
0x19f: {  	v15 =	vor.u32 s14, v40;
	v14 =	vld.idx.msk [tilespmem:v63+s3+$0x0], $0xffff  }
0x1a0: {  	v63 =	vor.u32 $0x2F, v3;
	[tilespmem:v6+s11+$0x0] =	vst.idx.msk $0xffff, v2  }
0x1a1: {  	v6 =	vor.u32 s16, v41;
	[tilespmem:v9+s11+$0x0] =	vst.idx.msk $0xffff, v8;
	v2 =	vld.idx.msk [tilespmem:v7+s3+$0x0], $0xffff  }
0x1a2: {  	v9 =	vor.u32 s17, v41;
	[tilespmem:v12+s11+$0x0] =	vst.idx.msk $0xffff, v11;
	v7 =	vor.u32 $0x30, v0;
	v8 =	vld.idx.msk [tilespmem:v10+s3+$0x0], $0xffff  }
0x1a3: {  	v12 =	vor.u32 s18, v41;
	v10 =	vor.u32 $0x30, v5;
	v11 =	vld.idx.msk [tilespmem:v13+s3+$0x0], $0xffff  }
0x1a4: {  	[tilespmem:v15+s11+$0x0] =	vst.idx.msk $0xffff, v14;
	v13 =	vor.u32 $0x30, v4  }
0x1a5: {  	v15 =	vor.u32 s14, v41;
	v14 =	vld.idx.msk [tilespmem:v63+s3+$0x0], $0xffff  }
0x1a6: {  	v63 =	vor.u32 $0x30, v3;
	[tilespmem:v6+s11+$0x0] =	vst.idx.msk $0xffff, v2  }
0x1a7: {  	v6 =	vor.u32 s16, v20;
	[tilespmem:v9+s11+$0x0] =	vst.idx.msk $0xffff, v8;
	v2 =	vld.idx.msk [tilespmem:v7+s3+$0x0], $0xffff  }
0x1a8: {  	v9 =	vor.u32 s17, v20;
	[tilespmem:v12+s11+$0x0] =	vst.idx.msk $0xffff, v11;
	v7 =	vor.u32 $0x31, v0;
	v8 =	vld.idx.msk [tilespmem:v10+s3+$0x0], $0xffff  }
0x1a9: {  	v12 =	vor.u32 s18, v20;
	v10 =	vor.u32 $0x31, v5;
	v11 =	vld.idx.msk [tilespmem:v13+s3+$0x0], $0xffff  }
0x1aa: {  	[tilespmem:v15+s11+$0x0] =	vst.idx.msk $0xffff, v14;
	v13 =	vor.u32 $0x31, v4  }
0x1ab: {  	v15 =	vor.u32 s14, v20;
	v14 =	vld.idx.msk [tilespmem:v63+s3+$0x0], $0xffff  }
0x1ac: {  	v19 =	vld [tilespmem:$0x1FF00];
	v63 =	vor.u32 $0x31, v3;
	[tilespmem:v6+s11+$0x0] =	vst.idx.msk $0xffff, v2  }
0x1ad: {  	v6 =	vor.u32 s16, v21;
	[tilespmem:v9+s11+$0x0] =	vst.idx.msk $0xffff, v8;
	v2 =	vld.idx.msk [tilespmem:v7+s3+$0x0], $0xffff  }
0x1ae: {  	v9 =	vor.u32 s17, v21;
	[tilespmem:v12+s11+$0x0] =	vst.idx.msk $0xffff, v11;
	v7 =	vor.u32 $0x32, v0;
	v8 =	vld.idx.msk [tilespmem:v10+s3+$0x0], $0xffff  }
0x1af: {  	v12 =	vor.u32 s18, v21;
	v10 =	vor.u32 $0x32, v5;
	v11 =	vld.idx.msk [tilespmem:v13+s3+$0x0], $0xffff  }
0x1b0: {  	[tilespmem:v15+s11+$0x0] =	vst.idx.msk $0xffff, v14;
	v13 =	vor.u32 $0x32, v4  }
0x1b1: {  	v15 =	vor.u32 s14, v21;
	v14 =	vld.idx.msk [tilespmem:v63+s3+$0x0], $0xffff  }
0x1b2: {  	v16 =	vld [tilespmem:$0x1FF10];
	v63 =	vor.u32 $0x32, v3;
	[tilespmem:v6+s11+$0x0] =	vst.idx.msk $0xffff, v2  }
0x1b3: {  	v6 =	vor.u32 s16, v19;
	[tilespmem:v9+s11+$0x0] =	vst.idx.msk $0xffff, v8;
	v2 =	vld.idx.msk [tilespmem:v7+s3+$0x0], $0xffff  }
0x1b4: {  	v9 =	vor.u32 s17, v19;
	[tilespmem:v12+s11+$0x0] =	vst.idx.msk $0xffff, v11;
	v7 =	vor.u32 $0x33, v0;
	v8 =	vld.idx.msk [tilespmem:v10+s3+$0x0], $0xffff  }
0x1b5: {  	v12 =	vor.u32 s18, v19;
	v10 =	vor.u32 $0x33, v5;
	v11 =	vld.idx.msk [tilespmem:v13+s3+$0x0], $0xffff  }
0x1b6: {  	[tilespmem:v15+s11+$0x0] =	vst.idx.msk $0xffff, v14;
	v13 =	vor.u32 $0x33, v4  }
0x1b7: {  	v15 =	vor.u32 s14, v19;
	v14 =	vld.idx.msk [tilespmem:v63+s3+$0x0], $0xffff  }
0x1b8: {  	[tilespmem:v6+s11+$0x0] =	vst.idx.msk $0xffff, v2  }
0x1b9: {  	v63 =	vor.u32 $0x33, v3;
	[tilespmem:v9+s11+$0x0] =	vst.idx.msk $0xffff, v8;
	v2 =	vld.idx.msk [tilespmem:v7+s3+$0x0], $0xffff  }
0x1ba: {  	v6 =	vor.u32 s16, v16;
	[tilespmem:v12+s11+$0x0] =	vst.idx.msk $0xffff, v11;
	v8 =	vld.idx.msk [tilespmem:v10+s3+$0x0], $0xffff  }
0x1bb: {  	v9 =	vor.u32 s17, v16;
	v7 =	vor.u32 $0x34, v0;
	v11 =	vld.idx.msk [tilespmem:v13+s3+$0x0], $0xffff  }
0x1bc: {  	v12 =	vor.u32 s18, v16;
	v10 =	vor.u32 $0x34, v5;
	[tilespmem:v15+s11+$0x0] =	vst.idx.msk $0xffff, v14;
	v15 =	vor.u32 s14, v16;
	v16 =	vld [tilespmem:$0x1FF20]  }
0x1bd: {  	v13 =	vor.u32 $0x34, v4  }
0x1be: {  	v14 =	vld.idx.msk [tilespmem:v63+s3+$0x0], $0xffff  }
0x1bf: {  	[tilespmem:v6+s11+$0x0] =	vst.idx.msk $0xffff, v2  }
0x1c0: {  	v63 =	vor.u32 $0x34, v3;
	[tilespmem:v9+s11+$0x0] =	vst.idx.msk $0xffff, v8;
	v2 =	vld.idx.msk [tilespmem:v7+s3+$0x0], $0xffff  }
0x1c1: {  	v6 =	vor.u32 s16, v16;
	[tilespmem:v12+s11+$0x0] =	vst.idx.msk $0xffff, v11;
	v8 =	vld.idx.msk [tilespmem:v10+s3+$0x0], $0xffff  }
0x1c2: {  	v9 =	vor.u32 s17, v16;
	v7 =	vor.u32 $0x35, v0;
	v11 =	vld.idx.msk [tilespmem:v13+s3+$0x0], $0xffff  }
0x1c3: {  	v12 =	vor.u32 s18, v16;
	v10 =	vor.u32 $0x35, v5;
	[tilespmem:v15+s11+$0x0] =	vst.idx.msk $0xffff, v14;
	v15 =	vor.u32 s14, v16;
	v16 =	vld [tilespmem:$0x1FF30]  }
0x1c4: {  	v13 =	vor.u32 $0x35, v4  }
0x1c5: {  	v14 =	vld.idx.msk [tilespmem:v63+s3+$0x0], $0xffff  }
0x1c6: {  	[tilespmem:v6+s11+$0x0] =	vst.idx.msk $0xffff, v2  }
0x1c7: {  	v63 =	vor.u32 $0x35, v3;
	[tilespmem:v9+s11+$0x0] =	vst.idx.msk $0xffff, v8;
	v2 =	vld.idx.msk [tilespmem:v7+s3+$0x0], $0xffff  }
0x1c8: {  	v6 =	vor.u32 s16, v16;
	[tilespmem:v12+s11+$0x0] =	vst.idx.msk $0xffff, v11;
	v8 =	vld.idx.msk [tilespmem:v10+s3+$0x0], $0xffff  }
0x1c9: {  	v9 =	vor.u32 s17, v16;
	v7 =	vor.u32 $0x36, v0;
	v11 =	vld.idx.msk [tilespmem:v13+s3+$0x0], $0xffff  }
0x1ca: {  	v12 =	vor.u32 s18, v16;
	v10 =	vor.u32 $0x36, v5;
	[tilespmem:v15+s11+$0x0] =	vst.idx.msk $0xffff, v14;
	v15 =	vor.u32 s14, v16;
	v16 =	vld [tilespmem:$0x1FF40]  }
0x1cb: {  	v13 =	vor.u32 $0x36, v4  }
0x1cc: {  	v14 =	vld.idx.msk [tilespmem:v63+s3+$0x0], $0xffff  }
0x1cd: {  	[tilespmem:v6+s11+$0x0] =	vst.idx.msk $0xffff, v2  }
0x1ce: {  	v63 =	vor.u32 $0x36, v3;
	[tilespmem:v9+s11+$0x0] =	vst.idx.msk $0xffff, v8;
	v2 =	vld.idx.msk [tilespmem:v7+s3+$0x0], $0xffff  }
0x1cf: {  	v6 =	vor.u32 s16, v16;
	[tilespmem:v12+s11+$0x0] =	vst.idx.msk $0xffff, v11;
	v8 =	vld.idx.msk [tilespmem:v10+s3+$0x0], $0xffff  }
0x1d0: {  	v9 =	vor.u32 s17, v16;
	v7 =	vor.u32 $0x37, v0;
	v11 =	vld.idx.msk [tilespmem:v13+s3+$0x0], $0xffff  }
0x1d1: {  	v12 =	vor.u32 s18, v16;
	v10 =	vor.u32 $0x37, v5;
	[tilespmem:v15+s11+$0x0] =	vst.idx.msk $0xffff, v14;
	v15 =	vor.u32 s14, v16;
	v16 =	vld [tilespmem:$0x1FF50]  }
0x1d2: {  	v13 =	vor.u32 $0x37, v4  }
0x1d3: {  	v14 =	vld.idx.msk [tilespmem:v63+s3+$0x0], $0xffff  }
0x1d4: {  	[tilespmem:v6+s11+$0x0] =	vst.idx.msk $0xffff, v2  }
0x1d5: {  	v63 =	vor.u32 $0x37, v3;
	[tilespmem:v9+s11+$0x0] =	vst.idx.msk $0xffff, v8;
	v2 =	vld.idx.msk [tilespmem:v7+s3+$0x0], $0xffff  }
0x1d6: {  	v6 =	vor.u32 s16, v16;
	[tilespmem:v12+s11+$0x0] =	vst.idx.msk $0xffff, v11;
	v8 =	vld.idx.msk [tilespmem:v10+s3+$0x0], $0xffff  }
0x1d7: {  	v9 =	vor.u32 s17, v16;
	v7 =	vor.u32 $0x38, v0;
	v11 =	vld.idx.msk [tilespmem:v13+s3+$0x0], $0xffff  }
0x1d8: {  	v12 =	vor.u32 s18, v16;
	v10 =	vor.u32 $0x38, v5;
	[tilespmem:v15+s11+$0x0] =	vst.idx.msk $0xffff, v14;
	v15 =	vor.u32 s14, v16;
	v16 =	vld [tilespmem:$0x1FF60]  }
0x1d9: {  	v13 =	vor.u32 $0x38, v4  }
0x1da: {  	v14 =	vld.idx.msk [tilespmem:v63+s3+$0x0], $0xffff  }
0x1db: {  	[tilespmem:v6+s11+$0x0] =	vst.idx.msk $0xffff, v2  }
0x1dc: {  	v63 =	vor.u32 $0x38, v3;
	[tilespmem:v9+s11+$0x0] =	vst.idx.msk $0xffff, v8;
	v2 =	vld.idx.msk [tilespmem:v7+s3+$0x0], $0xffff  }
0x1dd: {  	v6 =	vor.u32 s16, v16;
	[tilespmem:v12+s11+$0x0] =	vst.idx.msk $0xffff, v11;
	v8 =	vld.idx.msk [tilespmem:v10+s3+$0x0], $0xffff  }
0x1de: {  	v9 =	vor.u32 s17, v16;
	v7 =	vor.u32 $0x39, v0;
	v11 =	vld.idx.msk [tilespmem:v13+s3+$0x0], $0xffff  }
0x1df: {  	v12 =	vor.u32 s18, v16;
	v10 =	vor.u32 $0x39, v5;
	[tilespmem:v15+s11+$0x0] =	vst.idx.msk $0xffff, v14;
	v15 =	vor.u32 s14, v16;
	v16 =	vld [tilespmem:$0x1FF70]  }
0x1e0: {  	v13 =	vor.u32 $0x39, v4  }
0x1e1: {  	v14 =	vld.idx.msk [tilespmem:v63+s3+$0x0], $0xffff  }
0x1e2: {  	[tilespmem:v6+s11+$0x0] =	vst.idx.msk $0xffff, v2  }
0x1e3: {  	v63 =	vor.u32 $0x39, v3;
	[tilespmem:v9+s11+$0x0] =	vst.idx.msk $0xffff, v8;
	v2 =	vld.idx.msk [tilespmem:v7+s3+$0x0], $0xffff  }
0x1e4: {  	v6 =	vor.u32 s16, v16;
	[tilespmem:v12+s11+$0x0] =	vst.idx.msk $0xffff, v11;
	v8 =	vld.idx.msk [tilespmem:v10+s3+$0x0], $0xffff  }
0x1e5: {  	v9 =	vor.u32 s17, v16;
	v7 =	vor.u32 $0x3A, v0;
	v11 =	vld.idx.msk [tilespmem:v13+s3+$0x0], $0xffff  }
0x1e6: {  	v12 =	vor.u32 s18, v16;
	v10 =	vor.u32 $0x3A, v5;
	[tilespmem:v15+s11+$0x0] =	vst.idx.msk $0xffff, v14;
	v15 =	vor.u32 s14, v16;
	v16 =	vld [tilespmem:$0x1FF80]  }
0x1e7: {  	v13 =	vor.u32 $0x3A, v4  }
0x1e8: {  	v14 =	vld.idx.msk [tilespmem:v63+s3+$0x0], $0xffff  }
0x1e9: {  	v63 =	vor.u32 $0x3A, v3;
	[tilespmem:v6+s11+$0x0] =	vst.idx.msk $0xffff, v2  }
0x1ea: {  	[tilespmem:v9+s11+$0x0] =	vst.idx.msk $0xffff, v8;
	v2 =	vld.idx.msk [tilespmem:v7+s3+$0x0], $0xffff  }
0x1eb: {  	v6 =	vor.u32 s16, v16;
	[tilespmem:v12+s11+$0x0] =	vst.idx.msk $0xffff, v11;
	v8 =	vld.idx.msk [tilespmem:v10+s3+$0x0], $0xffff  }
0x1ec: {  	v9 =	vor.u32 s17, v16;
	v7 =	vor.u32 $0x3B, v0;
	v11 =	vld.idx.msk [tilespmem:v13+s3+$0x0], $0xffff  }
0x1ed: {  	v12 =	vor.u32 s18, v16;
	v10 =	vor.u32 $0x3B, v5;
	[tilespmem:v15+s11+$0x0] =	vst.idx.msk $0xffff, v14;
	v15 =	vor.u32 s14, v16;
	v16 =	vld [tilespmem:$0x1FF90]  }
0x1ee: {  	v14 =	vld.idx.msk [tilespmem:v63+s3+$0x0], $0xffff  }
0x1ef: {  	v13 =	vor.u32 $0x3B, v4  }
0x1f0: {  	v63 =	vor.u32 $0x3B, v3;
	[tilespmem:v6+s11+$0x0] =	vst.idx.msk $0xffff, v2  }
0x1f1: {  	[tilespmem:v9+s11+$0x0] =	vst.idx.msk $0xffff, v8;
	v2 =	vld.idx.msk [tilespmem:v7+s3+$0x0], $0xffff  }
0x1f2: {  	v6 =	vor.u32 s16, v16;
	v9 =	vor.u32 s17, v16;
	[tilespmem:v12+s11+$0x0] =	vst.idx.msk $0xffff, v11;
	v8 =	vld.idx.msk [tilespmem:v10+s3+$0x0], $0xffff  }
0x1f3: {  	v12 =	vor.u32 s18, v16;
	v7 =	vor.u32 $0x3C, v0;
	[tilespmem:v15+s11+$0x0] =	vst.idx.msk $0xffff, v14;
	v15 =	vor.u32 s14, v16;
	v16 =	vld [tilespmem:$0x1FFA0]  }
0x1f4: {  	v10 =	vor.u32 $0x3C, v5;
	v11 =	vld.idx.msk [tilespmem:v13+s3+$0x0], $0xffff  }
0x1f5: {  	v13 =	vor.u32 $0x3C, v4;
	v14 =	vld.idx.msk [tilespmem:v63+s3+$0x0], $0xffff  }
0x1f6: {  	v63 =	vor.u32 $0x3C, v3  }
0x1f7: {  	[tilespmem:v6+s11+$0x0] =	vst.idx.msk $0xffff, v2  }
0x1f8: {  	v6 =	vor.u32 s16, v16;
	[tilespmem:v9+s11+$0x0] =	vst.idx.msk $0xffff, v8;
	v2 =	vld.idx.msk [tilespmem:v7+s3+$0x0], $0xffff  }
0x1f9: {  	v9 =	vor.u32 s17, v16;
	[tilespmem:v12+s11+$0x0] =	vst.idx.msk $0xffff, v11;
	v7 =	vor.u32 $0x3D, v0;
	v8 =	vld.idx.msk [tilespmem:v10+s3+$0x0], $0xffff  }
0x1fa: {  	v12 =	vor.u32 s18, v16;
	v10 =	vor.u32 $0x3D, v5;
	v11 =	vld.idx.msk [tilespmem:v13+s3+$0x0], $0xffff;
	[tilespmem:v15+s11+$0x0] =	vst.idx.msk $0xffff, v14  }
0x1fb: {  	v13 =	vor.u32 $0x3D, v4;
	v15 =	vor.u32 s14, v16;
	v14 =	vld.idx.msk [tilespmem:v63+s3+$0x0], $0xffff  }
0x1fc: {  	v16 =	vor.u32 $0x3D, v3  }
0x1fd: {  	v63 =	vor.u32 $0x3D, v1;
	[tilespmem:v6+s11+$0x0] =	vst.idx.msk $0xffff, v2  }
0x1fe: {  	v6 =	vor.u32 s16, v63;
	[tilespmem:v9+s11+$0x0] =	vst.idx.msk $0xffff, v8;
	v2 =	vld.idx.msk [tilespmem:v7+s3+$0x0], $0xffff  }
0x1ff: {  	v9 =	vor.u32 s17, v63;
	[tilespmem:v12+s11+$0x0] =	vst.idx.msk $0xffff, v11;
	v7 =	vor.u32 $0x3E, v0;
	v8 =	vld.idx.msk [tilespmem:v10+s3+$0x0], $0xffff  }
0x200: {  	v12 =	vor.u32 s18, v63;
	v10 =	vor.u32 $0x3E, v5;
	v11 =	vld.idx.msk [tilespmem:v13+s3+$0x0], $0xffff;
	[tilespmem:v15+s11+$0x0] =	vst.idx.msk $0xffff, v14  }
0x201: {  	v13 =	vor.u32 $0x3E, v4;
	v15 =	vor.u32 s14, v63;
	v14 =	vld.idx.msk [tilespmem:v16+s3+$0x0], $0xffff  }
0x202: {  	v16 =	vor.u32 $0x3E, v3  }
0x203: {  	[tilespmem:v6+s11+$0x0] =	vst.idx.msk $0xffff, v2;
	v2 =	vor.u32 $0x3E, v1  }
0x204: {  	[tilespmem:v9+s11+$0x0] =	vst.idx.msk $0xffff, v8;
	v6 =	vld.idx.msk [tilespmem:v7+s3+$0x0], $0xffff;
	v7 =	vor.u32 s16, v2  }
0x205: {  	[tilespmem:v12+s11+$0x0] =	vst.idx.msk $0xffff, v11;
	v8 =	vor.u32 $0x3F, v0;
	v9 =	vld.idx.msk [tilespmem:v10+s3+$0x0], $0xffff;
	v10 =	vor.u32 s17, v2  }
0x206: {  	v5 =	vor.u32 $0x3F, v5;
	v11 =	vld.idx.msk [tilespmem:v13+s3+$0x0], $0xffff;
	[tilespmem:v15+s11+$0x0] =	vst.idx.msk $0xffff, v14;
	v12 =	vor.u32 s18, v2  }
0x207: {  	v4 =	vor.u32 $0x3F, v4;
	v14 =	vor.u32 s14, v2;
	v13 =	vld.idx.msk [tilespmem:v16+s3+$0x0], $0xffff  }
0x208: {  	v3 =	vor.u32 $0x3F, v3  }
0x209: {  	v0 =	vor.u32 $0x3F, v1;
	[tilespmem:v7+s11+$0x0] =	vst.idx.msk $0xffff, v6  }
0x20a: {  	[tilespmem:v10+s11+$0x0] =	vst.idx.msk $0xffff, v9;
	v6 =	vor.u32 s16, v0;
	v7 =	vld.idx.msk [tilespmem:v8+s3+$0x0], $0xffff  }
0x20b: {  	[tilespmem:v12+s11+$0x0] =	vst.idx.msk $0xffff, v11;
	v8 =	vor.u32 s17, v0;
	v5 =	vld.idx.msk [tilespmem:v5+s3+$0x0], $0xffff  }
0x20c: {  	s13 =	sadd.s32 $0x4, s13;
	v9 =	vor.u32 s18, v0;
	v4 =	vld.idx.msk [tilespmem:v4+s3+$0x0], $0xffff;
	[tilespmem:v14+s11+$0x0] =	vst.idx.msk $0xffff, v13  }
0x20d: {  	p0 =	slt.u32 s13, $0x2C;
	v10 =	vor.u32 s14, v0;
	v3 =	vld.idx.msk [tilespmem:v3+s3+$0x0], $0xffff  }
.Ltmp0:
0x20e: {  	_ = 	snop;
	(pc) =	sbr.rel @p0 .LBB2_2-.Ltmp0, $4  }
0x20f: {  	[tilespmem:v6+s11+$0x0] =	vst.idx.msk $0xffff, v7  }
0x210: {  	v16 =	vld [tilespmem:$0x1FFF0];
	[tilespmem:v8+s11+$0x0] =	vst.idx.msk $0xffff, v5  }
0x211: {  	v14 =	vld [tilespmem:$0x1FFE0];
	[tilespmem:v9+s11+$0x0] =	vst.idx.msk $0xffff, v4  }
0x212: {  	s15 =	sadd.s32 $0x40, s15;
	v15 =	vmovc v22;
	s14 =	sadd.s32 $0x1000, s14;
	v13 =	vld [tilespmem:$0x1FFD0];
	v7 =	vmov v23;
	v8 =	vmov v24;
	v9 =	vmov v25;
	[tilespmem:v10+s11+$0x0] =	vst.idx.msk $0xffff, v3  }
0x213: {  	v3 =	vld [tilespmem:$0x8300];
	_ =	sdelay $0x4  }
0x214: {  	v3 =	vshll.u32 v3, $0x6;
	_ =	sdelay $0x4  }
0x215: {  	v6 =	vor.u32 $0xC000, v1;
	v4 =	vld.idx.msk [tilespmem:v3+s3+$0x0], $0xffff  }
0x216: {  	v5 =	vor.u32 $0x1, v3;
	_ =	sdelay $0x3  }
0x217: {  	[tilespmem:v6+s11+$0x0] =	vst.idx.msk $0xffff, v4  }
0x218: {  	[tilespmem:$0x1F830] =	vst v6;
	v6 =	vor.u32 $0xC001, v1;
	v4 =	vld.idx.msk [tilespmem:v5+s3+$0x0], $0xffff  }
0x219: {  	v5 =	vor.u32 $0x2, v3;
	_ =	sdelay $0x3  }
0x21a: {  	[tilespmem:v6+s11+$0x0] =	vst.idx.msk $0xffff, v4  }
0x21b: {  	[tilespmem:$0x1F840] =	vst v6;
	v6 =	vor.u32 $0xC002, v1;
	v4 =	vld.idx.msk [tilespmem:v5+s3+$0x0], $0xffff  }
0x21c: {  	v5 =	vor.u32 $0x3, v3;
	_ =	sdelay $0x3  }
0x21d: {  	[tilespmem:v6+s11+$0x0] =	vst.idx.msk $0xffff, v4  }
0x21e: {  	[tilespmem:$0x1F850] =	vst v6;
	v6 =	vor.u32 $0xC003, v1;
	v4 =	vld.idx.msk [tilespmem:v5+s3+$0x0], $0xffff  }
0x21f: {  	v5 =	vor.u32 $0x4, v3;
	_ =	sdelay $0x3  }
0x220: {  	[tilespmem:v6+s11+$0x0] =	vst.idx.msk $0xffff, v4  }
0x221: {  	[tilespmem:$0x1F860] =	vst v6;
	v6 =	vor.u32 $0xC004, v1;
	v4 =	vld.idx.msk [tilespmem:v5+s3+$0x0], $0xffff  }
0x222: {  	v5 =	vor.u32 $0x5, v3;
	_ =	sdelay $0x3  }
0x223: {  	[tilespmem:v6+s11+$0x0] =	vst.idx.msk $0xffff, v4  }
0x224: {  	[tilespmem:$0x1F870] =	vst v6;
	v6 =	vor.u32 $0xC005, v1;
	v4 =	vld.idx.msk [tilespmem:v5+s3+$0x0], $0xffff  }
0x225: {  	v5 =	vor.u32 $0x6, v3;
	_ =	sdelay $0x3  }
0x226: {  	[tilespmem:v6+s11+$0x0] =	vst.idx.msk $0xffff, v4  }
0x227: {  	[tilespmem:$0x1F880] =	vst v6;
	v6 =	vor.u32 $0xC006, v1;
	v4 =	vld.idx.msk [tilespmem:v5+s3+$0x0], $0xffff  }
0x228: {  	v5 =	vor.u32 $0x7, v3;
	_ =	sdelay $0x3  }
0x229: {  	[tilespmem:v6+s11+$0x0] =	vst.idx.msk $0xffff, v4  }
0x22a: {  	[tilespmem:$0x1F890] =	vst v6;
	v6 =	vor.u32 $0xC007, v1;
	v4 =	vld.idx.msk [tilespmem:v5+s3+$0x0], $0xffff  }
0x22b: {  	v5 =	vor.u32 $0x8, v3;
	_ =	sdelay $0x3  }
0x22c: {  	[tilespmem:v6+s11+$0x0] =	vst.idx.msk $0xffff, v4  }
0x22d: {  	[tilespmem:$0x1F8A0] =	vst v6;
	v6 =	vor.u32 $0xC008, v1;
	v4 =	vld.idx.msk [tilespmem:v5+s3+$0x0], $0xffff  }
0x22e: {  	v5 =	vor.u32 $0x9, v3;
	_ =	sdelay $0x3  }
0x22f: {  	[tilespmem:v6+s11+$0x0] =	vst.idx.msk $0xffff, v4  }
0x230: {  	[tilespmem:$0x1F8B0] =	vst v6;
	v6 =	vor.u32 $0xC009, v1;
	v4 =	vld.idx.msk [tilespmem:v5+s3+$0x0], $0xffff  }
0x231: {  	v5 =	vor.u32 $0xA, v3;
	_ =	sdelay $0x3  }
0x232: {  	[tilespmem:v6+s11+$0x0] =	vst.idx.msk $0xffff, v4  }
0x233: {  	[tilespmem:$0x1F8C0] =	vst v6;
	v6 =	vor.u32 $0xC00A, v1;
	v4 =	vld.idx.msk [tilespmem:v5+s3+$0x0], $0xffff  }
0x234: {  	v5 =	vor.u32 $0xB, v3;
	_ =	sdelay $0x3  }
0x235: {  	[tilespmem:v6+s11+$0x0] =	vst.idx.msk $0xffff, v4  }
0x236: {  	[tilespmem:$0x1F8D0] =	vst v6;
	v6 =	vor.u32 $0xC00B, v1;
	v4 =	vld.idx.msk [tilespmem:v5+s3+$0x0], $0xffff  }
0x237: {  	v5 =	vor.u32 $0xC, v3;
	_ =	sdelay $0x3  }
0x238: {  	[tilespmem:v6+s11+$0x0] =	vst.idx.msk $0xffff, v4  }
0x239: {  	[tilespmem:$0x1F8E0] =	vst v6;
	v6 =	vor.u32 $0xC00C, v1;
	v4 =	vld.idx.msk [tilespmem:v5+s3+$0x0], $0xffff  }
0x23a: {  	v5 =	vor.u32 $0xD, v3;
	_ =	sdelay $0x3  }
0x23b: {  	[tilespmem:v6+s11+$0x0] =	vst.idx.msk $0xffff, v4  }
0x23c: {  	[tilespmem:$0x1F8F0] =	vst v6;
	v6 =	vor.u32 $0xC00D, v1;
	v4 =	vld.idx.msk [tilespmem:v5+s3+$0x0], $0xffff  }
0x23d: {  	v5 =	vor.u32 $0xE, v3;
	_ =	sdelay $0x3  }
0x23e: {  	[tilespmem:v6+s11+$0x0] =	vst.idx.msk $0xffff, v4  }
0x23f: {  	[tilespmem:$0x1F900] =	vst v6;
	v6 =	vor.u32 $0xC00E, v1;
	v4 =	vld.idx.msk [tilespmem:v5+s3+$0x0], $0xffff  }
0x240: {  	v5 =	vor.u32 $0xF, v3;
	_ =	sdelay $0x3  }
0x241: {  	[tilespmem:v6+s11+$0x0] =	vst.idx.msk $0xffff, v4  }
0x242: {  	[tilespmem:$0x1F910] =	vst v6;
	v6 =	vor.u32 $0xC00F, v1;
	v4 =	vld.idx.msk [tilespmem:v5+s3+$0x0], $0xffff  }
0x243: {  	v5 =	vor.u32 $0x10, v3;
	_ =	sdelay $0x3  }
0x244: {  	[tilespmem:v6+s11+$0x0] =	vst.idx.msk $0xffff, v4  }
0x245: {  	[tilespmem:$0x1F920] =	vst v6;
	v6 =	vor.u32 $0xC010, v1;
	v4 =	vld.idx.msk [tilespmem:v5+s3+$0x0], $0xffff  }
0x246: {  	v5 =	vor.u32 $0x11, v3;
	_ =	sdelay $0x3  }
0x247: {  	[tilespmem:v6+s11+$0x0] =	vst.idx.msk $0xffff, v4  }
0x248: {  	[tilespmem:$0x1F930] =	vst v6;
	v6 =	vor.u32 $0xC011, v1;
	v4 =	vld.idx.msk [tilespmem:v5+s3+$0x0], $0xffff  }
0x249: {  	v5 =	vor.u32 $0x12, v3;
	_ =	sdelay $0x3  }
0x24a: {  	[tilespmem:v6+s11+$0x0] =	vst.idx.msk $0xffff, v4  }
0x24b: {  	[tilespmem:$0x1F940] =	vst v6;
	v6 =	vor.u32 $0xC012, v1;
	v4 =	vld.idx.msk [tilespmem:v5+s3+$0x0], $0xffff  }
0x24c: {  	v5 =	vor.u32 $0x13, v3;
	_ =	sdelay $0x3  }
0x24d: {  	[tilespmem:v6+s11+$0x0] =	vst.idx.msk $0xffff, v4  }
0x24e: {  	[tilespmem:$0x1F950] =	vst v6;
	v6 =	vor.u32 $0xC013, v1;
	v4 =	vld.idx.msk [tilespmem:v5+s3+$0x0], $0xffff  }
0x24f: {  	v5 =	vor.u32 $0x14, v3;
	_ =	sdelay $0x3  }
0x250: {  	[tilespmem:v6+s11+$0x0] =	vst.idx.msk $0xffff, v4  }
0x251: {  	[tilespmem:$0x1F960] =	vst v6;
	v6 =	vor.u32 $0xC014, v1;
	v4 =	vld.idx.msk [tilespmem:v5+s3+$0x0], $0xffff  }
0x252: {  	v5 =	vor.u32 $0x15, v3;
	_ =	sdelay $0x3  }
0x253: {  	[tilespmem:v6+s11+$0x0] =	vst.idx.msk $0xffff, v4  }
0x254: {  	[tilespmem:$0x1F970] =	vst v6;
	v6 =	vor.u32 $0xC015, v1;
	v4 =	vld.idx.msk [tilespmem:v5+s3+$0x0], $0xffff  }
0x255: {  	v5 =	vor.u32 $0x16, v3;
	_ =	sdelay $0x3  }
0x256: {  	[tilespmem:v6+s11+$0x0] =	vst.idx.msk $0xffff, v4  }
0x257: {  	[tilespmem:$0x1F980] =	vst v6;
	v6 =	vor.u32 $0xC016, v1;
	v4 =	vld.idx.msk [tilespmem:v5+s3+$0x0], $0xffff  }
0x258: {  	v5 =	vor.u32 $0x17, v3;
	_ =	sdelay $0x3  }
0x259: {  	[tilespmem:v6+s11+$0x0] =	vst.idx.msk $0xffff, v4  }
0x25a: {  	[tilespmem:$0x1F990] =	vst v6;
	v6 =	vor.u32 $0xC017, v1;
	v4 =	vld.idx.msk [tilespmem:v5+s3+$0x0], $0xffff  }
0x25b: {  	v5 =	vor.u32 $0x18, v3;
	_ =	sdelay $0x3  }
0x25c: {  	[tilespmem:v6+s11+$0x0] =	vst.idx.msk $0xffff, v4  }
0x25d: {  	[tilespmem:$0x1F9A0] =	vst v6;
	v6 =	vor.u32 $0xC018, v1;
	v4 =	vld.idx.msk [tilespmem:v5+s3+$0x0], $0xffff  }
0x25e: {  	v5 =	vor.u32 $0x19, v3;
	_ =	sdelay $0x3  }
0x25f: {  	[tilespmem:v6+s11+$0x0] =	vst.idx.msk $0xffff, v4  }
0x260: {  	[tilespmem:$0x1F9B0] =	vst v6;
	v6 =	vor.u32 $0xC019, v1;
	v4 =	vld.idx.msk [tilespmem:v5+s3+$0x0], $0xffff  }
0x261: {  	v5 =	vor.u32 $0x1A, v3;
	_ =	sdelay $0x3  }
0x262: {  	[tilespmem:v6+s11+$0x0] =	vst.idx.msk $0xffff, v4  }
0x263: {  	[tilespmem:$0x1F9C0] =	vst v6;
	v6 =	vor.u32 $0xC01A, v1;
	v4 =	vld.idx.msk [tilespmem:v5+s3+$0x0], $0xffff  }
0x264: {  	v5 =	vor.u32 $0x1B, v3;
	_ =	sdelay $0x3  }
0x265: {  	[tilespmem:v6+s11+$0x0] =	vst.idx.msk $0xffff, v4  }
0x266: {  	[tilespmem:$0x1F9D0] =	vst v6;
	v6 =	vor.u32 $0xC01B, v1;
	v4 =	vld.idx.msk [tilespmem:v5+s3+$0x0], $0xffff  }
0x267: {  	v5 =	vor.u32 $0x1C, v3;
	_ =	sdelay $0x3  }
0x268: {  	[tilespmem:v6+s11+$0x0] =	vst.idx.msk $0xffff, v4  }
0x269: {  	[tilespmem:$0x1F9E0] =	vst v6;
	v6 =	vor.u32 $0xC01C, v1;
	v4 =	vld.idx.msk [tilespmem:v5+s3+$0x0], $0xffff  }
0x26a: {  	v5 =	vor.u32 $0x1D, v3;
	_ =	sdelay $0x3  }
0x26b: {  	[tilespmem:v6+s11+$0x0] =	vst.idx.msk $0xffff, v4  }
0x26c: {  	[tilespmem:$0x1F9F0] =	vst v6;
	v6 =	vor.u32 $0xC01D, v1;
	v4 =	vld.idx.msk [tilespmem:v5+s3+$0x0], $0xffff  }
0x26d: {  	v5 =	vor.u32 $0x1E, v3;
	_ =	sdelay $0x3  }
0x26e: {  	[tilespmem:v6+s11+$0x0] =	vst.idx.msk $0xffff, v4  }
0x26f: {  	[tilespmem:$0x1FA00] =	vst v6;
	v6 =	vor.u32 $0xC01E, v1;
	v4 =	vld.idx.msk [tilespmem:v5+s3+$0x0], $0xffff  }
0x270: {  	v5 =	vor.u32 $0x1F, v3;
	_ =	sdelay $0x3  }
0x271: {  	[tilespmem:v6+s11+$0x0] =	vst.idx.msk $0xffff, v4  }
0x272: {  	[tilespmem:$0x1FA10] =	vst v6;
	v6 =	vor.u32 $0xC01F, v1;
	v4 =	vld.idx.msk [tilespmem:v5+s3+$0x0], $0xffff  }
0x273: {  	v5 =	vor.u32 $0x20, v3;
	_ =	sdelay $0x3  }
0x274: {  	[tilespmem:v6+s11+$0x0] =	vst.idx.msk $0xffff, v4  }
0x275: {  	[tilespmem:$0x1FA20] =	vst v6;
	v6 =	vor.u32 $0xC020, v1;
	v4 =	vld.idx.msk [tilespmem:v5+s3+$0x0], $0xffff  }
0x276: {  	v5 =	vor.u32 $0x21, v3;
	_ =	sdelay $0x3  }
0x277: {  	[tilespmem:v6+s11+$0x0] =	vst.idx.msk $0xffff, v4  }
0x278: {  	[tilespmem:$0x1FA30] =	vst v6;
	v6 =	vor.u32 $0xC021, v1;
	v4 =	vld.idx.msk [tilespmem:v5+s3+$0x0], $0xffff  }
0x279: {  	v5 =	vor.u32 $0x22, v3;
	_ =	sdelay $0x3  }
0x27a: {  	[tilespmem:v6+s11+$0x0] =	vst.idx.msk $0xffff, v4  }
0x27b: {  	[tilespmem:$0x1FA40] =	vst v6;
	v6 =	vor.u32 $0xC022, v1;
	v4 =	vld.idx.msk [tilespmem:v5+s3+$0x0], $0xffff  }
0x27c: {  	v5 =	vor.u32 $0x23, v3;
	_ =	sdelay $0x3  }
0x27d: {  	[tilespmem:v6+s11+$0x0] =	vst.idx.msk $0xffff, v4  }
0x27e: {  	[tilespmem:$0x1FA50] =	vst v6;
	v6 =	vor.u32 $0xC023, v1;
	v4 =	vld.idx.msk [tilespmem:v5+s3+$0x0], $0xffff  }
0x27f: {  	v5 =	vor.u32 $0x24, v3;
	_ =	sdelay $0x3  }
0x280: {  	[tilespmem:v6+s11+$0x0] =	vst.idx.msk $0xffff, v4  }
0x281: {  	[tilespmem:$0x1FA60] =	vst v6;
	v6 =	vor.u32 $0xC024, v1;
	v4 =	vld.idx.msk [tilespmem:v5+s3+$0x0], $0xffff  }
0x282: {  	v5 =	vor.u32 $0x25, v3;
	_ =	sdelay $0x3  }
0x283: {  	[tilespmem:v6+s11+$0x0] =	vst.idx.msk $0xffff, v4  }
0x284: {  	[tilespmem:$0x1FA70] =	vst v6;
	v6 =	vor.u32 $0xC025, v1;
	v4 =	vld.idx.msk [tilespmem:v5+s3+$0x0], $0xffff  }
0x285: {  	v5 =	vor.u32 $0x26, v3;
	_ =	sdelay $0x3  }
0x286: {  	[tilespmem:v6+s11+$0x0] =	vst.idx.msk $0xffff, v4  }
0x287: {  	[tilespmem:$0x1FA80] =	vst v6;
	v6 =	vor.u32 $0xC026, v1;
	v4 =	vld.idx.msk [tilespmem:v5+s3+$0x0], $0xffff  }
0x288: {  	v5 =	vor.u32 $0x27, v3;
	_ =	sdelay $0x3  }
0x289: {  	[tilespmem:v6+s11+$0x0] =	vst.idx.msk $0xffff, v4  }
0x28a: {  	[tilespmem:$0x1FA90] =	vst v6;
	v6 =	vor.u32 $0xC027, v1;
	v4 =	vld.idx.msk [tilespmem:v5+s3+$0x0], $0xffff  }
0x28b: {  	v5 =	vor.u32 $0x28, v3;
	_ =	sdelay $0x3  }
0x28c: {  	[tilespmem:v6+s11+$0x0] =	vst.idx.msk $0xffff, v4  }
0x28d: {  	[tilespmem:$0x1FAA0] =	vst v6;
	v6 =	vor.u32 $0xC028, v1;
	v4 =	vld.idx.msk [tilespmem:v5+s3+$0x0], $0xffff  }
0x28e: {  	v5 =	vor.u32 $0x29, v3;
	_ =	sdelay $0x3  }
0x28f: {  	[tilespmem:v6+s11+$0x0] =	vst.idx.msk $0xffff, v4  }
0x290: {  	[tilespmem:$0x1FAB0] =	vst v6;
	v6 =	vor.u32 $0xC029, v1;
	v4 =	vld.idx.msk [tilespmem:v5+s3+$0x0], $0xffff  }
0x291: {  	v5 =	vor.u32 $0x2A, v3;
	_ =	sdelay $0x3  }
0x292: {  	[tilespmem:v6+s11+$0x0] =	vst.idx.msk $0xffff, v4  }
0x293: {  	[tilespmem:$0x1FAC0] =	vst v6;
	v6 =	vor.u32 $0xC02A, v1;
	v4 =	vld.idx.msk [tilespmem:v5+s3+$0x0], $0xffff  }
0x294: {  	v5 =	vor.u32 $0x2B, v3;
	_ =	sdelay $0x3  }
0x295: {  	[tilespmem:v6+s11+$0x0] =	vst.idx.msk $0xffff, v4  }
0x296: {  	[tilespmem:$0x1FAD0] =	vst v6;
	v6 =	vor.u32 $0xC02B, v1;
	v4 =	vld.idx.msk [tilespmem:v5+s3+$0x0], $0xffff  }
0x297: {  	v5 =	vor.u32 $0x2C, v3;
	_ =	sdelay $0x3  }
0x298: {  	[tilespmem:v6+s11+$0x0] =	vst.idx.msk $0xffff, v4  }
0x299: {  	[tilespmem:$0x1FAE0] =	vst v6;
	v6 =	vor.u32 $0xC02C, v1;
	v4 =	vld.idx.msk [tilespmem:v5+s3+$0x0], $0xffff  }
0x29a: {  	v5 =	vor.u32 $0x2D, v3;
	_ =	sdelay $0x3  }
0x29b: {  	[tilespmem:v6+s11+$0x0] =	vst.idx.msk $0xffff, v4  }
0x29c: {  	[tilespmem:$0x1FAF0] =	vst v6;
	v6 =	vor.u32 $0xC02D, v1;
	v4 =	vld.idx.msk [tilespmem:v5+s3+$0x0], $0xffff  }
0x29d: {  	v5 =	vor.u32 $0x2E, v3;
	_ =	sdelay $0x3  }
0x29e: {  	[tilespmem:v6+s11+$0x0] =	vst.idx.msk $0xffff, v4  }
0x29f: {  	[tilespmem:$0x1FB00] =	vst v6;
	v6 =	vor.u32 $0xC02E, v1;
	v4 =	vld.idx.msk [tilespmem:v5+s3+$0x0], $0xffff  }
0x2a0: {  	v5 =	vor.u32 $0x2F, v3;
	_ =	sdelay $0x3  }
0x2a1: {  	[tilespmem:v6+s11+$0x0] =	vst.idx.msk $0xffff, v4  }
0x2a2: {  	[tilespmem:$0x1FB10] =	vst v6;
	v6 =	vor.u32 $0xC02F, v1;
	v4 =	vld.idx.msk [tilespmem:v5+s3+$0x0], $0xffff  }
0x2a3: {  	v5 =	vor.u32 $0x30, v3;
	_ =	sdelay $0x3  }
0x2a4: {  	[tilespmem:v6+s11+$0x0] =	vst.idx.msk $0xffff, v4  }
0x2a5: {  	[tilespmem:$0x1FB20] =	vst v6;
	v6 =	vor.u32 $0xC030, v1;
	v4 =	vld.idx.msk [tilespmem:v5+s3+$0x0], $0xffff  }
0x2a6: {  	v5 =	vor.u32 $0x31, v3;
	_ =	sdelay $0x3  }
0x2a7: {  	[tilespmem:v6+s11+$0x0] =	vst.idx.msk $0xffff, v4  }
0x2a8: {  	[tilespmem:$0x1FB30] =	vst v6;
	v6 =	vor.u32 $0xC031, v1;
	v4 =	vld.idx.msk [tilespmem:v5+s3+$0x0], $0xffff  }
0x2a9: {  	v5 =	vor.u32 $0x32, v3;
	_ =	sdelay $0x3  }
0x2aa: {  	[tilespmem:v6+s11+$0x0] =	vst.idx.msk $0xffff, v4  }
0x2ab: {  	[tilespmem:$0x1FB40] =	vst v6;
	v6 =	vor.u32 $0xC032, v1;
	v4 =	vld.idx.msk [tilespmem:v5+s3+$0x0], $0xffff  }
0x2ac: {  	v5 =	vor.u32 $0x33, v3;
	_ =	sdelay $0x3  }
0x2ad: {  	[tilespmem:v6+s11+$0x0] =	vst.idx.msk $0xffff, v4  }
0x2ae: {  	[tilespmem:$0x1FB50] =	vst v6;
	v6 =	vor.u32 $0xC033, v1;
	v4 =	vld.idx.msk [tilespmem:v5+s3+$0x0], $0xffff  }
0x2af: {  	v5 =	vor.u32 $0x34, v3;
	_ =	sdelay $0x3  }
0x2b0: {  	[tilespmem:v6+s11+$0x0] =	vst.idx.msk $0xffff, v4  }
0x2b1: {  	[tilespmem:$0x1FB60] =	vst v6;
	v6 =	vor.u32 $0xC034, v1;
	v4 =	vld.idx.msk [tilespmem:v5+s3+$0x0], $0xffff  }
0x2b2: {  	v5 =	vor.u32 $0x35, v3;
	_ =	sdelay $0x3  }
0x2b3: {  	[tilespmem:v6+s11+$0x0] =	vst.idx.msk $0xffff, v4  }
0x2b4: {  	[tilespmem:$0x1FB70] =	vst v6;
	v6 =	vor.u32 $0xC035, v1;
	v4 =	vld.idx.msk [tilespmem:v5+s3+$0x0], $0xffff  }
0x2b5: {  	v5 =	vor.u32 $0x36, v3;
	_ =	sdelay $0x3  }
0x2b6: {  	[tilespmem:v6+s11+$0x0] =	vst.idx.msk $0xffff, v4  }
0x2b7: {  	[tilespmem:$0x1FB80] =	vst v6;
	v6 =	vor.u32 $0xC036, v1;
	v4 =	vld.idx.msk [tilespmem:v5+s3+$0x0], $0xffff  }
0x2b8: {  	v5 =	vor.u32 $0x37, v3;
	_ =	sdelay $0x3  }
0x2b9: {  	[tilespmem:v6+s11+$0x0] =	vst.idx.msk $0xffff, v4  }
0x2ba: {  	[tilespmem:$0x1FB90] =	vst v6;
	v6 =	vor.u32 $0xC037, v1;
	v4 =	vld.idx.msk [tilespmem:v5+s3+$0x0], $0xffff  }
0x2bb: {  	v5 =	vor.u32 $0x38, v3;
	_ =	sdelay $0x3  }
0x2bc: {  	[tilespmem:v6+s11+$0x0] =	vst.idx.msk $0xffff, v4  }
0x2bd: {  	[tilespmem:$0x1FBA0] =	vst v6;
	v6 =	vor.u32 $0xC038, v1;
	v4 =	vld.idx.msk [tilespmem:v5+s3+$0x0], $0xffff  }
0x2be: {  	v5 =	vor.u32 $0x39, v3;
	_ =	sdelay $0x3  }
0x2bf: {  	[tilespmem:v6+s11+$0x0] =	vst.idx.msk $0xffff, v4  }
0x2c0: {  	[tilespmem:$0x1FBB0] =	vst v6;
	v6 =	vor.u32 $0xC039, v1;
	v4 =	vld.idx.msk [tilespmem:v5+s3+$0x0], $0xffff  }
0x2c1: {  	v5 =	vor.u32 $0x3A, v3;
	_ =	sdelay $0x3  }
0x2c2: {  	[tilespmem:v6+s11+$0x0] =	vst.idx.msk $0xffff, v4  }
0x2c3: {  	[tilespmem:$0x1FBC0] =	vst v6;
	v6 =	vor.u32 $0xC03A, v1;
	v4 =	vld.idx.msk [tilespmem:v5+s3+$0x0], $0xffff  }
0x2c4: {  	v5 =	vor.u32 $0x3B, v3;
	_ =	sdelay $0x3  }
0x2c5: {  	[tilespmem:v6+s11+$0x0] =	vst.idx.msk $0xffff, v4  }
0x2c6: {  	[tilespmem:$0x1FBD0] =	vst v6;
	v6 =	vor.u32 $0xC03B, v1;
	v4 =	vld.idx.msk [tilespmem:v5+s3+$0x0], $0xffff  }
0x2c7: {  	v5 =	vor.u32 $0x3C, v3;
	_ =	sdelay $0x3  }
0x2c8: {  	[tilespmem:v6+s11+$0x0] =	vst.idx.msk $0xffff, v4  }
0x2c9: {  	[tilespmem:$0x1FBE0] =	vst v6;
	v6 =	vor.u32 $0xC03C, v1;
	v4 =	vld.idx.msk [tilespmem:v5+s3+$0x0], $0xffff  }
0x2ca: {  	v5 =	vor.u32 $0x3D, v3;
	_ =	sdelay $0x3  }
0x2cb: {  	[tilespmem:v6+s11+$0x0] =	vst.idx.msk $0xffff, v4  }
0x2cc: {  	[tilespmem:$0x1FBF0] =	vst v6;
	v6 =	vor.u32 $0xC03D, v1;
	v4 =	vld.idx.msk [tilespmem:v5+s3+$0x0], $0xffff  }
0x2cd: {  	v5 =	vor.u32 $0x3E, v3;
	_ =	sdelay $0x3  }
0x2ce: {  	[tilespmem:v6+s11+$0x0] =	vst.idx.msk $0xffff, v4  }
0x2cf: {  	v4 =	vld.idx.msk [tilespmem:v5+s3+$0x0], $0xffff;
	v5 =	vor.u32 $0xC03E, v1  }
0x2d0: {  	v3 =	vor.u32 $0x3F, v3;
	_ =	sdelay $0x3  }
0x2d1: {  	[tilespmem:v5+s11+$0x0] =	vst.idx.msk $0xffff, v4  }
0x2d2: {  	v4 =	vor.u32 $0xC03F, v1;
	v3 =	vld.idx.msk [tilespmem:v3+s3+$0x0], $0xffff;
	_ =	sdelay $0x1  }
0x2d3: {  	[tilespmem:$0x1FC00] =	vst v6  }
0x2d4: {  	[tilespmem:$0x1FC10] =	vst v5  }
0x2d5: {  	[tilespmem:$0x1FC20] =	vst v4  }
0x2d6: {  	[tilespmem:v4+s11+$0x0] =	vst.idx.msk $0xffff, v3  }
0x2d7: {  	[hbm4b:s5+s3] =	stream.linear.scatter [tilespmem:s11], [sflag:$0x1], $0xC400, $0x38;
	[tilespmem:$0x14780] =	vst v63  }
0x2d8: {  	_ =	swait.ge [sflag:s9], $0xC400  }
0x2d9: {  	[sflag:s9] =	ssyncset.done $0x0  }
0x2da: {  	[sflag:s9] =	ssyncadd.s32 $0xFFFF3C00  }
0x2db: {  	[tilespmem:s10], [sflag:$0x1] =	stream.linear.gather [hbm4b:s6+s3], $0x310, $0x38;
	[tilespmem:$0x14780] =	vst v63  }
0x2dc: {  	_ =	swait.ge [sflag:s9], $0x310  }
0x2dd: {  	s13 =	simm.s32 $0xFFFFFFFC;
	[sflag:s9] =	ssyncset.done $0x0  }
0x2de: {  	s14 =	simm.s32 $0xC00;
	s15 =	simm.s32 $0x8020;
	[sflag:s9] =	ssyncadd.s32 $0xFFFFFCF0  }
.LBB2_4:
0x2df: {  	v3 =	vld [tilespmem:s15+$0xFFFFFFE0];
	_ =	sdelay $0x4  }
0x2e0: {  	v3 =	vshll.u32 v3, $0x6;
	_ =	sdelay $0x2  }
0x2e1: {  	s16 =	sadd.s32 $0xFFFFF400, s14  }
0x2e2: {  	v4 =	vor.u32 s16, v1  }
0x2e3: {  	v4 =	vand.u32 v18, v4;
	v5 =	vld.idx.msk [tilespmem:v3+s3+$0x0], $0xffff  }
0x2e4: {  	v6 =	vor.u32 $0x1, v3;
	_ =	sdelay $0x3  }
0x2e5: {  	[tilespmem:v4+s11+$0x0] =	vst.idx.msk $0xffff, v5  }
0x2e6: {  	v5 =	vor.u32 s16, v16;
	v4 =	vld.idx.msk [tilespmem:v6+s3+$0x0], $0xffff  }
0x2e7: {  	v6 =	vor.u32 $0x2, v3;
	_ =	sdelay $0x3  }
0x2e8: {  	[tilespmem:v5+s11+$0x0] =	vst.idx.msk $0xffff, v4  }
0x2e9: {  	v5 =	vor.u32 s16, v13;
	v4 =	vld.idx.msk [tilespmem:v6+s3+$0x0], $0xffff  }
0x2ea: {  	v6 =	vor.u32 $0x3, v3;
	_ =	sdelay $0x3  }
0x2eb: {  	[tilespmem:v5+s11+$0x0] =	vst.idx.msk $0xffff, v4  }
0x2ec: {  	v5 =	vor.u32 s16, v14;
	v4 =	vld.idx.msk [tilespmem:v6+s3+$0x0], $0xffff  }
0x2ed: {  	v6 =	vor.u32 $0x4, v3;
	_ =	sdelay $0x3  }
0x2ee: {  	[tilespmem:v5+s11+$0x0] =	vst.idx.msk $0xffff, v4  }
0x2ef: {  	v5 =	vor.u32 s16, v15;
	v4 =	vld.idx.msk [tilespmem:v6+s3+$0x0], $0xffff  }
0x2f0: {  	v6 =	vor.u32 $0x5, v3;
	_ =	sdelay $0x3  }
0x2f1: {  	[tilespmem:v5+s11+$0x0] =	vst.idx.msk $0xffff, v4  }
0x2f2: {  	v5 =	vor.u32 s16, v7;
	v4 =	vld.idx.msk [tilespmem:v6+s3+$0x0], $0xffff  }
0x2f3: {  	v6 =	vor.u32 $0x6, v3;
	_ =	sdelay $0x3  }
0x2f4: {  	[tilespmem:v5+s11+$0x0] =	vst.idx.msk $0xffff, v4  }
0x2f5: {  	v5 =	vor.u32 s16, v8;
	v4 =	vld.idx.msk [tilespmem:v6+s3+$0x0], $0xffff  }
0x2f6: {  	v6 =	vor.u32 $0x7, v3;
	_ =	sdelay $0x3  }
0x2f7: {  	[tilespmem:v5+s11+$0x0] =	vst.idx.msk $0xffff, v4  }
0x2f8: {  	v5 =	vor.u32 s16, v9;
	v4 =	vld.idx.msk [tilespmem:v6+s3+$0x0], $0xffff;
	_ =	sdelay $0x4  }
0x2f9: {  	[tilespmem:v5+s11+$0x0] =	vst.idx.msk $0xffff, v4;
	v4 =	vld [tilespmem:s15+$0xFFFFFFF0];
	_ =	sdelay $0x2  }
0x2fa: {  	v7 =	vld [tilespmem:s15+$0x10]  }
0x2fb: {  	v5 =	vld [tilespmem:s15+$0x0]  }
0x2fc: {  	v9 =	vld [tilespmem:$0x1FC30];
	v6 =	vshll.u32 v4, $0x6;
	_ =	sdelay $0x2  }
0x2fd: {  	s18 =	sadd.s32 $0xFFFFF800, s14  }
0x2fe: {  	v12 =	vld [tilespmem:$0x1FC40];
	v5 =	vshll.u32 v5, $0x6;
	v4 =	vshll.u32 v7, $0x6;
	v7 =	vor.u32 s18, v1  }
0x2ff: {  	v7 =	vand.u32 v9, v7;
	v8 =	vld.idx.msk [tilespmem:v6+s3+$0x0], $0xffff  }
0x300: {  	v10 =	vor.u32 $0x1, v6  }
0x301: {  	s17 =	sadd.s32 $0xFFFFFC00, s14;
	v15 =	vld [tilespmem:$0x1FC50]  }
0x302: {  	v9 =	vor.u32 s17, v1  }
0x303: {  	v9 =	vand.u32 v12, v9;
	v11 =	vld.idx.msk [tilespmem:v5+s3+$0x0], $0xffff  }
0x304: {  	v13 =	vor.u32 $0x1, v5;
	[tilespmem:v7+s11+$0x0] =	vst.idx.msk $0xffff, v8  }
0x305: {  	v12 =	vor.u32 s14, v1;
	v8 =	vor.u32 s18, v16;
	v7 =	vld.idx.msk [tilespmem:v10+s3+$0x0], $0xffff  }
0x306: {  	v12 =	vand.u32 v15, v12;
	v14 =	vld.idx.msk [tilespmem:v4+s3+$0x0], $0xffff  }
0x307: {  	v15 =	vor.u32 $0x1, v4  }
0x308: {  	[tilespmem:v9+s11+$0x0] =	vst.idx.msk $0xffff, v11  }
0x309: {  	v11 =	vor.u32 s17, v16;
	v10 =	vld.idx.msk [tilespmem:v13+s3+$0x0], $0xffff  }
0x30a: {  	v9 =	vor.u32 $0x2, v6;
	[tilespmem:v8+s11+$0x0] =	vst.idx.msk $0xffff, v7;
	v8 =	vld [tilespmem:$0x1FFD0]  }
0x30b: {  	[tilespmem:v12+s11+$0x0] =	vst.idx.msk $0xffff, v14  }
0x30c: {  	v14 =	vor.u32 s14, v16;
	v13 =	vld.idx.msk [tilespmem:v15+s3+$0x0], $0xffff;
	_ =	sdelay $0x1  }
0x30d: {  	v12 =	vor.u32 $0x2, v5;
	[tilespmem:v11+s11+$0x0] =	vst.idx.msk $0xffff, v10;
	v11 =	vld [tilespmem:$0x1FFD0]  }
0x30e: {  	v15 =	vor.u32 $0x2, v4;
	v7 =	vld.idx.msk [tilespmem:v9+s3+$0x0], $0xffff;
	v8 =	vor.u32 s18, v8  }
0x30f: {  	v9 =	vor.u32 $0x3, v6  }
0x310: {  	[tilespmem:v14+s11+$0x0] =	vst.idx.msk $0xffff, v13;
	v14 =	vld [tilespmem:$0x1FFD0];
	_ =	sdelay $0x1  }
0x311: {  	v10 =	vld.idx.msk [tilespmem:v12+s3+$0x0], $0xffff  }
0x312: {  	v13 =	vld.idx.msk [tilespmem:v15+s3+$0x0], $0xffff;
	v11 =	vor.u32 s17, v11;
	[tilespmem:v8+s11+$0x0] =	vst.idx.msk $0xffff, v7  }
0x313: {  	v7 =	vld.idx.msk [tilespmem:v9+s3+$0x0], $0xffff  }
0x314: {  	v14 =	vor.u32 s14, v14;
	v8 =	vld [tilespmem:$0x1FFE0];
	_ =	sdelay $0x2  }
0x315: {  	v12 =	vor.u32 $0x3, v5;
	[tilespmem:v11+s11+$0x0] =	vst.idx.msk $0xffff, v10;
	v11 =	vld [tilespmem:$0x1FFE0];
	_ =	sdelay $0x1  }
0x316: {  	v15 =	vor.u32 $0x3, v4;
	[tilespmem:v14+s11+$0x0] =	vst.idx.msk $0xffff, v13;
	v14 =	vld [tilespmem:$0x1FFE0];
	v8 =	vor.u32 s18, v8  }
0x317: {  	v9 =	vor.u32 $0x4, v6;
	_ =	sdelay $0x1  }
0x318: {  	v10 =	vld.idx.msk [tilespmem:v12+s3+$0x0], $0xffff;
	v11 =	vor.u32 s17, v11  }
0x319: {  	v12 =	vor.u32 $0x4, v5  }
0x31a: {  	v13 =	vld.idx.msk [tilespmem:v15+s3+$0x0], $0xffff;
	v14 =	vor.u32 s14, v14;
	[tilespmem:v8+s11+$0x0] =	vst.idx.msk $0xffff, v7  }
0x31b: {  	v15 =	vor.u32 $0x4, v4;
	v8 =	vor.u32 s18, v22;
	v7 =	vld.idx.msk [tilespmem:v9+s3+$0x0], $0xffff  }
0x31c: {  	v9 =	vor.u32 $0x5, v6  }
0x31d: {  	[tilespmem:v11+s11+$0x0] =	vst.idx.msk $0xffff, v10  }
0x31e: {  	v11 =	vor.u32 s17, v22;
	v10 =	vld.idx.msk [tilespmem:v12+s3+$0x0], $0xffff  }
0x31f: {  	[tilespmem:v14+s11+$0x0] =	vst.idx.msk $0xffff, v13;
	v12 =	vor.u32 $0x5, v5  }
0x320: {  	v14 =	vor.u32 s14, v22;
	v13 =	vld.idx.msk [tilespmem:v15+s3+$0x0], $0xffff;
	[tilespmem:v8+s11+$0x0] =	vst.idx.msk $0xffff, v7  }
0x321: {  	v15 =	vor.u32 $0x5, v4;
	v8 =	vor.u32 s18, v23;
	v7 =	vld.idx.msk [tilespmem:v9+s3+$0x0], $0xffff  }
0x322: {  	v9 =	vor.u32 $0x6, v6  }
0x323: {  	[tilespmem:v11+s11+$0x0] =	vst.idx.msk $0xffff, v10  }
0x324: {  	v11 =	vor.u32 s17, v23;
	v10 =	vld.idx.msk [tilespmem:v12+s3+$0x0], $0xffff  }
0x325: {  	[tilespmem:v14+s11+$0x0] =	vst.idx.msk $0xffff, v13;
	v12 =	vor.u32 $0x6, v5  }
0x326: {  	v14 =	vor.u32 s14, v23;
	v13 =	vld.idx.msk [tilespmem:v15+s3+$0x0], $0xffff;
	[tilespmem:v8+s11+$0x0] =	vst.idx.msk $0xffff, v7  }
0x327: {  	v15 =	vor.u32 $0x6, v4;
	v8 =	vor.u32 s18, v24;
	v7 =	vld.idx.msk [tilespmem:v9+s3+$0x0], $0xffff;
	_ =	sdelay $0x1  }
0x328: {  	[tilespmem:v11+s11+$0x0] =	vst.idx.msk $0xffff, v10  }
0x329: {  	v11 =	vor.u32 s17, v24;
	v9 =	vor.u32 $0x7, v6;
	v10 =	vld.idx.msk [tilespmem:v12+s3+$0x0], $0xffff  }
0x32a: {  	v18 =	vld [tilespmem:$0x1FC60];
	[tilespmem:v14+s11+$0x0] =	vst.idx.msk $0xffff, v13;
	v12 =	vor.u32 $0x7, v5  }
0x32b: {  	v14 =	vor.u32 s14, v24;
	v13 =	vld.idx.msk [tilespmem:v15+s3+$0x0], $0xffff;
	[tilespmem:v8+s11+$0x0] =	vst.idx.msk $0xffff, v7;
	v7 =	vor.u32 $0x8, v3  }
0x32c: {  	v15 =	vor.u32 $0x7, v4;
	_ =	sdelay $0x1  }
0x32d: {  	[tilespmem:v11+s11+$0x0] =	vst.idx.msk $0xffff, v10;
	v8 =	vld.idx.msk [tilespmem:v9+s3+$0x0], $0xffff;
	v9 =	vor.u32 s18, v25  }
0x32e: {  	v19 =	vmovc v21;
	v21 =	vmovc v20;
	v20 =	vmov v41;
	v10 =	vor.u32 $0x8, v6;
	v11 =	vld.idx.msk [tilespmem:v12+s3+$0x0], $0xffff;
	v12 =	vor.u32 s17, v25  }
0x32f: {  	v41 =	vmovc v40;
	v40 =	vmov v39;
	v39 =	vmov v38;
	v17 =	vor.u32 s16, v18;
	[tilespmem:v14+s11+$0x0] =	vst.idx.msk $0xffff, v13;
	v7 =	vld.idx.msk [tilespmem:v7+s3+$0x0], $0xffff  }
0x330: {  	v38 =	vmovc v37;
	v37 =	vmovc v36;
	v36 =	vmov v35;
	v13 =	vor.u32 $0x8, v5;
	v14 =	vld.idx.msk [tilespmem:v15+s3+$0x0], $0xffff;
	v15 =	vor.u32 s14, v25  }
0x331: {  	v35 =	vmovc v34;
	v34 =	vmovc v33;
	v33 =	vmov v32;
	v32 =	vmov v31;
	v16 =	vor.u32 $0x8, v4  }
0x332: {  	v31 =	vmovc v30;
	v30 =	vmovc v29;
	v29 =	vmov v28;
	v28 =	vmov v27;
	v27 =	vmov v26;
	[tilespmem:v9+s11+$0x0] =	vst.idx.msk $0xffff, v8  }
0x333: {  	v26 =	vmovc v62;
	v62 =	vmov v61;
	v61 =	vmov v60;
	v60 =	vmov v59;
	[tilespmem:v12+s11+$0x0] =	vst.idx.msk $0xffff, v11;
	v9 =	vld.idx.msk [tilespmem:v10+s3+$0x0], $0xffff  }
0x334: {  	v59 =	vmovc v58;
	v58 =	vmovc v57;
	v57 =	vmov v56;
	v8 =	vor.u32 $0x9, v3;
	v10 =	vor.u32 s18, v18;
	[tilespmem:v17+s11+$0x0] =	vst.idx.msk $0xffff, v7;
	v17 =	vld [tilespmem:$0x1FC70]  }
0x335: {  	v56 =	vmovc v55;
	v55 =	vmov v54;
	v11 =	vor.u32 $0x9, v6;
	[tilespmem:v15+s11+$0x0] =	vst.idx.msk $0xffff, v14;
	v12 =	vld.idx.msk [tilespmem:v13+s3+$0x0], $0xffff;
	v13 =	vor.u32 s17, v18  }
0x336: {  	v54 =	vmovc v53;
	v53 =	vmovc v52;
	v52 =	vmov v51;
	v14 =	vor.u32 $0x9, v5;
	v15 =	vld.idx.msk [tilespmem:v16+s3+$0x0], $0xffff;
	v16 =	vor.u32 s14, v18  }
0x337: {  	v51 =	vmovc v50;
	v50 =	vmovc v49;
	v49 =	vmov v48;
	v48 =	vmov v47;
	v18 =	vor.u32 $0x9, v4  }
0x338: {  	v47 =	vmovc v46;
	v46 =	vmovc v45;
	v45 =	vmov v44;
	v44 =	vmov v43;
	v43 =	vmov v42;
	v42 =	vld [tilespmem:$0x1FC80]  }
0x339: {  	v7 =	vld.idx.msk [tilespmem:v8+s3+$0x0], $0xffff;
	[tilespmem:v10+s11+$0x0] =	vst.idx.msk $0xffff, v9;
	v8 =	vor.u32 s16, v17  }
0x33a: {  	v9 =	vor.u32 $0xA, v3;
	[tilespmem:v13+s11+$0x0] =	vst.idx.msk $0xffff, v12;
	v10 =	vld.idx.msk [tilespmem:v11+s3+$0x0], $0xffff;
	v11 =	vor.u32 s18, v17  }
0x33b: {  	v12 =	vor.u32 $0xA, v6;
	[tilespmem:v16+s11+$0x0] =	vst.idx.msk $0xffff, v15;
	v13 =	vld.idx.msk [tilespmem:v14+s3+$0x0], $0xffff;
	v14 =	vor.u32 s17, v17  }
0x33c: {  	v15 =	vor.u32 $0xA, v5;
	v16 =	vld.idx.msk [tilespmem:v18+s3+$0x0], $0xffff;
	v17 =	vor.u32 s14, v17  }
0x33d: {  	v18 =	vor.u32 $0xA, v4  }
0x33e: {  	[tilespmem:v8+s11+$0x0] =	vst.idx.msk $0xffff, v7  }
0x33f: {  	v8 =	vor.u32 s16, v42;
	[tilespmem:v11+s11+$0x0] =	vst.idx.msk $0xffff, v10;
	v7 =	vld.idx.msk [tilespmem:v9+s3+$0x0], $0xffff  }
0x340: {  	v11 =	vor.u32 s18, v42;
	[tilespmem:v14+s11+$0x0] =	vst.idx.msk $0xffff, v13;
	v9 =	vor.u32 $0xB, v3;
	v10 =	vld.idx.msk [tilespmem:v12+s3+$0x0], $0xffff  }
0x341: {  	v14 =	vor.u32 s17, v42;
	[tilespmem:v17+s11+$0x0] =	vst.idx.msk $0xffff, v16;
	v12 =	vor.u32 $0xB, v6;
	v13 =	vld.idx.msk [tilespmem:v15+s3+$0x0], $0xffff  }
0x342: {  	v17 =	vor.u32 s14, v42;
	v15 =	vor.u32 $0xB, v5;
	v16 =	vld.idx.msk [tilespmem:v18+s3+$0x0], $0xffff  }
0x343: {  	v18 =	vor.u32 $0xB, v4  }
0x344: {  	v42 =	vmov v43;
	[tilespmem:v8+s11+$0x0] =	vst.idx.msk $0xffff, v7  }
0x345: {  	v8 =	vor.u32 s16, v42;
	[tilespmem:v11+s11+$0x0] =	vst.idx.msk $0xffff, v10;
	v7 =	vld.idx.msk [tilespmem:v9+s3+$0x0], $0xffff  }
0x346: {  	v11 =	vor.u32 s18, v42;
	[tilespmem:v14+s11+$0x0] =	vst.idx.msk $0xffff, v13;
	v9 =	vor.u32 $0xC, v3;
	v10 =	vld.idx.msk [tilespmem:v12+s3+$0x0], $0xffff  }
0x347: {  	v14 =	vor.u32 s17, v42;
	[tilespmem:v17+s11+$0x0] =	vst.idx.msk $0xffff, v16;
	v12 =	vor.u32 $0xC, v6;
	v13 =	vld.idx.msk [tilespmem:v15+s3+$0x0], $0xffff  }
0x348: {  	v17 =	vor.u32 s14, v42;
	v15 =	vor.u32 $0xC, v5;
	v16 =	vld.idx.msk [tilespmem:v18+s3+$0x0], $0xffff  }
0x349: {  	v18 =	vor.u32 $0xC, v4  }
0x34a: {  	v43 =	vmov v44;
	[tilespmem:v8+s11+$0x0] =	vst.idx.msk $0xffff, v7  }
0x34b: {  	v8 =	vor.u32 s16, v43;
	[tilespmem:v11+s11+$0x0] =	vst.idx.msk $0xffff, v10;
	v7 =	vld.idx.msk [tilespmem:v9+s3+$0x0], $0xffff  }
0x34c: {  	v11 =	vor.u32 s18, v43;
	[tilespmem:v14+s11+$0x0] =	vst.idx.msk $0xffff, v13;
	v9 =	vor.u32 $0xD, v3;
	v10 =	vld.idx.msk [tilespmem:v12+s3+$0x0], $0xffff  }
0x34d: {  	v14 =	vor.u32 s17, v43;
	[tilespmem:v17+s11+$0x0] =	vst.idx.msk $0xffff, v16;
	v12 =	vor.u32 $0xD, v6;
	v13 =	vld.idx.msk [tilespmem:v15+s3+$0x0], $0xffff  }
0x34e: {  	v17 =	vor.u32 s14, v43;
	v15 =	vor.u32 $0xD, v5;
	v16 =	vld.idx.msk [tilespmem:v18+s3+$0x0], $0xffff  }
0x34f: {  	v18 =	vor.u32 $0xD, v4  }
0x350: {  	v44 =	vmov v45;
	[tilespmem:v8+s11+$0x0] =	vst.idx.msk $0xffff, v7  }
0x351: {  	v8 =	vor.u32 s16, v44;
	[tilespmem:v11+s11+$0x0] =	vst.idx.msk $0xffff, v10;
	v7 =	vld.idx.msk [tilespmem:v9+s3+$0x0], $0xffff  }
0x352: {  	v11 =	vor.u32 s18, v44;
	[tilespmem:v14+s11+$0x0] =	vst.idx.msk $0xffff, v13;
	v9 =	vor.u32 $0xE, v3;
	v10 =	vld.idx.msk [tilespmem:v12+s3+$0x0], $0xffff  }
0x353: {  	v14 =	vor.u32 s17, v44;
	[tilespmem:v17+s11+$0x0] =	vst.idx.msk $0xffff, v16;
	v12 =	vor.u32 $0xE, v6;
	v13 =	vld.idx.msk [tilespmem:v15+s3+$0x0], $0xffff  }
0x354: {  	v17 =	vor.u32 s14, v44;
	v15 =	vor.u32 $0xE, v5;
	v16 =	vld.idx.msk [tilespmem:v18+s3+$0x0], $0xffff  }
0x355: {  	v18 =	vor.u32 $0xE, v4  }
0x356: {  	v45 =	vmov v46;
	[tilespmem:v8+s11+$0x0] =	vst.idx.msk $0xffff, v7  }
0x357: {  	v8 =	vor.u32 s16, v45;
	[tilespmem:v11+s11+$0x0] =	vst.idx.msk $0xffff, v10;
	v7 =	vld.idx.msk [tilespmem:v9+s3+$0x0], $0xffff  }
0x358: {  	v11 =	vor.u32 s18, v45;
	[tilespmem:v14+s11+$0x0] =	vst.idx.msk $0xffff, v13;
	v9 =	vor.u32 $0xF, v3;
	v10 =	vld.idx.msk [tilespmem:v12+s3+$0x0], $0xffff  }
0x359: {  	v14 =	vor.u32 s17, v45;
	[tilespmem:v17+s11+$0x0] =	vst.idx.msk $0xffff, v16;
	v12 =	vor.u32 $0xF, v6;
	v13 =	vld.idx.msk [tilespmem:v15+s3+$0x0], $0xffff  }
0x35a: {  	v17 =	vor.u32 s14, v45;
	v15 =	vor.u32 $0xF, v5;
	v16 =	vld.idx.msk [tilespmem:v18+s3+$0x0], $0xffff  }
0x35b: {  	v18 =	vor.u32 $0xF, v4  }
0x35c: {  	v46 =	vmov v47;
	[tilespmem:v8+s11+$0x0] =	vst.idx.msk $0xffff, v7  }
0x35d: {  	v8 =	vor.u32 s16, v46;
	[tilespmem:v11+s11+$0x0] =	vst.idx.msk $0xffff, v10;
	v7 =	vld.idx.msk [tilespmem:v9+s3+$0x0], $0xffff  }
0x35e: {  	v11 =	vor.u32 s18, v46;
	[tilespmem:v14+s11+$0x0] =	vst.idx.msk $0xffff, v13;
	v9 =	vor.u32 $0x10, v3;
	v10 =	vld.idx.msk [tilespmem:v12+s3+$0x0], $0xffff  }
0x35f: {  	v14 =	vor.u32 s17, v46;
	[tilespmem:v17+s11+$0x0] =	vst.idx.msk $0xffff, v16;
	v12 =	vor.u32 $0x10, v6;
	v13 =	vld.idx.msk [tilespmem:v15+s3+$0x0], $0xffff  }
0x360: {  	v17 =	vor.u32 s14, v46;
	v15 =	vor.u32 $0x10, v5;
	v16 =	vld.idx.msk [tilespmem:v18+s3+$0x0], $0xffff  }
0x361: {  	v18 =	vor.u32 $0x10, v4  }
0x362: {  	v47 =	vmov v48;
	[tilespmem:v8+s11+$0x0] =	vst.idx.msk $0xffff, v7  }
0x363: {  	v8 =	vor.u32 s16, v47;
	[tilespmem:v11+s11+$0x0] =	vst.idx.msk $0xffff, v10;
	v7 =	vld.idx.msk [tilespmem:v9+s3+$0x0], $0xffff  }
0x364: {  	v11 =	vor.u32 s18, v47;
	[tilespmem:v14+s11+$0x0] =	vst.idx.msk $0xffff, v13;
	v9 =	vor.u32 $0x11, v3;
	v10 =	vld.idx.msk [tilespmem:v12+s3+$0x0], $0xffff  }
0x365: {  	v14 =	vor.u32 s17, v47;
	[tilespmem:v17+s11+$0x0] =	vst.idx.msk $0xffff, v16;
	v12 =	vor.u32 $0x11, v6;
	v13 =	vld.idx.msk [tilespmem:v15+s3+$0x0], $0xffff  }
0x366: {  	v17 =	vor.u32 s14, v47;
	v15 =	vor.u32 $0x11, v5;
	v16 =	vld.idx.msk [tilespmem:v18+s3+$0x0], $0xffff  }
0x367: {  	v18 =	vor.u32 $0x11, v4  }
0x368: {  	v48 =	vmov v49;
	[tilespmem:v8+s11+$0x0] =	vst.idx.msk $0xffff, v7  }
0x369: {  	v8 =	vor.u32 s16, v48;
	[tilespmem:v11+s11+$0x0] =	vst.idx.msk $0xffff, v10;
	v7 =	vld.idx.msk [tilespmem:v9+s3+$0x0], $0xffff  }
0x36a: {  	v11 =	vor.u32 s18, v48;
	[tilespmem:v14+s11+$0x0] =	vst.idx.msk $0xffff, v13;
	v9 =	vor.u32 $0x12, v3;
	v10 =	vld.idx.msk [tilespmem:v12+s3+$0x0], $0xffff  }
0x36b: {  	v14 =	vor.u32 s17, v48;
	[tilespmem:v17+s11+$0x0] =	vst.idx.msk $0xffff, v16;
	v12 =	vor.u32 $0x12, v6;
	v13 =	vld.idx.msk [tilespmem:v15+s3+$0x0], $0xffff  }
0x36c: {  	v17 =	vor.u32 s14, v48;
	v15 =	vor.u32 $0x12, v5;
	v16 =	vld.idx.msk [tilespmem:v18+s3+$0x0], $0xffff  }
0x36d: {  	v18 =	vor.u32 $0x12, v4  }
0x36e: {  	v49 =	vmov v50;
	[tilespmem:v8+s11+$0x0] =	vst.idx.msk $0xffff, v7  }
0x36f: {  	v8 =	vor.u32 s16, v49;
	[tilespmem:v11+s11+$0x0] =	vst.idx.msk $0xffff, v10;
	v7 =	vld.idx.msk [tilespmem:v9+s3+$0x0], $0xffff  }
0x370: {  	v11 =	vor.u32 s18, v49;
	[tilespmem:v14+s11+$0x0] =	vst.idx.msk $0xffff, v13;
	v9 =	vor.u32 $0x13, v3;
	v10 =	vld.idx.msk [tilespmem:v12+s3+$0x0], $0xffff  }
0x371: {  	v14 =	vor.u32 s17, v49;
	[tilespmem:v17+s11+$0x0] =	vst.idx.msk $0xffff, v16;
	v12 =	vor.u32 $0x13, v6;
	v13 =	vld.idx.msk [tilespmem:v15+s3+$0x0], $0xffff  }
0x372: {  	v17 =	vor.u32 s14, v49;
	v15 =	vor.u32 $0x13, v5;
	v16 =	vld.idx.msk [tilespmem:v18+s3+$0x0], $0xffff  }
0x373: {  	v18 =	vor.u32 $0x13, v4  }
0x374: {  	v50 =	vmov v51;
	[tilespmem:v8+s11+$0x0] =	vst.idx.msk $0xffff, v7  }
0x375: {  	v8 =	vor.u32 s16, v50;
	[tilespmem:v11+s11+$0x0] =	vst.idx.msk $0xffff, v10;
	v7 =	vld.idx.msk [tilespmem:v9+s3+$0x0], $0xffff  }
0x376: {  	v11 =	vor.u32 s18, v50;
	[tilespmem:v14+s11+$0x0] =	vst.idx.msk $0xffff, v13;
	v9 =	vor.u32 $0x14, v3;
	v10 =	vld.idx.msk [tilespmem:v12+s3+$0x0], $0xffff  }
0x377: {  	v14 =	vor.u32 s17, v50;
	[tilespmem:v17+s11+$0x0] =	vst.idx.msk $0xffff, v16;
	v12 =	vor.u32 $0x14, v6;
	v13 =	vld.idx.msk [tilespmem:v15+s3+$0x0], $0xffff  }
0x378: {  	v17 =	vor.u32 s14, v50;
	v15 =	vor.u32 $0x14, v5;
	v16 =	vld.idx.msk [tilespmem:v18+s3+$0x0], $0xffff  }
0x379: {  	v18 =	vor.u32 $0x14, v4  }
0x37a: {  	v51 =	vmov v52;
	[tilespmem:v8+s11+$0x0] =	vst.idx.msk $0xffff, v7  }
0x37b: {  	v8 =	vor.u32 s16, v51;
	[tilespmem:v11+s11+$0x0] =	vst.idx.msk $0xffff, v10;
	v7 =	vld.idx.msk [tilespmem:v9+s3+$0x0], $0xffff  }
0x37c: {  	v11 =	vor.u32 s18, v51;
	[tilespmem:v14+s11+$0x0] =	vst.idx.msk $0xffff, v13;
	v9 =	vor.u32 $0x15, v3;
	v10 =	vld.idx.msk [tilespmem:v12+s3+$0x0], $0xffff  }
0x37d: {  	v14 =	vor.u32 s17, v51;
	[tilespmem:v17+s11+$0x0] =	vst.idx.msk $0xffff, v16;
	v12 =	vor.u32 $0x15, v6;
	v13 =	vld.idx.msk [tilespmem:v15+s3+$0x0], $0xffff  }
0x37e: {  	v17 =	vor.u32 s14, v51;
	v15 =	vor.u32 $0x15, v5;
	v16 =	vld.idx.msk [tilespmem:v18+s3+$0x0], $0xffff  }
0x37f: {  	v18 =	vor.u32 $0x15, v4  }
0x380: {  	v52 =	vmov v53;
	[tilespmem:v8+s11+$0x0] =	vst.idx.msk $0xffff, v7  }
0x381: {  	v8 =	vor.u32 s16, v52;
	[tilespmem:v11+s11+$0x0] =	vst.idx.msk $0xffff, v10;
	v7 =	vld.idx.msk [tilespmem:v9+s3+$0x0], $0xffff  }
0x382: {  	v11 =	vor.u32 s18, v52;
	[tilespmem:v14+s11+$0x0] =	vst.idx.msk $0xffff, v13;
	v9 =	vor.u32 $0x16, v3;
	v10 =	vld.idx.msk [tilespmem:v12+s3+$0x0], $0xffff  }
0x383: {  	v14 =	vor.u32 s17, v52;
	[tilespmem:v17+s11+$0x0] =	vst.idx.msk $0xffff, v16;
	v12 =	vor.u32 $0x16, v6;
	v13 =	vld.idx.msk [tilespmem:v15+s3+$0x0], $0xffff  }
0x384: {  	v17 =	vor.u32 s14, v52;
	v15 =	vor.u32 $0x16, v5;
	v16 =	vld.idx.msk [tilespmem:v18+s3+$0x0], $0xffff  }
0x385: {  	v18 =	vor.u32 $0x16, v4  }
0x386: {  	v53 =	vmov v54;
	[tilespmem:v8+s11+$0x0] =	vst.idx.msk $0xffff, v7  }
0x387: {  	v8 =	vor.u32 s16, v53;
	[tilespmem:v11+s11+$0x0] =	vst.idx.msk $0xffff, v10;
	v7 =	vld.idx.msk [tilespmem:v9+s3+$0x0], $0xffff  }
0x388: {  	v11 =	vor.u32 s18, v53;
	[tilespmem:v14+s11+$0x0] =	vst.idx.msk $0xffff, v13;
	v9 =	vor.u32 $0x17, v3;
	v10 =	vld.idx.msk [tilespmem:v12+s3+$0x0], $0xffff  }
0x389: {  	v14 =	vor.u32 s17, v53;
	[tilespmem:v17+s11+$0x0] =	vst.idx.msk $0xffff, v16;
	v12 =	vor.u32 $0x17, v6;
	v13 =	vld.idx.msk [tilespmem:v15+s3+$0x0], $0xffff  }
0x38a: {  	v17 =	vor.u32 s14, v53;
	v15 =	vor.u32 $0x17, v5;
	v16 =	vld.idx.msk [tilespmem:v18+s3+$0x0], $0xffff  }
0x38b: {  	v18 =	vor.u32 $0x17, v4  }
0x38c: {  	v54 =	vmov v55;
	[tilespmem:v8+s11+$0x0] =	vst.idx.msk $0xffff, v7  }
0x38d: {  	v8 =	vor.u32 s16, v54;
	[tilespmem:v11+s11+$0x0] =	vst.idx.msk $0xffff, v10;
	v7 =	vld.idx.msk [tilespmem:v9+s3+$0x0], $0xffff  }
0x38e: {  	v11 =	vor.u32 s18, v54;
	[tilespmem:v14+s11+$0x0] =	vst.idx.msk $0xffff, v13;
	v9 =	vor.u32 $0x18, v3;
	v10 =	vld.idx.msk [tilespmem:v12+s3+$0x0], $0xffff  }
0x38f: {  	v14 =	vor.u32 s17, v54;
	[tilespmem:v17+s11+$0x0] =	vst.idx.msk $0xffff, v16;
	v12 =	vor.u32 $0x18, v6;
	v13 =	vld.idx.msk [tilespmem:v15+s3+$0x0], $0xffff  }
0x390: {  	v17 =	vor.u32 s14, v54;
	v15 =	vor.u32 $0x18, v5;
	v16 =	vld.idx.msk [tilespmem:v18+s3+$0x0], $0xffff  }
0x391: {  	v18 =	vor.u32 $0x18, v4  }
0x392: {  	v55 =	vmov v56;
	[tilespmem:v8+s11+$0x0] =	vst.idx.msk $0xffff, v7  }
0x393: {  	v8 =	vor.u32 s16, v55;
	[tilespmem:v11+s11+$0x0] =	vst.idx.msk $0xffff, v10;
	v7 =	vld.idx.msk [tilespmem:v9+s3+$0x0], $0xffff  }
0x394: {  	v11 =	vor.u32 s18, v55;
	[tilespmem:v14+s11+$0x0] =	vst.idx.msk $0xffff, v13;
	v9 =	vor.u32 $0x19, v3;
	v10 =	vld.idx.msk [tilespmem:v12+s3+$0x0], $0xffff  }
0x395: {  	v14 =	vor.u32 s17, v55;
	[tilespmem:v17+s11+$0x0] =	vst.idx.msk $0xffff, v16;
	v12 =	vor.u32 $0x19, v6;
	v13 =	vld.idx.msk [tilespmem:v15+s3+$0x0], $0xffff  }
0x396: {  	v17 =	vor.u32 s14, v55;
	v15 =	vor.u32 $0x19, v5;
	v16 =	vld.idx.msk [tilespmem:v18+s3+$0x0], $0xffff  }
0x397: {  	v18 =	vor.u32 $0x19, v4  }
0x398: {  	v56 =	vmov v57;
	[tilespmem:v8+s11+$0x0] =	vst.idx.msk $0xffff, v7  }
0x399: {  	v8 =	vor.u32 s16, v56;
	[tilespmem:v11+s11+$0x0] =	vst.idx.msk $0xffff, v10;
	v7 =	vld.idx.msk [tilespmem:v9+s3+$0x0], $0xffff  }
0x39a: {  	v11 =	vor.u32 s18, v56;
	[tilespmem:v14+s11+$0x0] =	vst.idx.msk $0xffff, v13;
	v9 =	vor.u32 $0x1A, v3;
	v10 =	vld.idx.msk [tilespmem:v12+s3+$0x0], $0xffff  }
0x39b: {  	v14 =	vor.u32 s17, v56;
	[tilespmem:v17+s11+$0x0] =	vst.idx.msk $0xffff, v16;
	v12 =	vor.u32 $0x1A, v6;
	v13 =	vld.idx.msk [tilespmem:v15+s3+$0x0], $0xffff  }
0x39c: {  	v17 =	vor.u32 s14, v56;
	v15 =	vor.u32 $0x1A, v5;
	v16 =	vld.idx.msk [tilespmem:v18+s3+$0x0], $0xffff  }
0x39d: {  	v18 =	vor.u32 $0x1A, v4  }
0x39e: {  	v57 =	vmov v58;
	[tilespmem:v8+s11+$0x0] =	vst.idx.msk $0xffff, v7  }
0x39f: {  	v8 =	vor.u32 s16, v57;
	[tilespmem:v11+s11+$0x0] =	vst.idx.msk $0xffff, v10;
	v7 =	vld.idx.msk [tilespmem:v9+s3+$0x0], $0xffff  }
0x3a0: {  	v11 =	vor.u32 s18, v57;
	[tilespmem:v14+s11+$0x0] =	vst.idx.msk $0xffff, v13;
	v9 =	vor.u32 $0x1B, v3;
	v10 =	vld.idx.msk [tilespmem:v12+s3+$0x0], $0xffff  }
0x3a1: {  	v14 =	vor.u32 s17, v57;
	[tilespmem:v17+s11+$0x0] =	vst.idx.msk $0xffff, v16;
	v12 =	vor.u32 $0x1B, v6;
	v13 =	vld.idx.msk [tilespmem:v15+s3+$0x0], $0xffff  }
0x3a2: {  	v17 =	vor.u32 s14, v57;
	v15 =	vor.u32 $0x1B, v5;
	v16 =	vld.idx.msk [tilespmem:v18+s3+$0x0], $0xffff  }
0x3a3: {  	v18 =	vor.u32 $0x1B, v4  }
0x3a4: {  	v58 =	vmov v59;
	[tilespmem:v8+s11+$0x0] =	vst.idx.msk $0xffff, v7  }
0x3a5: {  	v8 =	vor.u32 s16, v58;
	[tilespmem:v11+s11+$0x0] =	vst.idx.msk $0xffff, v10;
	v7 =	vld.idx.msk [tilespmem:v9+s3+$0x0], $0xffff  }
0x3a6: {  	v11 =	vor.u32 s18, v58;
	[tilespmem:v14+s11+$0x0] =	vst.idx.msk $0xffff, v13;
	v9 =	vor.u32 $0x1C, v3;
	v10 =	vld.idx.msk [tilespmem:v12+s3+$0x0], $0xffff  }
0x3a7: {  	v14 =	vor.u32 s17, v58;
	[tilespmem:v17+s11+$0x0] =	vst.idx.msk $0xffff, v16;
	v12 =	vor.u32 $0x1C, v6;
	v13 =	vld.idx.msk [tilespmem:v15+s3+$0x0], $0xffff  }
0x3a8: {  	v17 =	vor.u32 s14, v58;
	v15 =	vor.u32 $0x1C, v5;
	v16 =	vld.idx.msk [tilespmem:v18+s3+$0x0], $0xffff  }
0x3a9: {  	v18 =	vor.u32 $0x1C, v4  }
0x3aa: {  	v59 =	vmov v60;
	[tilespmem:v8+s11+$0x0] =	vst.idx.msk $0xffff, v7  }
0x3ab: {  	v8 =	vor.u32 s16, v59;
	[tilespmem:v11+s11+$0x0] =	vst.idx.msk $0xffff, v10;
	v7 =	vld.idx.msk [tilespmem:v9+s3+$0x0], $0xffff  }
0x3ac: {  	v11 =	vor.u32 s18, v59;
	[tilespmem:v14+s11+$0x0] =	vst.idx.msk $0xffff, v13;
	v9 =	vor.u32 $0x1D, v3;
	v10 =	vld.idx.msk [tilespmem:v12+s3+$0x0], $0xffff  }
0x3ad: {  	v14 =	vor.u32 s17, v59;
	[tilespmem:v17+s11+$0x0] =	vst.idx.msk $0xffff, v16;
	v12 =	vor.u32 $0x1D, v6;
	v13 =	vld.idx.msk [tilespmem:v15+s3+$0x0], $0xffff  }
0x3ae: {  	v17 =	vor.u32 s14, v59;
	v15 =	vor.u32 $0x1D, v5;
	v16 =	vld.idx.msk [tilespmem:v18+s3+$0x0], $0xffff  }
0x3af: {  	v18 =	vor.u32 $0x1D, v4  }
0x3b0: {  	v60 =	vmov v61;
	[tilespmem:v8+s11+$0x0] =	vst.idx.msk $0xffff, v7  }
0x3b1: {  	v8 =	vor.u32 s16, v60;
	[tilespmem:v11+s11+$0x0] =	vst.idx.msk $0xffff, v10;
	v7 =	vld.idx.msk [tilespmem:v9+s3+$0x0], $0xffff  }
0x3b2: {  	v11 =	vor.u32 s18, v60;
	[tilespmem:v14+s11+$0x0] =	vst.idx.msk $0xffff, v13;
	v9 =	vor.u32 $0x1E, v3;
	v10 =	vld.idx.msk [tilespmem:v12+s3+$0x0], $0xffff  }
0x3b3: {  	v14 =	vor.u32 s17, v60;
	[tilespmem:v17+s11+$0x0] =	vst.idx.msk $0xffff, v16;
	v12 =	vor.u32 $0x1E, v6;
	v13 =	vld.idx.msk [tilespmem:v15+s3+$0x0], $0xffff  }
0x3b4: {  	v17 =	vor.u32 s14, v60;
	v15 =	vor.u32 $0x1E, v5;
	v16 =	vld.idx.msk [tilespmem:v18+s3+$0x0], $0xffff  }
0x3b5: {  	v18 =	vor.u32 $0x1E, v4  }
0x3b6: {  	v61 =	vmov v62;
	[tilespmem:v8+s11+$0x0] =	vst.idx.msk $0xffff, v7  }
0x3b7: {  	v8 =	vor.u32 s16, v61;
	[tilespmem:v11+s11+$0x0] =	vst.idx.msk $0xffff, v10;
	v7 =	vld.idx.msk [tilespmem:v9+s3+$0x0], $0xffff  }
0x3b8: {  	v11 =	vor.u32 s18, v61;
	[tilespmem:v14+s11+$0x0] =	vst.idx.msk $0xffff, v13;
	v9 =	vor.u32 $0x1F, v3;
	v10 =	vld.idx.msk [tilespmem:v12+s3+$0x0], $0xffff  }
0x3b9: {  	v14 =	vor.u32 s17, v61;
	[tilespmem:v17+s11+$0x0] =	vst.idx.msk $0xffff, v16;
	v12 =	vor.u32 $0x1F, v6;
	v13 =	vld.idx.msk [tilespmem:v15+s3+$0x0], $0xffff  }
0x3ba: {  	v17 =	vor.u32 s14, v61;
	v15 =	vor.u32 $0x1F, v5;
	v16 =	vld.idx.msk [tilespmem:v18+s3+$0x0], $0xffff  }
0x3bb: {  	v18 =	vor.u32 $0x1F, v4  }
0x3bc: {  	v62 =	vmov v26;
	[tilespmem:v8+s11+$0x0] =	vst.idx.msk $0xffff, v7  }
0x3bd: {  	v8 =	vor.u32 s16, v62;
	[tilespmem:v11+s11+$0x0] =	vst.idx.msk $0xffff, v10;
	v7 =	vld.idx.msk [tilespmem:v9+s3+$0x0], $0xffff  }
0x3be: {  	v11 =	vor.u32 s18, v62;
	[tilespmem:v14+s11+$0x0] =	vst.idx.msk $0xffff, v13;
	v9 =	vor.u32 $0x20, v3;
	v10 =	vld.idx.msk [tilespmem:v12+s3+$0x0], $0xffff  }
0x3bf: {  	v14 =	vor.u32 s17, v62;
	[tilespmem:v17+s11+$0x0] =	vst.idx.msk $0xffff, v16;
	v12 =	vor.u32 $0x20, v6;
	v13 =	vld.idx.msk [tilespmem:v15+s3+$0x0], $0xffff  }
0x3c0: {  	v17 =	vor.u32 s14, v62;
	v15 =	vor.u32 $0x20, v5;
	v16 =	vld.idx.msk [tilespmem:v18+s3+$0x0], $0xffff  }
0x3c1: {  	v18 =	vor.u32 $0x20, v4  }
0x3c2: {  	v26 =	vmov v27;
	[tilespmem:v8+s11+$0x0] =	vst.idx.msk $0xffff, v7  }
0x3c3: {  	v8 =	vor.u32 s16, v26;
	[tilespmem:v11+s11+$0x0] =	vst.idx.msk $0xffff, v10;
	v7 =	vld.idx.msk [tilespmem:v9+s3+$0x0], $0xffff  }
0x3c4: {  	v11 =	vor.u32 s18, v26;
	[tilespmem:v14+s11+$0x0] =	vst.idx.msk $0xffff, v13;
	v9 =	vor.u32 $0x21, v3;
	v10 =	vld.idx.msk [tilespmem:v12+s3+$0x0], $0xffff  }
0x3c5: {  	v14 =	vor.u32 s17, v26;
	[tilespmem:v17+s11+$0x0] =	vst.idx.msk $0xffff, v16;
	v12 =	vor.u32 $0x21, v6;
	v13 =	vld.idx.msk [tilespmem:v15+s3+$0x0], $0xffff  }
0x3c6: {  	v17 =	vor.u32 s14, v26;
	v15 =	vor.u32 $0x21, v5;
	v16 =	vld.idx.msk [tilespmem:v18+s3+$0x0], $0xffff  }
0x3c7: {  	v18 =	vor.u32 $0x21, v4  }
0x3c8: {  	v27 =	vmov v28;
	[tilespmem:v8+s11+$0x0] =	vst.idx.msk $0xffff, v7  }
0x3c9: {  	v8 =	vor.u32 s16, v27;
	[tilespmem:v11+s11+$0x0] =	vst.idx.msk $0xffff, v10;
	v7 =	vld.idx.msk [tilespmem:v9+s3+$0x0], $0xffff  }
0x3ca: {  	v11 =	vor.u32 s18, v27;
	[tilespmem:v14+s11+$0x0] =	vst.idx.msk $0xffff, v13;
	v9 =	vor.u32 $0x22, v3;
	v10 =	vld.idx.msk [tilespmem:v12+s3+$0x0], $0xffff  }
0x3cb: {  	v14 =	vor.u32 s17, v27;
	[tilespmem:v17+s11+$0x0] =	vst.idx.msk $0xffff, v16;
	v12 =	vor.u32 $0x22, v6;
	v13 =	vld.idx.msk [tilespmem:v15+s3+$0x0], $0xffff  }
0x3cc: {  	v17 =	vor.u32 s14, v27;
	v15 =	vor.u32 $0x22, v5;
	v16 =	vld.idx.msk [tilespmem:v18+s3+$0x0], $0xffff  }
0x3cd: {  	v18 =	vor.u32 $0x22, v4  }
0x3ce: {  	v28 =	vmov v29;
	[tilespmem:v8+s11+$0x0] =	vst.idx.msk $0xffff, v7  }
0x3cf: {  	v8 =	vor.u32 s16, v28;
	[tilespmem:v11+s11+$0x0] =	vst.idx.msk $0xffff, v10;
	v7 =	vld.idx.msk [tilespmem:v9+s3+$0x0], $0xffff  }
0x3d0: {  	v11 =	vor.u32 s18, v28;
	[tilespmem:v14+s11+$0x0] =	vst.idx.msk $0xffff, v13;
	v9 =	vor.u32 $0x23, v3;
	v10 =	vld.idx.msk [tilespmem:v12+s3+$0x0], $0xffff  }
0x3d1: {  	v14 =	vor.u32 s17, v28;
	[tilespmem:v17+s11+$0x0] =	vst.idx.msk $0xffff, v16;
	v12 =	vor.u32 $0x23, v6;
	v13 =	vld.idx.msk [tilespmem:v15+s3+$0x0], $0xffff  }
0x3d2: {  	v17 =	vor.u32 s14, v28;
	v15 =	vor.u32 $0x23, v5;
	v16 =	vld.idx.msk [tilespmem:v18+s3+$0x0], $0xffff  }
0x3d3: {  	v18 =	vor.u32 $0x23, v4  }
0x3d4: {  	v29 =	vmov v30;
	[tilespmem:v8+s11+$0x0] =	vst.idx.msk $0xffff, v7  }
0x3d5: {  	v8 =	vor.u32 s16, v29;
	[tilespmem:v11+s11+$0x0] =	vst.idx.msk $0xffff, v10;
	v7 =	vld.idx.msk [tilespmem:v9+s3+$0x0], $0xffff  }
0x3d6: {  	v11 =	vor.u32 s18, v29;
	[tilespmem:v14+s11+$0x0] =	vst.idx.msk $0xffff, v13;
	v9 =	vor.u32 $0x24, v3;
	v10 =	vld.idx.msk [tilespmem:v12+s3+$0x0], $0xffff  }
0x3d7: {  	v14 =	vor.u32 s17, v29;
	[tilespmem:v17+s11+$0x0] =	vst.idx.msk $0xffff, v16;
	v12 =	vor.u32 $0x24, v6;
	v13 =	vld.idx.msk [tilespmem:v15+s3+$0x0], $0xffff  }
0x3d8: {  	v17 =	vor.u32 s14, v29;
	v15 =	vor.u32 $0x24, v5;
	v16 =	vld.idx.msk [tilespmem:v18+s3+$0x0], $0xffff  }
0x3d9: {  	v18 =	vor.u32 $0x24, v4  }
0x3da: {  	v30 =	vmov v31;
	[tilespmem:v8+s11+$0x0] =	vst.idx.msk $0xffff, v7  }
0x3db: {  	v8 =	vor.u32 s16, v30;
	[tilespmem:v11+s11+$0x0] =	vst.idx.msk $0xffff, v10;
	v7 =	vld.idx.msk [tilespmem:v9+s3+$0x0], $0xffff  }
0x3dc: {  	v11 =	vor.u32 s18, v30;
	[tilespmem:v14+s11+$0x0] =	vst.idx.msk $0xffff, v13;
	v9 =	vor.u32 $0x25, v3;
	v10 =	vld.idx.msk [tilespmem:v12+s3+$0x0], $0xffff  }
0x3dd: {  	v14 =	vor.u32 s17, v30;
	[tilespmem:v17+s11+$0x0] =	vst.idx.msk $0xffff, v16;
	v12 =	vor.u32 $0x25, v6;
	v13 =	vld.idx.msk [tilespmem:v15+s3+$0x0], $0xffff  }
0x3de: {  	v17 =	vor.u32 s14, v30;
	v15 =	vor.u32 $0x25, v5;
	v16 =	vld.idx.msk [tilespmem:v18+s3+$0x0], $0xffff  }
0x3df: {  	v18 =	vor.u32 $0x25, v4  }
0x3e0: {  	v31 =	vmov v32;
	[tilespmem:v8+s11+$0x0] =	vst.idx.msk $0xffff, v7  }
0x3e1: {  	v8 =	vor.u32 s16, v31;
	[tilespmem:v11+s11+$0x0] =	vst.idx.msk $0xffff, v10;
	v7 =	vld.idx.msk [tilespmem:v9+s3+$0x0], $0xffff  }
0x3e2: {  	v11 =	vor.u32 s18, v31;
	[tilespmem:v14+s11+$0x0] =	vst.idx.msk $0xffff, v13;
	v9 =	vor.u32 $0x26, v3;
	v10 =	vld.idx.msk [tilespmem:v12+s3+$0x0], $0xffff  }
0x3e3: {  	v14 =	vor.u32 s17, v31;
	[tilespmem:v17+s11+$0x0] =	vst.idx.msk $0xffff, v16;
	v12 =	vor.u32 $0x26, v6;
	v13 =	vld.idx.msk [tilespmem:v15+s3+$0x0], $0xffff  }
0x3e4: {  	v17 =	vor.u32 s14, v31;
	v15 =	vor.u32 $0x26, v5;
	v16 =	vld.idx.msk [tilespmem:v18+s3+$0x0], $0xffff  }
0x3e5: {  	v18 =	vor.u32 $0x26, v4  }
0x3e6: {  	v32 =	vmov v33;
	[tilespmem:v8+s11+$0x0] =	vst.idx.msk $0xffff, v7  }
0x3e7: {  	v8 =	vor.u32 s16, v32;
	[tilespmem:v11+s11+$0x0] =	vst.idx.msk $0xffff, v10;
	v7 =	vld.idx.msk [tilespmem:v9+s3+$0x0], $0xffff  }
0x3e8: {  	v11 =	vor.u32 s18, v32;
	[tilespmem:v14+s11+$0x0] =	vst.idx.msk $0xffff, v13;
	v9 =	vor.u32 $0x27, v3;
	v10 =	vld.idx.msk [tilespmem:v12+s3+$0x0], $0xffff  }
0x3e9: {  	v14 =	vor.u32 s17, v32;
	[tilespmem:v17+s11+$0x0] =	vst.idx.msk $0xffff, v16;
	v12 =	vor.u32 $0x27, v6;
	v13 =	vld.idx.msk [tilespmem:v15+s3+$0x0], $0xffff  }
0x3ea: {  	v17 =	vor.u32 s14, v32;
	v15 =	vor.u32 $0x27, v5;
	v16 =	vld.idx.msk [tilespmem:v18+s3+$0x0], $0xffff  }
0x3eb: {  	v18 =	vor.u32 $0x27, v4  }
0x3ec: {  	v33 =	vmov v34;
	[tilespmem:v8+s11+$0x0] =	vst.idx.msk $0xffff, v7  }
0x3ed: {  	v8 =	vor.u32 s16, v33;
	[tilespmem:v11+s11+$0x0] =	vst.idx.msk $0xffff, v10;
	v7 =	vld.idx.msk [tilespmem:v9+s3+$0x0], $0xffff  }
0x3ee: {  	v11 =	vor.u32 s18, v33;
	[tilespmem:v14+s11+$0x0] =	vst.idx.msk $0xffff, v13;
	v9 =	vor.u32 $0x28, v3;
	v10 =	vld.idx.msk [tilespmem:v12+s3+$0x0], $0xffff  }
0x3ef: {  	v14 =	vor.u32 s17, v33;
	[tilespmem:v17+s11+$0x0] =	vst.idx.msk $0xffff, v16;
	v12 =	vor.u32 $0x28, v6;
	v13 =	vld.idx.msk [tilespmem:v15+s3+$0x0], $0xffff  }
0x3f0: {  	v17 =	vor.u32 s14, v33;
	v15 =	vor.u32 $0x28, v5;
	v16 =	vld.idx.msk [tilespmem:v18+s3+$0x0], $0xffff  }
0x3f1: {  	v18 =	vor.u32 $0x28, v4  }
0x3f2: {  	v34 =	vmov v35;
	[tilespmem:v8+s11+$0x0] =	vst.idx.msk $0xffff, v7  }
0x3f3: {  	v8 =	vor.u32 s16, v34;
	[tilespmem:v11+s11+$0x0] =	vst.idx.msk $0xffff, v10;
	v7 =	vld.idx.msk [tilespmem:v9+s3+$0x0], $0xffff  }
0x3f4: {  	v11 =	vor.u32 s18, v34;
	[tilespmem:v14+s11+$0x0] =	vst.idx.msk $0xffff, v13;
	v9 =	vor.u32 $0x29, v3;
	v10 =	vld.idx.msk [tilespmem:v12+s3+$0x0], $0xffff  }
0x3f5: {  	v14 =	vor.u32 s17, v34;
	[tilespmem:v17+s11+$0x0] =	vst.idx.msk $0xffff, v16;
	v12 =	vor.u32 $0x29, v6;
	v13 =	vld.idx.msk [tilespmem:v15+s3+$0x0], $0xffff  }
0x3f6: {  	v17 =	vor.u32 s14, v34;
	v15 =	vor.u32 $0x29, v5;
	v16 =	vld.idx.msk [tilespmem:v18+s3+$0x0], $0xffff  }
0x3f7: {  	v18 =	vor.u32 $0x29, v4  }
0x3f8: {  	v35 =	vmov v36;
	[tilespmem:v8+s11+$0x0] =	vst.idx.msk $0xffff, v7  }
0x3f9: {  	v8 =	vor.u32 s16, v35;
	[tilespmem:v11+s11+$0x0] =	vst.idx.msk $0xffff, v10;
	v7 =	vld.idx.msk [tilespmem:v9+s3+$0x0], $0xffff  }
0x3fa: {  	v11 =	vor.u32 s18, v35;
	[tilespmem:v14+s11+$0x0] =	vst.idx.msk $0xffff, v13;
	v9 =	vor.u32 $0x2A, v3;
	v10 =	vld.idx.msk [tilespmem:v12+s3+$0x0], $0xffff  }
0x3fb: {  	v14 =	vor.u32 s17, v35;
	[tilespmem:v17+s11+$0x0] =	vst.idx.msk $0xffff, v16;
	v12 =	vor.u32 $0x2A, v6;
	v13 =	vld.idx.msk [tilespmem:v15+s3+$0x0], $0xffff  }
0x3fc: {  	v17 =	vor.u32 s14, v35;
	v15 =	vor.u32 $0x2A, v5;
	v16 =	vld.idx.msk [tilespmem:v18+s3+$0x0], $0xffff  }
0x3fd: {  	v18 =	vor.u32 $0x2A, v4  }
0x3fe: {  	v36 =	vmov v37;
	[tilespmem:v8+s11+$0x0] =	vst.idx.msk $0xffff, v7  }
0x3ff: {  	v8 =	vor.u32 s16, v36;
	[tilespmem:v11+s11+$0x0] =	vst.idx.msk $0xffff, v10;
	v7 =	vld.idx.msk [tilespmem:v9+s3+$0x0], $0xffff  }
0x400: {  	v11 =	vor.u32 s18, v36;
	[tilespmem:v14+s11+$0x0] =	vst.idx.msk $0xffff, v13;
	v9 =	vor.u32 $0x2B, v3;
	v10 =	vld.idx.msk [tilespmem:v12+s3+$0x0], $0xffff  }
0x401: {  	v14 =	vor.u32 s17, v36;
	[tilespmem:v17+s11+$0x0] =	vst.idx.msk $0xffff, v16;
	v12 =	vor.u32 $0x2B, v6;
	v13 =	vld.idx.msk [tilespmem:v15+s3+$0x0], $0xffff  }
0x402: {  	v17 =	vor.u32 s14, v36;
	v15 =	vor.u32 $0x2B, v5;
	v16 =	vld.idx.msk [tilespmem:v18+s3+$0x0], $0xffff  }
0x403: {  	v18 =	vor.u32 $0x2B, v4  }
0x404: {  	v37 =	vmov v38;
	[tilespmem:v8+s11+$0x0] =	vst.idx.msk $0xffff, v7  }
0x405: {  	v8 =	vor.u32 s16, v37;
	[tilespmem:v11+s11+$0x0] =	vst.idx.msk $0xffff, v10;
	v7 =	vld.idx.msk [tilespmem:v9+s3+$0x0], $0xffff  }
0x406: {  	v11 =	vor.u32 s18, v37;
	[tilespmem:v14+s11+$0x0] =	vst.idx.msk $0xffff, v13;
	v9 =	vor.u32 $0x2C, v3;
	v10 =	vld.idx.msk [tilespmem:v12+s3+$0x0], $0xffff  }
0x407: {  	v14 =	vor.u32 s17, v37;
	[tilespmem:v17+s11+$0x0] =	vst.idx.msk $0xffff, v16;
	v12 =	vor.u32 $0x2C, v6;
	v13 =	vld.idx.msk [tilespmem:v15+s3+$0x0], $0xffff  }
0x408: {  	v17 =	vor.u32 s14, v37;
	v15 =	vor.u32 $0x2C, v5;
	v16 =	vld.idx.msk [tilespmem:v18+s3+$0x0], $0xffff  }
0x409: {  	v18 =	vor.u32 $0x2C, v4  }
0x40a: {  	v38 =	vmov v39;
	[tilespmem:v8+s11+$0x0] =	vst.idx.msk $0xffff, v7  }
0x40b: {  	v8 =	vor.u32 s16, v38;
	[tilespmem:v11+s11+$0x0] =	vst.idx.msk $0xffff, v10;
	v7 =	vld.idx.msk [tilespmem:v9+s3+$0x0], $0xffff  }
0x40c: {  	v11 =	vor.u32 s18, v38;
	[tilespmem:v14+s11+$0x0] =	vst.idx.msk $0xffff, v13;
	v9 =	vor.u32 $0x2D, v3;
	v10 =	vld.idx.msk [tilespmem:v12+s3+$0x0], $0xffff  }
0x40d: {  	v14 =	vor.u32 s17, v38;
	[tilespmem:v17+s11+$0x0] =	vst.idx.msk $0xffff, v16;
	v12 =	vor.u32 $0x2D, v6;
	v13 =	vld.idx.msk [tilespmem:v15+s3+$0x0], $0xffff  }
0x40e: {  	v17 =	vor.u32 s14, v38;
	v15 =	vor.u32 $0x2D, v5;
	v16 =	vld.idx.msk [tilespmem:v18+s3+$0x0], $0xffff  }
0x40f: {  	v18 =	vor.u32 $0x2D, v4  }
0x410: {  	v39 =	vmov v40;
	[tilespmem:v8+s11+$0x0] =	vst.idx.msk $0xffff, v7  }
0x411: {  	v8 =	vor.u32 s16, v39;
	[tilespmem:v11+s11+$0x0] =	vst.idx.msk $0xffff, v10;
	v7 =	vld.idx.msk [tilespmem:v9+s3+$0x0], $0xffff  }
0x412: {  	v11 =	vor.u32 s18, v39;
	[tilespmem:v14+s11+$0x0] =	vst.idx.msk $0xffff, v13;
	v9 =	vor.u32 $0x2E, v3;
	v10 =	vld.idx.msk [tilespmem:v12+s3+$0x0], $0xffff  }
0x413: {  	v14 =	vor.u32 s17, v39;
	[tilespmem:v17+s11+$0x0] =	vst.idx.msk $0xffff, v16;
	v12 =	vor.u32 $0x2E, v6;
	v13 =	vld.idx.msk [tilespmem:v15+s3+$0x0], $0xffff  }
0x414: {  	v17 =	vor.u32 s14, v39;
	v15 =	vor.u32 $0x2E, v5;
	v16 =	vld.idx.msk [tilespmem:v18+s3+$0x0], $0xffff  }
0x415: {  	v18 =	vor.u32 $0x2E, v4  }
0x416: {  	v40 =	vmov v41;
	[tilespmem:v8+s11+$0x0] =	vst.idx.msk $0xffff, v7  }
0x417: {  	v8 =	vor.u32 s16, v40;
	[tilespmem:v11+s11+$0x0] =	vst.idx.msk $0xffff, v10;
	v7 =	vld.idx.msk [tilespmem:v9+s3+$0x0], $0xffff  }
0x418: {  	v11 =	vor.u32 s18, v40;
	[tilespmem:v14+s11+$0x0] =	vst.idx.msk $0xffff, v13;
	v9 =	vor.u32 $0x2F, v3;
	v10 =	vld.idx.msk [tilespmem:v12+s3+$0x0], $0xffff  }
0x419: {  	v14 =	vor.u32 s17, v40;
	[tilespmem:v17+s11+$0x0] =	vst.idx.msk $0xffff, v16;
	v12 =	vor.u32 $0x2F, v6;
	v13 =	vld.idx.msk [tilespmem:v15+s3+$0x0], $0xffff  }
0x41a: {  	v17 =	vor.u32 s14, v40;
	v15 =	vor.u32 $0x2F, v5;
	v16 =	vld.idx.msk [tilespmem:v18+s3+$0x0], $0xffff  }
0x41b: {  	v18 =	vor.u32 $0x2F, v4  }
0x41c: {  	v41 =	vmov v20;
	[tilespmem:v8+s11+$0x0] =	vst.idx.msk $0xffff, v7  }
0x41d: {  	v8 =	vor.u32 s16, v41;
	[tilespmem:v11+s11+$0x0] =	vst.idx.msk $0xffff, v10;
	v7 =	vld.idx.msk [tilespmem:v9+s3+$0x0], $0xffff  }
0x41e: {  	v11 =	vor.u32 s18, v41;
	[tilespmem:v14+s11+$0x0] =	vst.idx.msk $0xffff, v13;
	v9 =	vor.u32 $0x30, v3;
	v10 =	vld.idx.msk [tilespmem:v12+s3+$0x0], $0xffff  }
0x41f: {  	v14 =	vor.u32 s17, v41;
	[tilespmem:v17+s11+$0x0] =	vst.idx.msk $0xffff, v16;
	v12 =	vor.u32 $0x30, v6;
	v13 =	vld.idx.msk [tilespmem:v15+s3+$0x0], $0xffff  }
0x420: {  	v17 =	vor.u32 s14, v41;
	v15 =	vor.u32 $0x30, v5;
	v16 =	vld.idx.msk [tilespmem:v18+s3+$0x0], $0xffff  }
0x421: {  	v18 =	vor.u32 $0x30, v4  }
0x422: {  	v20 =	vmov v21;
	[tilespmem:v8+s11+$0x0] =	vst.idx.msk $0xffff, v7  }
0x423: {  	v8 =	vor.u32 s16, v20;
	[tilespmem:v11+s11+$0x0] =	vst.idx.msk $0xffff, v10;
	v7 =	vld.idx.msk [tilespmem:v9+s3+$0x0], $0xffff  }
0x424: {  	v11 =	vor.u32 s18, v20;
	[tilespmem:v14+s11+$0x0] =	vst.idx.msk $0xffff, v13;
	v9 =	vor.u32 $0x31, v3;
	v10 =	vld.idx.msk [tilespmem:v12+s3+$0x0], $0xffff  }
0x425: {  	v14 =	vor.u32 s17, v20;
	[tilespmem:v17+s11+$0x0] =	vst.idx.msk $0xffff, v16;
	v12 =	vor.u32 $0x31, v6;
	v13 =	vld.idx.msk [tilespmem:v15+s3+$0x0], $0xffff  }
0x426: {  	v17 =	vor.u32 s14, v20;
	v15 =	vor.u32 $0x31, v5;
	v16 =	vld.idx.msk [tilespmem:v18+s3+$0x0], $0xffff  }
0x427: {  	v18 =	vor.u32 $0x31, v4  }
0x428: {  	v21 =	vmov v19;
	v19 =	vld [tilespmem:$0x1FF00];
	[tilespmem:v8+s11+$0x0] =	vst.idx.msk $0xffff, v7  }
0x429: {  	v8 =	vor.u32 s16, v21;
	[tilespmem:v11+s11+$0x0] =	vst.idx.msk $0xffff, v10;
	v7 =	vld.idx.msk [tilespmem:v9+s3+$0x0], $0xffff  }
0x42a: {  	v11 =	vor.u32 s18, v21;
	[tilespmem:v14+s11+$0x0] =	vst.idx.msk $0xffff, v13;
	v10 =	vld.idx.msk [tilespmem:v12+s3+$0x0], $0xffff  }
0x42b: {  	v14 =	vor.u32 s17, v21;
	[tilespmem:v17+s11+$0x0] =	vst.idx.msk $0xffff, v16;
	v13 =	vld.idx.msk [tilespmem:v15+s3+$0x0], $0xffff  }
0x42c: {  	v17 =	vor.u32 s14, v21;
	v16 =	vld.idx.msk [tilespmem:v18+s3+$0x0], $0xffff  }
0x42d: {  	v9 =	vor.u32 $0x32, v3  }
0x42e: {  	v12 =	vor.u32 $0x32, v6;
	[tilespmem:v8+s11+$0x0] =	vst.idx.msk $0xffff, v7  }
0x42f: {  	v15 =	vor.u32 $0x32, v5;
	[tilespmem:v11+s11+$0x0] =	vst.idx.msk $0xffff, v10  }
0x430: {  	v18 =	vor.u32 $0x32, v4;
	v8 =	vor.u32 s16, v19;
	[tilespmem:v14+s11+$0x0] =	vst.idx.msk $0xffff, v13  }
0x431: {  	v11 =	vor.u32 s18, v19;
	v14 =	vor.u32 s17, v19;
	[tilespmem:v17+s11+$0x0] =	vst.idx.msk $0xffff, v16;
	v17 =	vor.u32 s14, v19;
	v19 =	vld [tilespmem:$0x1FF10]  }
0x432: {  	v7 =	vld.idx.msk [tilespmem:v9+s3+$0x0], $0xffff  }
0x433: {  	v10 =	vld.idx.msk [tilespmem:v12+s3+$0x0], $0xffff  }
0x434: {  	v13 =	vld.idx.msk [tilespmem:v15+s3+$0x0], $0xffff  }
0x435: {  	v16 =	vld.idx.msk [tilespmem:v18+s3+$0x0], $0xffff  }
0x436: {  	v9 =	vor.u32 $0x33, v3  }
0x437: {  	v12 =	vor.u32 $0x33, v6;
	[tilespmem:v8+s11+$0x0] =	vst.idx.msk $0xffff, v7  }
0x438: {  	v15 =	vor.u32 $0x33, v5;
	[tilespmem:v11+s11+$0x0] =	vst.idx.msk $0xffff, v10  }
0x439: {  	v18 =	vor.u32 $0x33, v4;
	v8 =	vor.u32 s16, v19;
	[tilespmem:v14+s11+$0x0] =	vst.idx.msk $0xffff, v13  }
0x43a: {  	v11 =	vor.u32 s18, v19;
	v14 =	vor.u32 s17, v19;
	[tilespmem:v17+s11+$0x0] =	vst.idx.msk $0xffff, v16;
	v17 =	vor.u32 s14, v19;
	v19 =	vld [tilespmem:$0x1FF20]  }
0x43b: {  	v7 =	vld.idx.msk [tilespmem:v9+s3+$0x0], $0xffff  }
0x43c: {  	v10 =	vld.idx.msk [tilespmem:v12+s3+$0x0], $0xffff  }
0x43d: {  	v13 =	vld.idx.msk [tilespmem:v15+s3+$0x0], $0xffff  }
0x43e: {  	v16 =	vld.idx.msk [tilespmem:v18+s3+$0x0], $0xffff  }
0x43f: {  	v9 =	vor.u32 $0x34, v3  }
0x440: {  	v12 =	vor.u32 $0x34, v6;
	[tilespmem:v8+s11+$0x0] =	vst.idx.msk $0xffff, v7  }
0x441: {  	v15 =	vor.u32 $0x34, v5;
	[tilespmem:v11+s11+$0x0] =	vst.idx.msk $0xffff, v10  }
0x442: {  	v18 =	vor.u32 $0x34, v4;
	v8 =	vor.u32 s16, v19;
	[tilespmem:v14+s11+$0x0] =	vst.idx.msk $0xffff, v13  }
0x443: {  	v11 =	vor.u32 s18, v19;
	v14 =	vor.u32 s17, v19;
	[tilespmem:v17+s11+$0x0] =	vst.idx.msk $0xffff, v16;
	v17 =	vor.u32 s14, v19;
	v19 =	vld [tilespmem:$0x1FF30]  }
0x444: {  	v7 =	vld.idx.msk [tilespmem:v9+s3+$0x0], $0xffff  }
0x445: {  	v10 =	vld.idx.msk [tilespmem:v12+s3+$0x0], $0xffff  }
0x446: {  	v13 =	vld.idx.msk [tilespmem:v15+s3+$0x0], $0xffff  }
0x447: {  	v16 =	vld.idx.msk [tilespmem:v18+s3+$0x0], $0xffff  }
0x448: {  	v9 =	vor.u32 $0x35, v3  }
0x449: {  	v12 =	vor.u32 $0x35, v6;
	[tilespmem:v8+s11+$0x0] =	vst.idx.msk $0xffff, v7  }
0x44a: {  	v15 =	vor.u32 $0x35, v5;
	[tilespmem:v11+s11+$0x0] =	vst.idx.msk $0xffff, v10  }
0x44b: {  	v18 =	vor.u32 $0x35, v4;
	v8 =	vor.u32 s16, v19;
	[tilespmem:v14+s11+$0x0] =	vst.idx.msk $0xffff, v13  }
0x44c: {  	v11 =	vor.u32 s18, v19;
	v14 =	vor.u32 s17, v19;
	[tilespmem:v17+s11+$0x0] =	vst.idx.msk $0xffff, v16;
	v17 =	vor.u32 s14, v19;
	v19 =	vld [tilespmem:$0x1FF40]  }
0x44d: {  	v7 =	vld.idx.msk [tilespmem:v9+s3+$0x0], $0xffff  }
0x44e: {  	v10 =	vld.idx.msk [tilespmem:v12+s3+$0x0], $0xffff  }
0x44f: {  	v13 =	vld.idx.msk [tilespmem:v15+s3+$0x0], $0xffff  }
0x450: {  	v16 =	vld.idx.msk [tilespmem:v18+s3+$0x0], $0xffff  }
0x451: {  	v9 =	vor.u32 $0x36, v3  }
0x452: {  	v12 =	vor.u32 $0x36, v6;
	[tilespmem:v8+s11+$0x0] =	vst.idx.msk $0xffff, v7  }
0x453: {  	v15 =	vor.u32 $0x36, v5;
	[tilespmem:v11+s11+$0x0] =	vst.idx.msk $0xffff, v10  }
0x454: {  	v18 =	vor.u32 $0x36, v4;
	v8 =	vor.u32 s16, v19;
	[tilespmem:v14+s11+$0x0] =	vst.idx.msk $0xffff, v13  }
0x455: {  	v11 =	vor.u32 s18, v19;
	v14 =	vor.u32 s17, v19;
	[tilespmem:v17+s11+$0x0] =	vst.idx.msk $0xffff, v16;
	v17 =	vor.u32 s14, v19;
	v19 =	vld [tilespmem:$0x1FF50]  }
0x456: {  	v7 =	vld.idx.msk [tilespmem:v9+s3+$0x0], $0xffff  }
0x457: {  	v10 =	vld.idx.msk [tilespmem:v12+s3+$0x0], $0xffff  }
0x458: {  	v13 =	vld.idx.msk [tilespmem:v15+s3+$0x0], $0xffff  }
0x459: {  	v16 =	vld.idx.msk [tilespmem:v18+s3+$0x0], $0xffff  }
0x45a: {  	v9 =	vor.u32 $0x37, v3  }
0x45b: {  	v12 =	vor.u32 $0x37, v6;
	[tilespmem:v8+s11+$0x0] =	vst.idx.msk $0xffff, v7  }
0x45c: {  	v15 =	vor.u32 $0x37, v5;
	[tilespmem:v11+s11+$0x0] =	vst.idx.msk $0xffff, v10  }
0x45d: {  	v18 =	vor.u32 $0x37, v4;
	v8 =	vor.u32 s16, v19;
	[tilespmem:v14+s11+$0x0] =	vst.idx.msk $0xffff, v13  }
0x45e: {  	v11 =	vor.u32 s18, v19;
	v14 =	vor.u32 s17, v19;
	[tilespmem:v17+s11+$0x0] =	vst.idx.msk $0xffff, v16;
	v17 =	vor.u32 s14, v19;
	v19 =	vld [tilespmem:$0x1FF60]  }
0x45f: {  	v7 =	vld.idx.msk [tilespmem:v9+s3+$0x0], $0xffff  }
0x460: {  	v10 =	vld.idx.msk [tilespmem:v12+s3+$0x0], $0xffff  }
0x461: {  	v13 =	vld.idx.msk [tilespmem:v15+s3+$0x0], $0xffff  }
0x462: {  	v16 =	vld.idx.msk [tilespmem:v18+s3+$0x0], $0xffff  }
0x463: {  	v9 =	vor.u32 $0x38, v3  }
0x464: {  	v12 =	vor.u32 $0x38, v6;
	[tilespmem:v8+s11+$0x0] =	vst.idx.msk $0xffff, v7  }
0x465: {  	v15 =	vor.u32 $0x38, v5;
	[tilespmem:v11+s11+$0x0] =	vst.idx.msk $0xffff, v10  }
0x466: {  	v18 =	vor.u32 $0x38, v4;
	v8 =	vor.u32 s16, v19;
	[tilespmem:v14+s11+$0x0] =	vst.idx.msk $0xffff, v13  }
0x467: {  	v11 =	vor.u32 s18, v19;
	v14 =	vor.u32 s17, v19;
	[tilespmem:v17+s11+$0x0] =	vst.idx.msk $0xffff, v16;
	v17 =	vor.u32 s14, v19;
	v19 =	vld [tilespmem:$0x1FF70]  }
0x468: {  	v7 =	vld.idx.msk [tilespmem:v9+s3+$0x0], $0xffff  }
0x469: {  	v10 =	vld.idx.msk [tilespmem:v12+s3+$0x0], $0xffff  }
0x46a: {  	v13 =	vld.idx.msk [tilespmem:v15+s3+$0x0], $0xffff  }
0x46b: {  	v16 =	vld.idx.msk [tilespmem:v18+s3+$0x0], $0xffff  }
0x46c: {  	v9 =	vor.u32 $0x39, v3  }
0x46d: {  	v12 =	vor.u32 $0x39, v6;
	[tilespmem:v8+s11+$0x0] =	vst.idx.msk $0xffff, v7  }
0x46e: {  	v15 =	vor.u32 $0x39, v5;
	[tilespmem:v11+s11+$0x0] =	vst.idx.msk $0xffff, v10  }
0x46f: {  	v18 =	vor.u32 $0x39, v4;
	v8 =	vor.u32 s16, v19;
	[tilespmem:v14+s11+$0x0] =	vst.idx.msk $0xffff, v13  }
0x470: {  	v11 =	vor.u32 s18, v19;
	v14 =	vor.u32 s17, v19;
	[tilespmem:v17+s11+$0x0] =	vst.idx.msk $0xffff, v16;
	v17 =	vor.u32 s14, v19;
	v19 =	vld [tilespmem:$0x1FF80]  }
0x471: {  	v7 =	vld.idx.msk [tilespmem:v9+s3+$0x0], $0xffff  }
0x472: {  	v10 =	vld.idx.msk [tilespmem:v12+s3+$0x0], $0xffff  }
0x473: {  	v13 =	vld.idx.msk [tilespmem:v15+s3+$0x0], $0xffff  }
0x474: {  	v16 =	vld.idx.msk [tilespmem:v18+s3+$0x0], $0xffff  }
0x475: {  	v9 =	vor.u32 $0x3A, v3  }
0x476: {  	v12 =	vor.u32 $0x3A, v6;
	[tilespmem:v8+s11+$0x0] =	vst.idx.msk $0xffff, v7  }
0x477: {  	v15 =	vor.u32 $0x3A, v5;
	[tilespmem:v11+s11+$0x0] =	vst.idx.msk $0xffff, v10  }
0x478: {  	v18 =	vor.u32 $0x3A, v4;
	v8 =	vor.u32 s16, v19;
	[tilespmem:v14+s11+$0x0] =	vst.idx.msk $0xffff, v13  }
0x479: {  	v11 =	vor.u32 s18, v19;
	v14 =	vor.u32 s17, v19;
	[tilespmem:v17+s11+$0x0] =	vst.idx.msk $0xffff, v16;
	v17 =	vor.u32 s14, v19;
	v19 =	vld [tilespmem:$0x1FF90]  }
0x47a: {  	v7 =	vld.idx.msk [tilespmem:v9+s3+$0x0], $0xffff  }
0x47b: {  	v10 =	vld.idx.msk [tilespmem:v12+s3+$0x0], $0xffff  }
0x47c: {  	v13 =	vld.idx.msk [tilespmem:v15+s3+$0x0], $0xffff  }
0x47d: {  	v16 =	vld.idx.msk [tilespmem:v18+s3+$0x0], $0xffff  }
0x47e: {  	v9 =	vor.u32 $0x3B, v3  }
0x47f: {  	v12 =	vor.u32 $0x3B, v6;
	[tilespmem:v8+s11+$0x0] =	vst.idx.msk $0xffff, v7  }
0x480: {  	v15 =	vor.u32 $0x3B, v5;
	[tilespmem:v11+s11+$0x0] =	vst.idx.msk $0xffff, v10  }
0x481: {  	v18 =	vor.u32 $0x3B, v4;
	v8 =	vor.u32 s16, v19;
	[tilespmem:v14+s11+$0x0] =	vst.idx.msk $0xffff, v13  }
0x482: {  	v11 =	vor.u32 s18, v19;
	v14 =	vor.u32 s17, v19;
	[tilespmem:v17+s11+$0x0] =	vst.idx.msk $0xffff, v16;
	v17 =	vor.u32 s14, v19;
	v19 =	vld [tilespmem:$0x1FFA0]  }
0x483: {  	v7 =	vld.idx.msk [tilespmem:v9+s3+$0x0], $0xffff  }
0x484: {  	v9 =	vor.u32 $0x3C, v3;
	v10 =	vld.idx.msk [tilespmem:v12+s3+$0x0], $0xffff  }
0x485: {  	v12 =	vor.u32 $0x3C, v6;
	v13 =	vld.idx.msk [tilespmem:v15+s3+$0x0], $0xffff  }
0x486: {  	v15 =	vor.u32 $0x3C, v5;
	v16 =	vld.idx.msk [tilespmem:v18+s3+$0x0], $0xffff  }
0x487: {  	v18 =	vor.u32 $0x3C, v4  }
0x488: {  	[tilespmem:v8+s11+$0x0] =	vst.idx.msk $0xffff, v7  }
0x489: {  	v8 =	vor.u32 s16, v19;
	[tilespmem:v11+s11+$0x0] =	vst.idx.msk $0xffff, v10;
	v7 =	vld.idx.msk [tilespmem:v9+s3+$0x0], $0xffff  }
0x48a: {  	v11 =	vor.u32 s18, v19;
	[tilespmem:v14+s11+$0x0] =	vst.idx.msk $0xffff, v13;
	v9 =	vor.u32 $0x3D, v3;
	v10 =	vld.idx.msk [tilespmem:v12+s3+$0x0], $0xffff  }
0x48b: {  	v14 =	vor.u32 s17, v19;
	[tilespmem:v17+s11+$0x0] =	vst.idx.msk $0xffff, v16;
	v12 =	vor.u32 $0x3D, v6;
	v13 =	vld.idx.msk [tilespmem:v15+s3+$0x0], $0xffff  }
0x48c: {  	v17 =	vor.u32 s14, v19;
	v15 =	vor.u32 $0x3D, v5;
	v16 =	vld.idx.msk [tilespmem:v18+s3+$0x0], $0xffff  }
0x48d: {  	v18 =	vor.u32 $0x3D, v4  }
0x48e: {  	[tilespmem:v8+s11+$0x0] =	vst.idx.msk $0xffff, v7  }
0x48f: {  	v8 =	vor.u32 s16, v63;
	[tilespmem:v11+s11+$0x0] =	vst.idx.msk $0xffff, v10;
	v7 =	vld.idx.msk [tilespmem:v9+s3+$0x0], $0xffff  }
0x490: {  	v11 =	vor.u32 s18, v63;
	[tilespmem:v14+s11+$0x0] =	vst.idx.msk $0xffff, v13;
	v9 =	vor.u32 $0x3E, v3;
	v10 =	vld.idx.msk [tilespmem:v12+s3+$0x0], $0xffff  }
0x491: {  	v14 =	vor.u32 s17, v63;
	[tilespmem:v17+s11+$0x0] =	vst.idx.msk $0xffff, v16;
	v12 =	vor.u32 $0x3E, v6;
	v13 =	vld.idx.msk [tilespmem:v15+s3+$0x0], $0xffff  }
0x492: {  	v17 =	vor.u32 s14, v63;
	v15 =	vor.u32 $0x3E, v5;
	v16 =	vld.idx.msk [tilespmem:v18+s3+$0x0], $0xffff  }
0x493: {  	v18 =	vor.u32 $0x3E, v4  }
0x494: {  	[tilespmem:v8+s11+$0x0] =	vst.idx.msk $0xffff, v7  }
0x495: {  	[tilespmem:v11+s11+$0x0] =	vst.idx.msk $0xffff, v10;
	v8 =	vor.u32 s16, v2;
	v7 =	vld.idx.msk [tilespmem:v9+s3+$0x0], $0xffff  }
0x496: {  	v3 =	vor.u32 $0x3F, v3;
	[tilespmem:v14+s11+$0x0] =	vst.idx.msk $0xffff, v13;
	v10 =	vor.u32 s18, v2;
	v9 =	vld.idx.msk [tilespmem:v12+s3+$0x0], $0xffff  }
0x497: {  	v6 =	vor.u32 $0x3F, v6;
	[tilespmem:v17+s11+$0x0] =	vst.idx.msk $0xffff, v16;
	v11 =	vld.idx.msk [tilespmem:v15+s3+$0x0], $0xffff;
	v12 =	vor.u32 s17, v2  }
0x498: {  	v5 =	vor.u32 $0x3F, v5;
	v14 =	vor.u32 s14, v2;
	v13 =	vld.idx.msk [tilespmem:v18+s3+$0x0], $0xffff  }
0x499: {  	v4 =	vor.u32 $0x3F, v4  }
0x49a: {  	[tilespmem:v8+s11+$0x0] =	vst.idx.msk $0xffff, v7  }
0x49b: {  	[tilespmem:v10+s11+$0x0] =	vst.idx.msk $0xffff, v9;
	v7 =	vor.u32 s16, v0;
	v3 =	vld.idx.msk [tilespmem:v3+s3+$0x0], $0xffff  }
0x49c: {  	[tilespmem:v12+s11+$0x0] =	vst.idx.msk $0xffff, v11;
	v8 =	vor.u32 s18, v0;
	v6 =	vld.idx.msk [tilespmem:v6+s3+$0x0], $0xffff  }
0x49d: {  	s13 =	sadd.s32 $0x4, s13;
	[tilespmem:v14+s11+$0x0] =	vst.idx.msk $0xffff, v13;
	v9 =	vor.u32 s17, v0;
	v5 =	vld.idx.msk [tilespmem:v5+s3+$0x0], $0xffff  }
0x49e: {  	p0 =	slt.u32 s13, $0x2C;
	v10 =	vor.u32 s14, v0;
	v4 =	vld.idx.msk [tilespmem:v4+s3+$0x0], $0xffff  }
.Ltmp1:
0x49f: {  	_ = 	snop;
	(pc) =	sbr.rel @p0 .LBB2_4-.Ltmp1, $4  }
0x4a0: {  	v16 =	vld [tilespmem:$0x1FFF0];
	[tilespmem:v7+s11+$0x0] =	vst.idx.msk $0xffff, v3  }
0x4a1: {  	v18 =	vld [tilespmem:$0x1FFC0];
	[tilespmem:v8+s11+$0x0] =	vst.idx.msk $0xffff, v6  }
0x4a2: {  	v14 =	vld [tilespmem:$0x1FFE0];
	[tilespmem:v9+s11+$0x0] =	vst.idx.msk $0xffff, v5  }
0x4a3: {  	s15 =	sadd.s32 $0x40, s15;
	v15 =	vmovc v22;
	v13 =	vld [tilespmem:$0x1FFD0];
	s14 =	sadd.s32 $0x1000, s14;
	v7 =	vmov v23;
	v8 =	vmov v24;
	v9 =	vmov v25;
	[tilespmem:v10+s11+$0x0] =	vst.idx.msk $0xffff, v4  }
0x4a4: {  	v0 =	vld [tilespmem:$0x8300];
	_ =	sdelay $0x4  }
0x4a5: {  	v0 =	vshll.u32 v0, $0x6;
	_ =	sdelay $0x1  }
0x4a6: {  	v4 =	vld [tilespmem:$0x1F830];
	_ =	sdelay $0x2  }
0x4a7: {  	v2 =	vld.idx.msk [tilespmem:v0+s3+$0x0], $0xffff;
	_ =	sdelay $0x2  }
0x4a8: {  	v3 =	vor.u32 $0x1, v0;
	_ =	sdelay $0x1  }
0x4a9: {  	[tilespmem:v4+s11+$0x0] =	vst.idx.msk $0xffff, v2;
	v4 =	vld [tilespmem:$0x1F840];
	_ =	sdelay $0x2  }
0x4aa: {  	v2 =	vld.idx.msk [tilespmem:v3+s3+$0x0], $0xffff;
	_ =	sdelay $0x2  }
0x4ab: {  	v3 =	vor.u32 $0x2, v0;
	_ =	sdelay $0x1  }
0x4ac: {  	[tilespmem:v4+s11+$0x0] =	vst.idx.msk $0xffff, v2;
	v4 =	vld [tilespmem:$0x1F850];
	_ =	sdelay $0x2  }
0x4ad: {  	v2 =	vld.idx.msk [tilespmem:v3+s3+$0x0], $0xffff;
	_ =	sdelay $0x2  }
0x4ae: {  	v3 =	vor.u32 $0x3, v0;
	_ =	sdelay $0x1  }
0x4af: {  	[tilespmem:v4+s11+$0x0] =	vst.idx.msk $0xffff, v2;
	v4 =	vld [tilespmem:$0x1F860];
	_ =	sdelay $0x2  }
0x4b0: {  	v2 =	vld.idx.msk [tilespmem:v3+s3+$0x0], $0xffff;
	_ =	sdelay $0x2  }
0x4b1: {  	v3 =	vor.u32 $0x4, v0;
	_ =	sdelay $0x1  }
0x4b2: {  	[tilespmem:v4+s11+$0x0] =	vst.idx.msk $0xffff, v2;
	v4 =	vld [tilespmem:$0x1F870];
	_ =	sdelay $0x2  }
0x4b3: {  	v2 =	vld.idx.msk [tilespmem:v3+s3+$0x0], $0xffff;
	_ =	sdelay $0x2  }
0x4b4: {  	v3 =	vor.u32 $0x5, v0;
	_ =	sdelay $0x1  }
0x4b5: {  	[tilespmem:v4+s11+$0x0] =	vst.idx.msk $0xffff, v2;
	v4 =	vld [tilespmem:$0x1F880];
	_ =	sdelay $0x2  }
0x4b6: {  	v2 =	vld.idx.msk [tilespmem:v3+s3+$0x0], $0xffff;
	_ =	sdelay $0x2  }
0x4b7: {  	v3 =	vor.u32 $0x6, v0;
	_ =	sdelay $0x1  }
0x4b8: {  	[tilespmem:v4+s11+$0x0] =	vst.idx.msk $0xffff, v2;
	v4 =	vld [tilespmem:$0x1F890];
	_ =	sdelay $0x2  }
0x4b9: {  	v2 =	vld.idx.msk [tilespmem:v3+s3+$0x0], $0xffff;
	_ =	sdelay $0x2  }
0x4ba: {  	v3 =	vor.u32 $0x7, v0;
	_ =	sdelay $0x1  }
0x4bb: {  	[tilespmem:v4+s11+$0x0] =	vst.idx.msk $0xffff, v2;
	v4 =	vld [tilespmem:$0x1F8A0];
	_ =	sdelay $0x2  }
0x4bc: {  	v2 =	vld.idx.msk [tilespmem:v3+s3+$0x0], $0xffff;
	_ =	sdelay $0x2  }
0x4bd: {  	v3 =	vor.u32 $0x8, v0;
	_ =	sdelay $0x1  }
0x4be: {  	[tilespmem:v4+s11+$0x0] =	vst.idx.msk $0xffff, v2;
	v4 =	vld [tilespmem:$0x1F8B0];
	_ =	sdelay $0x2  }
0x4bf: {  	v2 =	vld.idx.msk [tilespmem:v3+s3+$0x0], $0xffff;
	_ =	sdelay $0x2  }
0x4c0: {  	v3 =	vor.u32 $0x9, v0;
	_ =	sdelay $0x1  }
0x4c1: {  	[tilespmem:v4+s11+$0x0] =	vst.idx.msk $0xffff, v2;
	v4 =	vld [tilespmem:$0x1F8C0];
	_ =	sdelay $0x2  }
0x4c2: {  	v2 =	vld.idx.msk [tilespmem:v3+s3+$0x0], $0xffff;
	_ =	sdelay $0x2  }
0x4c3: {  	v3 =	vor.u32 $0xA, v0;
	_ =	sdelay $0x1  }
0x4c4: {  	[tilespmem:v4+s11+$0x0] =	vst.idx.msk $0xffff, v2;
	v4 =	vld [tilespmem:$0x1F8D0];
	_ =	sdelay $0x2  }
0x4c5: {  	v2 =	vld.idx.msk [tilespmem:v3+s3+$0x0], $0xffff;
	_ =	sdelay $0x2  }
0x4c6: {  	v3 =	vor.u32 $0xB, v0;
	_ =	sdelay $0x1  }
0x4c7: {  	[tilespmem:v4+s11+$0x0] =	vst.idx.msk $0xffff, v2;
	v4 =	vld [tilespmem:$0x1F8E0];
	_ =	sdelay $0x2  }
0x4c8: {  	v2 =	vld.idx.msk [tilespmem:v3+s3+$0x0], $0xffff;
	_ =	sdelay $0x2  }
0x4c9: {  	v3 =	vor.u32 $0xC, v0;
	_ =	sdelay $0x1  }
0x4ca: {  	[tilespmem:v4+s11+$0x0] =	vst.idx.msk $0xffff, v2;
	v4 =	vld [tilespmem:$0x1F8F0];
	_ =	sdelay $0x2  }
0x4cb: {  	v2 =	vld.idx.msk [tilespmem:v3+s3+$0x0], $0xffff;
	_ =	sdelay $0x2  }
0x4cc: {  	v3 =	vor.u32 $0xD, v0;
	_ =	sdelay $0x1  }
0x4cd: {  	[tilespmem:v4+s11+$0x0] =	vst.idx.msk $0xffff, v2;
	v4 =	vld [tilespmem:$0x1F900];
	_ =	sdelay $0x2  }
0x4ce: {  	v2 =	vld.idx.msk [tilespmem:v3+s3+$0x0], $0xffff;
	_ =	sdelay $0x2  }
0x4cf: {  	v3 =	vor.u32 $0xE, v0;
	_ =	sdelay $0x1  }
0x4d0: {  	[tilespmem:v4+s11+$0x0] =	vst.idx.msk $0xffff, v2;
	v4 =	vld [tilespmem:$0x1F910];
	_ =	sdelay $0x2  }
0x4d1: {  	v2 =	vld.idx.msk [tilespmem:v3+s3+$0x0], $0xffff;
	_ =	sdelay $0x2  }
0x4d2: {  	v3 =	vor.u32 $0xF, v0;
	_ =	sdelay $0x1  }
0x4d3: {  	[tilespmem:v4+s11+$0x0] =	vst.idx.msk $0xffff, v2;
	v4 =	vld [tilespmem:$0x1F920];
	_ =	sdelay $0x2  }
0x4d4: {  	v2 =	vld.idx.msk [tilespmem:v3+s3+$0x0], $0xffff;
	_ =	sdelay $0x2  }
0x4d5: {  	v3 =	vor.u32 $0x10, v0;
	_ =	sdelay $0x1  }
0x4d6: {  	[tilespmem:v4+s11+$0x0] =	vst.idx.msk $0xffff, v2;
	v4 =	vld [tilespmem:$0x1F930];
	_ =	sdelay $0x2  }
0x4d7: {  	v2 =	vld.idx.msk [tilespmem:v3+s3+$0x0], $0xffff;
	_ =	sdelay $0x2  }
0x4d8: {  	v3 =	vor.u32 $0x11, v0;
	_ =	sdelay $0x1  }
0x4d9: {  	[tilespmem:v4+s11+$0x0] =	vst.idx.msk $0xffff, v2;
	v4 =	vld [tilespmem:$0x1F940];
	_ =	sdelay $0x2  }
0x4da: {  	v2 =	vld.idx.msk [tilespmem:v3+s3+$0x0], $0xffff;
	_ =	sdelay $0x2  }
0x4db: {  	v3 =	vor.u32 $0x12, v0;
	_ =	sdelay $0x1  }
0x4dc: {  	[tilespmem:v4+s11+$0x0] =	vst.idx.msk $0xffff, v2;
	v4 =	vld [tilespmem:$0x1F950];
	_ =	sdelay $0x2  }
0x4dd: {  	v2 =	vld.idx.msk [tilespmem:v3+s3+$0x0], $0xffff;
	_ =	sdelay $0x2  }
0x4de: {  	v3 =	vor.u32 $0x13, v0;
	_ =	sdelay $0x1  }
0x4df: {  	[tilespmem:v4+s11+$0x0] =	vst.idx.msk $0xffff, v2;
	v4 =	vld [tilespmem:$0x1F960];
	_ =	sdelay $0x2  }
0x4e0: {  	v2 =	vld.idx.msk [tilespmem:v3+s3+$0x0], $0xffff;
	_ =	sdelay $0x2  }
0x4e1: {  	v3 =	vor.u32 $0x14, v0;
	_ =	sdelay $0x1  }
0x4e2: {  	[tilespmem:v4+s11+$0x0] =	vst.idx.msk $0xffff, v2;
	v4 =	vld [tilespmem:$0x1F970];
	_ =	sdelay $0x2  }
0x4e3: {  	v2 =	vld.idx.msk [tilespmem:v3+s3+$0x0], $0xffff;
	_ =	sdelay $0x2  }
0x4e4: {  	v3 =	vor.u32 $0x15, v0;
	_ =	sdelay $0x1  }
0x4e5: {  	[tilespmem:v4+s11+$0x0] =	vst.idx.msk $0xffff, v2;
	v4 =	vld [tilespmem:$0x1F980];
	_ =	sdelay $0x2  }
0x4e6: {  	v2 =	vld.idx.msk [tilespmem:v3+s3+$0x0], $0xffff;
	_ =	sdelay $0x2  }
0x4e7: {  	v3 =	vor.u32 $0x16, v0;
	_ =	sdelay $0x1  }
0x4e8: {  	[tilespmem:v4+s11+$0x0] =	vst.idx.msk $0xffff, v2;
	v4 =	vld [tilespmem:$0x1F990];
	_ =	sdelay $0x2  }
0x4e9: {  	v2 =	vld.idx.msk [tilespmem:v3+s3+$0x0], $0xffff;
	_ =	sdelay $0x2  }
0x4ea: {  	v3 =	vor.u32 $0x17, v0;
	_ =	sdelay $0x1  }
0x4eb: {  	[tilespmem:v4+s11+$0x0] =	vst.idx.msk $0xffff, v2;
	v4 =	vld [tilespmem:$0x1F9A0];
	_ =	sdelay $0x2  }
0x4ec: {  	v2 =	vld.idx.msk [tilespmem:v3+s3+$0x0], $0xffff;
	_ =	sdelay $0x2  }
0x4ed: {  	v3 =	vor.u32 $0x18, v0;
	_ =	sdelay $0x1  }
0x4ee: {  	[tilespmem:v4+s11+$0x0] =	vst.idx.msk $0xffff, v2;
	v4 =	vld [tilespmem:$0x1F9B0];
	_ =	sdelay $0x2  }
0x4ef: {  	v2 =	vld.idx.msk [tilespmem:v3+s3+$0x0], $0xffff;
	_ =	sdelay $0x2  }
0x4f0: {  	v3 =	vor.u32 $0x19, v0;
	_ =	sdelay $0x1  }
0x4f1: {  	[tilespmem:v4+s11+$0x0] =	vst.idx.msk $0xffff, v2;
	v4 =	vld [tilespmem:$0x1F9C0];
	_ =	sdelay $0x2  }
0x4f2: {  	v2 =	vld.idx.msk [tilespmem:v3+s3+$0x0], $0xffff;
	_ =	sdelay $0x2  }
0x4f3: {  	v3 =	vor.u32 $0x1A, v0;
	_ =	sdelay $0x1  }
0x4f4: {  	[tilespmem:v4+s11+$0x0] =	vst.idx.msk $0xffff, v2;
	v4 =	vld [tilespmem:$0x1F9D0];
	_ =	sdelay $0x2  }
0x4f5: {  	v2 =	vld.idx.msk [tilespmem:v3+s3+$0x0], $0xffff;
	_ =	sdelay $0x2  }
0x4f6: {  	v3 =	vor.u32 $0x1B, v0;
	_ =	sdelay $0x1  }
0x4f7: {  	[tilespmem:v4+s11+$0x0] =	vst.idx.msk $0xffff, v2;
	v4 =	vld [tilespmem:$0x1F9E0];
	_ =	sdelay $0x2  }
0x4f8: {  	v2 =	vld.idx.msk [tilespmem:v3+s3+$0x0], $0xffff;
	_ =	sdelay $0x2  }
0x4f9: {  	v3 =	vor.u32 $0x1C, v0;
	_ =	sdelay $0x1  }
0x4fa: {  	[tilespmem:v4+s11+$0x0] =	vst.idx.msk $0xffff, v2;
	v4 =	vld [tilespmem:$0x1F9F0];
	_ =	sdelay $0x2  }
0x4fb: {  	v2 =	vld.idx.msk [tilespmem:v3+s3+$0x0], $0xffff;
	_ =	sdelay $0x2  }
0x4fc: {  	v3 =	vor.u32 $0x1D, v0;
	_ =	sdelay $0x1  }
0x4fd: {  	[tilespmem:v4+s11+$0x0] =	vst.idx.msk $0xffff, v2;
	v4 =	vld [tilespmem:$0x1FA00];
	_ =	sdelay $0x2  }
0x4fe: {  	v2 =	vld.idx.msk [tilespmem:v3+s3+$0x0], $0xffff;
	_ =	sdelay $0x2  }
0x4ff: {  	v3 =	vor.u32 $0x1E, v0;
	_ =	sdelay $0x1  }
0x500: {  	[tilespmem:v4+s11+$0x0] =	vst.idx.msk $0xffff, v2;
	v4 =	vld [tilespmem:$0x1FA10];
	_ =	sdelay $0x2  }
0x501: {  	v2 =	vld.idx.msk [tilespmem:v3+s3+$0x0], $0xffff;
	_ =	sdelay $0x2  }
0x502: {  	v3 =	vor.u32 $0x1F, v0;
	_ =	sdelay $0x1  }
0x503: {  	[tilespmem:v4+s11+$0x0] =	vst.idx.msk $0xffff, v2;
	v4 =	vld [tilespmem:$0x1FA20];
	_ =	sdelay $0x2  }
0x504: {  	v2 =	vld.idx.msk [tilespmem:v3+s3+$0x0], $0xffff;
	_ =	sdelay $0x2  }
0x505: {  	v3 =	vor.u32 $0x20, v0;
	_ =	sdelay $0x1  }
0x506: {  	[tilespmem:v4+s11+$0x0] =	vst.idx.msk $0xffff, v2;
	v4 =	vld [tilespmem:$0x1FA30];
	_ =	sdelay $0x2  }
0x507: {  	v2 =	vld.idx.msk [tilespmem:v3+s3+$0x0], $0xffff;
	_ =	sdelay $0x2  }
0x508: {  	v3 =	vor.u32 $0x21, v0;
	_ =	sdelay $0x1  }
0x509: {  	[tilespmem:v4+s11+$0x0] =	vst.idx.msk $0xffff, v2;
	v4 =	vld [tilespmem:$0x1FA40];
	_ =	sdelay $0x2  }
0x50a: {  	v2 =	vld.idx.msk [tilespmem:v3+s3+$0x0], $0xffff;
	_ =	sdelay $0x2  }
0x50b: {  	v3 =	vor.u32 $0x22, v0;
	_ =	sdelay $0x1  }
0x50c: {  	[tilespmem:v4+s11+$0x0] =	vst.idx.msk $0xffff, v2;
	v4 =	vld [tilespmem:$0x1FA50];
	_ =	sdelay $0x2  }
0x50d: {  	v2 =	vld.idx.msk [tilespmem:v3+s3+$0x0], $0xffff;
	_ =	sdelay $0x2  }
0x50e: {  	v3 =	vor.u32 $0x23, v0;
	_ =	sdelay $0x1  }
0x50f: {  	[tilespmem:v4+s11+$0x0] =	vst.idx.msk $0xffff, v2;
	v4 =	vld [tilespmem:$0x1FA60];
	_ =	sdelay $0x2  }
0x510: {  	v2 =	vld.idx.msk [tilespmem:v3+s3+$0x0], $0xffff;
	_ =	sdelay $0x2  }
0x511: {  	v3 =	vor.u32 $0x24, v0;
	_ =	sdelay $0x1  }
0x512: {  	[tilespmem:v4+s11+$0x0] =	vst.idx.msk $0xffff, v2;
	v4 =	vld [tilespmem:$0x1FA70];
	_ =	sdelay $0x2  }
0x513: {  	v2 =	vld.idx.msk [tilespmem:v3+s3+$0x0], $0xffff;
	_ =	sdelay $0x2  }
0x514: {  	v3 =	vor.u32 $0x25, v0;
	_ =	sdelay $0x1  }
0x515: {  	[tilespmem:v4+s11+$0x0] =	vst.idx.msk $0xffff, v2;
	v4 =	vld [tilespmem:$0x1FA80];
	_ =	sdelay $0x2  }
0x516: {  	v2 =	vld.idx.msk [tilespmem:v3+s3+$0x0], $0xffff;
	_ =	sdelay $0x2  }
0x517: {  	v3 =	vor.u32 $0x26, v0;
	_ =	sdelay $0x1  }
0x518: {  	[tilespmem:v4+s11+$0x0] =	vst.idx.msk $0xffff, v2;
	v4 =	vld [tilespmem:$0x1FA90];
	_ =	sdelay $0x2  }
0x519: {  	v2 =	vld.idx.msk [tilespmem:v3+s3+$0x0], $0xffff;
	_ =	sdelay $0x2  }
0x51a: {  	v3 =	vor.u32 $0x27, v0;
	_ =	sdelay $0x1  }
0x51b: {  	[tilespmem:v4+s11+$0x0] =	vst.idx.msk $0xffff, v2;
	v4 =	vld [tilespmem:$0x1FAA0];
	_ =	sdelay $0x2  }
0x51c: {  	v2 =	vld.idx.msk [tilespmem:v3+s3+$0x0], $0xffff;
	_ =	sdelay $0x2  }
0x51d: {  	v3 =	vor.u32 $0x28, v0;
	_ =	sdelay $0x1  }
0x51e: {  	[tilespmem:v4+s11+$0x0] =	vst.idx.msk $0xffff, v2;
	v4 =	vld [tilespmem:$0x1FAB0];
	_ =	sdelay $0x2  }
0x51f: {  	v2 =	vld.idx.msk [tilespmem:v3+s3+$0x0], $0xffff;
	_ =	sdelay $0x2  }
0x520: {  	v3 =	vor.u32 $0x29, v0;
	_ =	sdelay $0x1  }
0x521: {  	[tilespmem:v4+s11+$0x0] =	vst.idx.msk $0xffff, v2;
	v4 =	vld [tilespmem:$0x1FAC0];
	_ =	sdelay $0x2  }
0x522: {  	v2 =	vld.idx.msk [tilespmem:v3+s3+$0x0], $0xffff;
	_ =	sdelay $0x2  }
0x523: {  	v3 =	vor.u32 $0x2A, v0;
	_ =	sdelay $0x1  }
0x524: {  	[tilespmem:v4+s11+$0x0] =	vst.idx.msk $0xffff, v2;
	v4 =	vld [tilespmem:$0x1FAD0];
	_ =	sdelay $0x2  }
0x525: {  	v2 =	vld.idx.msk [tilespmem:v3+s3+$0x0], $0xffff;
	_ =	sdelay $0x2  }
0x526: {  	v3 =	vor.u32 $0x2B, v0;
	_ =	sdelay $0x1  }
0x527: {  	[tilespmem:v4+s11+$0x0] =	vst.idx.msk $0xffff, v2;
	v4 =	vld [tilespmem:$0x1FAE0];
	_ =	sdelay $0x2  }
0x528: {  	v2 =	vld.idx.msk [tilespmem:v3+s3+$0x0], $0xffff;
	_ =	sdelay $0x2  }
0x529: {  	v3 =	vor.u32 $0x2C, v0;
	_ =	sdelay $0x1  }
0x52a: {  	[tilespmem:v4+s11+$0x0] =	vst.idx.msk $0xffff, v2;
	v4 =	vld [tilespmem:$0x1FAF0];
	_ =	sdelay $0x2  }
0x52b: {  	v2 =	vld.idx.msk [tilespmem:v3+s3+$0x0], $0xffff;
	_ =	sdelay $0x2  }
0x52c: {  	v3 =	vor.u32 $0x2D, v0;
	_ =	sdelay $0x1  }
0x52d: {  	[tilespmem:v4+s11+$0x0] =	vst.idx.msk $0xffff, v2;
	v4 =	vld [tilespmem:$0x1FB00];
	_ =	sdelay $0x2  }
0x52e: {  	v2 =	vld.idx.msk [tilespmem:v3+s3+$0x0], $0xffff;
	_ =	sdelay $0x2  }
0x52f: {  	v3 =	vor.u32 $0x2E, v0;
	_ =	sdelay $0x1  }
0x530: {  	[tilespmem:v4+s11+$0x0] =	vst.idx.msk $0xffff, v2;
	v4 =	vld [tilespmem:$0x1FB10];
	_ =	sdelay $0x2  }
0x531: {  	v2 =	vld.idx.msk [tilespmem:v3+s3+$0x0], $0xffff;
	_ =	sdelay $0x2  }
0x532: {  	v3 =	vor.u32 $0x2F, v0;
	_ =	sdelay $0x1  }
0x533: {  	[tilespmem:v4+s11+$0x0] =	vst.idx.msk $0xffff, v2;
	v4 =	vld [tilespmem:$0x1FB20];
	_ =	sdelay $0x2  }
0x534: {  	v2 =	vld.idx.msk [tilespmem:v3+s3+$0x0], $0xffff;
	_ =	sdelay $0x2  }
0x535: {  	v3 =	vor.u32 $0x30, v0;
	_ =	sdelay $0x1  }
0x536: {  	[tilespmem:v4+s11+$0x0] =	vst.idx.msk $0xffff, v2;
	v4 =	vld [tilespmem:$0x1FB30];
	_ =	sdelay $0x2  }
0x537: {  	v2 =	vld.idx.msk [tilespmem:v3+s3+$0x0], $0xffff;
	_ =	sdelay $0x2  }
0x538: {  	v3 =	vor.u32 $0x31, v0;
	_ =	sdelay $0x1  }
0x539: {  	[tilespmem:v4+s11+$0x0] =	vst.idx.msk $0xffff, v2;
	v4 =	vld [tilespmem:$0x1FB40];
	_ =	sdelay $0x2  }
0x53a: {  	v2 =	vld.idx.msk [tilespmem:v3+s3+$0x0], $0xffff;
	_ =	sdelay $0x2  }
0x53b: {  	v3 =	vor.u32 $0x32, v0;
	_ =	sdelay $0x1  }
0x53c: {  	[tilespmem:v4+s11+$0x0] =	vst.idx.msk $0xffff, v2;
	v4 =	vld [tilespmem:$0x1FB50];
	_ =	sdelay $0x2  }
0x53d: {  	v2 =	vld.idx.msk [tilespmem:v3+s3+$0x0], $0xffff;
	_ =	sdelay $0x2  }
0x53e: {  	v3 =	vor.u32 $0x33, v0;
	_ =	sdelay $0x1  }
0x53f: {  	[tilespmem:v4+s11+$0x0] =	vst.idx.msk $0xffff, v2;
	v4 =	vld [tilespmem:$0x1FB60];
	_ =	sdelay $0x2  }
0x540: {  	v2 =	vld.idx.msk [tilespmem:v3+s3+$0x0], $0xffff;
	_ =	sdelay $0x2  }
0x541: {  	v3 =	vor.u32 $0x34, v0;
	_ =	sdelay $0x1  }
0x542: {  	[tilespmem:v4+s11+$0x0] =	vst.idx.msk $0xffff, v2;
	v4 =	vld [tilespmem:$0x1FB70];
	_ =	sdelay $0x2  }
0x543: {  	v2 =	vld.idx.msk [tilespmem:v3+s3+$0x0], $0xffff;
	_ =	sdelay $0x2  }
0x544: {  	v3 =	vor.u32 $0x35, v0;
	_ =	sdelay $0x1  }
0x545: {  	[tilespmem:v4+s11+$0x0] =	vst.idx.msk $0xffff, v2;
	v4 =	vld [tilespmem:$0x1FB80];
	_ =	sdelay $0x2  }
0x546: {  	v2 =	vld.idx.msk [tilespmem:v3+s3+$0x0], $0xffff;
	_ =	sdelay $0x2  }
0x547: {  	v3 =	vor.u32 $0x36, v0;
	_ =	sdelay $0x1  }
0x548: {  	[tilespmem:v4+s11+$0x0] =	vst.idx.msk $0xffff, v2;
	v4 =	vld [tilespmem:$0x1FB90];
	_ =	sdelay $0x2  }
0x549: {  	v2 =	vld.idx.msk [tilespmem:v3+s3+$0x0], $0xffff;
	_ =	sdelay $0x2  }
0x54a: {  	v3 =	vor.u32 $0x37, v0;
	_ =	sdelay $0x1  }
0x54b: {  	[tilespmem:v4+s11+$0x0] =	vst.idx.msk $0xffff, v2;
	v4 =	vld [tilespmem:$0x1FBA0];
	_ =	sdelay $0x2  }
0x54c: {  	v2 =	vld.idx.msk [tilespmem:v3+s3+$0x0], $0xffff;
	_ =	sdelay $0x2  }
0x54d: {  	v3 =	vor.u32 $0x38, v0;
	_ =	sdelay $0x1  }
0x54e: {  	[tilespmem:v4+s11+$0x0] =	vst.idx.msk $0xffff, v2;
	v4 =	vld [tilespmem:$0x1FBB0];
	_ =	sdelay $0x2  }
0x54f: {  	v2 =	vld.idx.msk [tilespmem:v3+s3+$0x0], $0xffff;
	_ =	sdelay $0x2  }
0x550: {  	v3 =	vor.u32 $0x39, v0;
	_ =	sdelay $0x1  }
0x551: {  	[tilespmem:v4+s11+$0x0] =	vst.idx.msk $0xffff, v2;
	v4 =	vld [tilespmem:$0x1FBC0];
	_ =	sdelay $0x2  }
0x552: {  	v2 =	vld.idx.msk [tilespmem:v3+s3+$0x0], $0xffff;
	_ =	sdelay $0x2  }
0x553: {  	v3 =	vor.u32 $0x3A, v0;
	_ =	sdelay $0x1  }
0x554: {  	[tilespmem:v4+s11+$0x0] =	vst.idx.msk $0xffff, v2;
	v4 =	vld [tilespmem:$0x1FBD0];
	_ =	sdelay $0x2  }
0x555: {  	v2 =	vld.idx.msk [tilespmem:v3+s3+$0x0], $0xffff;
	_ =	sdelay $0x2  }
0x556: {  	v3 =	vor.u32 $0x3B, v0;
	_ =	sdelay $0x1  }
0x557: {  	[tilespmem:v4+s11+$0x0] =	vst.idx.msk $0xffff, v2;
	v4 =	vld [tilespmem:$0x1FBE0];
	_ =	sdelay $0x2  }
0x558: {  	v2 =	vld.idx.msk [tilespmem:v3+s3+$0x0], $0xffff;
	_ =	sdelay $0x2  }
0x559: {  	v3 =	vor.u32 $0x3C, v0;
	_ =	sdelay $0x1  }
0x55a: {  	[tilespmem:v4+s11+$0x0] =	vst.idx.msk $0xffff, v2;
	v4 =	vld [tilespmem:$0x1FBF0];
	_ =	sdelay $0x2  }
0x55b: {  	v2 =	vld.idx.msk [tilespmem:v3+s3+$0x0], $0xffff;
	_ =	sdelay $0x2  }
0x55c: {  	v3 =	vor.u32 $0x3D, v0;
	_ =	sdelay $0x1  }
0x55d: {  	[tilespmem:v4+s11+$0x0] =	vst.idx.msk $0xffff, v2;
	v4 =	vld [tilespmem:$0x1FC00];
	_ =	sdelay $0x2  }
0x55e: {  	v2 =	vld.idx.msk [tilespmem:v3+s3+$0x0], $0xffff  }
0x55f: {  	v3 =	vor.u32 $0x3E, v0;
	_ =	sdelay $0x3  }
0x560: {  	[tilespmem:v4+s11+$0x0] =	vst.idx.msk $0xffff, v2  }
0x561: {  	v2 =	vld.idx.msk [tilespmem:v3+s3+$0x0], $0xffff  }
0x562: {  	v3 =	vld [tilespmem:$0x1FC10];
	_ =	sdelay $0x5  }
0x563: {  	v0 =	vor.u32 $0x3F, v0;
	_ =	sdelay $0x1  }
0x564: {  	[tilespmem:v3+s11+$0x0] =	vst.idx.msk $0xffff, v2;
	v2 =	vld [tilespmem:$0x1FC20];
	_ =	sdelay $0x2  }
0x565: {  	v0 =	vld.idx.msk [tilespmem:v0+s3+$0x0], $0xffff;
	_ =	sdelay $0x2  }
0x566: {  	s12 =	sadd.s32 $0x1, s12  }
0x567: {  	p0 =	sne.s32 s12, s8  }
.Ltmp2:
0x568: {  	[tilespmem:v2+s11+$0x0] =	vst.idx.msk $0xffff, v0;
	(pc) =	sbr.rel @p0 .LBB2_1-.Ltmp2, $4  }
0x569: {  	[hbm4b:s7+s3] =	stream.linear.scatter [tilespmem:s11], [sflag:$0x1], $0xC400, $0x38;
	[tilespmem:$0x14780] =	vst v63  }
0x56a: {  	_ =	swait.ge [sflag:s9], $0xC400  }
0x56b: {  	[sflag:s9] =	ssyncset.done $0x0  }
0x56c: {  	v17 =	vld [tilespmem:$0x1FFB0];
	[sflag:s9] =	ssyncadd.s32 $0xFFFF3C00  }
0x56d: {  	_ =	sfence.sel $0x180000  }
0x56e: {  	[bflag:$0x0] =	sbarrier.arrive $0xFFFF  }
0x56f: {  	p0 =	sne.s32 s1, $0x0;
	_ =	strace $0x90000047  }
0x570: {  	s0 =	sadd.s32 @!p0 $0x100000, s2;
	[bflag:$0x2] =	sbarrier.arrive $0xFFFF  }
0x571: {  	[sflag:s0] =	ssyncadd.tile.s32 @!p0 $0x1;
	_ =	shalt  }
.Lfunc_end2:
_tile_overlayer_lowered:
.L_overlay_start_2:
0x572: {  	(tag) =	ssettag $0x2  }
0x573: {  	s0 =	rddreg [dreg:$0x0];
	s2 =	stileid.u32  }
0x574: {  	s1 =	rddreg [dreg:$0x1];
	p0 =	sne.s32 s2, $0x0  }
0x575: {  	s3 =	rddreg [dreg:$0x2];
	[bflag:$0x3] =	sbarrier.arrive $0xFFFF;
	s2 =	simm.s32 @!p0 $0x1C01  }
0x576: {  	[timem:s3], [sflag:s2] =	dma.local @!p0 [hbm:s0], s1  }
0x577: {  	s0 =	simm.s32 @!p0 $0x1  }
0x578: {  	_ =	swait.ge @!p0 [sflag:s0], s1  }
0x579: {  	s1 =	ssub.s32 @!p0 $0x0, s1;
	[sflag:s0] =	ssyncset.done @!p0 $0x0  }
0x57a: {  	[sflag:s0] =	ssyncadd.s32 @!p0 s1  }
0x57b: {  	[bflag:$0x3] =	sbarrier.arrive $0xFFFF  }
0x57c: {  	_ =	shalt  }

</sc_bundles>
